<compile_context>
chip_gen: v7x
topology: tpu7x:2x2x1
jax: 0.10.2.dev20260603
libtpu: 0.0.44.dev20260713+nightly
codegen_flags: <defaults>
</compile_context>

<pallas_src>
import functools

import jax
import jax.numpy as jnp
from jax import lax
from jax.experimental import pallas as pl
from jax.experimental.pallas import tpu as pltpu
from jax.experimental.pallas import tpu_sc as plsc

_B = 16384
_S = 200
_D = 64
_IDXROW = 128
_LANE_TILE = 128
_SUB = 8
_S_STRIDE = _D * _B
_DT_STRIDE = _SUB * _LANE_TILE * _LANE_TILE


def _raw1d(seq):
    x = jnp.transpose(seq, (1, 2, 0))
    x = x.reshape(_S, _D // _SUB, _SUB, _B // _LANE_TILE, _LANE_TILE)
    x = jnp.transpose(x, (0, 1, 3, 2, 4))
    return x.reshape(-1)


def _make_sc_gather():
    info = plsc.get_sparse_core_info()
    nc, ns = info.num_cores, info.num_subcores
    nw = nc * ns
    b_per_w = _B // nw
    n_chunks = b_per_w // _IDXROW

    mesh = plsc.VectorSubcoreMesh(core_axis_name="c", subcore_axis_name="s")

    @functools.partial(
        pl.kernel,
        mesh=mesh,
        out_type=jax.ShapeDtypeStruct((_D, _B), jnp.float32),
        scratch_types=[
            pltpu.VMEM((n_chunks, _IDXROW), jnp.int32),
            pltpu.VMEM((n_chunks, _IDXROW), jnp.int32),
            pltpu.VMEM((_D, n_chunks, _IDXROW), jnp.int32),
            pltpu.VMEM((_D, b_per_w), jnp.float32),
            pltpu.SemaphoreType.DMA,
        ],
    )
    def gather_kernel(raw_hbm, idx_hbm, out_hbm, idx_v, sbig_v, idx_vm,
                      out_v, sem):
        wid = lax.axis_index("s") * nc + lax.axis_index("c")
        base = wid * b_per_w
        bt_base = base // _LANE_TILE

        pltpu.sync_copy(idx_hbm.at[pl.ds(wid * n_chunks, n_chunks)], idx_v)

        lane = lax.iota(jnp.int32, 16)
        for c in range(n_chunks):
            colbase = (bt_base + c) * (_SUB * _LANE_TILE)
            for g in range(_IDXROW // 16):
                s_vec = idx_v[c, pl.ds(g * 16, 16)]
                sbig_v[c, pl.ds(g * 16, 16)] = (
                    s_vec * _S_STRIDE + (lane + (colbase + g * 16))
                )

        def fill_body(d):
            dconst = (d // _SUB) * _DT_STRIDE + (d % _SUB) * _LANE_TILE
            for c in range(n_chunks):
                for g in range(_IDXROW // 16):
                    v = sbig_v[c, pl.ds(g * 16, 16)]
                    idx_vm[d, c, pl.ds(g * 16, 16)] = v + dconst

        K = 24
        PRE = 26

        def fire(d):
            for c in range(n_chunks):
                pltpu.async_copy(
                    raw_hbm.at[idx_vm.at[d, c]],
                    out_v.at[d, pl.ds(c * _IDXROW, _IDXROW)],
                    sem,
                )

        def drain_row():
            pltpu.make_async_copy(
                raw_hbm.at[pl.ds(0, b_per_w)], out_v.at[0], sem
            ).wait()

        pl.loop(0, PRE)(fill_body)
        for d in range(K):
            fire(d)

        def steady_body(d):
            fill_body(d + (PRE - K))
            fire(d)
            drain_row()

        pl.loop(K, _D - (PRE - K))(steady_body)

        def tail_body(d):
            fire(d)
            drain_row()

        pl.loop(_D - (PRE - K), _D)(tail_body)
        for _ in range(K):
            drain_row()

        pltpu.sync_copy(out_v, out_hbm.at[:, pl.ds(base, b_per_w)])

    return gather_kernel


_sc_gather = _make_sc_gather()


@jax.jit
def kernel(seq, idx):
    raw = _raw1d(seq)
    idx2d = idx.reshape(-1).astype(jnp.int32).reshape(_B // _IDXROW, _IDXROW)
    out_t = _sc_gather(raw, idx2d)
    return jnp.transpose(out_t, (1, 0))

# --- scband reference (transcript-rebuilt; emitter-appended) ---
"""Pipeline reference for scband-gather-39049842655820 (READ-ONLY COPY).

The authoritative reference and input builder live on the scoring server;
editing this copy changes nothing except your own understanding.
"""

import jax, jax.numpy as jnp
import numpy as np

def setup_inputs(seed: int = 0) -> dict:
    key = jax.random.key(seed)
    k1, k2 = jax.random.split(key)
    seq = jax.random.normal(k1, (16384, 200, 64), dtype=jnp.float32)
    idx = jax.random.randint(k2, (16384,), 0, 200, dtype=jnp.int64 if jax.config.jax_enable_x64 else jnp.int32)
    return {"seq": seq, "idx": idx}

def reference(seq, idx):
    # Faithful translation of Gather.call:
    #   idx = reshape(idx, (-1,))
    #   indices = stack([range(B), idx], axis=1)
    #   gather_nd(seq, indices) -> seq[b, idx[b], :]
    idx = jnp.reshape(idx, (-1,))
    batch_range = jnp.arange(seq.shape[0])
    return seq[batch_range, idx]

if __name__ == "__main__":
    import jax
    _d = setup_inputs()
    print(jax.jit(kernel)(*tuple(_d.values())))

</pallas_src>

<mosaic_0001>
#map = affine_map<(d0, d1) -> (0)>
#map1 = affine_map<(d0, d1) -> (0, 0)>
module attributes {stable_mosaic.version = 14 : i64} {
  func.func @gather_kernel(%arg0: i32, %arg1: i32, %arg2: memref<209715200xf32, #tpu.memory_space<hbm>>, %arg3: memref<128x128xi32, #tpu.memory_space<hbm>>, %arg4: memref<64x16384xf32, #tpu.memory_space<hbm>>, %arg5: memref<4x128xi32, #tpu.memory_space<vmem>>, %arg6: memref<4x128xi32, #tpu.memory_space<vmem>>, %arg7: memref<64x4x128xi32, #tpu.memory_space<vmem>>, %arg8: memref<64x512xf32, #tpu.memory_space<vmem>>, %arg9: memref<!tpu.dma_semaphore, #tpu.memory_space<semaphore_mem>>) attributes {dimension_semantics = [#tpu.dimension_semantics<core_parallel>, #tpu.dimension_semantics<subcore_parallel>], iteration_bounds = array<i64: 2, 16>, scalar_prefetch = 0 : i64, scratch_operands = 5 : i64, tpu.core_type = #tpu.core_type<sc_vector_subcore>, window_params = [{transform_indices = #map}, {transform_indices = #map1}, {transform_indices = #map1}]} {
    %mul3A = arith.constant 2 : i32
    %mul3A_0 = arith.muli %arg1, %mul3A : i32
    %add3A = arith.addi %mul3A_0, %arg0 : i32
    %mul3A_1 = arith.constant 512 : i32
    %mul3A_2 = arith.muli %add3A, %mul3A_1 : i32
    %jit3A = arith.constant 128 : i32
    %div3A = arith.divsi %mul3A_2, %jit3A : i32
    %sign3A = arith.constant 0 : i32
    %sign3A_3 = arith.cmpi sgt, %mul3A_2, %sign3A : i32
    %sign3A_4 = arith.extui %sign3A_3 : i1 to i32
    %sign3A_5 = arith.constant 0 : i32
    %sign3A_6 = arith.cmpi slt, %mul3A_2, %sign3A_5 : i32
    %sign3A_7 = arith.extui %sign3A_6 : i1 to i32
    %sign3A_8 = arith.subi %sign3A_4, %sign3A_7 : i32
    %sign3A_9 = arith.constant 0 : i32
    %sign3A_10 = arith.cmpi sgt, %jit3A, %sign3A_9 : i32
    %sign3A_11 = arith.extui %sign3A_10 : i1 to i32
    %sign3A_12 = arith.constant 0 : i32
    %sign3A_13 = arith.cmpi slt, %jit3A, %sign3A_12 : i32
    %sign3A_14 = arith.extui %sign3A_13 : i1 to i32
    %sign3A_15 = arith.subi %sign3A_11, %sign3A_14 : i32
    %ne3A = arith.cmpi ne, %sign3A_8, %sign3A_15 : i32
    %rem3A = arith.remsi %mul3A_2, %jit3A : i32
    %ne3A_16 = arith.constant 0 : i32
    %ne3A_17 = arith.cmpi ne, %rem3A, %ne3A_16 : i32
    %and3A = arith.andi %ne3A, %ne3A_17 : i1
    %sub3A = arith.constant 1 : i32
    %sub3A_18 = arith.subi %div3A, %sub3A : i32
    %select_n3A = arith.select %and3A, %sub3A_18, %div3A : i32
    %mul3A_19 = arith.constant 4 : i32
    %mul3A_20 = arith.muli %add3A, %mul3A_19 : i32
    "tpu.region"() ({
      %run_scoped3A = tpu.sem_alloc : memref<!tpu.dma_semaphore, #tpu.memory_space<semaphore_mem>>
      %dma_start3A_1975 = arith.constant 0 : i32
      %dma_start3A_1976 = tpu.memref_slice %arg3[%mul3A_20, %dma_start3A_1975] : memref<128x128xi32, #tpu.memory_space<hbm>> -> memref<4x128xi32, #tpu.memory_space<hbm>>
      %dma_start3A_1977 = arith.constant 0 : i32
      %dma_start3A_1978 = tpu.memref_slice %arg3[%mul3A_20, %dma_start3A_1977] : memref<128x128xi32, #tpu.memory_space<hbm>> -> memref<4x128xi32, #tpu.memory_space<hbm>>
      tpu.enqueue_dma source(%dma_start3A_1978 : memref<4x128xi32, #tpu.memory_space<hbm>>) target(%arg5 : memref<4x128xi32, #tpu.memory_space<vmem>>) target_semaphore(%run_scoped3A : memref<!tpu.dma_semaphore, #tpu.memory_space<semaphore_mem>>)
      %dma_wait3A_1979 = arith.constant 0 : i32
      %dma_wait3A_1980 = tpu.memref_slice %arg3[%mul3A_20, %dma_wait3A_1979] : memref<128x128xi32, #tpu.memory_space<hbm>> -> memref<4x128xi32, #tpu.memory_space<hbm>>
      %dma_wait3A_1981 = arith.constant 0 : i32
      %dma_wait3A_1982 = tpu.memref_slice %arg3[%mul3A_20, %dma_wait3A_1981] : memref<128x128xi32, #tpu.memory_space<hbm>> -> memref<4x128xi32, #tpu.memory_space<hbm>>
      tpu.wait_dma2 semaphore(%run_scoped3A : memref<!tpu.dma_semaphore, #tpu.memory_space<semaphore_mem>>) src(%dma_wait3A_1982 : memref<4x128xi32, #tpu.memory_space<hbm>>) dst(%arg5 : memref<4x128xi32, #tpu.memory_space<vmem>>)
      tpu.yield
    }) : () -> ()
    %iota3A = tpu.iota {dimensions = array<i32: 0>} : vector<16xi32>
    %add3A_21 = arith.constant 0 : i32
    %add3A_22 = arith.addi %select_n3A, %add3A_21 : i32
    %mul3A_23 = arith.constant 1024 : i32
    %mul3A_24 = arith.muli %add3A_22, %mul3A_23 : i32
    %get3A = arith.constant 0 : i32
    %get3A_25 = arith.index_cast %get3A : i32 to index
    %get3A_26 = arith.constant 0 : index
    %get3A_27 = tpu.vector_load %arg5[%get3A_25, %get3A_26] {strides = array<i32>} : memref<4x128xi32, #tpu.memory_space<vmem>>, vector<1x16xi32>,
    %get3A_28 = vector.shape_cast %get3A_27 : vector<1x16xi32> to vector<16xi32>
    %mul3A_29 = arith.constant 1048576 : i32
    %mul3A_30 = vector.broadcast %mul3A_29 : i32 to vector<16xi32>
    %mul3A_31 = arith.muli %get3A_28, %mul3A_30 : vector<16xi32>
    %add3A_32 = arith.constant 0 : i32
    %add3A_33 = arith.addi %mul3A_24, %add3A_32 : i32
    %add3A_34 = vector.broadcast %add3A_33 : i32 to vector<16xi32>
    %add3A_35 = arith.addi %iota3A, %add3A_34 : vector<16xi32>
    %add3A_36 = arith.addi %mul3A_31, %add3A_35 : vector<16xi32>
    %swap3A = arith.constant 0 : i32
    %swap3A_37 = arith.index_cast %swap3A : i32 to index
    %swap3A_38 = arith.constant 0 : index
    %swap3A_39 = tpu.vector_load %arg6[%swap3A_37, %swap3A_38] {strides = array<i32>} : memref<4x128xi32, #tpu.memory_space<vmem>>, vector<1x16xi32>,
    %swap3A_40 = vector.shape_cast %swap3A_39 : vector<1x16xi32> to vector<16xi32>
    %swap3A_41 = vector.shape_cast %add3A_36 : vector<16xi32> to vector<1x16xi32>
    tpu.vector_store %arg6[%swap3A_37, %swap3A_38], %swap3A_41 {strides = array<i32>} : memref<4x128xi32, #tpu.memory_space<vmem>>, vector<1x16xi32>,
    %get3A_42 = arith.constant 0 : i32
    %get3A_43 = arith.index_cast %get3A_42 : i32 to index
    %get3A_44 = arith.constant 16 : index
    %get3A_45 = tpu.vector_load %arg5[%get3A_43, %get3A_44] {strides = array<i32>} : memref<4x128xi32, #tpu.memory_space<vmem>>, vector<1x16xi32>,
    %get3A_46 = vector.shape_cast %get3A_45 : vector<1x16xi32> to vector<16xi32>
    %mul3A_47 = arith.constant 1048576 : i32
    %mul3A_48 = vector.broadcast %mul3A_47 : i32 to vector<16xi32>
    %mul3A_49 = arith.muli %get3A_46, %mul3A_48 : vector<16xi32>
    %add3A_50 = arith.constant 16 : i32
    %add3A_51 = arith.addi %mul3A_24, %add3A_50 : i32
    %add3A_52 = vector.broadcast %add3A_51 : i32 to vector<16xi32>
    %add3A_53 = arith.addi %iota3A, %add3A_52 : vector<16xi32>
    %add3A_54 = arith.addi %mul3A_49, %add3A_53 : vector<16xi32>
    %swap3A_55 = arith.constant 0 : i32
    %swap3A_56 = arith.index_cast %swap3A_55 : i32 to index
    %swap3A_57 = arith.constant 16 : index
    %swap3A_58 = tpu.vector_load %arg6[%swap3A_56, %swap3A_57] {strides = array<i32>} : memref<4x128xi32, #tpu.memory_space<vmem>>, vector<1x16xi32>,
    %swap3A_59 = vector.shape_cast %swap3A_58 : vector<1x16xi32> to vector<16xi32>
    %swap3A_60 = vector.shape_cast %add3A_54 : vector<16xi32> to vector<1x16xi32>
    tpu.vector_store %arg6[%swap3A_56, %swap3A_57], %swap3A_60 {strides = array<i32>} : memref<4x128xi32, #tpu.memory_space<vmem>>, vector<1x16xi32>,
    %get3A_61 = arith.constant 0 : i32
    %get3A_62 = arith.index_cast %get3A_61 : i32 to index
    %get3A_63 = arith.constant 32 : index
    %get3A_64 = tpu.vector_load %arg5[%get3A_62, %get3A_63] {strides = array<i32>} : memref<4x128xi32, #tpu.memory_space<vmem>>, vector<1x16xi32>,
    %get3A_65 = vector.shape_cast %get3A_64 : vector<1x16xi32> to vector<16xi32>
    %mul3A_66 = arith.constant 1048576 : i32
    %mul3A_67 = vector.broadcast %mul3A_66 : i32 to vector<16xi32>
    %mul3A_68 = arith.muli %get3A_65, %mul3A_67 : vector<16xi32>
    %add3A_69 = arith.constant 32 : i32
    %add3A_70 = arith.addi %mul3A_24, %add3A_69 : i32
    %add3A_71 = vector.broadcast %add3A_70 : i32 to vector<16xi32>
    %add3A_72 = arith.addi %iota3A, %add3A_71 : vector<16xi32>
    %add3A_73 = arith.addi %mul3A_68, %add3A_72 : vector<16xi32>
    %swap3A_74 = arith.constant 0 : i32
    %swap3A_75 = arith.index_cast %swap3A_74 : i32 to index
    %swap3A_76 = arith.constant 32 : index
    %swap3A_77 = tpu.vector_load %arg6[%swap3A_75, %swap3A_76] {strides = array<i32>} : memref<4x128xi32, #tpu.memory_space<vmem>>, vector<1x16xi32>,
    %swap3A_78 = vector.shape_cast %swap3A_77 : vector<1x16xi32> to vector<16xi32>
    %swap3A_79 = vector.shape_cast %add3A_73 : vector<16xi32> to vector<1x16xi32>
    tpu.vector_store %arg6[%swap3A_75, %swap3A_76], %swap3A_79 {strides = array<i32>} : memref<4x128xi32, #tpu.memory_space<vmem>>, vector<1x16xi32>,
    %get3A_80 = arith.constant 0 : i32
    %get3A_81 = arith.index_cast %get3A_80 : i32 to index
    %get3A_82 = arith.constant 48 : index
    %get3A_83 = tpu.vector_load %arg5[%get3A_81, %get3A_82] {strides = array<i32>} : memref<4x128xi32, #tpu.memory_space<vmem>>, vector<1x16xi32>,
    %get3A_84 = vector.shape_cast %get3A_83 : vector<1x16xi32> to vector<16xi32>
    %mul3A_85 = arith.constant 1048576 : i32
    %mul3A_86 = vector.broadcast %mul3A_85 : i32 to vector<16xi32>
    %mul3A_87 = arith.muli %get3A_84, %mul3A_86 : vector<16xi32>
    %add3A_88 = arith.constant 48 : i32
    %add3A_89 = arith.addi %mul3A_24, %add3A_88 : i32
    %add3A_90 = vector.broadcast %add3A_89 : i32 to vector<16xi32>
    %add3A_91 = arith.addi %iota3A, %add3A_90 : vector<16xi32>
    %add3A_92 = arith.addi %mul3A_87, %add3A_91 : vector<16xi32>
    %swap3A_93 = arith.constant 0 : i32
    %swap3A_94 = arith.index_cast %swap3A_93 : i32 to index
    %swap3A_95 = arith.constant 48 : index
    %swap3A_96 = tpu.vector_load %arg6[%swap3A_94, %swap3A_95] {strides = array<i32>} : memref<4x128xi32, #tpu.memory_space<vmem>>, vector<1x16xi32>,
    %swap3A_97 = vector.shape_cast %swap3A_96 : vector<1x16xi32> to vector<16xi32>
    %swap3A_98 = vector.shape_cast %add3A_92 : vector<16xi32> to vector<1x16xi32>
    tpu.vector_store %arg6[%swap3A_94, %swap3A_95], %swap3A_98 {strides = array<i32>} : memref<4x128xi32, #tpu.memory_space<vmem>>, vector<1x16xi32>,
    %get3A_99 = arith.constant 0 : i32
    %get3A_100 = arith.index_cast %get3A_99 : i32 to index
    %get3A_101 = arith.constant 64 : index
    %get3A_102 = tpu.vector_load %arg5[%get3A_100, %get3A_101] {strides = array<i32>} : memref<4x128xi32, #tpu.memory_space<vmem>>, vector<1x16xi32>,
    %get3A_103 = vector.shape_cast %get3A_102 : vector<1x16xi32> to vector<16xi32>
    %mul3A_104 = arith.constant 1048576 : i32
    %mul3A_105 = vector.broadcast %mul3A_104 : i32 to vector<16xi32>
    %mul3A_106 = arith.muli %get3A_103, %mul3A_105 : vector<16xi32>
    %add3A_107 = arith.constant 64 : i32
    %add3A_108 = arith.addi %mul3A_24, %add3A_107 : i32
    %add3A_109 = vector.broadcast %add3A_108 : i32 to vector<16xi32>
    %add3A_110 = arith.addi %iota3A, %add3A_109 : vector<16xi32>
    %add3A_111 = arith.addi %mul3A_106, %add3A_110 : vector<16xi32>
    %swap3A_112 = arith.constant 0 : i32
    %swap3A_113 = arith.index_cast %swap3A_112 : i32 to index
    %swap3A_114 = arith.constant 64 : index
    %swap3A_115 = tpu.vector_load %arg6[%swap3A_113, %swap3A_114] {strides = array<i32>} : memref<4x128xi32, #tpu.memory_space<vmem>>, vector<1x16xi32>,
    %swap3A_116 = vector.shape_cast %swap3A_115 : vector<1x16xi32> to vector<16xi32>
    %swap3A_117 = vector.shape_cast %add3A_111 : vector<16xi32> to vector<1x16xi32>
    tpu.vector_store %arg6[%swap3A_113, %swap3A_114], %swap3A_117 {strides = array<i32>} : memref<4x128xi32, #tpu.memory_space<vmem>>, vector<1x16xi32>,
    %get3A_118 = arith.constant 0 : i32
    %get3A_119 = arith.index_cast %get3A_118 : i32 to index
    %get3A_120 = arith.constant 80 : index
    %get3A_121 = tpu.vector_load %arg5[%get3A_119, %get3A_120] {strides = array<i32>} : memref<4x128xi32, #tpu.memory_space<vmem>>, vector<1x16xi32>,
    %get3A_122 = vector.shape_cast %get3A_121 : vector<1x16xi32> to vector<16xi32>
    %mul3A_123 = arith.constant 1048576 : i32
    %mul3A_124 = vector.broadcast %mul3A_123 : i32 to vector<16xi32>
    %mul3A_125 = arith.muli %get3A_122, %mul3A_124 : vector<16xi32>
    %add3A_126 = arith.constant 80 : i32
    %add3A_127 = arith.addi %mul3A_24, %add3A_126 : i32
    %add3A_128 = vector.broadcast %add3A_127 : i32 to vector<16xi32>
    %add3A_129 = arith.addi %iota3A, %add3A_128 : vector<16xi32>
    %add3A_130 = arith.addi %mul3A_125, %add3A_129 : vector<16xi32>
    %swap3A_131 = arith.constant 0 : i32
    %swap3A_132 = arith.index_cast %swap3A_131 : i32 to index
    %swap3A_133 = arith.constant 80 : index
    %swap3A_134 = tpu.vector_load %arg6[%swap3A_132, %swap3A_133] {strides = array<i32>} : memref<4x128xi32, #tpu.memory_space<vmem>>, vector<1x16xi32>,
    %swap3A_135 = vector.shape_cast %swap3A_134 : vector<1x16xi32> to vector<16xi32>
    %swap3A_136 = vector.shape_cast %add3A_130 : vector<16xi32> to vector<1x16xi32>
    tpu.vector_store %arg6[%swap3A_132, %swap3A_133], %swap3A_136 {strides = array<i32>} : memref<4x128xi32, #tpu.memory_space<vmem>>, vector<1x16xi32>,
    %get3A_137 = arith.constant 0 : i32
    %get3A_138 = arith.index_cast %get3A_137 : i32 to index
    %get3A_139 = arith.constant 96 : index
    %get3A_140 = tpu.vector_load %arg5[%get3A_138, %get3A_139] {strides = array<i32>} : memref<4x128xi32, #tpu.memory_space<vmem>>, vector<1x16xi32>,
    %get3A_141 = vector.shape_cast %get3A_140 : vector<1x16xi32> to vector<16xi32>
    %mul3A_142 = arith.constant 1048576 : i32
    %mul3A_143 = vector.broadcast %mul3A_142 : i32 to vector<16xi32>
    %mul3A_144 = arith.muli %get3A_141, %mul3A_143 : vector<16xi32>
    %add3A_145 = arith.constant 96 : i32
    %add3A_146 = arith.addi %mul3A_24, %add3A_145 : i32
    %add3A_147 = vector.broadcast %add3A_146 : i32 to vector<16xi32>
    %add3A_148 = arith.addi %iota3A, %add3A_147 : vector<16xi32>
    %add3A_149 = arith.addi %mul3A_144, %add3A_148 : vector<16xi32>
    %swap3A_150 = arith.constant 0 : i32
    %swap3A_151 = arith.index_cast %swap3A_150 : i32 to index
    %swap3A_152 = arith.constant 96 : index
    %swap3A_153 = tpu.vector_load %arg6[%swap3A_151, %swap3A_152] {strides = array<i32>} : memref<4x128xi32, #tpu.memory_space<vmem>>, vector<1x16xi32>,
    %swap3A_154 = vector.shape_cast %swap3A_153 : vector<1x16xi32> to vector<16xi32>
    %swap3A_155 = vector.shape_cast %add3A_149 : vector<16xi32> to vector<1x16xi32>
    tpu.vector_store %arg6[%swap3A_151, %swap3A_152], %swap3A_155 {strides = array<i32>} : memref<4x128xi32, #tpu.memory_space<vmem>>, vector<1x16xi32>,
    %get3A_156 = arith.constant 0 : i32
    %get3A_157 = arith.index_cast %get3A_156 : i32 to index
    %get3A_158 = arith.constant 112 : index
    %get3A_159 = tpu.vector_load %arg5[%get3A_157, %get3A_158] {strides = array<i32>} : memref<4x128xi32, #tpu.memory_space<vmem>>, vector<1x16xi32>,
    %get3A_160 = vector.shape_cast %get3A_159 : vector<1x16xi32> to vector<16xi32>
    %mul3A_161 = arith.constant 1048576 : i32
    %mul3A_162 = vector.broadcast %mul3A_161 : i32 to vector<16xi32>
    %mul3A_163 = arith.muli %get3A_160, %mul3A_162 : vector<16xi32>
    %add3A_164 = arith.constant 112 : i32
    %add3A_165 = arith.addi %mul3A_24, %add3A_164 : i32
    %add3A_166 = vector.broadcast %add3A_165 : i32 to vector<16xi32>
    %add3A_167 = arith.addi %iota3A, %add3A_166 : vector<16xi32>
    %add3A_168 = arith.addi %mul3A_163, %add3A_167 : vector<16xi32>
    %swap3A_169 = arith.constant 0 : i32
    %swap3A_170 = arith.index_cast %swap3A_169 : i32 to index
    %swap3A_171 = arith.constant 112 : index
    %swap3A_172 = tpu.vector_load %arg6[%swap3A_170, %swap3A_171] {strides = array<i32>} : memref<4x128xi32, #tpu.memory_space<vmem>>, vector<1x16xi32>,
    %swap3A_173 = vector.shape_cast %swap3A_172 : vector<1x16xi32> to vector<16xi32>
    %swap3A_174 = vector.shape_cast %add3A_168 : vector<16xi32> to vector<1x16xi32>
    tpu.vector_store %arg6[%swap3A_170, %swap3A_171], %swap3A_174 {strides = array<i32>} : memref<4x128xi32, #tpu.memory_space<vmem>>, vector<1x16xi32>,
    %add3A_175 = arith.constant 1 : i32
    %add3A_176 = arith.addi %select_n3A, %add3A_175 : i32
    %mul3A_177 = arith.constant 1024 : i32
    %mul3A_178 = arith.muli %add3A_176, %mul3A_177 : i32
    %get3A_179 = arith.constant 1 : i32
    %get3A_180 = arith.index_cast %get3A_179 : i32 to index
    %get3A_181 = arith.constant 0 : index
    %get3A_182 = tpu.vector_load %arg5[%get3A_180, %get3A_181] {strides = array<i32>} : memref<4x128xi32, #tpu.memory_space<vmem>>, vector<1x16xi32>,
    %get3A_183 = vector.shape_cast %get3A_182 : vector<1x16xi32> to vector<16xi32>
    %mul3A_184 = arith.constant 1048576 : i32
    %mul3A_185 = vector.broadcast %mul3A_184 : i32 to vector<16xi32>
    %mul3A_186 = arith.muli %get3A_183, %mul3A_185 : vector<16xi32>
    %add3A_187 = arith.constant 0 : i32
    %add3A_188 = arith.addi %mul3A_178, %add3A_187 : i32
    %add3A_189 = vector.broadcast %add3A_188 : i32 to vector<16xi32>
    %add3A_190 = arith.addi %iota3A, %add3A_189 : vector<16xi32>
    %add3A_191 = arith.addi %mul3A_186, %add3A_190 : vector<16xi32>
    %swap3A_192 = arith.constant 1 : i32
    %swap3A_193 = arith.index_cast %swap3A_192 : i32 to index
    %swap3A_194 = arith.constant 0 : index
    %swap3A_195 = tpu.vector_load %arg6[%swap3A_193, %swap3A_194] {strides = array<i32>} : memref<4x128xi32, #tpu.memory_space<vmem>>, vector<1x16xi32>,
    %swap3A_196 = vector.shape_cast %swap3A_195 : vector<1x16xi32> to vector<16xi32>
    %swap3A_197 = vector.shape_cast %add3A_191 : vector<16xi32> to vector<1x16xi32>
    tpu.vector_store %arg6[%swap3A_193, %swap3A_194], %swap3A_197 {strides = array<i32>} : memref<4x128xi32, #tpu.memory_space<vmem>>, vector<1x16xi32>,
    %get3A_198 = arith.constant 1 : i32
    %get3A_199 = arith.index_cast %get3A_198 : i32 to index
    %get3A_200 = arith.constant 16 : index
    %get3A_201 = tpu.vector_load %arg5[%get3A_199, %get3A_200] {strides = array<i32>} : memref<4x128xi32, #tpu.memory_space<vmem>>, vector<1x16xi32>,
    %get3A_202 = vector.shape_cast %get3A_201 : vector<1x16xi32> to vector<16xi32>
    %mul3A_203 = arith.constant 1048576 : i32
    %mul3A_204 = vector.broadcast %mul3A_203 : i32 to vector<16xi32>
    %mul3A_205 = arith.muli %get3A_202, %mul3A_204 : vector<16xi32>
    %add3A_206 = arith.constant 16 : i32
    %add3A_207 = arith.addi %mul3A_178, %add3A_206 : i32
    %add3A_208 = vector.broadcast %add3A_207 : i32 to vector<16xi32>
    %add3A_209 = arith.addi %iota3A, %add3A_208 : vector<16xi32>
    %add3A_210 = arith.addi %mul3A_205, %add3A_209 : vector<16xi32>
    %swap3A_211 = arith.constant 1 : i32
    %swap3A_212 = arith.index_cast %swap3A_211 : i32 to index
    %swap3A_213 = arith.constant 16 : index
    %swap3A_214 = tpu.vector_load %arg6[%swap3A_212, %swap3A_213] {strides = array<i32>} : memref<4x128xi32, #tpu.memory_space<vmem>>, vector<1x16xi32>,
    %swap3A_215 = vector.shape_cast %swap3A_214 : vector<1x16xi32> to vector<16xi32>
    %swap3A_216 = vector.shape_cast %add3A_210 : vector<16xi32> to vector<1x16xi32>
    tpu.vector_store %arg6[%swap3A_212, %swap3A_213], %swap3A_216 {strides = array<i32>} : memref<4x128xi32, #tpu.memory_space<vmem>>, vector<1x16xi32>,
    %get3A_217 = arith.constant 1 : i32
    %get3A_218 = arith.index_cast %get3A_217 : i32 to index
    %get3A_219 = arith.constant 32 : index
    %get3A_220 = tpu.vector_load %arg5[%get3A_218, %get3A_219] {strides = array<i32>} : memref<4x128xi32, #tpu.memory_space<vmem>>, vector<1x16xi32>,
    %get3A_221 = vector.shape_cast %get3A_220 : vector<1x16xi32> to vector<16xi32>
    %mul3A_222 = arith.constant 1048576 : i32
    %mul3A_223 = vector.broadcast %mul3A_222 : i32 to vector<16xi32>
    %mul3A_224 = arith.muli %get3A_221, %mul3A_223 : vector<16xi32>
    %add3A_225 = arith.constant 32 : i32
    %add3A_226 = arith.addi %mul3A_178, %add3A_225 : i32
    %add3A_227 = vector.broadcast %add3A_226 : i32 to vector<16xi32>
    %add3A_228 = arith.addi %iota3A, %add3A_227 : vector<16xi32>
    %add3A_229 = arith.addi %mul3A_224, %add3A_228 : vector<16xi32>
    %swap3A_230 = arith.constant 1 : i32
    %swap3A_231 = arith.index_cast %swap3A_230 : i32 to index
    %swap3A_232 = arith.constant 32 : index
    %swap3A_233 = tpu.vector_load %arg6[%swap3A_231, %swap3A_232] {strides = array<i32>} : memref<4x128xi32, #tpu.memory_space<vmem>>, vector<1x16xi32>,
    %swap3A_234 = vector.shape_cast %swap3A_233 : vector<1x16xi32> to vector<16xi32>
    %swap3A_235 = vector.shape_cast %add3A_229 : vector<16xi32> to vector<1x16xi32>
    tpu.vector_store %arg6[%swap3A_231, %swap3A_232], %swap3A_235 {strides = array<i32>} : memref<4x128xi32, #tpu.memory_space<vmem>>, vector<1x16xi32>,
    %get3A_236 = arith.constant 1 : i32
    %get3A_237 = arith.index_cast %get3A_236 : i32 to index
    %get3A_238 = arith.constant 48 : index
    %get3A_239 = tpu.vector_load %arg5[%get3A_237, %get3A_238] {strides = array<i32>} : memref<4x128xi32, #tpu.memory_space<vmem>>, vector<1x16xi32>,
    %get3A_240 = vector.shape_cast %get3A_239 : vector<1x16xi32> to vector<16xi32>
    %mul3A_241 = arith.constant 1048576 : i32
    %mul3A_242 = vector.broadcast %mul3A_241 : i32 to vector<16xi32>
    %mul3A_243 = arith.muli %get3A_240, %mul3A_242 : vector<16xi32>
    %add3A_244 = arith.constant 48 : i32
    %add3A_245 = arith.addi %mul3A_178, %add3A_244 : i32
    %add3A_246 = vector.broadcast %add3A_245 : i32 to vector<16xi32>
    %add3A_247 = arith.addi %iota3A, %add3A_246 : vector<16xi32>
    %add3A_248 = arith.addi %mul3A_243, %add3A_247 : vector<16xi32>
    %swap3A_249 = arith.constant 1 : i32
    %swap3A_250 = arith.index_cast %swap3A_249 : i32 to index
    %swap3A_251 = arith.constant 48 : index
    %swap3A_252 = tpu.vector_load %arg6[%swap3A_250, %swap3A_251] {strides = array<i32>} : memref<4x128xi32, #tpu.memory_space<vmem>>, vector<1x16xi32>,
    %swap3A_253 = vector.shape_cast %swap3A_252 : vector<1x16xi32> to vector<16xi32>
    %swap3A_254 = vector.shape_cast %add3A_248 : vector<16xi32> to vector<1x16xi32>
    tpu.vector_store %arg6[%swap3A_250, %swap3A_251], %swap3A_254 {strides = array<i32>} : memref<4x128xi32, #tpu.memory_space<vmem>>, vector<1x16xi32>,
    %get3A_255 = arith.constant 1 : i32
    %get3A_256 = arith.index_cast %get3A_255 : i32 to index
    %get3A_257 = arith.constant 64 : index
    %get3A_258 = tpu.vector_load %arg5[%get3A_256, %get3A_257] {strides = array<i32>} : memref<4x128xi32, #tpu.memory_space<vmem>>, vector<1x16xi32>,
    %get3A_259 = vector.shape_cast %get3A_258 : vector<1x16xi32> to vector<16xi32>
    %mul3A_260 = arith.constant 1048576 : i32
    %mul3A_261 = vector.broadcast %mul3A_260 : i32 to vector<16xi32>
    %mul3A_262 = arith.muli %get3A_259, %mul3A_261 : vector<16xi32>
    %add3A_263 = arith.constant 64 : i32
    %add3A_264 = arith.addi %mul3A_178, %add3A_263 : i32
    %add3A_265 = vector.broadcast %add3A_264 : i32 to vector<16xi32>
    %add3A_266 = arith.addi %iota3A, %add3A_265 : vector<16xi32>
    %add3A_267 = arith.addi %mul3A_262, %add3A_266 : vector<16xi32>
    %swap3A_268 = arith.constant 1 : i32
    %swap3A_269 = arith.index_cast %swap3A_268 : i32 to index
    %swap3A_270 = arith.constant 64 : index
    %swap3A_271 = tpu.vector_load %arg6[%swap3A_269, %swap3A_270] {strides = array<i32>} : memref<4x128xi32, #tpu.memory_space<vmem>>, vector<1x16xi32>,
    %swap3A_272 = vector.shape_cast %swap3A_271 : vector<1x16xi32> to vector<16xi32>
    %swap3A_273 = vector.shape_cast %add3A_267 : vector<16xi32> to vector<1x16xi32>
    tpu.vector_store %arg6[%swap3A_269, %swap3A_270], %swap3A_273 {strides = array<i32>} : memref<4x128xi32, #tpu.memory_space<vmem>>, vector<1x16xi32>,
    %get3A_274 = arith.constant 1 : i32
    %get3A_275 = arith.index_cast %get3A_274 : i32 to index
    %get3A_276 = arith.constant 80 : index
    %get3A_277 = tpu.vector_load %arg5[%get3A_275, %get3A_276] {strides = array<i32>} : memref<4x128xi32, #tpu.memory_space<vmem>>, vector<1x16xi32>,
    %get3A_278 = vector.shape_cast %get3A_277 : vector<1x16xi32> to vector<16xi32>
    %mul3A_279 = arith.constant 1048576 : i32
    %mul3A_280 = vector.broadcast %mul3A_279 : i32 to vector<16xi32>
    %mul3A_281 = arith.muli %get3A_278, %mul3A_280 : vector<16xi32>
    %add3A_282 = arith.constant 80 : i32
    %add3A_283 = arith.addi %mul3A_178, %add3A_282 : i32
    %add3A_284 = vector.broadcast %add3A_283 : i32 to vector<16xi32>
    %add3A_285 = arith.addi %iota3A, %add3A_284 : vector<16xi32>
    %add3A_286 = arith.addi %mul3A_281, %add3A_285 : vector<16xi32>
    %swap3A_287 = arith.constant 1 : i32
    %swap3A_288 = arith.index_cast %swap3A_287 : i32 to index
    %swap3A_289 = arith.constant 80 : index
    %swap3A_290 = tpu.vector_load %arg6[%swap3A_288, %swap3A_289] {strides = array<i32>} : memref<4x128xi32, #tpu.memory_space<vmem>>, vector<1x16xi32>,
    %swap3A_291 = vector.shape_cast %swap3A_290 : vector<1x16xi32> to vector<16xi32>
    %swap3A_292 = vector.shape_cast %add3A_286 : vector<16xi32> to vector<1x16xi32>
    tpu.vector_store %arg6[%swap3A_288, %swap3A_289], %swap3A_292 {strides = array<i32>} : memref<4x128xi32, #tpu.memory_space<vmem>>, vector<1x16xi32>,
    %get3A_293 = arith.constant 1 : i32
    %get3A_294 = arith.index_cast %get3A_293 : i32 to index
    %get3A_295 = arith.constant 96 : index
    %get3A_296 = tpu.vector_load %arg5[%get3A_294, %get3A_295] {strides = array<i32>} : memref<4x128xi32, #tpu.memory_space<vmem>>, vector<1x16xi32>,
    %get3A_297 = vector.shape_cast %get3A_296 : vector<1x16xi32> to vector<16xi32>
    %mul3A_298 = arith.constant 1048576 : i32
    %mul3A_299 = vector.broadcast %mul3A_298 : i32 to vector<16xi32>
    %mul3A_300 = arith.muli %get3A_297, %mul3A_299 : vector<16xi32>
    %add3A_301 = arith.constant 96 : i32
    %add3A_302 = arith.addi %mul3A_178, %add3A_301 : i32
    %add3A_303 = vector.broadcast %add3A_302 : i32 to vector<16xi32>
    %add3A_304 = arith.addi %iota3A, %add3A_303 : vector<16xi32>
    %add3A_305 = arith.addi %mul3A_300, %add3A_304 : vector<16xi32>
    %swap3A_306 = arith.constant 1 : i32
    %swap3A_307 = arith.index_cast %swap3A_306 : i32 to index
    %swap3A_308 = arith.constant 96 : index
    %swap3A_309 = tpu.vector_load %arg6[%swap3A_307, %swap3A_308] {strides = array<i32>} : memref<4x128xi32, #tpu.memory_space<vmem>>, vector<1x16xi32>,
    %swap3A_310 = vector.shape_cast %swap3A_309 : vector<1x16xi32> to vector<16xi32>
    %swap3A_311 = vector.shape_cast %add3A_305 : vector<16xi32> to vector<1x16xi32>
    tpu.vector_store %arg6[%swap3A_307, %swap3A_308], %swap3A_311 {strides = array<i32>} : memref<4x128xi32, #tpu.memory_space<vmem>>, vector<1x16xi32>,
    %get3A_312 = arith.constant 1 : i32
    %get3A_313 = arith.index_cast %get3A_312 : i32 to index
    %get3A_314 = arith.constant 112 : index
    %get3A_315 = tpu.vector_load %arg5[%get3A_313, %get3A_314] {strides = array<i32>} : memref<4x128xi32, #tpu.memory_space<vmem>>, vector<1x16xi32>,
    %get3A_316 = vector.shape_cast %get3A_315 : vector<1x16xi32> to vector<16xi32>
    %mul3A_317 = arith.constant 1048576 : i32
    %mul3A_318 = vector.broadcast %mul3A_317 : i32 to vector<16xi32>
    %mul3A_319 = arith.muli %get3A_316, %mul3A_318 : vector<16xi32>
    %add3A_320 = arith.constant 112 : i32
    %add3A_321 = arith.addi %mul3A_178, %add3A_320 : i32
    %add3A_322 = vector.broadcast %add3A_321 : i32 to vector<16xi32>
    %add3A_323 = arith.addi %iota3A, %add3A_322 : vector<16xi32>
    %add3A_324 = arith.addi %mul3A_319, %add3A_323 : vector<16xi32>
    %swap3A_325 = arith.constant 1 : i32
    %swap3A_326 = arith.index_cast %swap3A_325 : i32 to index
    %swap3A_327 = arith.constant 112 : index
    %swap3A_328 = tpu.vector_load %arg6[%swap3A_326, %swap3A_327] {strides = array<i32>} : memref<4x128xi32, #tpu.memory_space<vmem>>, vector<1x16xi32>,
    %swap3A_329 = vector.shape_cast %swap3A_328 : vector<1x16xi32> to vector<16xi32>
    %swap3A_330 = vector.shape_cast %add3A_324 : vector<16xi32> to vector<1x16xi32>
    tpu.vector_store %arg6[%swap3A_326, %swap3A_327], %swap3A_330 {strides = array<i32>} : memref<4x128xi32, #tpu.memory_space<vmem>>, vector<1x16xi32>,
    %add3A_331 = arith.constant 2 : i32
    %add3A_332 = arith.addi %select_n3A, %add3A_331 : i32
    %mul3A_333 = arith.constant 1024 : i32
    %mul3A_334 = arith.muli %add3A_332, %mul3A_333 : i32
    %get3A_335 = arith.constant 2 : i32
    %get3A_336 = arith.index_cast %get3A_335 : i32 to index
    %get3A_337 = arith.constant 0 : index
    %get3A_338 = tpu.vector_load %arg5[%get3A_336, %get3A_337] {strides = array<i32>} : memref<4x128xi32, #tpu.memory_space<vmem>>, vector<1x16xi32>,
    %get3A_339 = vector.shape_cast %get3A_338 : vector<1x16xi32> to vector<16xi32>
    %mul3A_340 = arith.constant 1048576 : i32
    %mul3A_341 = vector.broadcast %mul3A_340 : i32 to vector<16xi32>
    %mul3A_342 = arith.muli %get3A_339, %mul3A_341 : vector<16xi32>
    %add3A_343 = arith.constant 0 : i32
    %add3A_344 = arith.addi %mul3A_334, %add3A_343 : i32
    %add3A_345 = vector.broadcast %add3A_344 : i32 to vector<16xi32>
    %add3A_346 = arith.addi %iota3A, %add3A_345 : vector<16xi32>
    %add3A_347 = arith.addi %mul3A_342, %add3A_346 : vector<16xi32>
    %swap3A_348 = arith.constant 2 : i32
    %swap3A_349 = arith.index_cast %swap3A_348 : i32 to index
    %swap3A_350 = arith.constant 0 : index
    %swap3A_351 = tpu.vector_load %arg6[%swap3A_349, %swap3A_350] {strides = array<i32>} : memref<4x128xi32, #tpu.memory_space<vmem>>, vector<1x16xi32>,
    %swap3A_352 = vector.shape_cast %swap3A_351 : vector<1x16xi32> to vector<16xi32>
    %swap3A_353 = vector.shape_cast %add3A_347 : vector<16xi32> to vector<1x16xi32>
    tpu.vector_store %arg6[%swap3A_349, %swap3A_350], %swap3A_353 {strides = array<i32>} : memref<4x128xi32, #tpu.memory_space<vmem>>, vector<1x16xi32>,
    %get3A_354 = arith.constant 2 : i32
    %get3A_355 = arith.index_cast %get3A_354 : i32 to index
    %get3A_356 = arith.constant 16 : index
    %get3A_357 = tpu.vector_load %arg5[%get3A_355, %get3A_356] {strides = array<i32>} : memref<4x128xi32, #tpu.memory_space<vmem>>, vector<1x16xi32>,
    %get3A_358 = vector.shape_cast %get3A_357 : vector<1x16xi32> to vector<16xi32>
    %mul3A_359 = arith.constant 1048576 : i32
    %mul3A_360 = vector.broadcast %mul3A_359 : i32 to vector<16xi32>
    %mul3A_361 = arith.muli %get3A_358, %mul3A_360 : vector<16xi32>
    %add3A_362 = arith.constant 16 : i32
    %add3A_363 = arith.addi %mul3A_334, %add3A_362 : i32
    %add3A_364 = vector.broadcast %add3A_363 : i32 to vector<16xi32>
    %add3A_365 = arith.addi %iota3A, %add3A_364 : vector<16xi32>
    %add3A_366 = arith.addi %mul3A_361, %add3A_365 : vector<16xi32>
    %swap3A_367 = arith.constant 2 : i32
    %swap3A_368 = arith.index_cast %swap3A_367 : i32 to index
    %swap3A_369 = arith.constant 16 : index
    %swap3A_370 = tpu.vector_load %arg6[%swap3A_368, %swap3A_369] {strides = array<i32>} : memref<4x128xi32, #tpu.memory_space<vmem>>, vector<1x16xi32>,
    %swap3A_371 = vector.shape_cast %swap3A_370 : vector<1x16xi32> to vector<16xi32>
    %swap3A_372 = vector.shape_cast %add3A_366 : vector<16xi32> to vector<1x16xi32>
    tpu.vector_store %arg6[%swap3A_368, %swap3A_369], %swap3A_372 {strides = array<i32>} : memref<4x128xi32, #tpu.memory_space<vmem>>, vector<1x16xi32>,
    %get3A_373 = arith.constant 2 : i32
    %get3A_374 = arith.index_cast %get3A_373 : i32 to index
    %get3A_375 = arith.constant 32 : index
    %get3A_376 = tpu.vector_load %arg5[%get3A_374, %get3A_375] {strides = array<i32>} : memref<4x128xi32, #tpu.memory_space<vmem>>, vector<1x16xi32>,
    %get3A_377 = vector.shape_cast %get3A_376 : vector<1x16xi32> to vector<16xi32>
    %mul3A_378 = arith.constant 1048576 : i32
    %mul3A_379 = vector.broadcast %mul3A_378 : i32 to vector<16xi32>
    %mul3A_380 = arith.muli %get3A_377, %mul3A_379 : vector<16xi32>
    %add3A_381 = arith.constant 32 : i32
    %add3A_382 = arith.addi %mul3A_334, %add3A_381 : i32
    %add3A_383 = vector.broadcast %add3A_382 : i32 to vector<16xi32>
    %add3A_384 = arith.addi %iota3A, %add3A_383 : vector<16xi32>
    %add3A_385 = arith.addi %mul3A_380, %add3A_384 : vector<16xi32>
    %swap3A_386 = arith.constant 2 : i32
    %swap3A_387 = arith.index_cast %swap3A_386 : i32 to index
    %swap3A_388 = arith.constant 32 : index
    %swap3A_389 = tpu.vector_load %arg6[%swap3A_387, %swap3A_388] {strides = array<i32>} : memref<4x128xi32, #tpu.memory_space<vmem>>, vector<1x16xi32>,
    %swap3A_390 = vector.shape_cast %swap3A_389 : vector<1x16xi32> to vector<16xi32>
    %swap3A_391 = vector.shape_cast %add3A_385 : vector<16xi32> to vector<1x16xi32>
    tpu.vector_store %arg6[%swap3A_387, %swap3A_388], %swap3A_391 {strides = array<i32>} : memref<4x128xi32, #tpu.memory_space<vmem>>, vector<1x16xi32>,
    %get3A_392 = arith.constant 2 : i32
    %get3A_393 = arith.index_cast %get3A_392 : i32 to index
    %get3A_394 = arith.constant 48 : index
    %get3A_395 = tpu.vector_load %arg5[%get3A_393, %get3A_394] {strides = array<i32>} : memref<4x128xi32, #tpu.memory_space<vmem>>, vector<1x16xi32>,
    %get3A_396 = vector.shape_cast %get3A_395 : vector<1x16xi32> to vector<16xi32>
    %mul3A_397 = arith.constant 1048576 : i32
    %mul3A_398 = vector.broadcast %mul3A_397 : i32 to vector<16xi32>
    %mul3A_399 = arith.muli %get3A_396, %mul3A_398 : vector<16xi32>
    %add3A_400 = arith.constant 48 : i32
    %add3A_401 = arith.addi %mul3A_334, %add3A_400 : i32
    %add3A_402 = vector.broadcast %add3A_401 : i32 to vector<16xi32>
    %add3A_403 = arith.addi %iota3A, %add3A_402 : vector<16xi32>
    %add3A_404 = arith.addi %mul3A_399, %add3A_403 : vector<16xi32>
    %swap3A_405 = arith.constant 2 : i32
    %swap3A_406 = arith.index_cast %swap3A_405 : i32 to index
    %swap3A_407 = arith.constant 48 : index
    %swap3A_408 = tpu.vector_load %arg6[%swap3A_406, %swap3A_407] {strides = array<i32>} : memref<4x128xi32, #tpu.memory_space<vmem>>, vector<1x16xi32>,
    %swap3A_409 = vector.shape_cast %swap3A_408 : vector<1x16xi32> to vector<16xi32>
    %swap3A_410 = vector.shape_cast %add3A_404 : vector<16xi32> to vector<1x16xi32>
    tpu.vector_store %arg6[%swap3A_406, %swap3A_407], %swap3A_410 {strides = array<i32>} : memref<4x128xi32, #tpu.memory_space<vmem>>, vector<1x16xi32>,
    %get3A_411 = arith.constant 2 : i32
    %get3A_412 = arith.index_cast %get3A_411 : i32 to index
    %get3A_413 = arith.constant 64 : index
    %get3A_414 = tpu.vector_load %arg5[%get3A_412, %get3A_413] {strides = array<i32>} : memref<4x128xi32, #tpu.memory_space<vmem>>, vector<1x16xi32>,
    %get3A_415 = vector.shape_cast %get3A_414 : vector<1x16xi32> to vector<16xi32>
    %mul3A_416 = arith.constant 1048576 : i32
    %mul3A_417 = vector.broadcast %mul3A_416 : i32 to vector<16xi32>
    %mul3A_418 = arith.muli %get3A_415, %mul3A_417 : vector<16xi32>
    %add3A_419 = arith.constant 64 : i32
    %add3A_420 = arith.addi %mul3A_334, %add3A_419 : i32
    %add3A_421 = vector.broadcast %add3A_420 : i32 to vector<16xi32>
    %add3A_422 = arith.addi %iota3A, %add3A_421 : vector<16xi32>
    %add3A_423 = arith.addi %mul3A_418, %add3A_422 : vector<16xi32>
    %swap3A_424 = arith.constant 2 : i32
    %swap3A_425 = arith.index_cast %swap3A_424 : i32 to index
    %swap3A_426 = arith.constant 64 : index
    %swap3A_427 = tpu.vector_load %arg6[%swap3A_425, %swap3A_426] {strides = array<i32>} : memref<4x128xi32, #tpu.memory_space<vmem>>, vector<1x16xi32>,
    %swap3A_428 = vector.shape_cast %swap3A_427 : vector<1x16xi32> to vector<16xi32>
    %swap3A_429 = vector.shape_cast %add3A_423 : vector<16xi32> to vector<1x16xi32>
    tpu.vector_store %arg6[%swap3A_425, %swap3A_426], %swap3A_429 {strides = array<i32>} : memref<4x128xi32, #tpu.memory_space<vmem>>, vector<1x16xi32>,
    %get3A_430 = arith.constant 2 : i32
    %get3A_431 = arith.index_cast %get3A_430 : i32 to index
    %get3A_432 = arith.constant 80 : index
    %get3A_433 = tpu.vector_load %arg5[%get3A_431, %get3A_432] {strides = array<i32>} : memref<4x128xi32, #tpu.memory_space<vmem>>, vector<1x16xi32>,
    %get3A_434 = vector.shape_cast %get3A_433 : vector<1x16xi32> to vector<16xi32>
    %mul3A_435 = arith.constant 1048576 : i32
    %mul3A_436 = vector.broadcast %mul3A_435 : i32 to vector<16xi32>
    %mul3A_437 = arith.muli %get3A_434, %mul3A_436 : vector<16xi32>
    %add3A_438 = arith.constant 80 : i32
    %add3A_439 = arith.addi %mul3A_334, %add3A_438 : i32
    %add3A_440 = vector.broadcast %add3A_439 : i32 to vector<16xi32>
    %add3A_441 = arith.addi %iota3A, %add3A_440 : vector<16xi32>
    %add3A_442 = arith.addi %mul3A_437, %add3A_441 : vector<16xi32>
    %swap3A_443 = arith.constant 2 : i32
    %swap3A_444 = arith.index_cast %swap3A_443 : i32 to index
    %swap3A_445 = arith.constant 80 : index
    %swap3A_446 = tpu.vector_load %arg6[%swap3A_444, %swap3A_445] {strides = array<i32>} : memref<4x128xi32, #tpu.memory_space<vmem>>, vector<1x16xi32>,
    %swap3A_447 = vector.shape_cast %swap3A_446 : vector<1x16xi32> to vector<16xi32>
    %swap3A_448 = vector.shape_cast %add3A_442 : vector<16xi32> to vector<1x16xi32>
    tpu.vector_store %arg6[%swap3A_444, %swap3A_445], %swap3A_448 {strides = array<i32>} : memref<4x128xi32, #tpu.memory_space<vmem>>, vector<1x16xi32>,
    %get3A_449 = arith.constant 2 : i32
    %get3A_450 = arith.index_cast %get3A_449 : i32 to index
    %get3A_451 = arith.constant 96 : index
    %get3A_452 = tpu.vector_load %arg5[%get3A_450, %get3A_451] {strides = array<i32>} : memref<4x128xi32, #tpu.memory_space<vmem>>, vector<1x16xi32>,
    %get3A_453 = vector.shape_cast %get3A_452 : vector<1x16xi32> to vector<16xi32>
    %mul3A_454 = arith.constant 1048576 : i32
    %mul3A_455 = vector.broadcast %mul3A_454 : i32 to vector<16xi32>
    %mul3A_456 = arith.muli %get3A_453, %mul3A_455 : vector<16xi32>
    %add3A_457 = arith.constant 96 : i32
    %add3A_458 = arith.addi %mul3A_334, %add3A_457 : i32
    %add3A_459 = vector.broadcast %add3A_458 : i32 to vector<16xi32>
    %add3A_460 = arith.addi %iota3A, %add3A_459 : vector<16xi32>
    %add3A_461 = arith.addi %mul3A_456, %add3A_460 : vector<16xi32>
    %swap3A_462 = arith.constant 2 : i32
    %swap3A_463 = arith.index_cast %swap3A_462 : i32 to index
    %swap3A_464 = arith.constant 96 : index
    %swap3A_465 = tpu.vector_load %arg6[%swap3A_463, %swap3A_464] {strides = array<i32>} : memref<4x128xi32, #tpu.memory_space<vmem>>, vector<1x16xi32>,
    %swap3A_466 = vector.shape_cast %swap3A_465 : vector<1x16xi32> to vector<16xi32>
    %swap3A_467 = vector.shape_cast %add3A_461 : vector<16xi32> to vector<1x16xi32>
    tpu.vector_store %arg6[%swap3A_463, %swap3A_464], %swap3A_467 {strides = array<i32>} : memref<4x128xi32, #tpu.memory_space<vmem>>, vector<1x16xi32>,
    %get3A_468 = arith.constant 2 : i32
    %get3A_469 = arith.index_cast %get3A_468 : i32 to index
    %get3A_470 = arith.constant 112 : index
    %get3A_471 = tpu.vector_load %arg5[%get3A_469, %get3A_470] {strides = array<i32>} : memref<4x128xi32, #tpu.memory_space<vmem>>, vector<1x16xi32>,
    %get3A_472 = vector.shape_cast %get3A_471 : vector<1x16xi32> to vector<16xi32>
    %mul3A_473 = arith.constant 1048576 : i32
    %mul3A_474 = vector.broadcast %mul3A_473 : i32 to vector<16xi32>
    %mul3A_475 = arith.muli %get3A_472, %mul3A_474 : vector<16xi32>
    %add3A_476 = arith.constant 112 : i32
    %add3A_477 = arith.addi %mul3A_334, %add3A_476 : i32
    %add3A_478 = vector.broadcast %add3A_477 : i32 to vector<16xi32>
    %add3A_479 = arith.addi %iota3A, %add3A_478 : vector<16xi32>
    %add3A_480 = arith.addi %mul3A_475, %add3A_479 : vector<16xi32>
    %swap3A_481 = arith.constant 2 : i32
    %swap3A_482 = arith.index_cast %swap3A_481 : i32 to index
    %swap3A_483 = arith.constant 112 : index
    %swap3A_484 = tpu.vector_load %arg6[%swap3A_482, %swap3A_483] {strides = array<i32>} : memref<4x128xi32, #tpu.memory_space<vmem>>, vector<1x16xi32>,
    %swap3A_485 = vector.shape_cast %swap3A_484 : vector<1x16xi32> to vector<16xi32>
    %swap3A_486 = vector.shape_cast %add3A_480 : vector<16xi32> to vector<1x16xi32>
    tpu.vector_store %arg6[%swap3A_482, %swap3A_483], %swap3A_486 {strides = array<i32>} : memref<4x128xi32, #tpu.memory_space<vmem>>, vector<1x16xi32>,
    %add3A_487 = arith.constant 3 : i32
    %add3A_488 = arith.addi %select_n3A, %add3A_487 : i32
    %mul3A_489 = arith.constant 1024 : i32
    %mul3A_490 = arith.muli %add3A_488, %mul3A_489 : i32
    %get3A_491 = arith.constant 3 : i32
    %get3A_492 = arith.index_cast %get3A_491 : i32 to index
    %get3A_493 = arith.constant 0 : index
    %get3A_494 = tpu.vector_load %arg5[%get3A_492, %get3A_493] {strides = array<i32>} : memref<4x128xi32, #tpu.memory_space<vmem>>, vector<1x16xi32>,
    %get3A_495 = vector.shape_cast %get3A_494 : vector<1x16xi32> to vector<16xi32>
    %mul3A_496 = arith.constant 1048576 : i32
    %mul3A_497 = vector.broadcast %mul3A_496 : i32 to vector<16xi32>
    %mul3A_498 = arith.muli %get3A_495, %mul3A_497 : vector<16xi32>
    %add3A_499 = arith.constant 0 : i32
    %add3A_500 = arith.addi %mul3A_490, %add3A_499 : i32
    %add3A_501 = vector.broadcast %add3A_500 : i32 to vector<16xi32>
    %add3A_502 = arith.addi %iota3A, %add3A_501 : vector<16xi32>
    %add3A_503 = arith.addi %mul3A_498, %add3A_502 : vector<16xi32>
    %swap3A_504 = arith.constant 3 : i32
    %swap3A_505 = arith.index_cast %swap3A_504 : i32 to index
    %swap3A_506 = arith.constant 0 : index
    %swap3A_507 = tpu.vector_load %arg6[%swap3A_505, %swap3A_506] {strides = array<i32>} : memref<4x128xi32, #tpu.memory_space<vmem>>, vector<1x16xi32>,
    %swap3A_508 = vector.shape_cast %swap3A_507 : vector<1x16xi32> to vector<16xi32>
    %swap3A_509 = vector.shape_cast %add3A_503 : vector<16xi32> to vector<1x16xi32>
    tpu.vector_store %arg6[%swap3A_505, %swap3A_506], %swap3A_509 {strides = array<i32>} : memref<4x128xi32, #tpu.memory_space<vmem>>, vector<1x16xi32>,
    %get3A_510 = arith.constant 3 : i32
    %get3A_511 = arith.index_cast %get3A_510 : i32 to index
    %get3A_512 = arith.constant 16 : index
    %get3A_513 = tpu.vector_load %arg5[%get3A_511, %get3A_512] {strides = array<i32>} : memref<4x128xi32, #tpu.memory_space<vmem>>, vector<1x16xi32>,
    %get3A_514 = vector.shape_cast %get3A_513 : vector<1x16xi32> to vector<16xi32>
    %mul3A_515 = arith.constant 1048576 : i32
    %mul3A_516 = vector.broadcast %mul3A_515 : i32 to vector<16xi32>
    %mul3A_517 = arith.muli %get3A_514, %mul3A_516 : vector<16xi32>
    %add3A_518 = arith.constant 16 : i32
    %add3A_519 = arith.addi %mul3A_490, %add3A_518 : i32
    %add3A_520 = vector.broadcast %add3A_519 : i32 to vector<16xi32>
    %add3A_521 = arith.addi %iota3A, %add3A_520 : vector<16xi32>
    %add3A_522 = arith.addi %mul3A_517, %add3A_521 : vector<16xi32>
    %swap3A_523 = arith.constant 3 : i32
    %swap3A_524 = arith.index_cast %swap3A_523 : i32 to index
    %swap3A_525 = arith.constant 16 : index
    %swap3A_526 = tpu.vector_load %arg6[%swap3A_524, %swap3A_525] {strides = array<i32>} : memref<4x128xi32, #tpu.memory_space<vmem>>, vector<1x16xi32>,
    %swap3A_527 = vector.shape_cast %swap3A_526 : vector<1x16xi32> to vector<16xi32>
    %swap3A_528 = vector.shape_cast %add3A_522 : vector<16xi32> to vector<1x16xi32>
    tpu.vector_store %arg6[%swap3A_524, %swap3A_525], %swap3A_528 {strides = array<i32>} : memref<4x128xi32, #tpu.memory_space<vmem>>, vector<1x16xi32>,
    %get3A_529 = arith.constant 3 : i32
    %get3A_530 = arith.index_cast %get3A_529 : i32 to index
    %get3A_531 = arith.constant 32 : index
    %get3A_532 = tpu.vector_load %arg5[%get3A_530, %get3A_531] {strides = array<i32>} : memref<4x128xi32, #tpu.memory_space<vmem>>, vector<1x16xi32>,
    %get3A_533 = vector.shape_cast %get3A_532 : vector<1x16xi32> to vector<16xi32>
    %mul3A_534 = arith.constant 1048576 : i32
    %mul3A_535 = vector.broadcast %mul3A_534 : i32 to vector<16xi32>
    %mul3A_536 = arith.muli %get3A_533, %mul3A_535 : vector<16xi32>
    %add3A_537 = arith.constant 32 : i32
    %add3A_538 = arith.addi %mul3A_490, %add3A_537 : i32
    %add3A_539 = vector.broadcast %add3A_538 : i32 to vector<16xi32>
    %add3A_540 = arith.addi %iota3A, %add3A_539 : vector<16xi32>
    %add3A_541 = arith.addi %mul3A_536, %add3A_540 : vector<16xi32>
    %swap3A_542 = arith.constant 3 : i32
    %swap3A_543 = arith.index_cast %swap3A_542 : i32 to index
    %swap3A_544 = arith.constant 32 : index
    %swap3A_545 = tpu.vector_load %arg6[%swap3A_543, %swap3A_544] {strides = array<i32>} : memref<4x128xi32, #tpu.memory_space<vmem>>, vector<1x16xi32>,
    %swap3A_546 = vector.shape_cast %swap3A_545 : vector<1x16xi32> to vector<16xi32>
    %swap3A_547 = vector.shape_cast %add3A_541 : vector<16xi32> to vector<1x16xi32>
    tpu.vector_store %arg6[%swap3A_543, %swap3A_544], %swap3A_547 {strides = array<i32>} : memref<4x128xi32, #tpu.memory_space<vmem>>, vector<1x16xi32>,
    %get3A_548 = arith.constant 3 : i32
    %get3A_549 = arith.index_cast %get3A_548 : i32 to index
    %get3A_550 = arith.constant 48 : index
    %get3A_551 = tpu.vector_load %arg5[%get3A_549, %get3A_550] {strides = array<i32>} : memref<4x128xi32, #tpu.memory_space<vmem>>, vector<1x16xi32>,
    %get3A_552 = vector.shape_cast %get3A_551 : vector<1x16xi32> to vector<16xi32>
    %mul3A_553 = arith.constant 1048576 : i32
    %mul3A_554 = vector.broadcast %mul3A_553 : i32 to vector<16xi32>
    %mul3A_555 = arith.muli %get3A_552, %mul3A_554 : vector<16xi32>
    %add3A_556 = arith.constant 48 : i32
    %add3A_557 = arith.addi %mul3A_490, %add3A_556 : i32
    %add3A_558 = vector.broadcast %add3A_557 : i32 to vector<16xi32>
    %add3A_559 = arith.addi %iota3A, %add3A_558 : vector<16xi32>
    %add3A_560 = arith.addi %mul3A_555, %add3A_559 : vector<16xi32>
    %swap3A_561 = arith.constant 3 : i32
    %swap3A_562 = arith.index_cast %swap3A_561 : i32 to index
    %swap3A_563 = arith.constant 48 : index
    %swap3A_564 = tpu.vector_load %arg6[%swap3A_562, %swap3A_563] {strides = array<i32>} : memref<4x128xi32, #tpu.memory_space<vmem>>, vector<1x16xi32>,
    %swap3A_565 = vector.shape_cast %swap3A_564 : vector<1x16xi32> to vector<16xi32>
    %swap3A_566 = vector.shape_cast %add3A_560 : vector<16xi32> to vector<1x16xi32>
    tpu.vector_store %arg6[%swap3A_562, %swap3A_563], %swap3A_566 {strides = array<i32>} : memref<4x128xi32, #tpu.memory_space<vmem>>, vector<1x16xi32>,
    %get3A_567 = arith.constant 3 : i32
    %get3A_568 = arith.index_cast %get3A_567 : i32 to index
    %get3A_569 = arith.constant 64 : index
    %get3A_570 = tpu.vector_load %arg5[%get3A_568, %get3A_569] {strides = array<i32>} : memref<4x128xi32, #tpu.memory_space<vmem>>, vector<1x16xi32>,
    %get3A_571 = vector.shape_cast %get3A_570 : vector<1x16xi32> to vector<16xi32>
    %mul3A_572 = arith.constant 1048576 : i32
    %mul3A_573 = vector.broadcast %mul3A_572 : i32 to vector<16xi32>
    %mul3A_574 = arith.muli %get3A_571, %mul3A_573 : vector<16xi32>
    %add3A_575 = arith.constant 64 : i32
    %add3A_576 = arith.addi %mul3A_490, %add3A_575 : i32
    %add3A_577 = vector.broadcast %add3A_576 : i32 to vector<16xi32>
    %add3A_578 = arith.addi %iota3A, %add3A_577 : vector<16xi32>
    %add3A_579 = arith.addi %mul3A_574, %add3A_578 : vector<16xi32>
    %swap3A_580 = arith.constant 3 : i32
    %swap3A_581 = arith.index_cast %swap3A_580 : i32 to index
    %swap3A_582 = arith.constant 64 : index
    %swap3A_583 = tpu.vector_load %arg6[%swap3A_581, %swap3A_582] {strides = array<i32>} : memref<4x128xi32, #tpu.memory_space<vmem>>, vector<1x16xi32>,
    %swap3A_584 = vector.shape_cast %swap3A_583 : vector<1x16xi32> to vector<16xi32>
    %swap3A_585 = vector.shape_cast %add3A_579 : vector<16xi32> to vector<1x16xi32>
    tpu.vector_store %arg6[%swap3A_581, %swap3A_582], %swap3A_585 {strides = array<i32>} : memref<4x128xi32, #tpu.memory_space<vmem>>, vector<1x16xi32>,
    %get3A_586 = arith.constant 3 : i32
    %get3A_587 = arith.index_cast %get3A_586 : i32 to index
    %get3A_588 = arith.constant 80 : index
    %get3A_589 = tpu.vector_load %arg5[%get3A_587, %get3A_588] {strides = array<i32>} : memref<4x128xi32, #tpu.memory_space<vmem>>, vector<1x16xi32>,
    %get3A_590 = vector.shape_cast %get3A_589 : vector<1x16xi32> to vector<16xi32>
    %mul3A_591 = arith.constant 1048576 : i32
    %mul3A_592 = vector.broadcast %mul3A_591 : i32 to vector<16xi32>
    %mul3A_593 = arith.muli %get3A_590, %mul3A_592 : vector<16xi32>
    %add3A_594 = arith.constant 80 : i32
    %add3A_595 = arith.addi %mul3A_490, %add3A_594 : i32
    %add3A_596 = vector.broadcast %add3A_595 : i32 to vector<16xi32>
    %add3A_597 = arith.addi %iota3A, %add3A_596 : vector<16xi32>
    %add3A_598 = arith.addi %mul3A_593, %add3A_597 : vector<16xi32>
    %swap3A_599 = arith.constant 3 : i32
    %swap3A_600 = arith.index_cast %swap3A_599 : i32 to index
    %swap3A_601 = arith.constant 80 : index
    %swap3A_602 = tpu.vector_load %arg6[%swap3A_600, %swap3A_601] {strides = array<i32>} : memref<4x128xi32, #tpu.memory_space<vmem>>, vector<1x16xi32>,
    %swap3A_603 = vector.shape_cast %swap3A_602 : vector<1x16xi32> to vector<16xi32>
    %swap3A_604 = vector.shape_cast %add3A_598 : vector<16xi32> to vector<1x16xi32>
    tpu.vector_store %arg6[%swap3A_600, %swap3A_601], %swap3A_604 {strides = array<i32>} : memref<4x128xi32, #tpu.memory_space<vmem>>, vector<1x16xi32>,
    %get3A_605 = arith.constant 3 : i32
    %get3A_606 = arith.index_cast %get3A_605 : i32 to index
    %get3A_607 = arith.constant 96 : index
    %get3A_608 = tpu.vector_load %arg5[%get3A_606, %get3A_607] {strides = array<i32>} : memref<4x128xi32, #tpu.memory_space<vmem>>, vector<1x16xi32>,
    %get3A_609 = vector.shape_cast %get3A_608 : vector<1x16xi32> to vector<16xi32>
    %mul3A_610 = arith.constant 1048576 : i32
    %mul3A_611 = vector.broadcast %mul3A_610 : i32 to vector<16xi32>
    %mul3A_612 = arith.muli %get3A_609, %mul3A_611 : vector<16xi32>
    %add3A_613 = arith.constant 96 : i32
    %add3A_614 = arith.addi %mul3A_490, %add3A_613 : i32
    %add3A_615 = vector.broadcast %add3A_614 : i32 to vector<16xi32>
    %add3A_616 = arith.addi %iota3A, %add3A_615 : vector<16xi32>
    %add3A_617 = arith.addi %mul3A_612, %add3A_616 : vector<16xi32>
    %swap3A_618 = arith.constant 3 : i32
    %swap3A_619 = arith.index_cast %swap3A_618 : i32 to index
    %swap3A_620 = arith.constant 96 : index
    %swap3A_621 = tpu.vector_load %arg6[%swap3A_619, %swap3A_620] {strides = array<i32>} : memref<4x128xi32, #tpu.memory_space<vmem>>, vector<1x16xi32>,
    %swap3A_622 = vector.shape_cast %swap3A_621 : vector<1x16xi32> to vector<16xi32>
    %swap3A_623 = vector.shape_cast %add3A_617 : vector<16xi32> to vector<1x16xi32>
    tpu.vector_store %arg6[%swap3A_619, %swap3A_620], %swap3A_623 {strides = array<i32>} : memref<4x128xi32, #tpu.memory_space<vmem>>, vector<1x16xi32>,
    %get3A_624 = arith.constant 3 : i32
    %get3A_625 = arith.index_cast %get3A_624 : i32 to index
    %get3A_626 = arith.constant 112 : index
    %get3A_627 = tpu.vector_load %arg5[%get3A_625, %get3A_626] {strides = array<i32>} : memref<4x128xi32, #tpu.memory_space<vmem>>, vector<1x16xi32>,
    %get3A_628 = vector.shape_cast %get3A_627 : vector<1x16xi32> to vector<16xi32>
    %mul3A_629 = arith.constant 1048576 : i32
    %mul3A_630 = vector.broadcast %mul3A_629 : i32 to vector<16xi32>
    %mul3A_631 = arith.muli %get3A_628, %mul3A_630 : vector<16xi32>
    %add3A_632 = arith.constant 112 : i32
    %add3A_633 = arith.addi %mul3A_490, %add3A_632 : i32
    %add3A_634 = vector.broadcast %add3A_633 : i32 to vector<16xi32>
    %add3A_635 = arith.addi %iota3A, %add3A_634 : vector<16xi32>
    %add3A_636 = arith.addi %mul3A_631, %add3A_635 : vector<16xi32>
    %swap3A_637 = arith.constant 3 : i32
    %swap3A_638 = arith.index_cast %swap3A_637 : i32 to index
    %swap3A_639 = arith.constant 112 : index
    %swap3A_640 = tpu.vector_load %arg6[%swap3A_638, %swap3A_639] {strides = array<i32>} : memref<4x128xi32, #tpu.memory_space<vmem>>, vector<1x16xi32>,
    %swap3A_641 = vector.shape_cast %swap3A_640 : vector<1x16xi32> to vector<16xi32>
    %swap3A_642 = vector.shape_cast %add3A_636 : vector<16xi32> to vector<1x16xi32>
    tpu.vector_store %arg6[%swap3A_638, %swap3A_639], %swap3A_642 {strides = array<i32>} : memref<4x128xi32, #tpu.memory_space<vmem>>, vector<1x16xi32>,
    %scan3A = arith.constant 0 : i32
    %scan3A_643 = arith.constant 26 : i32
    %scan3A_644 = arith.addi %scan3A, %scan3A_643 : i32
    %scan3A_645 = arith.constant 1 : i32
    scf.for %scan3A_1975 = %scan3A to %scan3A_644 step %scan3A_645  : i32 {
      %mul3A_1976 = arith.constant 1 : i32
      %mul3A_1977 = arith.muli %scan3A_1975, %mul3A_1976 : i32
      %add3A_1978 = arith.constant 0 : i32
      %add3A_1979 = arith.addi %add3A_1978, %mul3A_1977 : i32
      %jit3A_1980 = arith.constant 8 : i32
      %div3A_1981 = arith.divsi %add3A_1979, %jit3A_1980 : i32
      %sign3A_1982 = arith.constant 0 : i32
      %sign3A_1983 = arith.cmpi sgt, %add3A_1979, %sign3A_1982 : i32
      %sign3A_1984 = arith.extui %sign3A_1983 : i1 to i32
      %sign3A_1985 = arith.constant 0 : i32
      %sign3A_1986 = arith.cmpi slt, %add3A_1979, %sign3A_1985 : i32
      %sign3A_1987 = arith.extui %sign3A_1986 : i1 to i32
      %sign3A_1988 = arith.subi %sign3A_1984, %sign3A_1987 : i32
      %sign3A_1989 = arith.constant 0 : i32
      %sign3A_1990 = arith.cmpi sgt, %jit3A_1980, %sign3A_1989 : i32
      %sign3A_1991 = arith.extui %sign3A_1990 : i1 to i32
      %sign3A_1992 = arith.constant 0 : i32
      %sign3A_1993 = arith.cmpi slt, %jit3A_1980, %sign3A_1992 : i32
      %sign3A_1994 = arith.extui %sign3A_1993 : i1 to i32
      %sign3A_1995 = arith.subi %sign3A_1991, %sign3A_1994 : i32
      %ne3A_1996 = arith.cmpi ne, %sign3A_1988, %sign3A_1995 : i32
      %rem3A_1997 = arith.remsi %add3A_1979, %jit3A_1980 : i32
      %ne3A_1998 = arith.constant 0 : i32
      %ne3A_1999 = arith.cmpi ne, %rem3A_1997, %ne3A_1998 : i32
      %and3A_2000 = arith.andi %ne3A_1996, %ne3A_1999 : i1
      %sub3A_2001 = arith.constant 1 : i32
      %sub3A_2002 = arith.subi %div3A_1981, %sub3A_2001 : i32
      %select_n3A_2003 = arith.select %and3A_2000, %sub3A_2002, %div3A_1981 : i32
      %mul3A_2004 = arith.constant 131072 : i32
      %mul3A_2005 = arith.muli %select_n3A_2003, %mul3A_2004 : i32
      %jit3A_2006 = arith.constant 8 : i32
      %eq3A = arith.constant 0 : i32
      %eq3A_2007 = arith.cmpi eq, %jit3A_2006, %eq3A : i32
      %jit3A_2008 = arith.constant 1 : i32
      %select_n3A_2009 = arith.select %eq3A_2007, %jit3A_2008, %jit3A_2006 : i32
      %rem3A_2010 = arith.remsi %add3A_1979, %select_n3A_2009 : i32
      %ne3A_2011 = arith.constant 0 : i32
      %ne3A_2012 = arith.cmpi ne, %rem3A_2010, %ne3A_2011 : i32
      %lt3A = arith.constant 0 : i32
      %lt3A_2013 = arith.cmpi slt, %rem3A_2010, %lt3A : i32
      %lt3A_2014 = arith.constant 0 : i32
      %lt3A_2015 = arith.cmpi slt, %select_n3A_2009, %lt3A_2014 : i32
      %ne3A_2016 = arith.xori %lt3A_2013, %lt3A_2015 : i1
      %and3A_2017 = arith.andi %ne3A_2016, %ne3A_2012 : i1
      %add3A_2018 = arith.addi %rem3A_2010, %select_n3A_2009 : i32
      %select_n3A_2019 = arith.select %and3A_2017, %add3A_2018, %rem3A_2010 : i32
      %mul3A_2020 = arith.constant 128 : i32
      %mul3A_2021 = arith.muli %select_n3A_2019, %mul3A_2020 : i32
      %add3A_2022 = arith.addi %mul3A_2005, %mul3A_2021 : i32
      %get3A_2023 = arith.constant 0 : i32
      %get3A_2024 = arith.index_cast %get3A_2023 : i32 to index
      %get3A_2025 = arith.constant 0 : index
      %get3A_2026 = tpu.vector_load %arg6[%get3A_2024, %get3A_2025] {strides = array<i32>} : memref<4x128xi32, #tpu.memory_space<vmem>>, vector<1x16xi32>,
      %get3A_2027 = vector.shape_cast %get3A_2026 : vector<1x16xi32> to vector<16xi32>
      %add3A_2028 = vector.broadcast %add3A_2022 : i32 to vector<16xi32>
      %add3A_2029 = arith.addi %get3A_2027, %add3A_2028 : vector<16xi32>
      %swap3A_2030 = arith.constant 0 : i32
      %swap3A_2031 = arith.index_cast %add3A_1979 : i32 to index
      %swap3A_2032 = arith.index_cast %swap3A_2030 : i32 to index
      %swap3A_2033 = arith.constant 0 : index
      %swap3A_2034 = tpu.vector_load %arg7[%swap3A_2031, %swap3A_2032, %swap3A_2033] {strides = array<i32>} : memref<64x4x128xi32, #tpu.memory_space<vmem>>, vector<1x1x16xi32>,
      %swap3A_2035 = vector.shape_cast %swap3A_2034 : vector<1x1x16xi32> to vector<16xi32>
      %swap3A_2036 = vector.shape_cast %add3A_2029 : vector<16xi32> to vector<1x1x16xi32>
      tpu.vector_store %arg7[%swap3A_2031, %swap3A_2032, %swap3A_2033], %swap3A_2036 {strides = array<i32>} : memref<64x4x128xi32, #tpu.memory_space<vmem>>, vector<1x1x16xi32>,
      %get3A_2037 = arith.constant 0 : i32
      %get3A_2038 = arith.index_cast %get3A_2037 : i32 to index
      %get3A_2039 = arith.constant 16 : index
      %get3A_2040 = tpu.vector_load %arg6[%get3A_2038, %get3A_2039] {strides = array<i32>} : memref<4x128xi32, #tpu.memory_space<vmem>>, vector<1x16xi32>,
      %get3A_2041 = vector.shape_cast %get3A_2040 : vector<1x16xi32> to vector<16xi32>
      %add3A_2042 = vector.broadcast %add3A_2022 : i32 to vector<16xi32>
      %add3A_2043 = arith.addi %get3A_2041, %add3A_2042 : vector<16xi32>
      %swap3A_2044 = arith.constant 0 : i32
      %swap3A_2045 = arith.index_cast %add3A_1979 : i32 to index
      %swap3A_2046 = arith.index_cast %swap3A_2044 : i32 to index
      %swap3A_2047 = arith.constant 16 : index
      %swap3A_2048 = tpu.vector_load %arg7[%swap3A_2045, %swap3A_2046, %swap3A_2047] {strides = array<i32>} : memref<64x4x128xi32, #tpu.memory_space<vmem>>, vector<1x1x16xi32>,
      %swap3A_2049 = vector.shape_cast %swap3A_2048 : vector<1x1x16xi32> to vector<16xi32>
      %swap3A_2050 = vector.shape_cast %add3A_2043 : vector<16xi32> to vector<1x1x16xi32>
      tpu.vector_store %arg7[%swap3A_2045, %swap3A_2046, %swap3A_2047], %swap3A_2050 {strides = array<i32>} : memref<64x4x128xi32, #tpu.memory_space<vmem>>, vector<1x1x16xi32>,
      %get3A_2051 = arith.constant 0 : i32
      %get3A_2052 = arith.index_cast %get3A_2051 : i32 to index
      %get3A_2053 = arith.constant 32 : index
      %get3A_2054 = tpu.vector_load %arg6[%get3A_2052, %get3A_2053] {strides = array<i32>} : memref<4x128xi32, #tpu.memory_space<vmem>>, vector<1x16xi32>,
      %get3A_2055 = vector.shape_cast %get3A_2054 : vector<1x16xi32> to vector<16xi32>
      %add3A_2056 = vector.broadcast %add3A_2022 : i32 to vector<16xi32>
      %add3A_2057 = arith.addi %get3A_2055, %add3A_2056 : vector<16xi32>
      %swap3A_2058 = arith.constant 0 : i32
      %swap3A_2059 = arith.index_cast %add3A_1979 : i32 to index
      %swap3A_2060 = arith.index_cast %swap3A_2058 : i32 to index
      %swap3A_2061 = arith.constant 32 : index
      %swap3A_2062 = tpu.vector_load %arg7[%swap3A_2059, %swap3A_2060, %swap3A_2061] {strides = array<i32>} : memref<64x4x128xi32, #tpu.memory_space<vmem>>, vector<1x1x16xi32>,
      %swap3A_2063 = vector.shape_cast %swap3A_2062 : vector<1x1x16xi32> to vector<16xi32>
      %swap3A_2064 = vector.shape_cast %add3A_2057 : vector<16xi32> to vector<1x1x16xi32>
      tpu.vector_store %arg7[%swap3A_2059, %swap3A_2060, %swap3A_2061], %swap3A_2064 {strides = array<i32>} : memref<64x4x128xi32, #tpu.memory_space<vmem>>, vector<1x1x16xi32>,
      %get3A_2065 = arith.constant 0 : i32
      %get3A_2066 = arith.index_cast %get3A_2065 : i32 to index
      %get3A_2067 = arith.constant 48 : index
      %get3A_2068 = tpu.vector_load %arg6[%get3A_2066, %get3A_2067] {strides = array<i32>} : memref<4x128xi32, #tpu.memory_space<vmem>>, vector<1x16xi32>,
      %get3A_2069 = vector.shape_cast %get3A_2068 : vector<1x16xi32> to vector<16xi32>
      %add3A_2070 = vector.broadcast %add3A_2022 : i32 to vector<16xi32>
      %add3A_2071 = arith.addi %get3A_2069, %add3A_2070 : vector<16xi32>
      %swap3A_2072 = arith.constant 0 : i32
      %swap3A_2073 = arith.index_cast %add3A_1979 : i32 to index
      %swap3A_2074 = arith.index_cast %swap3A_2072 : i32 to index
      %swap3A_2075 = arith.constant 48 : index
      %swap3A_2076 = tpu.vector_load %arg7[%swap3A_2073, %swap3A_2074, %swap3A_2075] {strides = array<i32>} : memref<64x4x128xi32, #tpu.memory_space<vmem>>, vector<1x1x16xi32>,
      %swap3A_2077 = vector.shape_cast %swap3A_2076 : vector<1x1x16xi32> to vector<16xi32>
      %swap3A_2078 = vector.shape_cast %add3A_2071 : vector<16xi32> to vector<1x1x16xi32>
      tpu.vector_store %arg7[%swap3A_2073, %swap3A_2074, %swap3A_2075], %swap3A_2078 {strides = array<i32>} : memref<64x4x128xi32, #tpu.memory_space<vmem>>, vector<1x1x16xi32>,
      %get3A_2079 = arith.constant 0 : i32
      %get3A_2080 = arith.index_cast %get3A_2079 : i32 to index
      %get3A_2081 = arith.constant 64 : index
      %get3A_2082 = tpu.vector_load %arg6[%get3A_2080, %get3A_2081] {strides = array<i32>} : memref<4x128xi32, #tpu.memory_space<vmem>>, vector<1x16xi32>,
      %get3A_2083 = vector.shape_cast %get3A_2082 : vector<1x16xi32> to vector<16xi32>
      %add3A_2084 = vector.broadcast %add3A_2022 : i32 to vector<16xi32>
      %add3A_2085 = arith.addi %get3A_2083, %add3A_2084 : vector<16xi32>
      %swap3A_2086 = arith.constant 0 : i32
      %swap3A_2087 = arith.index_cast %add3A_1979 : i32 to index
      %swap3A_2088 = arith.index_cast %swap3A_2086 : i32 to index
      %swap3A_2089 = arith.constant 64 : index
      %swap3A_2090 = tpu.vector_load %arg7[%swap3A_2087, %swap3A_2088, %swap3A_2089] {strides = array<i32>} : memref<64x4x128xi32, #tpu.memory_space<vmem>>, vector<1x1x16xi32>,
      %swap3A_2091 = vector.shape_cast %swap3A_2090 : vector<1x1x16xi32> to vector<16xi32>
      %swap3A_2092 = vector.shape_cast %add3A_2085 : vector<16xi32> to vector<1x1x16xi32>
      tpu.vector_store %arg7[%swap3A_2087, %swap3A_2088, %swap3A_2089], %swap3A_2092 {strides = array<i32>} : memref<64x4x128xi32, #tpu.memory_space<vmem>>, vector<1x1x16xi32>,
      %get3A_2093 = arith.constant 0 : i32
      %get3A_2094 = arith.index_cast %get3A_2093 : i32 to index
      %get3A_2095 = arith.constant 80 : index
      %get3A_2096 = tpu.vector_load %arg6[%get3A_2094, %get3A_2095] {strides = array<i32>} : memref<4x128xi32, #tpu.memory_space<vmem>>, vector<1x16xi32>,
      %get3A_2097 = vector.shape_cast %get3A_2096 : vector<1x16xi32> to vector<16xi32>
      %add3A_2098 = vector.broadcast %add3A_2022 : i32 to vector<16xi32>
      %add3A_2099 = arith.addi %get3A_2097, %add3A_2098 : vector<16xi32>
      %swap3A_2100 = arith.constant 0 : i32
      %swap3A_2101 = arith.index_cast %add3A_1979 : i32 to index
      %swap3A_2102 = arith.index_cast %swap3A_2100 : i32 to index
      %swap3A_2103 = arith.constant 80 : index
      %swap3A_2104 = tpu.vector_load %arg7[%swap3A_2101, %swap3A_2102, %swap3A_2103] {strides = array<i32>} : memref<64x4x128xi32, #tpu.memory_space<vmem>>, vector<1x1x16xi32>,
      %swap3A_2105 = vector.shape_cast %swap3A_2104 : vector<1x1x16xi32> to vector<16xi32>
      %swap3A_2106 = vector.shape_cast %add3A_2099 : vector<16xi32> to vector<1x1x16xi32>
      tpu.vector_store %arg7[%swap3A_2101, %swap3A_2102, %swap3A_2103], %swap3A_2106 {strides = array<i32>} : memref<64x4x128xi32, #tpu.memory_space<vmem>>, vector<1x1x16xi32>,
      %get3A_2107 = arith.constant 0 : i32
      %get3A_2108 = arith.index_cast %get3A_2107 : i32 to index
      %get3A_2109 = arith.constant 96 : index
      %get3A_2110 = tpu.vector_load %arg6[%get3A_2108, %get3A_2109] {strides = array<i32>} : memref<4x128xi32, #tpu.memory_space<vmem>>, vector<1x16xi32>,
      %get3A_2111 = vector.shape_cast %get3A_2110 : vector<1x16xi32> to vector<16xi32>
      %add3A_2112 = vector.broadcast %add3A_2022 : i32 to vector<16xi32>
      %add3A_2113 = arith.addi %get3A_2111, %add3A_2112 : vector<16xi32>
      %swap3A_2114 = arith.constant 0 : i32
      %swap3A_2115 = arith.index_cast %add3A_1979 : i32 to index
      %swap3A_2116 = arith.index_cast %swap3A_2114 : i32 to index
      %swap3A_2117 = arith.constant 96 : index
      %swap3A_2118 = tpu.vector_load %arg7[%swap3A_2115, %swap3A_2116, %swap3A_2117] {strides = array<i32>} : memref<64x4x128xi32, #tpu.memory_space<vmem>>, vector<1x1x16xi32>,
      %swap3A_2119 = vector.shape_cast %swap3A_2118 : vector<1x1x16xi32> to vector<16xi32>
      %swap3A_2120 = vector.shape_cast %add3A_2113 : vector<16xi32> to vector<1x1x16xi32>
      tpu.vector_store %arg7[%swap3A_2115, %swap3A_2116, %swap3A_2117], %swap3A_2120 {strides = array<i32>} : memref<64x4x128xi32, #tpu.memory_space<vmem>>, vector<1x1x16xi32>,
      %get3A_2121 = arith.constant 0 : i32
      %get3A_2122 = arith.index_cast %get3A_2121 : i32 to index
      %get3A_2123 = arith.constant 112 : index
      %get3A_2124 = tpu.vector_load %arg6[%get3A_2122, %get3A_2123] {strides = array<i32>} : memref<4x128xi32, #tpu.memory_space<vmem>>, vector<1x16xi32>,
      %get3A_2125 = vector.shape_cast %get3A_2124 : vector<1x16xi32> to vector<16xi32>
      %add3A_2126 = vector.broadcast %add3A_2022 : i32 to vector<16xi32>
      %add3A_2127 = arith.addi %get3A_2125, %add3A_2126 : vector<16xi32>
      %swap3A_2128 = arith.constant 0 : i32
      %swap3A_2129 = arith.index_cast %add3A_1979 : i32 to index
      %swap3A_2130 = arith.index_cast %swap3A_2128 : i32 to index
      %swap3A_2131 = arith.constant 112 : index
      %swap3A_2132 = tpu.vector_load %arg7[%swap3A_2129, %swap3A_2130, %swap3A_2131] {strides = array<i32>} : memref<64x4x128xi32, #tpu.memory_space<vmem>>, vector<1x1x16xi32>,
      %swap3A_2133 = vector.shape_cast %swap3A_2132 : vector<1x1x16xi32> to vector<16xi32>
      %swap3A_2134 = vector.shape_cast %add3A_2127 : vector<16xi32> to vector<1x1x16xi32>
      tpu.vector_store %arg7[%swap3A_2129, %swap3A_2130, %swap3A_2131], %swap3A_2134 {strides = array<i32>} : memref<64x4x128xi32, #tpu.memory_space<vmem>>, vector<1x1x16xi32>,
      %get3A_2135 = arith.constant 1 : i32
      %get3A_2136 = arith.index_cast %get3A_2135 : i32 to index
      %get3A_2137 = arith.constant 0 : index
      %get3A_2138 = tpu.vector_load %arg6[%get3A_2136, %get3A_2137] {strides = array<i32>} : memref<4x128xi32, #tpu.memory_space<vmem>>, vector<1x16xi32>,
      %get3A_2139 = vector.shape_cast %get3A_2138 : vector<1x16xi32> to vector<16xi32>
      %add3A_2140 = vector.broadcast %add3A_2022 : i32 to vector<16xi32>
      %add3A_2141 = arith.addi %get3A_2139, %add3A_2140 : vector<16xi32>
      %swap3A_2142 = arith.constant 1 : i32
      %swap3A_2143 = arith.index_cast %add3A_1979 : i32 to index
      %swap3A_2144 = arith.index_cast %swap3A_2142 : i32 to index
      %swap3A_2145 = arith.constant 0 : index
      %swap3A_2146 = tpu.vector_load %arg7[%swap3A_2143, %swap3A_2144, %swap3A_2145] {strides = array<i32>} : memref<64x4x128xi32, #tpu.memory_space<vmem>>, vector<1x1x16xi32>,
      %swap3A_2147 = vector.shape_cast %swap3A_2146 : vector<1x1x16xi32> to vector<16xi32>
      %swap3A_2148 = vector.shape_cast %add3A_2141 : vector<16xi32> to vector<1x1x16xi32>
      tpu.vector_store %arg7[%swap3A_2143, %swap3A_2144, %swap3A_2145], %swap3A_2148 {strides = array<i32>} : memref<64x4x128xi32, #tpu.memory_space<vmem>>, vector<1x1x16xi32>,
      %get3A_2149 = arith.constant 1 : i32
      %get3A_2150 = arith.index_cast %get3A_2149 : i32 to index
      %get3A_2151 = arith.constant 16 : index
      %get3A_2152 = tpu.vector_load %arg6[%get3A_2150, %get3A_2151] {strides = array<i32>} : memref<4x128xi32, #tpu.memory_space<vmem>>, vector<1x16xi32>,
      %get3A_2153 = vector.shape_cast %get3A_2152 : vector<1x16xi32> to vector<16xi32>
      %add3A_2154 = vector.broadcast %add3A_2022 : i32 to vector<16xi32>
      %add3A_2155 = arith.addi %get3A_2153, %add3A_2154 : vector<16xi32>
      %swap3A_2156 = arith.constant 1 : i32
      %swap3A_2157 = arith.index_cast %add3A_1979 : i32 to index
      %swap3A_2158 = arith.index_cast %swap3A_2156 : i32 to index
      %swap3A_2159 = arith.constant 16 : index
      %swap3A_2160 = tpu.vector_load %arg7[%swap3A_2157, %swap3A_2158, %swap3A_2159] {strides = array<i32>} : memref<64x4x128xi32, #tpu.memory_space<vmem>>, vector<1x1x16xi32>,
      %swap3A_2161 = vector.shape_cast %swap3A_2160 : vector<1x1x16xi32> to vector<16xi32>
      %swap3A_2162 = vector.shape_cast %add3A_2155 : vector<16xi32> to vector<1x1x16xi32>
      tpu.vector_store %arg7[%swap3A_2157, %swap3A_2158, %swap3A_2159], %swap3A_2162 {strides = array<i32>} : memref<64x4x128xi32, #tpu.memory_space<vmem>>, vector<1x1x16xi32>,
      %get3A_2163 = arith.constant 1 : i32
      %get3A_2164 = arith.index_cast %get3A_2163 : i32 to index
      %get3A_2165 = arith.constant 32 : index
      %get3A_2166 = tpu.vector_load %arg6[%get3A_2164, %get3A_2165] {strides = array<i32>} : memref<4x128xi32, #tpu.memory_space<vmem>>, vector<1x16xi32>,
      %get3A_2167 = vector.shape_cast %get3A_2166 : vector<1x16xi32> to vector<16xi32>
      %add3A_2168 = vector.broadcast %add3A_2022 : i32 to vector<16xi32>
      %add3A_2169 = arith.addi %get3A_2167, %add3A_2168 : vector<16xi32>
      %swap3A_2170 = arith.constant 1 : i32
      %swap3A_2171 = arith.index_cast %add3A_1979 : i32 to index
      %swap3A_2172 = arith.index_cast %swap3A_2170 : i32 to index
      %swap3A_2173 = arith.constant 32 : index
      %swap3A_2174 = tpu.vector_load %arg7[%swap3A_2171, %swap3A_2172, %swap3A_2173] {strides = array<i32>} : memref<64x4x128xi32, #tpu.memory_space<vmem>>, vector<1x1x16xi32>,
      %swap3A_2175 = vector.shape_cast %swap3A_2174 : vector<1x1x16xi32> to vector<16xi32>
      %swap3A_2176 = vector.shape_cast %add3A_2169 : vector<16xi32> to vector<1x1x16xi32>
      tpu.vector_store %arg7[%swap3A_2171, %swap3A_2172, %swap3A_2173], %swap3A_2176 {strides = array<i32>} : memref<64x4x128xi32, #tpu.memory_space<vmem>>, vector<1x1x16xi32>,
      %get3A_2177 = arith.constant 1 : i32
      %get3A_2178 = arith.index_cast %get3A_2177 : i32 to index
      %get3A_2179 = arith.constant 48 : index
      %get3A_2180 = tpu.vector_load %arg6[%get3A_2178, %get3A_2179] {strides = array<i32>} : memref<4x128xi32, #tpu.memory_space<vmem>>, vector<1x16xi32>,
      %get3A_2181 = vector.shape_cast %get3A_2180 : vector<1x16xi32> to vector<16xi32>
      %add3A_2182 = vector.broadcast %add3A_2022 : i32 to vector<16xi32>
      %add3A_2183 = arith.addi %get3A_2181, %add3A_2182 : vector<16xi32>
      %swap3A_2184 = arith.constant 1 : i32
      %swap3A_2185 = arith.index_cast %add3A_1979 : i32 to index
      %swap3A_2186 = arith.index_cast %swap3A_2184 : i32 to index
      %swap3A_2187 = arith.constant 48 : index
      %swap3A_2188 = tpu.vector_load %arg7[%swap3A_2185, %swap3A_2186, %swap3A_2187] {strides = array<i32>} : memref<64x4x128xi32, #tpu.memory_space<vmem>>, vector<1x1x16xi32>,
      %swap3A_2189 = vector.shape_cast %swap3A_2188 : vector<1x1x16xi32> to vector<16xi32>
      %swap3A_2190 = vector.shape_cast %add3A_2183 : vector<16xi32> to vector<1x1x16xi32>
      tpu.vector_store %arg7[%swap3A_2185, %swap3A_2186, %swap3A_2187], %swap3A_2190 {strides = array<i32>} : memref<64x4x128xi32, #tpu.memory_space<vmem>>, vector<1x1x16xi32>,
      %get3A_2191 = arith.constant 1 : i32
      %get3A_2192 = arith.index_cast %get3A_2191 : i32 to index
      %get3A_2193 = arith.constant 64 : index
      %get3A_2194 = tpu.vector_load %arg6[%get3A_2192, %get3A_2193] {strides = array<i32>} : memref<4x128xi32, #tpu.memory_space<vmem>>, vector<1x16xi32>,
      %get3A_2195 = vector.shape_cast %get3A_2194 : vector<1x16xi32> to vector<16xi32>
      %add3A_2196 = vector.broadcast %add3A_2022 : i32 to vector<16xi32>
      %add3A_2197 = arith.addi %get3A_2195, %add3A_2196 : vector<16xi32>
      %swap3A_2198 = arith.constant 1 : i32
      %swap3A_2199 = arith.index_cast %add3A_1979 : i32 to index
      %swap3A_2200 = arith.index_cast %swap3A_2198 : i32 to index
      %swap3A_2201 = arith.constant 64 : index
      %swap3A_2202 = tpu.vector_load %arg7[%swap3A_2199, %swap3A_2200, %swap3A_2201] {strides = array<i32>} : memref<64x4x128xi32, #tpu.memory_space<vmem>>, vector<1x1x16xi32>,
      %swap3A_2203 = vector.shape_cast %swap3A_2202 : vector<1x1x16xi32> to vector<16xi32>
      %swap3A_2204 = vector.shape_cast %add3A_2197 : vector<16xi32> to vector<1x1x16xi32>
      tpu.vector_store %arg7[%swap3A_2199, %swap3A_2200, %swap3A_2201], %swap3A_2204 {strides = array<i32>} : memref<64x4x128xi32, #tpu.memory_space<vmem>>, vector<1x1x16xi32>,
      %get3A_2205 = arith.constant 1 : i32
      %get3A_2206 = arith.index_cast %get3A_2205 : i32 to index
      %get3A_2207 = arith.constant 80 : index
      %get3A_2208 = tpu.vector_load %arg6[%get3A_2206, %get3A_2207] {strides = array<i32>} : memref<4x128xi32, #tpu.memory_space<vmem>>, vector<1x16xi32>,
      %get3A_2209 = vector.shape_cast %get3A_2208 : vector<1x16xi32> to vector<16xi32>
      %add3A_2210 = vector.broadcast %add3A_2022 : i32 to vector<16xi32>
      %add3A_2211 = arith.addi %get3A_2209, %add3A_2210 : vector<16xi32>
      %swap3A_2212 = arith.constant 1 : i32
      %swap3A_2213 = arith.index_cast %add3A_1979 : i32 to index
      %swap3A_2214 = arith.index_cast %swap3A_2212 : i32 to index
      %swap3A_2215 = arith.constant 80 : index
      %swap3A_2216 = tpu.vector_load %arg7[%swap3A_2213, %swap3A_2214, %swap3A_2215] {strides = array<i32>} : memref<64x4x128xi32, #tpu.memory_space<vmem>>, vector<1x1x16xi32>,
      %swap3A_2217 = vector.shape_cast %swap3A_2216 : vector<1x1x16xi32> to vector<16xi32>
      %swap3A_2218 = vector.shape_cast %add3A_2211 : vector<16xi32> to vector<1x1x16xi32>
      tpu.vector_store %arg7[%swap3A_2213, %swap3A_2214, %swap3A_2215], %swap3A_2218 {strides = array<i32>} : memref<64x4x128xi32, #tpu.memory_space<vmem>>, vector<1x1x16xi32>,
      %get3A_2219 = arith.constant 1 : i32
      %get3A_2220 = arith.index_cast %get3A_2219 : i32 to index
      %get3A_2221 = arith.constant 96 : index
      %get3A_2222 = tpu.vector_load %arg6[%get3A_2220, %get3A_2221] {strides = array<i32>} : memref<4x128xi32, #tpu.memory_space<vmem>>, vector<1x16xi32>,
      %get3A_2223 = vector.shape_cast %get3A_2222 : vector<1x16xi32> to vector<16xi32>
      %add3A_2224 = vector.broadcast %add3A_2022 : i32 to vector<16xi32>
      %add3A_2225 = arith.addi %get3A_2223, %add3A_2224 : vector<16xi32>
      %swap3A_2226 = arith.constant 1 : i32
      %swap3A_2227 = arith.index_cast %add3A_1979 : i32 to index
      %swap3A_2228 = arith.index_cast %swap3A_2226 : i32 to index
      %swap3A_2229 = arith.constant 96 : index
      %swap3A_2230 = tpu.vector_load %arg7[%swap3A_2227, %swap3A_2228, %swap3A_2229] {strides = array<i32>} : memref<64x4x128xi32, #tpu.memory_space<vmem>>, vector<1x1x16xi32>,
      %swap3A_2231 = vector.shape_cast %swap3A_2230 : vector<1x1x16xi32> to vector<16xi32>
      %swap3A_2232 = vector.shape_cast %add3A_2225 : vector<16xi32> to vector<1x1x16xi32>
      tpu.vector_store %arg7[%swap3A_2227, %swap3A_2228, %swap3A_2229], %swap3A_2232 {strides = array<i32>} : memref<64x4x128xi32, #tpu.memory_space<vmem>>, vector<1x1x16xi32>,
      %get3A_2233 = arith.constant 1 : i32
      %get3A_2234 = arith.index_cast %get3A_2233 : i32 to index
      %get3A_2235 = arith.constant 112 : index
      %get3A_2236 = tpu.vector_load %arg6[%get3A_2234, %get3A_2235] {strides = array<i32>} : memref<4x128xi32, #tpu.memory_space<vmem>>, vector<1x16xi32>,
      %get3A_2237 = vector.shape_cast %get3A_2236 : vector<1x16xi32> to vector<16xi32>
      %add3A_2238 = vector.broadcast %add3A_2022 : i32 to vector<16xi32>
      %add3A_2239 = arith.addi %get3A_2237, %add3A_2238 : vector<16xi32>
      %swap3A_2240 = arith.constant 1 : i32
      %swap3A_2241 = arith.index_cast %add3A_1979 : i32 to index
      %swap3A_2242 = arith.index_cast %swap3A_2240 : i32 to index
      %swap3A_2243 = arith.constant 112 : index
      %swap3A_2244 = tpu.vector_load %arg7[%swap3A_2241, %swap3A_2242, %swap3A_2243] {strides = array<i32>} : memref<64x4x128xi32, #tpu.memory_space<vmem>>, vector<1x1x16xi32>,
      %swap3A_2245 = vector.shape_cast %swap3A_2244 : vector<1x1x16xi32> to vector<16xi32>
      %swap3A_2246 = vector.shape_cast %add3A_2239 : vector<16xi32> to vector<1x1x16xi32>
      tpu.vector_store %arg7[%swap3A_2241, %swap3A_2242, %swap3A_2243], %swap3A_2246 {strides = array<i32>} : memref<64x4x128xi32, #tpu.memory_space<vmem>>, vector<1x1x16xi32>,
      %get3A_2247 = arith.constant 2 : i32
      %get3A_2248 = arith.index_cast %get3A_2247 : i32 to index
      %get3A_2249 = arith.constant 0 : index
      %get3A_2250 = tpu.vector_load %arg6[%get3A_2248, %get3A_2249] {strides = array<i32>} : memref<4x128xi32, #tpu.memory_space<vmem>>, vector<1x16xi32>,
      %get3A_2251 = vector.shape_cast %get3A_2250 : vector<1x16xi32> to vector<16xi32>
      %add3A_2252 = vector.broadcast %add3A_2022 : i32 to vector<16xi32>
      %add3A_2253 = arith.addi %get3A_2251, %add3A_2252 : vector<16xi32>
      %swap3A_2254 = arith.constant 2 : i32
      %swap3A_2255 = arith.index_cast %add3A_1979 : i32 to index
      %swap3A_2256 = arith.index_cast %swap3A_2254 : i32 to index
      %swap3A_2257 = arith.constant 0 : index
      %swap3A_2258 = tpu.vector_load %arg7[%swap3A_2255, %swap3A_2256, %swap3A_2257] {strides = array<i32>} : memref<64x4x128xi32, #tpu.memory_space<vmem>>, vector<1x1x16xi32>,
      %swap3A_2259 = vector.shape_cast %swap3A_2258 : vector<1x1x16xi32> to vector<16xi32>
      %swap3A_2260 = vector.shape_cast %add3A_2253 : vector<16xi32> to vector<1x1x16xi32>
      tpu.vector_store %arg7[%swap3A_2255, %swap3A_2256, %swap3A_2257], %swap3A_2260 {strides = array<i32>} : memref<64x4x128xi32, #tpu.memory_space<vmem>>, vector<1x1x16xi32>,
      %get3A_2261 = arith.constant 2 : i32
      %get3A_2262 = arith.index_cast %get3A_2261 : i32 to index
      %get3A_2263 = arith.constant 16 : index
      %get3A_2264 = tpu.vector_load %arg6[%get3A_2262, %get3A_2263] {strides = array<i32>} : memref<4x128xi32, #tpu.memory_space<vmem>>, vector<1x16xi32>,
      %get3A_2265 = vector.shape_cast %get3A_2264 : vector<1x16xi32> to vector<16xi32>
      %add3A_2266 = vector.broadcast %add3A_2022 : i32 to vector<16xi32>
      %add3A_2267 = arith.addi %get3A_2265, %add3A_2266 : vector<16xi32>
      %swap3A_2268 = arith.constant 2 : i32
      %swap3A_2269 = arith.index_cast %add3A_1979 : i32 to index
      %swap3A_2270 = arith.index_cast %swap3A_2268 : i32 to index
      %swap3A_2271 = arith.constant 16 : index
      %swap3A_2272 = tpu.vector_load %arg7[%swap3A_2269, %swap3A_2270, %swap3A_2271] {strides = array<i32>} : memref<64x4x128xi32, #tpu.memory_space<vmem>>, vector<1x1x16xi32>,
      %swap3A_2273 = vector.shape_cast %swap3A_2272 : vector<1x1x16xi32> to vector<16xi32>
      %swap3A_2274 = vector.shape_cast %add3A_2267 : vector<16xi32> to vector<1x1x16xi32>
      tpu.vector_store %arg7[%swap3A_2269, %swap3A_2270, %swap3A_2271], %swap3A_2274 {strides = array<i32>} : memref<64x4x128xi32, #tpu.memory_space<vmem>>, vector<1x1x16xi32>,
      %get3A_2275 = arith.constant 2 : i32
      %get3A_2276 = arith.index_cast %get3A_2275 : i32 to index
      %get3A_2277 = arith.constant 32 : index
      %get3A_2278 = tpu.vector_load %arg6[%get3A_2276, %get3A_2277] {strides = array<i32>} : memref<4x128xi32, #tpu.memory_space<vmem>>, vector<1x16xi32>,
      %get3A_2279 = vector.shape_cast %get3A_2278 : vector<1x16xi32> to vector<16xi32>
      %add3A_2280 = vector.broadcast %add3A_2022 : i32 to vector<16xi32>
      %add3A_2281 = arith.addi %get3A_2279, %add3A_2280 : vector<16xi32>
      %swap3A_2282 = arith.constant 2 : i32
      %swap3A_2283 = arith.index_cast %add3A_1979 : i32 to index
      %swap3A_2284 = arith.index_cast %swap3A_2282 : i32 to index
      %swap3A_2285 = arith.constant 32 : index
      %swap3A_2286 = tpu.vector_load %arg7[%swap3A_2283, %swap3A_2284, %swap3A_2285] {strides = array<i32>} : memref<64x4x128xi32, #tpu.memory_space<vmem>>, vector<1x1x16xi32>,
      %swap3A_2287 = vector.shape_cast %swap3A_2286 : vector<1x1x16xi32> to vector<16xi32>
      %swap3A_2288 = vector.shape_cast %add3A_2281 : vector<16xi32> to vector<1x1x16xi32>
      tpu.vector_store %arg7[%swap3A_2283, %swap3A_2284, %swap3A_2285], %swap3A_2288 {strides = array<i32>} : memref<64x4x128xi32, #tpu.memory_space<vmem>>, vector<1x1x16xi32>,
      %get3A_2289 = arith.constant 2 : i32
      %get3A_2290 = arith.index_cast %get3A_2289 : i32 to index
      %get3A_2291 = arith.constant 48 : index
      %get3A_2292 = tpu.vector_load %arg6[%get3A_2290, %get3A_2291] {strides = array<i32>} : memref<4x128xi32, #tpu.memory_space<vmem>>, vector<1x16xi32>,
      %get3A_2293 = vector.shape_cast %get3A_2292 : vector<1x16xi32> to vector<16xi32>
      %add3A_2294 = vector.broadcast %add3A_2022 : i32 to vector<16xi32>
      %add3A_2295 = arith.addi %get3A_2293, %add3A_2294 : vector<16xi32>
      %swap3A_2296 = arith.constant 2 : i32
      %swap3A_2297 = arith.index_cast %add3A_1979 : i32 to index
      %swap3A_2298 = arith.index_cast %swap3A_2296 : i32 to index
      %swap3A_2299 = arith.constant 48 : index
      %swap3A_2300 = tpu.vector_load %arg7[%swap3A_2297, %swap3A_2298, %swap3A_2299] {strides = array<i32>} : memref<64x4x128xi32, #tpu.memory_space<vmem>>, vector<1x1x16xi32>,
      %swap3A_2301 = vector.shape_cast %swap3A_2300 : vector<1x1x16xi32> to vector<16xi32>
      %swap3A_2302 = vector.shape_cast %add3A_2295 : vector<16xi32> to vector<1x1x16xi32>
      tpu.vector_store %arg7[%swap3A_2297, %swap3A_2298, %swap3A_2299], %swap3A_2302 {strides = array<i32>} : memref<64x4x128xi32, #tpu.memory_space<vmem>>, vector<1x1x16xi32>,
      %get3A_2303 = arith.constant 2 : i32
      %get3A_2304 = arith.index_cast %get3A_2303 : i32 to index
      %get3A_2305 = arith.constant 64 : index
      %get3A_2306 = tpu.vector_load %arg6[%get3A_2304, %get3A_2305] {strides = array<i32>} : memref<4x128xi32, #tpu.memory_space<vmem>>, vector<1x16xi32>,
      %get3A_2307 = vector.shape_cast %get3A_2306 : vector<1x16xi32> to vector<16xi32>
      %add3A_2308 = vector.broadcast %add3A_2022 : i32 to vector<16xi32>
      %add3A_2309 = arith.addi %get3A_2307, %add3A_2308 : vector<16xi32>
      %swap3A_2310 = arith.constant 2 : i32
      %swap3A_2311 = arith.index_cast %add3A_1979 : i32 to index
      %swap3A_2312 = arith.index_cast %swap3A_2310 : i32 to index
      %swap3A_2313 = arith.constant 64 : index
      %swap3A_2314 = tpu.vector_load %arg7[%swap3A_2311, %swap3A_2312, %swap3A_2313] {strides = array<i32>} : memref<64x4x128xi32, #tpu.memory_space<vmem>>, vector<1x1x16xi32>,
      %swap3A_2315 = vector.shape_cast %swap3A_2314 : vector<1x1x16xi32> to vector<16xi32>
      %swap3A_2316 = vector.shape_cast %add3A_2309 : vector<16xi32> to vector<1x1x16xi32>
      tpu.vector_store %arg7[%swap3A_2311, %swap3A_2312, %swap3A_2313], %swap3A_2316 {strides = array<i32>} : memref<64x4x128xi32, #tpu.memory_space<vmem>>, vector<1x1x16xi32>,
      %get3A_2317 = arith.constant 2 : i32
      %get3A_2318 = arith.index_cast %get3A_2317 : i32 to index
      %get3A_2319 = arith.constant 80 : index
      %get3A_2320 = tpu.vector_load %arg6[%get3A_2318, %get3A_2319] {strides = array<i32>} : memref<4x128xi32, #tpu.memory_space<vmem>>, vector<1x16xi32>,
      %get3A_2321 = vector.shape_cast %get3A_2320 : vector<1x16xi32> to vector<16xi32>
      %add3A_2322 = vector.broadcast %add3A_2022 : i32 to vector<16xi32>
      %add3A_2323 = arith.addi %get3A_2321, %add3A_2322 : vector<16xi32>
      %swap3A_2324 = arith.constant 2 : i32
      %swap3A_2325 = arith.index_cast %add3A_1979 : i32 to index
      %swap3A_2326 = arith.index_cast %swap3A_2324 : i32 to index
      %swap3A_2327 = arith.constant 80 : index
      %swap3A_2328 = tpu.vector_load %arg7[%swap3A_2325, %swap3A_2326, %swap3A_2327] {strides = array<i32>} : memref<64x4x128xi32, #tpu.memory_space<vmem>>, vector<1x1x16xi32>,
      %swap3A_2329 = vector.shape_cast %swap3A_2328 : vector<1x1x16xi32> to vector<16xi32>
      %swap3A_2330 = vector.shape_cast %add3A_2323 : vector<16xi32> to vector<1x1x16xi32>
      tpu.vector_store %arg7[%swap3A_2325, %swap3A_2326, %swap3A_2327], %swap3A_2330 {strides = array<i32>} : memref<64x4x128xi32, #tpu.memory_space<vmem>>, vector<1x1x16xi32>,
      %get3A_2331 = arith.constant 2 : i32
      %get3A_2332 = arith.index_cast %get3A_2331 : i32 to index
      %get3A_2333 = arith.constant 96 : index
      %get3A_2334 = tpu.vector_load %arg6[%get3A_2332, %get3A_2333] {strides = array<i32>} : memref<4x128xi32, #tpu.memory_space<vmem>>, vector<1x16xi32>,
      %get3A_2335 = vector.shape_cast %get3A_2334 : vector<1x16xi32> to vector<16xi32>
      %add3A_2336 = vector.broadcast %add3A_2022 : i32 to vector<16xi32>
      %add3A_2337 = arith.addi %get3A_2335, %add3A_2336 : vector<16xi32>
      %swap3A_2338 = arith.constant 2 : i32
      %swap3A_2339 = arith.index_cast %add3A_1979 : i32 to index
      %swap3A_2340 = arith.index_cast %swap3A_2338 : i32 to index
      %swap3A_2341 = arith.constant 96 : index
      %swap3A_2342 = tpu.vector_load %arg7[%swap3A_2339, %swap3A_2340, %swap3A_2341] {strides = array<i32>} : memref<64x4x128xi32, #tpu.memory_space<vmem>>, vector<1x1x16xi32>,
      %swap3A_2343 = vector.shape_cast %swap3A_2342 : vector<1x1x16xi32> to vector<16xi32>
      %swap3A_2344 = vector.shape_cast %add3A_2337 : vector<16xi32> to vector<1x1x16xi32>
      tpu.vector_store %arg7[%swap3A_2339, %swap3A_2340, %swap3A_2341], %swap3A_2344 {strides = array<i32>} : memref<64x4x128xi32, #tpu.memory_space<vmem>>, vector<1x1x16xi32>,
      %get3A_2345 = arith.constant 2 : i32
      %get3A_2346 = arith.index_cast %get3A_2345 : i32 to index
      %get3A_2347 = arith.constant 112 : index
      %get3A_2348 = tpu.vector_load %arg6[%get3A_2346, %get3A_2347] {strides = array<i32>} : memref<4x128xi32, #tpu.memory_space<vmem>>, vector<1x16xi32>,
      %get3A_2349 = vector.shape_cast %get3A_2348 : vector<1x16xi32> to vector<16xi32>
      %add3A_2350 = vector.broadcast %add3A_2022 : i32 to vector<16xi32>
      %add3A_2351 = arith.addi %get3A_2349, %add3A_2350 : vector<16xi32>
      %swap3A_2352 = arith.constant 2 : i32
      %swap3A_2353 = arith.index_cast %add3A_1979 : i32 to index
      %swap3A_2354 = arith.index_cast %swap3A_2352 : i32 to index
      %swap3A_2355 = arith.constant 112 : index
      %swap3A_2356 = tpu.vector_load %arg7[%swap3A_2353, %swap3A_2354, %swap3A_2355] {strides = array<i32>} : memref<64x4x128xi32, #tpu.memory_space<vmem>>, vector<1x1x16xi32>,
      %swap3A_2357 = vector.shape_cast %swap3A_2356 : vector<1x1x16xi32> to vector<16xi32>
      %swap3A_2358 = vector.shape_cast %add3A_2351 : vector<16xi32> to vector<1x1x16xi32>
      tpu.vector_store %arg7[%swap3A_2353, %swap3A_2354, %swap3A_2355], %swap3A_2358 {strides = array<i32>} : memref<64x4x128xi32, #tpu.memory_space<vmem>>, vector<1x1x16xi32>,
      %get3A_2359 = arith.constant 3 : i32
      %get3A_2360 = arith.index_cast %get3A_2359 : i32 to index
      %get3A_2361 = arith.constant 0 : index
      %get3A_2362 = tpu.vector_load %arg6[%get3A_2360, %get3A_2361] {strides = array<i32>} : memref<4x128xi32, #tpu.memory_space<vmem>>, vector<1x16xi32>,
      %get3A_2363 = vector.shape_cast %get3A_2362 : vector<1x16xi32> to vector<16xi32>
      %add3A_2364 = vector.broadcast %add3A_2022 : i32 to vector<16xi32>
      %add3A_2365 = arith.addi %get3A_2363, %add3A_2364 : vector<16xi32>
      %swap3A_2366 = arith.constant 3 : i32
      %swap3A_2367 = arith.index_cast %add3A_1979 : i32 to index
      %swap3A_2368 = arith.index_cast %swap3A_2366 : i32 to index
      %swap3A_2369 = arith.constant 0 : index
      %swap3A_2370 = tpu.vector_load %arg7[%swap3A_2367, %swap3A_2368, %swap3A_2369] {strides = array<i32>} : memref<64x4x128xi32, #tpu.memory_space<vmem>>, vector<1x1x16xi32>,
      %swap3A_2371 = vector.shape_cast %swap3A_2370 : vector<1x1x16xi32> to vector<16xi32>
      %swap3A_2372 = vector.shape_cast %add3A_2365 : vector<16xi32> to vector<1x1x16xi32>
      tpu.vector_store %arg7[%swap3A_2367, %swap3A_2368, %swap3A_2369], %swap3A_2372 {strides = array<i32>} : memref<64x4x128xi32, #tpu.memory_space<vmem>>, vector<1x1x16xi32>,
      %get3A_2373 = arith.constant 3 : i32
      %get3A_2374 = arith.index_cast %get3A_2373 : i32 to index
      %get3A_2375 = arith.constant 16 : index
      %get3A_2376 = tpu.vector_load %arg6[%get3A_2374, %get3A_2375] {strides = array<i32>} : memref<4x128xi32, #tpu.memory_space<vmem>>, vector<1x16xi32>,
      %get3A_2377 = vector.shape_cast %get3A_2376 : vector<1x16xi32> to vector<16xi32>
      %add3A_2378 = vector.broadcast %add3A_2022 : i32 to vector<16xi32>
      %add3A_2379 = arith.addi %get3A_2377, %add3A_2378 : vector<16xi32>
      %swap3A_2380 = arith.constant 3 : i32
      %swap3A_2381 = arith.index_cast %add3A_1979 : i32 to index
      %swap3A_2382 = arith.index_cast %swap3A_2380 : i32 to index
      %swap3A_2383 = arith.constant 16 : index
      %swap3A_2384 = tpu.vector_load %arg7[%swap3A_2381, %swap3A_2382, %swap3A_2383] {strides = array<i32>} : memref<64x4x128xi32, #tpu.memory_space<vmem>>, vector<1x1x16xi32>,
      %swap3A_2385 = vector.shape_cast %swap3A_2384 : vector<1x1x16xi32> to vector<16xi32>
      %swap3A_2386 = vector.shape_cast %add3A_2379 : vector<16xi32> to vector<1x1x16xi32>
      tpu.vector_store %arg7[%swap3A_2381, %swap3A_2382, %swap3A_2383], %swap3A_2386 {strides = array<i32>} : memref<64x4x128xi32, #tpu.memory_space<vmem>>, vector<1x1x16xi32>,
      %get3A_2387 = arith.constant 3 : i32
      %get3A_2388 = arith.index_cast %get3A_2387 : i32 to index
      %get3A_2389 = arith.constant 32 : index
      %get3A_2390 = tpu.vector_load %arg6[%get3A_2388, %get3A_2389] {strides = array<i32>} : memref<4x128xi32, #tpu.memory_space<vmem>>, vector<1x16xi32>,
      %get3A_2391 = vector.shape_cast %get3A_2390 : vector<1x16xi32> to vector<16xi32>
      %add3A_2392 = vector.broadcast %add3A_2022 : i32 to vector<16xi32>
      %add3A_2393 = arith.addi %get3A_2391, %add3A_2392 : vector<16xi32>
      %swap3A_2394 = arith.constant 3 : i32
      %swap3A_2395 = arith.index_cast %add3A_1979 : i32 to index
      %swap3A_2396 = arith.index_cast %swap3A_2394 : i32 to index
      %swap3A_2397 = arith.constant 32 : index
      %swap3A_2398 = tpu.vector_load %arg7[%swap3A_2395, %swap3A_2396, %swap3A_2397] {strides = array<i32>} : memref<64x4x128xi32, #tpu.memory_space<vmem>>, vector<1x1x16xi32>,
      %swap3A_2399 = vector.shape_cast %swap3A_2398 : vector<1x1x16xi32> to vector<16xi32>
      %swap3A_2400 = vector.shape_cast %add3A_2393 : vector<16xi32> to vector<1x1x16xi32>
      tpu.vector_store %arg7[%swap3A_2395, %swap3A_2396, %swap3A_2397], %swap3A_2400 {strides = array<i32>} : memref<64x4x128xi32, #tpu.memory_space<vmem>>, vector<1x1x16xi32>,
      %get3A_2401 = arith.constant 3 : i32
      %get3A_2402 = arith.index_cast %get3A_2401 : i32 to index
      %get3A_2403 = arith.constant 48 : index
      %get3A_2404 = tpu.vector_load %arg6[%get3A_2402, %get3A_2403] {strides = array<i32>} : memref<4x128xi32, #tpu.memory_space<vmem>>, vector<1x16xi32>,
      %get3A_2405 = vector.shape_cast %get3A_2404 : vector<1x16xi32> to vector<16xi32>
      %add3A_2406 = vector.broadcast %add3A_2022 : i32 to vector<16xi32>
      %add3A_2407 = arith.addi %get3A_2405, %add3A_2406 : vector<16xi32>
      %swap3A_2408 = arith.constant 3 : i32
      %swap3A_2409 = arith.index_cast %add3A_1979 : i32 to index
      %swap3A_2410 = arith.index_cast %swap3A_2408 : i32 to index
      %swap3A_2411 = arith.constant 48 : index
      %swap3A_2412 = tpu.vector_load %arg7[%swap3A_2409, %swap3A_2410, %swap3A_2411] {strides = array<i32>} : memref<64x4x128xi32, #tpu.memory_space<vmem>>, vector<1x1x16xi32>,
      %swap3A_2413 = vector.shape_cast %swap3A_2412 : vector<1x1x16xi32> to vector<16xi32>
      %swap3A_2414 = vector.shape_cast %add3A_2407 : vector<16xi32> to vector<1x1x16xi32>
      tpu.vector_store %arg7[%swap3A_2409, %swap3A_2410, %swap3A_2411], %swap3A_2414 {strides = array<i32>} : memref<64x4x128xi32, #tpu.memory_space<vmem>>, vector<1x1x16xi32>,
      %get3A_2415 = arith.constant 3 : i32
      %get3A_2416 = arith.index_cast %get3A_2415 : i32 to index
      %get3A_2417 = arith.constant 64 : index
      %get3A_2418 = tpu.vector_load %arg6[%get3A_2416, %get3A_2417] {strides = array<i32>} : memref<4x128xi32, #tpu.memory_space<vmem>>, vector<1x16xi32>,
      %get3A_2419 = vector.shape_cast %get3A_2418 : vector<1x16xi32> to vector<16xi32>
      %add3A_2420 = vector.broadcast %add3A_2022 : i32 to vector<16xi32>
      %add3A_2421 = arith.addi %get3A_2419, %add3A_2420 : vector<16xi32>
      %swap3A_2422 = arith.constant 3 : i32
      %swap3A_2423 = arith.index_cast %add3A_1979 : i32 to index
      %swap3A_2424 = arith.index_cast %swap3A_2422 : i32 to index
      %swap3A_2425 = arith.constant 64 : index
      %swap3A_2426 = tpu.vector_load %arg7[%swap3A_2423, %swap3A_2424, %swap3A_2425] {strides = array<i32>} : memref<64x4x128xi32, #tpu.memory_space<vmem>>, vector<1x1x16xi32>,
      %swap3A_2427 = vector.shape_cast %swap3A_2426 : vector<1x1x16xi32> to vector<16xi32>
      %swap3A_2428 = vector.shape_cast %add3A_2421 : vector<16xi32> to vector<1x1x16xi32>
      tpu.vector_store %arg7[%swap3A_2423, %swap3A_2424, %swap3A_2425], %swap3A_2428 {strides = array<i32>} : memref<64x4x128xi32, #tpu.memory_space<vmem>>, vector<1x1x16xi32>,
      %get3A_2429 = arith.constant 3 : i32
      %get3A_2430 = arith.index_cast %get3A_2429 : i32 to index
      %get3A_2431 = arith.constant 80 : index
      %get3A_2432 = tpu.vector_load %arg6[%get3A_2430, %get3A_2431] {strides = array<i32>} : memref<4x128xi32, #tpu.memory_space<vmem>>, vector<1x16xi32>,
      %get3A_2433 = vector.shape_cast %get3A_2432 : vector<1x16xi32> to vector<16xi32>
      %add3A_2434 = vector.broadcast %add3A_2022 : i32 to vector<16xi32>
      %add3A_2435 = arith.addi %get3A_2433, %add3A_2434 : vector<16xi32>
      %swap3A_2436 = arith.constant 3 : i32
      %swap3A_2437 = arith.index_cast %add3A_1979 : i32 to index
      %swap3A_2438 = arith.index_cast %swap3A_2436 : i32 to index
      %swap3A_2439 = arith.constant 80 : index
      %swap3A_2440 = tpu.vector_load %arg7[%swap3A_2437, %swap3A_2438, %swap3A_2439] {strides = array<i32>} : memref<64x4x128xi32, #tpu.memory_space<vmem>>, vector<1x1x16xi32>,
      %swap3A_2441 = vector.shape_cast %swap3A_2440 : vector<1x1x16xi32> to vector<16xi32>
      %swap3A_2442 = vector.shape_cast %add3A_2435 : vector<16xi32> to vector<1x1x16xi32>
      tpu.vector_store %arg7[%swap3A_2437, %swap3A_2438, %swap3A_2439], %swap3A_2442 {strides = array<i32>} : memref<64x4x128xi32, #tpu.memory_space<vmem>>, vector<1x1x16xi32>,
      %get3A_2443 = arith.constant 3 : i32
      %get3A_2444 = arith.index_cast %get3A_2443 : i32 to index
      %get3A_2445 = arith.constant 96 : index
      %get3A_2446 = tpu.vector_load %arg6[%get3A_2444, %get3A_2445] {strides = array<i32>} : memref<4x128xi32, #tpu.memory_space<vmem>>, vector<1x16xi32>,
      %get3A_2447 = vector.shape_cast %get3A_2446 : vector<1x16xi32> to vector<16xi32>
      %add3A_2448 = vector.broadcast %add3A_2022 : i32 to vector<16xi32>
      %add3A_2449 = arith.addi %get3A_2447, %add3A_2448 : vector<16xi32>
      %swap3A_2450 = arith.constant 3 : i32
      %swap3A_2451 = arith.index_cast %add3A_1979 : i32 to index
      %swap3A_2452 = arith.index_cast %swap3A_2450 : i32 to index
      %swap3A_2453 = arith.constant 96 : index
      %swap3A_2454 = tpu.vector_load %arg7[%swap3A_2451, %swap3A_2452, %swap3A_2453] {strides = array<i32>} : memref<64x4x128xi32, #tpu.memory_space<vmem>>, vector<1x1x16xi32>,
      %swap3A_2455 = vector.shape_cast %swap3A_2454 : vector<1x1x16xi32> to vector<16xi32>
      %swap3A_2456 = vector.shape_cast %add3A_2449 : vector<16xi32> to vector<1x1x16xi32>
      tpu.vector_store %arg7[%swap3A_2451, %swap3A_2452, %swap3A_2453], %swap3A_2456 {strides = array<i32>} : memref<64x4x128xi32, #tpu.memory_space<vmem>>, vector<1x1x16xi32>,
      %get3A_2457 = arith.constant 3 : i32
      %get3A_2458 = arith.index_cast %get3A_2457 : i32 to index
      %get3A_2459 = arith.constant 112 : index
      %get3A_2460 = tpu.vector_load %arg6[%get3A_2458, %get3A_2459] {strides = array<i32>} : memref<4x128xi32, #tpu.memory_space<vmem>>, vector<1x16xi32>,
      %get3A_2461 = vector.shape_cast %get3A_2460 : vector<1x16xi32> to vector<16xi32>
      %add3A_2462 = vector.broadcast %add3A_2022 : i32 to vector<16xi32>
      %add3A_2463 = arith.addi %get3A_2461, %add3A_2462 : vector<16xi32>
      %swap3A_2464 = arith.constant 3 : i32
      %swap3A_2465 = arith.index_cast %add3A_1979 : i32 to index
      %swap3A_2466 = arith.index_cast %swap3A_2464 : i32 to index
      %swap3A_2467 = arith.constant 112 : index
      %swap3A_2468 = tpu.vector_load %arg7[%swap3A_2465, %swap3A_2466, %swap3A_2467] {strides = array<i32>} : memref<64x4x128xi32, #tpu.memory_space<vmem>>, vector<1x1x16xi32>,
      %swap3A_2469 = vector.shape_cast %swap3A_2468 : vector<1x1x16xi32> to vector<16xi32>
      %swap3A_2470 = vector.shape_cast %add3A_2463 : vector<16xi32> to vector<1x1x16xi32>
      tpu.vector_store %arg7[%swap3A_2465, %swap3A_2466, %swap3A_2467], %swap3A_2470 {strides = array<i32>} : memref<64x4x128xi32, #tpu.memory_space<vmem>>, vector<1x1x16xi32>,
    }
    %scan3A_646 = arith.constant 26 : i32
    %dma_start3A = arith.constant 0 : i32
    %dma_start3A_647 = arith.constant 0 : i32
    %dma_start3A_648 = arith.constant 0 : i32
    %dma_start3A_649 = arith.constant 0 : i32
    %dma_start3A_650 = tpu.memref_slice %arg8[%dma_start3A_648, %dma_start3A_649] : memref<64x512xf32, #tpu.memory_space<vmem>> -> memref<1x128xf32, #tpu.memory_space<vmem>>
    %dma_start3A_651 = tpu.memref_squeeze %dma_start3A_650 : memref<1x128xf32, #tpu.memory_space<vmem>> -> memref<128xf32, #tpu.memory_space<vmem>>
    %dma_start3A_652 = arith.constant 0 : i32
    %dma_start3A_653 = tpu.memref_slice %arg7[%dma_start3A, %dma_start3A_647, %dma_start3A_652] : memref<64x4x128xi32, #tpu.memory_space<vmem>> -> memref<1x1x128xi32, #tpu.memory_space<vmem>>
    %dma_start3A_654 = tpu.memref_squeeze %dma_start3A_653 : memref<1x1x128xi32, #tpu.memory_space<vmem>> -> memref<128xi32, #tpu.memory_space<vmem>>
    %dma_start3A_655 = arith.constant 0 : i32
    %dma_start3A_656 = tpu.memref_slice %arg2[%dma_start3A_655] : memref<209715200xf32, #tpu.memory_space<hbm>> -> memref<209715200xf32, #tpu.memory_space<hbm>>
    tpu.enqueue_indirect_dma source(%dma_start3A_656 : memref<209715200xf32, #tpu.memory_space<hbm>>) target(%dma_start3A_651 : memref<128xf32, #tpu.memory_space<vmem>>) offsets(%dma_start3A_654 : memref<128xi32, #tpu.memory_space<vmem>>) semaphore(%arg9 : memref<!tpu.dma_semaphore, #tpu.memory_space<semaphore_mem>>)
    %dma_start3A_657 = arith.constant 0 : i32
    %dma_start3A_658 = arith.constant 1 : i32
    %dma_start3A_659 = arith.constant 0 : i32
    %dma_start3A_660 = arith.constant 128 : i32
    %dma_start3A_661 = tpu.memref_slice %arg8[%dma_start3A_659, %dma_start3A_660] : memref<64x512xf32, #tpu.memory_space<vmem>> -> memref<1x128xf32, #tpu.memory_space<vmem>>
    %dma_start3A_662 = tpu.memref_squeeze %dma_start3A_661 : memref<1x128xf32, #tpu.memory_space<vmem>> -> memref<128xf32, #tpu.memory_space<vmem>>
    %dma_start3A_663 = arith.constant 0 : i32
    %dma_start3A_664 = tpu.memref_slice %arg7[%dma_start3A_657, %dma_start3A_658, %dma_start3A_663] : memref<64x4x128xi32, #tpu.memory_space<vmem>> -> memref<1x1x128xi32, #tpu.memory_space<vmem>>
    %dma_start3A_665 = tpu.memref_squeeze %dma_start3A_664 : memref<1x1x128xi32, #tpu.memory_space<vmem>> -> memref<128xi32, #tpu.memory_space<vmem>>
    %dma_start3A_666 = arith.constant 0 : i32
    %dma_start3A_667 = tpu.memref_slice %arg2[%dma_start3A_666] : memref<209715200xf32, #tpu.memory_space<hbm>> -> memref<209715200xf32, #tpu.memory_space<hbm>>
    tpu.enqueue_indirect_dma source(%dma_start3A_667 : memref<209715200xf32, #tpu.memory_space<hbm>>) target(%dma_start3A_662 : memref<128xf32, #tpu.memory_space<vmem>>) offsets(%dma_start3A_665 : memref<128xi32, #tpu.memory_space<vmem>>) semaphore(%arg9 : memref<!tpu.dma_semaphore, #tpu.memory_space<semaphore_mem>>)
    %dma_start3A_668 = arith.constant 0 : i32
    %dma_start3A_669 = arith.constant 2 : i32
    %dma_start3A_670 = arith.constant 0 : i32
    %dma_start3A_671 = arith.constant 256 : i32
    %dma_start3A_672 = tpu.memref_slice %arg8[%dma_start3A_670, %dma_start3A_671] : memref<64x512xf32, #tpu.memory_space<vmem>> -> memref<1x128xf32, #tpu.memory_space<vmem>>
    %dma_start3A_673 = tpu.memref_squeeze %dma_start3A_672 : memref<1x128xf32, #tpu.memory_space<vmem>> -> memref<128xf32, #tpu.memory_space<vmem>>
    %dma_start3A_674 = arith.constant 0 : i32
    %dma_start3A_675 = tpu.memref_slice %arg7[%dma_start3A_668, %dma_start3A_669, %dma_start3A_674] : memref<64x4x128xi32, #tpu.memory_space<vmem>> -> memref<1x1x128xi32, #tpu.memory_space<vmem>>
    %dma_start3A_676 = tpu.memref_squeeze %dma_start3A_675 : memref<1x1x128xi32, #tpu.memory_space<vmem>> -> memref<128xi32, #tpu.memory_space<vmem>>
    %dma_start3A_677 = arith.constant 0 : i32
    %dma_start3A_678 = tpu.memref_slice %arg2[%dma_start3A_677] : memref<209715200xf32, #tpu.memory_space<hbm>> -> memref<209715200xf32, #tpu.memory_space<hbm>>
    tpu.enqueue_indirect_dma source(%dma_start3A_678 : memref<209715200xf32, #tpu.memory_space<hbm>>) target(%dma_start3A_673 : memref<128xf32, #tpu.memory_space<vmem>>) offsets(%dma_start3A_676 : memref<128xi32, #tpu.memory_space<vmem>>) semaphore(%arg9 : memref<!tpu.dma_semaphore, #tpu.memory_space<semaphore_mem>>)
    %dma_start3A_679 = arith.constant 0 : i32
    %dma_start3A_680 = arith.constant 3 : i32
    %dma_start3A_681 = arith.constant 0 : i32
    %dma_start3A_682 = arith.constant 384 : i32
    %dma_start3A_683 = tpu.memref_slice %arg8[%dma_start3A_681, %dma_start3A_682] : memref<64x512xf32, #tpu.memory_space<vmem>> -> memref<1x128xf32, #tpu.memory_space<vmem>>
    %dma_start3A_684 = tpu.memref_squeeze %dma_start3A_683 : memref<1x128xf32, #tpu.memory_space<vmem>> -> memref<128xf32, #tpu.memory_space<vmem>>
    %dma_start3A_685 = arith.constant 0 : i32
    %dma_start3A_686 = tpu.memref_slice %arg7[%dma_start3A_679, %dma_start3A_680, %dma_start3A_685] : memref<64x4x128xi32, #tpu.memory_space<vmem>> -> memref<1x1x128xi32, #tpu.memory_space<vmem>>
    %dma_start3A_687 = tpu.memref_squeeze %dma_start3A_686 : memref<1x1x128xi32, #tpu.memory_space<vmem>> -> memref<128xi32, #tpu.memory_space<vmem>>
    %dma_start3A_688 = arith.constant 0 : i32
    %dma_start3A_689 = tpu.memref_slice %arg2[%dma_start3A_688] : memref<209715200xf32, #tpu.memory_space<hbm>> -> memref<209715200xf32, #tpu.memory_space<hbm>>
    tpu.enqueue_indirect_dma source(%dma_start3A_689 : memref<209715200xf32, #tpu.memory_space<hbm>>) target(%dma_start3A_684 : memref<128xf32, #tpu.memory_space<vmem>>) offsets(%dma_start3A_687 : memref<128xi32, #tpu.memory_space<vmem>>) semaphore(%arg9 : memref<!tpu.dma_semaphore, #tpu.memory_space<semaphore_mem>>)
    %dma_start3A_690 = arith.constant 1 : i32
    %dma_start3A_691 = arith.constant 0 : i32
    %dma_start3A_692 = arith.constant 1 : i32
    %dma_start3A_693 = arith.constant 0 : i32
    %dma_start3A_694 = tpu.memref_slice %arg8[%dma_start3A_692, %dma_start3A_693] : memref<64x512xf32, #tpu.memory_space<vmem>> -> memref<1x128xf32, #tpu.memory_space<vmem>>
    %dma_start3A_695 = tpu.memref_squeeze %dma_start3A_694 : memref<1x128xf32, #tpu.memory_space<vmem>> -> memref<128xf32, #tpu.memory_space<vmem>>
    %dma_start3A_696 = arith.constant 0 : i32
    %dma_start3A_697 = tpu.memref_slice %arg7[%dma_start3A_690, %dma_start3A_691, %dma_start3A_696] : memref<64x4x128xi32, #tpu.memory_space<vmem>> -> memref<1x1x128xi32, #tpu.memory_space<vmem>>
    %dma_start3A_698 = tpu.memref_squeeze %dma_start3A_697 : memref<1x1x128xi32, #tpu.memory_space<vmem>> -> memref<128xi32, #tpu.memory_space<vmem>>
    %dma_start3A_699 = arith.constant 0 : i32
    %dma_start3A_700 = tpu.memref_slice %arg2[%dma_start3A_699] : memref<209715200xf32, #tpu.memory_space<hbm>> -> memref<209715200xf32, #tpu.memory_space<hbm>>
    tpu.enqueue_indirect_dma source(%dma_start3A_700 : memref<209715200xf32, #tpu.memory_space<hbm>>) target(%dma_start3A_695 : memref<128xf32, #tpu.memory_space<vmem>>) offsets(%dma_start3A_698 : memref<128xi32, #tpu.memory_space<vmem>>) semaphore(%arg9 : memref<!tpu.dma_semaphore, #tpu.memory_space<semaphore_mem>>)
    %dma_start3A_701 = arith.constant 1 : i32
    %dma_start3A_702 = arith.constant 1 : i32
    %dma_start3A_703 = arith.constant 1 : i32
    %dma_start3A_704 = arith.constant 128 : i32
    %dma_start3A_705 = tpu.memref_slice %arg8[%dma_start3A_703, %dma_start3A_704] : memref<64x512xf32, #tpu.memory_space<vmem>> -> memref<1x128xf32, #tpu.memory_space<vmem>>
    %dma_start3A_706 = tpu.memref_squeeze %dma_start3A_705 : memref<1x128xf32, #tpu.memory_space<vmem>> -> memref<128xf32, #tpu.memory_space<vmem>>
    %dma_start3A_707 = arith.constant 0 : i32
    %dma_start3A_708 = tpu.memref_slice %arg7[%dma_start3A_701, %dma_start3A_702, %dma_start3A_707] : memref<64x4x128xi32, #tpu.memory_space<vmem>> -> memref<1x1x128xi32, #tpu.memory_space<vmem>>
    %dma_start3A_709 = tpu.memref_squeeze %dma_start3A_708 : memref<1x1x128xi32, #tpu.memory_space<vmem>> -> memref<128xi32, #tpu.memory_space<vmem>>
    %dma_start3A_710 = arith.constant 0 : i32
    %dma_start3A_711 = tpu.memref_slice %arg2[%dma_start3A_710] : memref<209715200xf32, #tpu.memory_space<hbm>> -> memref<209715200xf32, #tpu.memory_space<hbm>>
    tpu.enqueue_indirect_dma source(%dma_start3A_711 : memref<209715200xf32, #tpu.memory_space<hbm>>) target(%dma_start3A_706 : memref<128xf32, #tpu.memory_space<vmem>>) offsets(%dma_start3A_709 : memref<128xi32, #tpu.memory_space<vmem>>) semaphore(%arg9 : memref<!tpu.dma_semaphore, #tpu.memory_space<semaphore_mem>>)
    %dma_start3A_712 = arith.constant 1 : i32
    %dma_start3A_713 = arith.constant 2 : i32
    %dma_start3A_714 = arith.constant 1 : i32
    %dma_start3A_715 = arith.constant 256 : i32
    %dma_start3A_716 = tpu.memref_slice %arg8[%dma_start3A_714, %dma_start3A_715] : memref<64x512xf32, #tpu.memory_space<vmem>> -> memref<1x128xf32, #tpu.memory_space<vmem>>
    %dma_start3A_717 = tpu.memref_squeeze %dma_start3A_716 : memref<1x128xf32, #tpu.memory_space<vmem>> -> memref<128xf32, #tpu.memory_space<vmem>>
    %dma_start3A_718 = arith.constant 0 : i32
    %dma_start3A_719 = tpu.memref_slice %arg7[%dma_start3A_712, %dma_start3A_713, %dma_start3A_718] : memref<64x4x128xi32, #tpu.memory_space<vmem>> -> memref<1x1x128xi32, #tpu.memory_space<vmem>>
    %dma_start3A_720 = tpu.memref_squeeze %dma_start3A_719 : memref<1x1x128xi32, #tpu.memory_space<vmem>> -> memref<128xi32, #tpu.memory_space<vmem>>
    %dma_start3A_721 = arith.constant 0 : i32
    %dma_start3A_722 = tpu.memref_slice %arg2[%dma_start3A_721] : memref<209715200xf32, #tpu.memory_space<hbm>> -> memref<209715200xf32, #tpu.memory_space<hbm>>
    tpu.enqueue_indirect_dma source(%dma_start3A_722 : memref<209715200xf32, #tpu.memory_space<hbm>>) target(%dma_start3A_717 : memref<128xf32, #tpu.memory_space<vmem>>) offsets(%dma_start3A_720 : memref<128xi32, #tpu.memory_space<vmem>>) semaphore(%arg9 : memref<!tpu.dma_semaphore, #tpu.memory_space<semaphore_mem>>)
    %dma_start3A_723 = arith.constant 1 : i32
    %dma_start3A_724 = arith.constant 3 : i32
    %dma_start3A_725 = arith.constant 1 : i32
    %dma_start3A_726 = arith.constant 384 : i32
    %dma_start3A_727 = tpu.memref_slice %arg8[%dma_start3A_725, %dma_start3A_726] : memref<64x512xf32, #tpu.memory_space<vmem>> -> memref<1x128xf32, #tpu.memory_space<vmem>>
    %dma_start3A_728 = tpu.memref_squeeze %dma_start3A_727 : memref<1x128xf32, #tpu.memory_space<vmem>> -> memref<128xf32, #tpu.memory_space<vmem>>
    %dma_start3A_729 = arith.constant 0 : i32
    %dma_start3A_730 = tpu.memref_slice %arg7[%dma_start3A_723, %dma_start3A_724, %dma_start3A_729] : memref<64x4x128xi32, #tpu.memory_space<vmem>> -> memref<1x1x128xi32, #tpu.memory_space<vmem>>
    %dma_start3A_731 = tpu.memref_squeeze %dma_start3A_730 : memref<1x1x128xi32, #tpu.memory_space<vmem>> -> memref<128xi32, #tpu.memory_space<vmem>>
    %dma_start3A_732 = arith.constant 0 : i32
    %dma_start3A_733 = tpu.memref_slice %arg2[%dma_start3A_732] : memref<209715200xf32, #tpu.memory_space<hbm>> -> memref<209715200xf32, #tpu.memory_space<hbm>>
    tpu.enqueue_indirect_dma source(%dma_start3A_733 : memref<209715200xf32, #tpu.memory_space<hbm>>) target(%dma_start3A_728 : memref<128xf32, #tpu.memory_space<vmem>>) offsets(%dma_start3A_731 : memref<128xi32, #tpu.memory_space<vmem>>) semaphore(%arg9 : memref<!tpu.dma_semaphore, #tpu.memory_space<semaphore_mem>>)
    %dma_start3A_734 = arith.constant 2 : i32
    %dma_start3A_735 = arith.constant 0 : i32
    %dma_start3A_736 = arith.constant 2 : i32
    %dma_start3A_737 = arith.constant 0 : i32
    %dma_start3A_738 = tpu.memref_slice %arg8[%dma_start3A_736, %dma_start3A_737] : memref<64x512xf32, #tpu.memory_space<vmem>> -> memref<1x128xf32, #tpu.memory_space<vmem>>
    %dma_start3A_739 = tpu.memref_squeeze %dma_start3A_738 : memref<1x128xf32, #tpu.memory_space<vmem>> -> memref<128xf32, #tpu.memory_space<vmem>>
    %dma_start3A_740 = arith.constant 0 : i32
    %dma_start3A_741 = tpu.memref_slice %arg7[%dma_start3A_734, %dma_start3A_735, %dma_start3A_740] : memref<64x4x128xi32, #tpu.memory_space<vmem>> -> memref<1x1x128xi32, #tpu.memory_space<vmem>>
    %dma_start3A_742 = tpu.memref_squeeze %dma_start3A_741 : memref<1x1x128xi32, #tpu.memory_space<vmem>> -> memref<128xi32, #tpu.memory_space<vmem>>
    %dma_start3A_743 = arith.constant 0 : i32
    %dma_start3A_744 = tpu.memref_slice %arg2[%dma_start3A_743] : memref<209715200xf32, #tpu.memory_space<hbm>> -> memref<209715200xf32, #tpu.memory_space<hbm>>
    tpu.enqueue_indirect_dma source(%dma_start3A_744 : memref<209715200xf32, #tpu.memory_space<hbm>>) target(%dma_start3A_739 : memref<128xf32, #tpu.memory_space<vmem>>) offsets(%dma_start3A_742 : memref<128xi32, #tpu.memory_space<vmem>>) semaphore(%arg9 : memref<!tpu.dma_semaphore, #tpu.memory_space<semaphore_mem>>)
    %dma_start3A_745 = arith.constant 2 : i32
    %dma_start3A_746 = arith.constant 1 : i32
    %dma_start3A_747 = arith.constant 2 : i32
    %dma_start3A_748 = arith.constant 128 : i32
    %dma_start3A_749 = tpu.memref_slice %arg8[%dma_start3A_747, %dma_start3A_748] : memref<64x512xf32, #tpu.memory_space<vmem>> -> memref<1x128xf32, #tpu.memory_space<vmem>>
    %dma_start3A_750 = tpu.memref_squeeze %dma_start3A_749 : memref<1x128xf32, #tpu.memory_space<vmem>> -> memref<128xf32, #tpu.memory_space<vmem>>
    %dma_start3A_751 = arith.constant 0 : i32
    %dma_start3A_752 = tpu.memref_slice %arg7[%dma_start3A_745, %dma_start3A_746, %dma_start3A_751] : memref<64x4x128xi32, #tpu.memory_space<vmem>> -> memref<1x1x128xi32, #tpu.memory_space<vmem>>
    %dma_start3A_753 = tpu.memref_squeeze %dma_start3A_752 : memref<1x1x128xi32, #tpu.memory_space<vmem>> -> memref<128xi32, #tpu.memory_space<vmem>>
    %dma_start3A_754 = arith.constant 0 : i32
    %dma_start3A_755 = tpu.memref_slice %arg2[%dma_start3A_754] : memref<209715200xf32, #tpu.memory_space<hbm>> -> memref<209715200xf32, #tpu.memory_space<hbm>>
    tpu.enqueue_indirect_dma source(%dma_start3A_755 : memref<209715200xf32, #tpu.memory_space<hbm>>) target(%dma_start3A_750 : memref<128xf32, #tpu.memory_space<vmem>>) offsets(%dma_start3A_753 : memref<128xi32, #tpu.memory_space<vmem>>) semaphore(%arg9 : memref<!tpu.dma_semaphore, #tpu.memory_space<semaphore_mem>>)
    %dma_start3A_756 = arith.constant 2 : i32
    %dma_start3A_757 = arith.constant 2 : i32
    %dma_start3A_758 = arith.constant 2 : i32
    %dma_start3A_759 = arith.constant 256 : i32
    %dma_start3A_760 = tpu.memref_slice %arg8[%dma_start3A_758, %dma_start3A_759] : memref<64x512xf32, #tpu.memory_space<vmem>> -> memref<1x128xf32, #tpu.memory_space<vmem>>
    %dma_start3A_761 = tpu.memref_squeeze %dma_start3A_760 : memref<1x128xf32, #tpu.memory_space<vmem>> -> memref<128xf32, #tpu.memory_space<vmem>>
    %dma_start3A_762 = arith.constant 0 : i32
    %dma_start3A_763 = tpu.memref_slice %arg7[%dma_start3A_756, %dma_start3A_757, %dma_start3A_762] : memref<64x4x128xi32, #tpu.memory_space<vmem>> -> memref<1x1x128xi32, #tpu.memory_space<vmem>>
    %dma_start3A_764 = tpu.memref_squeeze %dma_start3A_763 : memref<1x1x128xi32, #tpu.memory_space<vmem>> -> memref<128xi32, #tpu.memory_space<vmem>>
    %dma_start3A_765 = arith.constant 0 : i32
    %dma_start3A_766 = tpu.memref_slice %arg2[%dma_start3A_765] : memref<209715200xf32, #tpu.memory_space<hbm>> -> memref<209715200xf32, #tpu.memory_space<hbm>>
    tpu.enqueue_indirect_dma source(%dma_start3A_766 : memref<209715200xf32, #tpu.memory_space<hbm>>) target(%dma_start3A_761 : memref<128xf32, #tpu.memory_space<vmem>>) offsets(%dma_start3A_764 : memref<128xi32, #tpu.memory_space<vmem>>) semaphore(%arg9 : memref<!tpu.dma_semaphore, #tpu.memory_space<semaphore_mem>>)
    %dma_start3A_767 = arith.constant 2 : i32
    %dma_start3A_768 = arith.constant 3 : i32
    %dma_start3A_769 = arith.constant 2 : i32
    %dma_start3A_770 = arith.constant 384 : i32
    %dma_start3A_771 = tpu.memref_slice %arg8[%dma_start3A_769, %dma_start3A_770] : memref<64x512xf32, #tpu.memory_space<vmem>> -> memref<1x128xf32, #tpu.memory_space<vmem>>
    %dma_start3A_772 = tpu.memref_squeeze %dma_start3A_771 : memref<1x128xf32, #tpu.memory_space<vmem>> -> memref<128xf32, #tpu.memory_space<vmem>>
    %dma_start3A_773 = arith.constant 0 : i32
    %dma_start3A_774 = tpu.memref_slice %arg7[%dma_start3A_767, %dma_start3A_768, %dma_start3A_773] : memref<64x4x128xi32, #tpu.memory_space<vmem>> -> memref<1x1x128xi32, #tpu.memory_space<vmem>>
    %dma_start3A_775 = tpu.memref_squeeze %dma_start3A_774 : memref<1x1x128xi32, #tpu.memory_space<vmem>> -> memref<128xi32, #tpu.memory_space<vmem>>
    %dma_start3A_776 = arith.constant 0 : i32
    %dma_start3A_777 = tpu.memref_slice %arg2[%dma_start3A_776] : memref<209715200xf32, #tpu.memory_space<hbm>> -> memref<209715200xf32, #tpu.memory_space<hbm>>
    tpu.enqueue_indirect_dma source(%dma_start3A_777 : memref<209715200xf32, #tpu.memory_space<hbm>>) target(%dma_start3A_772 : memref<128xf32, #tpu.memory_space<vmem>>) offsets(%dma_start3A_775 : memref<128xi32, #tpu.memory_space<vmem>>) semaphore(%arg9 : memref<!tpu.dma_semaphore, #tpu.memory_space<semaphore_mem>>)
    %dma_start3A_778 = arith.constant 3 : i32
    %dma_start3A_779 = arith.constant 0 : i32
    %dma_start3A_780 = arith.constant 3 : i32
    %dma_start3A_781 = arith.constant 0 : i32
    %dma_start3A_782 = tpu.memref_slice %arg8[%dma_start3A_780, %dma_start3A_781] : memref<64x512xf32, #tpu.memory_space<vmem>> -> memref<1x128xf32, #tpu.memory_space<vmem>>
    %dma_start3A_783 = tpu.memref_squeeze %dma_start3A_782 : memref<1x128xf32, #tpu.memory_space<vmem>> -> memref<128xf32, #tpu.memory_space<vmem>>
    %dma_start3A_784 = arith.constant 0 : i32
    %dma_start3A_785 = tpu.memref_slice %arg7[%dma_start3A_778, %dma_start3A_779, %dma_start3A_784] : memref<64x4x128xi32, #tpu.memory_space<vmem>> -> memref<1x1x128xi32, #tpu.memory_space<vmem>>
    %dma_start3A_786 = tpu.memref_squeeze %dma_start3A_785 : memref<1x1x128xi32, #tpu.memory_space<vmem>> -> memref<128xi32, #tpu.memory_space<vmem>>
    %dma_start3A_787 = arith.constant 0 : i32
    %dma_start3A_788 = tpu.memref_slice %arg2[%dma_start3A_787] : memref<209715200xf32, #tpu.memory_space<hbm>> -> memref<209715200xf32, #tpu.memory_space<hbm>>
    tpu.enqueue_indirect_dma source(%dma_start3A_788 : memref<209715200xf32, #tpu.memory_space<hbm>>) target(%dma_start3A_783 : memref<128xf32, #tpu.memory_space<vmem>>) offsets(%dma_start3A_786 : memref<128xi32, #tpu.memory_space<vmem>>) semaphore(%arg9 : memref<!tpu.dma_semaphore, #tpu.memory_space<semaphore_mem>>)
    %dma_start3A_789 = arith.constant 3 : i32
    %dma_start3A_790 = arith.constant 1 : i32
    %dma_start3A_791 = arith.constant 3 : i32
    %dma_start3A_792 = arith.constant 128 : i32
    %dma_start3A_793 = tpu.memref_slice %arg8[%dma_start3A_791, %dma_start3A_792] : memref<64x512xf32, #tpu.memory_space<vmem>> -> memref<1x128xf32, #tpu.memory_space<vmem>>
    %dma_start3A_794 = tpu.memref_squeeze %dma_start3A_793 : memref<1x128xf32, #tpu.memory_space<vmem>> -> memref<128xf32, #tpu.memory_space<vmem>>
    %dma_start3A_795 = arith.constant 0 : i32
    %dma_start3A_796 = tpu.memref_slice %arg7[%dma_start3A_789, %dma_start3A_790, %dma_start3A_795] : memref<64x4x128xi32, #tpu.memory_space<vmem>> -> memref<1x1x128xi32, #tpu.memory_space<vmem>>
    %dma_start3A_797 = tpu.memref_squeeze %dma_start3A_796 : memref<1x1x128xi32, #tpu.memory_space<vmem>> -> memref<128xi32, #tpu.memory_space<vmem>>
    %dma_start3A_798 = arith.constant 0 : i32
    %dma_start3A_799 = tpu.memref_slice %arg2[%dma_start3A_798] : memref<209715200xf32, #tpu.memory_space<hbm>> -> memref<209715200xf32, #tpu.memory_space<hbm>>
    tpu.enqueue_indirect_dma source(%dma_start3A_799 : memref<209715200xf32, #tpu.memory_space<hbm>>) target(%dma_start3A_794 : memref<128xf32, #tpu.memory_space<vmem>>) offsets(%dma_start3A_797 : memref<128xi32, #tpu.memory_space<vmem>>) semaphore(%arg9 : memref<!tpu.dma_semaphore, #tpu.memory_space<semaphore_mem>>)
    %dma_start3A_800 = arith.constant 3 : i32
    %dma_start3A_801 = arith.constant 2 : i32
    %dma_start3A_802 = arith.constant 3 : i32
    %dma_start3A_803 = arith.constant 256 : i32
    %dma_start3A_804 = tpu.memref_slice %arg8[%dma_start3A_802, %dma_start3A_803] : memref<64x512xf32, #tpu.memory_space<vmem>> -> memref<1x128xf32, #tpu.memory_space<vmem>>
    %dma_start3A_805 = tpu.memref_squeeze %dma_start3A_804 : memref<1x128xf32, #tpu.memory_space<vmem>> -> memref<128xf32, #tpu.memory_space<vmem>>
    %dma_start3A_806 = arith.constant 0 : i32
    %dma_start3A_807 = tpu.memref_slice %arg7[%dma_start3A_800, %dma_start3A_801, %dma_start3A_806] : memref<64x4x128xi32, #tpu.memory_space<vmem>> -> memref<1x1x128xi32, #tpu.memory_space<vmem>>
    %dma_start3A_808 = tpu.memref_squeeze %dma_start3A_807 : memref<1x1x128xi32, #tpu.memory_space<vmem>> -> memref<128xi32, #tpu.memory_space<vmem>>
    %dma_start3A_809 = arith.constant 0 : i32
    %dma_start3A_810 = tpu.memref_slice %arg2[%dma_start3A_809] : memref<209715200xf32, #tpu.memory_space<hbm>> -> memref<209715200xf32, #tpu.memory_space<hbm>>
    tpu.enqueue_indirect_dma source(%dma_start3A_810 : memref<209715200xf32, #tpu.memory_space<hbm>>) target(%dma_start3A_805 : memref<128xf32, #tpu.memory_space<vmem>>) offsets(%dma_start3A_808 : memref<128xi32, #tpu.memory_space<vmem>>) semaphore(%arg9 : memref<!tpu.dma_semaphore, #tpu.memory_space<semaphore_mem>>)
    %dma_start3A_811 = arith.constant 3 : i32
    %dma_start3A_812 = arith.constant 3 : i32
    %dma_start3A_813 = arith.constant 3 : i32
    %dma_start3A_814 = arith.constant 384 : i32
    %dma_start3A_815 = tpu.memref_slice %arg8[%dma_start3A_813, %dma_start3A_814] : memref<64x512xf32, #tpu.memory_space<vmem>> -> memref<1x128xf32, #tpu.memory_space<vmem>>
    %dma_start3A_816 = tpu.memref_squeeze %dma_start3A_815 : memref<1x128xf32, #tpu.memory_space<vmem>> -> memref<128xf32, #tpu.memory_space<vmem>>
    %dma_start3A_817 = arith.constant 0 : i32
    %dma_start3A_818 = tpu.memref_slice %arg7[%dma_start3A_811, %dma_start3A_812, %dma_start3A_817] : memref<64x4x128xi32, #tpu.memory_space<vmem>> -> memref<1x1x128xi32, #tpu.memory_space<vmem>>
    %dma_start3A_819 = tpu.memref_squeeze %dma_start3A_818 : memref<1x1x128xi32, #tpu.memory_space<vmem>> -> memref<128xi32, #tpu.memory_space<vmem>>
    %dma_start3A_820 = arith.constant 0 : i32
    %dma_start3A_821 = tpu.memref_slice %arg2[%dma_start3A_820] : memref<209715200xf32, #tpu.memory_space<hbm>> -> memref<209715200xf32, #tpu.memory_space<hbm>>
    tpu.enqueue_indirect_dma source(%dma_start3A_821 : memref<209715200xf32, #tpu.memory_space<hbm>>) target(%dma_start3A_816 : memref<128xf32, #tpu.memory_space<vmem>>) offsets(%dma_start3A_819 : memref<128xi32, #tpu.memory_space<vmem>>) semaphore(%arg9 : memref<!tpu.dma_semaphore, #tpu.memory_space<semaphore_mem>>)
    %dma_start3A_822 = arith.constant 4 : i32
    %dma_start3A_823 = arith.constant 0 : i32
    %dma_start3A_824 = arith.constant 4 : i32
    %dma_start3A_825 = arith.constant 0 : i32
    %dma_start3A_826 = tpu.memref_slice %arg8[%dma_start3A_824, %dma_start3A_825] : memref<64x512xf32, #tpu.memory_space<vmem>> -> memref<1x128xf32, #tpu.memory_space<vmem>>
    %dma_start3A_827 = tpu.memref_squeeze %dma_start3A_826 : memref<1x128xf32, #tpu.memory_space<vmem>> -> memref<128xf32, #tpu.memory_space<vmem>>
    %dma_start3A_828 = arith.constant 0 : i32
    %dma_start3A_829 = tpu.memref_slice %arg7[%dma_start3A_822, %dma_start3A_823, %dma_start3A_828] : memref<64x4x128xi32, #tpu.memory_space<vmem>> -> memref<1x1x128xi32, #tpu.memory_space<vmem>>
    %dma_start3A_830 = tpu.memref_squeeze %dma_start3A_829 : memref<1x1x128xi32, #tpu.memory_space<vmem>> -> memref<128xi32, #tpu.memory_space<vmem>>
    %dma_start3A_831 = arith.constant 0 : i32
    %dma_start3A_832 = tpu.memref_slice %arg2[%dma_start3A_831] : memref<209715200xf32, #tpu.memory_space<hbm>> -> memref<209715200xf32, #tpu.memory_space<hbm>>
    tpu.enqueue_indirect_dma source(%dma_start3A_832 : memref<209715200xf32, #tpu.memory_space<hbm>>) target(%dma_start3A_827 : memref<128xf32, #tpu.memory_space<vmem>>) offsets(%dma_start3A_830 : memref<128xi32, #tpu.memory_space<vmem>>) semaphore(%arg9 : memref<!tpu.dma_semaphore, #tpu.memory_space<semaphore_mem>>)
    %dma_start3A_833 = arith.constant 4 : i32
    %dma_start3A_834 = arith.constant 1 : i32
    %dma_start3A_835 = arith.constant 4 : i32
    %dma_start3A_836 = arith.constant 128 : i32
    %dma_start3A_837 = tpu.memref_slice %arg8[%dma_start3A_835, %dma_start3A_836] : memref<64x512xf32, #tpu.memory_space<vmem>> -> memref<1x128xf32, #tpu.memory_space<vmem>>
    %dma_start3A_838 = tpu.memref_squeeze %dma_start3A_837 : memref<1x128xf32, #tpu.memory_space<vmem>> -> memref<128xf32, #tpu.memory_space<vmem>>
    %dma_start3A_839 = arith.constant 0 : i32
    %dma_start3A_840 = tpu.memref_slice %arg7[%dma_start3A_833, %dma_start3A_834, %dma_start3A_839] : memref<64x4x128xi32, #tpu.memory_space<vmem>> -> memref<1x1x128xi32, #tpu.memory_space<vmem>>
    %dma_start3A_841 = tpu.memref_squeeze %dma_start3A_840 : memref<1x1x128xi32, #tpu.memory_space<vmem>> -> memref<128xi32, #tpu.memory_space<vmem>>
    %dma_start3A_842 = arith.constant 0 : i32
    %dma_start3A_843 = tpu.memref_slice %arg2[%dma_start3A_842] : memref<209715200xf32, #tpu.memory_space<hbm>> -> memref<209715200xf32, #tpu.memory_space<hbm>>
    tpu.enqueue_indirect_dma source(%dma_start3A_843 : memref<209715200xf32, #tpu.memory_space<hbm>>) target(%dma_start3A_838 : memref<128xf32, #tpu.memory_space<vmem>>) offsets(%dma_start3A_841 : memref<128xi32, #tpu.memory_space<vmem>>) semaphore(%arg9 : memref<!tpu.dma_semaphore, #tpu.memory_space<semaphore_mem>>)
    %dma_start3A_844 = arith.constant 4 : i32
    %dma_start3A_845 = arith.constant 2 : i32
    %dma_start3A_846 = arith.constant 4 : i32
    %dma_start3A_847 = arith.constant 256 : i32
    %dma_start3A_848 = tpu.memref_slice %arg8[%dma_start3A_846, %dma_start3A_847] : memref<64x512xf32, #tpu.memory_space<vmem>> -> memref<1x128xf32, #tpu.memory_space<vmem>>
    %dma_start3A_849 = tpu.memref_squeeze %dma_start3A_848 : memref<1x128xf32, #tpu.memory_space<vmem>> -> memref<128xf32, #tpu.memory_space<vmem>>
    %dma_start3A_850 = arith.constant 0 : i32
    %dma_start3A_851 = tpu.memref_slice %arg7[%dma_start3A_844, %dma_start3A_845, %dma_start3A_850] : memref<64x4x128xi32, #tpu.memory_space<vmem>> -> memref<1x1x128xi32, #tpu.memory_space<vmem>>
    %dma_start3A_852 = tpu.memref_squeeze %dma_start3A_851 : memref<1x1x128xi32, #tpu.memory_space<vmem>> -> memref<128xi32, #tpu.memory_space<vmem>>
    %dma_start3A_853 = arith.constant 0 : i32
    %dma_start3A_854 = tpu.memref_slice %arg2[%dma_start3A_853] : memref<209715200xf32, #tpu.memory_space<hbm>> -> memref<209715200xf32, #tpu.memory_space<hbm>>
    tpu.enqueue_indirect_dma source(%dma_start3A_854 : memref<209715200xf32, #tpu.memory_space<hbm>>) target(%dma_start3A_849 : memref<128xf32, #tpu.memory_space<vmem>>) offsets(%dma_start3A_852 : memref<128xi32, #tpu.memory_space<vmem>>) semaphore(%arg9 : memref<!tpu.dma_semaphore, #tpu.memory_space<semaphore_mem>>)
    %dma_start3A_855 = arith.constant 4 : i32
    %dma_start3A_856 = arith.constant 3 : i32
    %dma_start3A_857 = arith.constant 4 : i32
    %dma_start3A_858 = arith.constant 384 : i32
    %dma_start3A_859 = tpu.memref_slice %arg8[%dma_start3A_857, %dma_start3A_858] : memref<64x512xf32, #tpu.memory_space<vmem>> -> memref<1x128xf32, #tpu.memory_space<vmem>>
    %dma_start3A_860 = tpu.memref_squeeze %dma_start3A_859 : memref<1x128xf32, #tpu.memory_space<vmem>> -> memref<128xf32, #tpu.memory_space<vmem>>
    %dma_start3A_861 = arith.constant 0 : i32
    %dma_start3A_862 = tpu.memref_slice %arg7[%dma_start3A_855, %dma_start3A_856, %dma_start3A_861] : memref<64x4x128xi32, #tpu.memory_space<vmem>> -> memref<1x1x128xi32, #tpu.memory_space<vmem>>
    %dma_start3A_863 = tpu.memref_squeeze %dma_start3A_862 : memref<1x1x128xi32, #tpu.memory_space<vmem>> -> memref<128xi32, #tpu.memory_space<vmem>>
    %dma_start3A_864 = arith.constant 0 : i32
    %dma_start3A_865 = tpu.memref_slice %arg2[%dma_start3A_864] : memref<209715200xf32, #tpu.memory_space<hbm>> -> memref<209715200xf32, #tpu.memory_space<hbm>>
    tpu.enqueue_indirect_dma source(%dma_start3A_865 : memref<209715200xf32, #tpu.memory_space<hbm>>) target(%dma_start3A_860 : memref<128xf32, #tpu.memory_space<vmem>>) offsets(%dma_start3A_863 : memref<128xi32, #tpu.memory_space<vmem>>) semaphore(%arg9 : memref<!tpu.dma_semaphore, #tpu.memory_space<semaphore_mem>>)
    %dma_start3A_866 = arith.constant 5 : i32
    %dma_start3A_867 = arith.constant 0 : i32
    %dma_start3A_868 = arith.constant 5 : i32
    %dma_start3A_869 = arith.constant 0 : i32
    %dma_start3A_870 = tpu.memref_slice %arg8[%dma_start3A_868, %dma_start3A_869] : memref<64x512xf32, #tpu.memory_space<vmem>> -> memref<1x128xf32, #tpu.memory_space<vmem>>
    %dma_start3A_871 = tpu.memref_squeeze %dma_start3A_870 : memref<1x128xf32, #tpu.memory_space<vmem>> -> memref<128xf32, #tpu.memory_space<vmem>>
    %dma_start3A_872 = arith.constant 0 : i32
    %dma_start3A_873 = tpu.memref_slice %arg7[%dma_start3A_866, %dma_start3A_867, %dma_start3A_872] : memref<64x4x128xi32, #tpu.memory_space<vmem>> -> memref<1x1x128xi32, #tpu.memory_space<vmem>>
    %dma_start3A_874 = tpu.memref_squeeze %dma_start3A_873 : memref<1x1x128xi32, #tpu.memory_space<vmem>> -> memref<128xi32, #tpu.memory_space<vmem>>
    %dma_start3A_875 = arith.constant 0 : i32
    %dma_start3A_876 = tpu.memref_slice %arg2[%dma_start3A_875] : memref<209715200xf32, #tpu.memory_space<hbm>> -> memref<209715200xf32, #tpu.memory_space<hbm>>
    tpu.enqueue_indirect_dma source(%dma_start3A_876 : memref<209715200xf32, #tpu.memory_space<hbm>>) target(%dma_start3A_871 : memref<128xf32, #tpu.memory_space<vmem>>) offsets(%dma_start3A_874 : memref<128xi32, #tpu.memory_space<vmem>>) semaphore(%arg9 : memref<!tpu.dma_semaphore, #tpu.memory_space<semaphore_mem>>)
    %dma_start3A_877 = arith.constant 5 : i32
    %dma_start3A_878 = arith.constant 1 : i32
    %dma_start3A_879 = arith.constant 5 : i32
    %dma_start3A_880 = arith.constant 128 : i32
    %dma_start3A_881 = tpu.memref_slice %arg8[%dma_start3A_879, %dma_start3A_880] : memref<64x512xf32, #tpu.memory_space<vmem>> -> memref<1x128xf32, #tpu.memory_space<vmem>>
    %dma_start3A_882 = tpu.memref_squeeze %dma_start3A_881 : memref<1x128xf32, #tpu.memory_space<vmem>> -> memref<128xf32, #tpu.memory_space<vmem>>
    %dma_start3A_883 = arith.constant 0 : i32
    %dma_start3A_884 = tpu.memref_slice %arg7[%dma_start3A_877, %dma_start3A_878, %dma_start3A_883] : memref<64x4x128xi32, #tpu.memory_space<vmem>> -> memref<1x1x128xi32, #tpu.memory_space<vmem>>
    %dma_start3A_885 = tpu.memref_squeeze %dma_start3A_884 : memref<1x1x128xi32, #tpu.memory_space<vmem>> -> memref<128xi32, #tpu.memory_space<vmem>>
    %dma_start3A_886 = arith.constant 0 : i32
    %dma_start3A_887 = tpu.memref_slice %arg2[%dma_start3A_886] : memref<209715200xf32, #tpu.memory_space<hbm>> -> memref<209715200xf32, #tpu.memory_space<hbm>>
    tpu.enqueue_indirect_dma source(%dma_start3A_887 : memref<209715200xf32, #tpu.memory_space<hbm>>) target(%dma_start3A_882 : memref<128xf32, #tpu.memory_space<vmem>>) offsets(%dma_start3A_885 : memref<128xi32, #tpu.memory_space<vmem>>) semaphore(%arg9 : memref<!tpu.dma_semaphore, #tpu.memory_space<semaphore_mem>>)
    %dma_start3A_888 = arith.constant 5 : i32
    %dma_start3A_889 = arith.constant 2 : i32
    %dma_start3A_890 = arith.constant 5 : i32
    %dma_start3A_891 = arith.constant 256 : i32
    %dma_start3A_892 = tpu.memref_slice %arg8[%dma_start3A_890, %dma_start3A_891] : memref<64x512xf32, #tpu.memory_space<vmem>> -> memref<1x128xf32, #tpu.memory_space<vmem>>
    %dma_start3A_893 = tpu.memref_squeeze %dma_start3A_892 : memref<1x128xf32, #tpu.memory_space<vmem>> -> memref<128xf32, #tpu.memory_space<vmem>>
    %dma_start3A_894 = arith.constant 0 : i32
    %dma_start3A_895 = tpu.memref_slice %arg7[%dma_start3A_888, %dma_start3A_889, %dma_start3A_894] : memref<64x4x128xi32, #tpu.memory_space<vmem>> -> memref<1x1x128xi32, #tpu.memory_space<vmem>>
    %dma_start3A_896 = tpu.memref_squeeze %dma_start3A_895 : memref<1x1x128xi32, #tpu.memory_space<vmem>> -> memref<128xi32, #tpu.memory_space<vmem>>
    %dma_start3A_897 = arith.constant 0 : i32
    %dma_start3A_898 = tpu.memref_slice %arg2[%dma_start3A_897] : memref<209715200xf32, #tpu.memory_space<hbm>> -> memref<209715200xf32, #tpu.memory_space<hbm>>
    tpu.enqueue_indirect_dma source(%dma_start3A_898 : memref<209715200xf32, #tpu.memory_space<hbm>>) target(%dma_start3A_893 : memref<128xf32, #tpu.memory_space<vmem>>) offsets(%dma_start3A_896 : memref<128xi32, #tpu.memory_space<vmem>>) semaphore(%arg9 : memref<!tpu.dma_semaphore, #tpu.memory_space<semaphore_mem>>)
    %dma_start3A_899 = arith.constant 5 : i32
    %dma_start3A_900 = arith.constant 3 : i32
    %dma_start3A_901 = arith.constant 5 : i32
    %dma_start3A_902 = arith.constant 384 : i32
    %dma_start3A_903 = tpu.memref_slice %arg8[%dma_start3A_901, %dma_start3A_902] : memref<64x512xf32, #tpu.memory_space<vmem>> -> memref<1x128xf32, #tpu.memory_space<vmem>>
    %dma_start3A_904 = tpu.memref_squeeze %dma_start3A_903 : memref<1x128xf32, #tpu.memory_space<vmem>> -> memref<128xf32, #tpu.memory_space<vmem>>
    %dma_start3A_905 = arith.constant 0 : i32
    %dma_start3A_906 = tpu.memref_slice %arg7[%dma_start3A_899, %dma_start3A_900, %dma_start3A_905] : memref<64x4x128xi32, #tpu.memory_space<vmem>> -> memref<1x1x128xi32, #tpu.memory_space<vmem>>
    %dma_start3A_907 = tpu.memref_squeeze %dma_start3A_906 : memref<1x1x128xi32, #tpu.memory_space<vmem>> -> memref<128xi32, #tpu.memory_space<vmem>>
    %dma_start3A_908 = arith.constant 0 : i32
    %dma_start3A_909 = tpu.memref_slice %arg2[%dma_start3A_908] : memref<209715200xf32, #tpu.memory_space<hbm>> -> memref<209715200xf32, #tpu.memory_space<hbm>>
    tpu.enqueue_indirect_dma source(%dma_start3A_909 : memref<209715200xf32, #tpu.memory_space<hbm>>) target(%dma_start3A_904 : memref<128xf32, #tpu.memory_space<vmem>>) offsets(%dma_start3A_907 : memref<128xi32, #tpu.memory_space<vmem>>) semaphore(%arg9 : memref<!tpu.dma_semaphore, #tpu.memory_space<semaphore_mem>>)
    %dma_start3A_910 = arith.constant 6 : i32
    %dma_start3A_911 = arith.constant 0 : i32
    %dma_start3A_912 = arith.constant 6 : i32
    %dma_start3A_913 = arith.constant 0 : i32
    %dma_start3A_914 = tpu.memref_slice %arg8[%dma_start3A_912, %dma_start3A_913] : memref<64x512xf32, #tpu.memory_space<vmem>> -> memref<1x128xf32, #tpu.memory_space<vmem>>
    %dma_start3A_915 = tpu.memref_squeeze %dma_start3A_914 : memref<1x128xf32, #tpu.memory_space<vmem>> -> memref<128xf32, #tpu.memory_space<vmem>>
    %dma_start3A_916 = arith.constant 0 : i32
    %dma_start3A_917 = tpu.memref_slice %arg7[%dma_start3A_910, %dma_start3A_911, %dma_start3A_916] : memref<64x4x128xi32, #tpu.memory_space<vmem>> -> memref<1x1x128xi32, #tpu.memory_space<vmem>>
    %dma_start3A_918 = tpu.memref_squeeze %dma_start3A_917 : memref<1x1x128xi32, #tpu.memory_space<vmem>> -> memref<128xi32, #tpu.memory_space<vmem>>
    %dma_start3A_919 = arith.constant 0 : i32
    %dma_start3A_920 = tpu.memref_slice %arg2[%dma_start3A_919] : memref<209715200xf32, #tpu.memory_space<hbm>> -> memref<209715200xf32, #tpu.memory_space<hbm>>
    tpu.enqueue_indirect_dma source(%dma_start3A_920 : memref<209715200xf32, #tpu.memory_space<hbm>>) target(%dma_start3A_915 : memref<128xf32, #tpu.memory_space<vmem>>) offsets(%dma_start3A_918 : memref<128xi32, #tpu.memory_space<vmem>>) semaphore(%arg9 : memref<!tpu.dma_semaphore, #tpu.memory_space<semaphore_mem>>)
    %dma_start3A_921 = arith.constant 6 : i32
    %dma_start3A_922 = arith.constant 1 : i32
    %dma_start3A_923 = arith.constant 6 : i32
    %dma_start3A_924 = arith.constant 128 : i32
    %dma_start3A_925 = tpu.memref_slice %arg8[%dma_start3A_923, %dma_start3A_924] : memref<64x512xf32, #tpu.memory_space<vmem>> -> memref<1x128xf32, #tpu.memory_space<vmem>>
    %dma_start3A_926 = tpu.memref_squeeze %dma_start3A_925 : memref<1x128xf32, #tpu.memory_space<vmem>> -> memref<128xf32, #tpu.memory_space<vmem>>
    %dma_start3A_927 = arith.constant 0 : i32
    %dma_start3A_928 = tpu.memref_slice %arg7[%dma_start3A_921, %dma_start3A_922, %dma_start3A_927] : memref<64x4x128xi32, #tpu.memory_space<vmem>> -> memref<1x1x128xi32, #tpu.memory_space<vmem>>
    %dma_start3A_929 = tpu.memref_squeeze %dma_start3A_928 : memref<1x1x128xi32, #tpu.memory_space<vmem>> -> memref<128xi32, #tpu.memory_space<vmem>>
    %dma_start3A_930 = arith.constant 0 : i32
    %dma_start3A_931 = tpu.memref_slice %arg2[%dma_start3A_930] : memref<209715200xf32, #tpu.memory_space<hbm>> -> memref<209715200xf32, #tpu.memory_space<hbm>>
    tpu.enqueue_indirect_dma source(%dma_start3A_931 : memref<209715200xf32, #tpu.memory_space<hbm>>) target(%dma_start3A_926 : memref<128xf32, #tpu.memory_space<vmem>>) offsets(%dma_start3A_929 : memref<128xi32, #tpu.memory_space<vmem>>) semaphore(%arg9 : memref<!tpu.dma_semaphore, #tpu.memory_space<semaphore_mem>>)
    %dma_start3A_932 = arith.constant 6 : i32
    %dma_start3A_933 = arith.constant 2 : i32
    %dma_start3A_934 = arith.constant 6 : i32
    %dma_start3A_935 = arith.constant 256 : i32
    %dma_start3A_936 = tpu.memref_slice %arg8[%dma_start3A_934, %dma_start3A_935] : memref<64x512xf32, #tpu.memory_space<vmem>> -> memref<1x128xf32, #tpu.memory_space<vmem>>
    %dma_start3A_937 = tpu.memref_squeeze %dma_start3A_936 : memref<1x128xf32, #tpu.memory_space<vmem>> -> memref<128xf32, #tpu.memory_space<vmem>>
    %dma_start3A_938 = arith.constant 0 : i32
    %dma_start3A_939 = tpu.memref_slice %arg7[%dma_start3A_932, %dma_start3A_933, %dma_start3A_938] : memref<64x4x128xi32, #tpu.memory_space<vmem>> -> memref<1x1x128xi32, #tpu.memory_space<vmem>>
    %dma_start3A_940 = tpu.memref_squeeze %dma_start3A_939 : memref<1x1x128xi32, #tpu.memory_space<vmem>> -> memref<128xi32, #tpu.memory_space<vmem>>
    %dma_start3A_941 = arith.constant 0 : i32
    %dma_start3A_942 = tpu.memref_slice %arg2[%dma_start3A_941] : memref<209715200xf32, #tpu.memory_space<hbm>> -> memref<209715200xf32, #tpu.memory_space<hbm>>
    tpu.enqueue_indirect_dma source(%dma_start3A_942 : memref<209715200xf32, #tpu.memory_space<hbm>>) target(%dma_start3A_937 : memref<128xf32, #tpu.memory_space<vmem>>) offsets(%dma_start3A_940 : memref<128xi32, #tpu.memory_space<vmem>>) semaphore(%arg9 : memref<!tpu.dma_semaphore, #tpu.memory_space<semaphore_mem>>)
    %dma_start3A_943 = arith.constant 6 : i32
    %dma_start3A_944 = arith.constant 3 : i32
    %dma_start3A_945 = arith.constant 6 : i32
    %dma_start3A_946 = arith.constant 384 : i32
    %dma_start3A_947 = tpu.memref_slice %arg8[%dma_start3A_945, %dma_start3A_946] : memref<64x512xf32, #tpu.memory_space<vmem>> -> memref<1x128xf32, #tpu.memory_space<vmem>>
    %dma_start3A_948 = tpu.memref_squeeze %dma_start3A_947 : memref<1x128xf32, #tpu.memory_space<vmem>> -> memref<128xf32, #tpu.memory_space<vmem>>
    %dma_start3A_949 = arith.constant 0 : i32
    %dma_start3A_950 = tpu.memref_slice %arg7[%dma_start3A_943, %dma_start3A_944, %dma_start3A_949] : memref<64x4x128xi32, #tpu.memory_space<vmem>> -> memref<1x1x128xi32, #tpu.memory_space<vmem>>
    %dma_start3A_951 = tpu.memref_squeeze %dma_start3A_950 : memref<1x1x128xi32, #tpu.memory_space<vmem>> -> memref<128xi32, #tpu.memory_space<vmem>>
    %dma_start3A_952 = arith.constant 0 : i32
    %dma_start3A_953 = tpu.memref_slice %arg2[%dma_start3A_952] : memref<209715200xf32, #tpu.memory_space<hbm>> -> memref<209715200xf32, #tpu.memory_space<hbm>>
    tpu.enqueue_indirect_dma source(%dma_start3A_953 : memref<209715200xf32, #tpu.memory_space<hbm>>) target(%dma_start3A_948 : memref<128xf32, #tpu.memory_space<vmem>>) offsets(%dma_start3A_951 : memref<128xi32, #tpu.memory_space<vmem>>) semaphore(%arg9 : memref<!tpu.dma_semaphore, #tpu.memory_space<semaphore_mem>>)
    %dma_start3A_954 = arith.constant 7 : i32
    %dma_start3A_955 = arith.constant 0 : i32
    %dma_start3A_956 = arith.constant 7 : i32
    %dma_start3A_957 = arith.constant 0 : i32
    %dma_start3A_958 = tpu.memref_slice %arg8[%dma_start3A_956, %dma_start3A_957] : memref<64x512xf32, #tpu.memory_space<vmem>> -> memref<1x128xf32, #tpu.memory_space<vmem>>
    %dma_start3A_959 = tpu.memref_squeeze %dma_start3A_958 : memref<1x128xf32, #tpu.memory_space<vmem>> -> memref<128xf32, #tpu.memory_space<vmem>>
    %dma_start3A_960 = arith.constant 0 : i32
    %dma_start3A_961 = tpu.memref_slice %arg7[%dma_start3A_954, %dma_start3A_955, %dma_start3A_960] : memref<64x4x128xi32, #tpu.memory_space<vmem>> -> memref<1x1x128xi32, #tpu.memory_space<vmem>>
    %dma_start3A_962 = tpu.memref_squeeze %dma_start3A_961 : memref<1x1x128xi32, #tpu.memory_space<vmem>> -> memref<128xi32, #tpu.memory_space<vmem>>
    %dma_start3A_963 = arith.constant 0 : i32
    %dma_start3A_964 = tpu.memref_slice %arg2[%dma_start3A_963] : memref<209715200xf32, #tpu.memory_space<hbm>> -> memref<209715200xf32, #tpu.memory_space<hbm>>
    tpu.enqueue_indirect_dma source(%dma_start3A_964 : memref<209715200xf32, #tpu.memory_space<hbm>>) target(%dma_start3A_959 : memref<128xf32, #tpu.memory_space<vmem>>) offsets(%dma_start3A_962 : memref<128xi32, #tpu.memory_space<vmem>>) semaphore(%arg9 : memref<!tpu.dma_semaphore, #tpu.memory_space<semaphore_mem>>)
    %dma_start3A_965 = arith.constant 7 : i32
    %dma_start3A_966 = arith.constant 1 : i32
    %dma_start3A_967 = arith.constant 7 : i32
    %dma_start3A_968 = arith.constant 128 : i32
    %dma_start3A_969 = tpu.memref_slice %arg8[%dma_start3A_967, %dma_start3A_968] : memref<64x512xf32, #tpu.memory_space<vmem>> -> memref<1x128xf32, #tpu.memory_space<vmem>>
    %dma_start3A_970 = tpu.memref_squeeze %dma_start3A_969 : memref<1x128xf32, #tpu.memory_space<vmem>> -> memref<128xf32, #tpu.memory_space<vmem>>
    %dma_start3A_971 = arith.constant 0 : i32
    %dma_start3A_972 = tpu.memref_slice %arg7[%dma_start3A_965, %dma_start3A_966, %dma_start3A_971] : memref<64x4x128xi32, #tpu.memory_space<vmem>> -> memref<1x1x128xi32, #tpu.memory_space<vmem>>
    %dma_start3A_973 = tpu.memref_squeeze %dma_start3A_972 : memref<1x1x128xi32, #tpu.memory_space<vmem>> -> memref<128xi32, #tpu.memory_space<vmem>>
    %dma_start3A_974 = arith.constant 0 : i32
    %dma_start3A_975 = tpu.memref_slice %arg2[%dma_start3A_974] : memref<209715200xf32, #tpu.memory_space<hbm>> -> memref<209715200xf32, #tpu.memory_space<hbm>>
    tpu.enqueue_indirect_dma source(%dma_start3A_975 : memref<209715200xf32, #tpu.memory_space<hbm>>) target(%dma_start3A_970 : memref<128xf32, #tpu.memory_space<vmem>>) offsets(%dma_start3A_973 : memref<128xi32, #tpu.memory_space<vmem>>) semaphore(%arg9 : memref<!tpu.dma_semaphore, #tpu.memory_space<semaphore_mem>>)
    %dma_start3A_976 = arith.constant 7 : i32
    %dma_start3A_977 = arith.constant 2 : i32
    %dma_start3A_978 = arith.constant 7 : i32
    %dma_start3A_979 = arith.constant 256 : i32
    %dma_start3A_980 = tpu.memref_slice %arg8[%dma_start3A_978, %dma_start3A_979] : memref<64x512xf32, #tpu.memory_space<vmem>> -> memref<1x128xf32, #tpu.memory_space<vmem>>
    %dma_start3A_981 = tpu.memref_squeeze %dma_start3A_980 : memref<1x128xf32, #tpu.memory_space<vmem>> -> memref<128xf32, #tpu.memory_space<vmem>>
    %dma_start3A_982 = arith.constant 0 : i32
    %dma_start3A_983 = tpu.memref_slice %arg7[%dma_start3A_976, %dma_start3A_977, %dma_start3A_982] : memref<64x4x128xi32, #tpu.memory_space<vmem>> -> memref<1x1x128xi32, #tpu.memory_space<vmem>>
    %dma_start3A_984 = tpu.memref_squeeze %dma_start3A_983 : memref<1x1x128xi32, #tpu.memory_space<vmem>> -> memref<128xi32, #tpu.memory_space<vmem>>
    %dma_start3A_985 = arith.constant 0 : i32
    %dma_start3A_986 = tpu.memref_slice %arg2[%dma_start3A_985] : memref<209715200xf32, #tpu.memory_space<hbm>> -> memref<209715200xf32, #tpu.memory_space<hbm>>
    tpu.enqueue_indirect_dma source(%dma_start3A_986 : memref<209715200xf32, #tpu.memory_space<hbm>>) target(%dma_start3A_981 : memref<128xf32, #tpu.memory_space<vmem>>) offsets(%dma_start3A_984 : memref<128xi32, #tpu.memory_space<vmem>>) semaphore(%arg9 : memref<!tpu.dma_semaphore, #tpu.memory_space<semaphore_mem>>)
    %dma_start3A_987 = arith.constant 7 : i32
    %dma_start3A_988 = arith.constant 3 : i32
    %dma_start3A_989 = arith.constant 7 : i32
    %dma_start3A_990 = arith.constant 384 : i32
    %dma_start3A_991 = tpu.memref_slice %arg8[%dma_start3A_989, %dma_start3A_990] : memref<64x512xf32, #tpu.memory_space<vmem>> -> memref<1x128xf32, #tpu.memory_space<vmem>>
    %dma_start3A_992 = tpu.memref_squeeze %dma_start3A_991 : memref<1x128xf32, #tpu.memory_space<vmem>> -> memref<128xf32, #tpu.memory_space<vmem>>
    %dma_start3A_993 = arith.constant 0 : i32
    %dma_start3A_994 = tpu.memref_slice %arg7[%dma_start3A_987, %dma_start3A_988, %dma_start3A_993] : memref<64x4x128xi32, #tpu.memory_space<vmem>> -> memref<1x1x128xi32, #tpu.memory_space<vmem>>
    %dma_start3A_995 = tpu.memref_squeeze %dma_start3A_994 : memref<1x1x128xi32, #tpu.memory_space<vmem>> -> memref<128xi32, #tpu.memory_space<vmem>>
    %dma_start3A_996 = arith.constant 0 : i32
    %dma_start3A_997 = tpu.memref_slice %arg2[%dma_start3A_996] : memref<209715200xf32, #tpu.memory_space<hbm>> -> memref<209715200xf32, #tpu.memory_space<hbm>>
    tpu.enqueue_indirect_dma source(%dma_start3A_997 : memref<209715200xf32, #tpu.memory_space<hbm>>) target(%dma_start3A_992 : memref<128xf32, #tpu.memory_space<vmem>>) offsets(%dma_start3A_995 : memref<128xi32, #tpu.memory_space<vmem>>) semaphore(%arg9 : memref<!tpu.dma_semaphore, #tpu.memory_space<semaphore_mem>>)
    %dma_start3A_998 = arith.constant 8 : i32
    %dma_start3A_999 = arith.constant 0 : i32
    %dma_start3A_1000 = arith.constant 8 : i32
    %dma_start3A_1001 = arith.constant 0 : i32
    %dma_start3A_1002 = tpu.memref_slice %arg8[%dma_start3A_1000, %dma_start3A_1001] : memref<64x512xf32, #tpu.memory_space<vmem>> -> memref<1x128xf32, #tpu.memory_space<vmem>>
    %dma_start3A_1003 = tpu.memref_squeeze %dma_start3A_1002 : memref<1x128xf32, #tpu.memory_space<vmem>> -> memref<128xf32, #tpu.memory_space<vmem>>
    %dma_start3A_1004 = arith.constant 0 : i32
    %dma_start3A_1005 = tpu.memref_slice %arg7[%dma_start3A_998, %dma_start3A_999, %dma_start3A_1004] : memref<64x4x128xi32, #tpu.memory_space<vmem>> -> memref<1x1x128xi32, #tpu.memory_space<vmem>>
    %dma_start3A_1006 = tpu.memref_squeeze %dma_start3A_1005 : memref<1x1x128xi32, #tpu.memory_space<vmem>> -> memref<128xi32, #tpu.memory_space<vmem>>
    %dma_start3A_1007 = arith.constant 0 : i32
    %dma_start3A_1008 = tpu.memref_slice %arg2[%dma_start3A_1007] : memref<209715200xf32, #tpu.memory_space<hbm>> -> memref<209715200xf32, #tpu.memory_space<hbm>>
    tpu.enqueue_indirect_dma source(%dma_start3A_1008 : memref<209715200xf32, #tpu.memory_space<hbm>>) target(%dma_start3A_1003 : memref<128xf32, #tpu.memory_space<vmem>>) offsets(%dma_start3A_1006 : memref<128xi32, #tpu.memory_space<vmem>>) semaphore(%arg9 : memref<!tpu.dma_semaphore, #tpu.memory_space<semaphore_mem>>)
    %dma_start3A_1009 = arith.constant 8 : i32
    %dma_start3A_1010 = arith.constant 1 : i32
    %dma_start3A_1011 = arith.constant 8 : i32
    %dma_start3A_1012 = arith.constant 128 : i32
    %dma_start3A_1013 = tpu.memref_slice %arg8[%dma_start3A_1011, %dma_start3A_1012] : memref<64x512xf32, #tpu.memory_space<vmem>> -> memref<1x128xf32, #tpu.memory_space<vmem>>
    %dma_start3A_1014 = tpu.memref_squeeze %dma_start3A_1013 : memref<1x128xf32, #tpu.memory_space<vmem>> -> memref<128xf32, #tpu.memory_space<vmem>>
    %dma_start3A_1015 = arith.constant 0 : i32
    %dma_start3A_1016 = tpu.memref_slice %arg7[%dma_start3A_1009, %dma_start3A_1010, %dma_start3A_1015] : memref<64x4x128xi32, #tpu.memory_space<vmem>> -> memref<1x1x128xi32, #tpu.memory_space<vmem>>
    %dma_start3A_1017 = tpu.memref_squeeze %dma_start3A_1016 : memref<1x1x128xi32, #tpu.memory_space<vmem>> -> memref<128xi32, #tpu.memory_space<vmem>>
    %dma_start3A_1018 = arith.constant 0 : i32
    %dma_start3A_1019 = tpu.memref_slice %arg2[%dma_start3A_1018] : memref<209715200xf32, #tpu.memory_space<hbm>> -> memref<209715200xf32, #tpu.memory_space<hbm>>
    tpu.enqueue_indirect_dma source(%dma_start3A_1019 : memref<209715200xf32, #tpu.memory_space<hbm>>) target(%dma_start3A_1014 : memref<128xf32, #tpu.memory_space<vmem>>) offsets(%dma_start3A_1017 : memref<128xi32, #tpu.memory_space<vmem>>) semaphore(%arg9 : memref<!tpu.dma_semaphore, #tpu.memory_space<semaphore_mem>>)
    %dma_start3A_1020 = arith.constant 8 : i32
    %dma_start3A_1021 = arith.constant 2 : i32
    %dma_start3A_1022 = arith.constant 8 : i32
    %dma_start3A_1023 = arith.constant 256 : i32
    %dma_start3A_1024 = tpu.memref_slice %arg8[%dma_start3A_1022, %dma_start3A_1023] : memref<64x512xf32, #tpu.memory_space<vmem>> -> memref<1x128xf32, #tpu.memory_space<vmem>>
    %dma_start3A_1025 = tpu.memref_squeeze %dma_start3A_1024 : memref<1x128xf32, #tpu.memory_space<vmem>> -> memref<128xf32, #tpu.memory_space<vmem>>
    %dma_start3A_1026 = arith.constant 0 : i32
    %dma_start3A_1027 = tpu.memref_slice %arg7[%dma_start3A_1020, %dma_start3A_1021, %dma_start3A_1026] : memref<64x4x128xi32, #tpu.memory_space<vmem>> -> memref<1x1x128xi32, #tpu.memory_space<vmem>>
    %dma_start3A_1028 = tpu.memref_squeeze %dma_start3A_1027 : memref<1x1x128xi32, #tpu.memory_space<vmem>> -> memref<128xi32, #tpu.memory_space<vmem>>
    %dma_start3A_1029 = arith.constant 0 : i32
    %dma_start3A_1030 = tpu.memref_slice %arg2[%dma_start3A_1029] : memref<209715200xf32, #tpu.memory_space<hbm>> -> memref<209715200xf32, #tpu.memory_space<hbm>>
    tpu.enqueue_indirect_dma source(%dma_start3A_1030 : memref<209715200xf32, #tpu.memory_space<hbm>>) target(%dma_start3A_1025 : memref<128xf32, #tpu.memory_space<vmem>>) offsets(%dma_start3A_1028 : memref<128xi32, #tpu.memory_space<vmem>>) semaphore(%arg9 : memref<!tpu.dma_semaphore, #tpu.memory_space<semaphore_mem>>)
    %dma_start3A_1031 = arith.constant 8 : i32
    %dma_start3A_1032 = arith.constant 3 : i32
    %dma_start3A_1033 = arith.constant 8 : i32
    %dma_start3A_1034 = arith.constant 384 : i32
    %dma_start3A_1035 = tpu.memref_slice %arg8[%dma_start3A_1033, %dma_start3A_1034] : memref<64x512xf32, #tpu.memory_space<vmem>> -> memref<1x128xf32, #tpu.memory_space<vmem>>
    %dma_start3A_1036 = tpu.memref_squeeze %dma_start3A_1035 : memref<1x128xf32, #tpu.memory_space<vmem>> -> memref<128xf32, #tpu.memory_space<vmem>>
    %dma_start3A_1037 = arith.constant 0 : i32
    %dma_start3A_1038 = tpu.memref_slice %arg7[%dma_start3A_1031, %dma_start3A_1032, %dma_start3A_1037] : memref<64x4x128xi32, #tpu.memory_space<vmem>> -> memref<1x1x128xi32, #tpu.memory_space<vmem>>
    %dma_start3A_1039 = tpu.memref_squeeze %dma_start3A_1038 : memref<1x1x128xi32, #tpu.memory_space<vmem>> -> memref<128xi32, #tpu.memory_space<vmem>>
    %dma_start3A_1040 = arith.constant 0 : i32
    %dma_start3A_1041 = tpu.memref_slice %arg2[%dma_start3A_1040] : memref<209715200xf32, #tpu.memory_space<hbm>> -> memref<209715200xf32, #tpu.memory_space<hbm>>
    tpu.enqueue_indirect_dma source(%dma_start3A_1041 : memref<209715200xf32, #tpu.memory_space<hbm>>) target(%dma_start3A_1036 : memref<128xf32, #tpu.memory_space<vmem>>) offsets(%dma_start3A_1039 : memref<128xi32, #tpu.memory_space<vmem>>) semaphore(%arg9 : memref<!tpu.dma_semaphore, #tpu.memory_space<semaphore_mem>>)
    %dma_start3A_1042 = arith.constant 9 : i32
    %dma_start3A_1043 = arith.constant 0 : i32
    %dma_start3A_1044 = arith.constant 9 : i32
    %dma_start3A_1045 = arith.constant 0 : i32
    %dma_start3A_1046 = tpu.memref_slice %arg8[%dma_start3A_1044, %dma_start3A_1045] : memref<64x512xf32, #tpu.memory_space<vmem>> -> memref<1x128xf32, #tpu.memory_space<vmem>>
    %dma_start3A_1047 = tpu.memref_squeeze %dma_start3A_1046 : memref<1x128xf32, #tpu.memory_space<vmem>> -> memref<128xf32, #tpu.memory_space<vmem>>
    %dma_start3A_1048 = arith.constant 0 : i32
    %dma_start3A_1049 = tpu.memref_slice %arg7[%dma_start3A_1042, %dma_start3A_1043, %dma_start3A_1048] : memref<64x4x128xi32, #tpu.memory_space<vmem>> -> memref<1x1x128xi32, #tpu.memory_space<vmem>>
    %dma_start3A_1050 = tpu.memref_squeeze %dma_start3A_1049 : memref<1x1x128xi32, #tpu.memory_space<vmem>> -> memref<128xi32, #tpu.memory_space<vmem>>
    %dma_start3A_1051 = arith.constant 0 : i32
    %dma_start3A_1052 = tpu.memref_slice %arg2[%dma_start3A_1051] : memref<209715200xf32, #tpu.memory_space<hbm>> -> memref<209715200xf32, #tpu.memory_space<hbm>>
    tpu.enqueue_indirect_dma source(%dma_start3A_1052 : memref<209715200xf32, #tpu.memory_space<hbm>>) target(%dma_start3A_1047 : memref<128xf32, #tpu.memory_space<vmem>>) offsets(%dma_start3A_1050 : memref<128xi32, #tpu.memory_space<vmem>>) semaphore(%arg9 : memref<!tpu.dma_semaphore, #tpu.memory_space<semaphore_mem>>)
    %dma_start3A_1053 = arith.constant 9 : i32
    %dma_start3A_1054 = arith.constant 1 : i32
    %dma_start3A_1055 = arith.constant 9 : i32
    %dma_start3A_1056 = arith.constant 128 : i32
    %dma_start3A_1057 = tpu.memref_slice %arg8[%dma_start3A_1055, %dma_start3A_1056] : memref<64x512xf32, #tpu.memory_space<vmem>> -> memref<1x128xf32, #tpu.memory_space<vmem>>
    %dma_start3A_1058 = tpu.memref_squeeze %dma_start3A_1057 : memref<1x128xf32, #tpu.memory_space<vmem>> -> memref<128xf32, #tpu.memory_space<vmem>>
    %dma_start3A_1059 = arith.constant 0 : i32
    %dma_start3A_1060 = tpu.memref_slice %arg7[%dma_start3A_1053, %dma_start3A_1054, %dma_start3A_1059] : memref<64x4x128xi32, #tpu.memory_space<vmem>> -> memref<1x1x128xi32, #tpu.memory_space<vmem>>
    %dma_start3A_1061 = tpu.memref_squeeze %dma_start3A_1060 : memref<1x1x128xi32, #tpu.memory_space<vmem>> -> memref<128xi32, #tpu.memory_space<vmem>>
    %dma_start3A_1062 = arith.constant 0 : i32
    %dma_start3A_1063 = tpu.memref_slice %arg2[%dma_start3A_1062] : memref<209715200xf32, #tpu.memory_space<hbm>> -> memref<209715200xf32, #tpu.memory_space<hbm>>
    tpu.enqueue_indirect_dma source(%dma_start3A_1063 : memref<209715200xf32, #tpu.memory_space<hbm>>) target(%dma_start3A_1058 : memref<128xf32, #tpu.memory_space<vmem>>) offsets(%dma_start3A_1061 : memref<128xi32, #tpu.memory_space<vmem>>) semaphore(%arg9 : memref<!tpu.dma_semaphore, #tpu.memory_space<semaphore_mem>>)
    %dma_start3A_1064 = arith.constant 9 : i32
    %dma_start3A_1065 = arith.constant 2 : i32
    %dma_start3A_1066 = arith.constant 9 : i32
    %dma_start3A_1067 = arith.constant 256 : i32
    %dma_start3A_1068 = tpu.memref_slice %arg8[%dma_start3A_1066, %dma_start3A_1067] : memref<64x512xf32, #tpu.memory_space<vmem>> -> memref<1x128xf32, #tpu.memory_space<vmem>>
    %dma_start3A_1069 = tpu.memref_squeeze %dma_start3A_1068 : memref<1x128xf32, #tpu.memory_space<vmem>> -> memref<128xf32, #tpu.memory_space<vmem>>
    %dma_start3A_1070 = arith.constant 0 : i32
    %dma_start3A_1071 = tpu.memref_slice %arg7[%dma_start3A_1064, %dma_start3A_1065, %dma_start3A_1070] : memref<64x4x128xi32, #tpu.memory_space<vmem>> -> memref<1x1x128xi32, #tpu.memory_space<vmem>>
    %dma_start3A_1072 = tpu.memref_squeeze %dma_start3A_1071 : memref<1x1x128xi32, #tpu.memory_space<vmem>> -> memref<128xi32, #tpu.memory_space<vmem>>
    %dma_start3A_1073 = arith.constant 0 : i32
    %dma_start3A_1074 = tpu.memref_slice %arg2[%dma_start3A_1073] : memref<209715200xf32, #tpu.memory_space<hbm>> -> memref<209715200xf32, #tpu.memory_space<hbm>>
    tpu.enqueue_indirect_dma source(%dma_start3A_1074 : memref<209715200xf32, #tpu.memory_space<hbm>>) target(%dma_start3A_1069 : memref<128xf32, #tpu.memory_space<vmem>>) offsets(%dma_start3A_1072 : memref<128xi32, #tpu.memory_space<vmem>>) semaphore(%arg9 : memref<!tpu.dma_semaphore, #tpu.memory_space<semaphore_mem>>)
    %dma_start3A_1075 = arith.constant 9 : i32
    %dma_start3A_1076 = arith.constant 3 : i32
    %dma_start3A_1077 = arith.constant 9 : i32
    %dma_start3A_1078 = arith.constant 384 : i32
    %dma_start3A_1079 = tpu.memref_slice %arg8[%dma_start3A_1077, %dma_start3A_1078] : memref<64x512xf32, #tpu.memory_space<vmem>> -> memref<1x128xf32, #tpu.memory_space<vmem>>
    %dma_start3A_1080 = tpu.memref_squeeze %dma_start3A_1079 : memref<1x128xf32, #tpu.memory_space<vmem>> -> memref<128xf32, #tpu.memory_space<vmem>>
    %dma_start3A_1081 = arith.constant 0 : i32
    %dma_start3A_1082 = tpu.memref_slice %arg7[%dma_start3A_1075, %dma_start3A_1076, %dma_start3A_1081] : memref<64x4x128xi32, #tpu.memory_space<vmem>> -> memref<1x1x128xi32, #tpu.memory_space<vmem>>
    %dma_start3A_1083 = tpu.memref_squeeze %dma_start3A_1082 : memref<1x1x128xi32, #tpu.memory_space<vmem>> -> memref<128xi32, #tpu.memory_space<vmem>>
    %dma_start3A_1084 = arith.constant 0 : i32
    %dma_start3A_1085 = tpu.memref_slice %arg2[%dma_start3A_1084] : memref<209715200xf32, #tpu.memory_space<hbm>> -> memref<209715200xf32, #tpu.memory_space<hbm>>
    tpu.enqueue_indirect_dma source(%dma_start3A_1085 : memref<209715200xf32, #tpu.memory_space<hbm>>) target(%dma_start3A_1080 : memref<128xf32, #tpu.memory_space<vmem>>) offsets(%dma_start3A_1083 : memref<128xi32, #tpu.memory_space<vmem>>) semaphore(%arg9 : memref<!tpu.dma_semaphore, #tpu.memory_space<semaphore_mem>>)
    %dma_start3A_1086 = arith.constant 10 : i32
    %dma_start3A_1087 = arith.constant 0 : i32
    %dma_start3A_1088 = arith.constant 10 : i32
    %dma_start3A_1089 = arith.constant 0 : i32
    %dma_start3A_1090 = tpu.memref_slice %arg8[%dma_start3A_1088, %dma_start3A_1089] : memref<64x512xf32, #tpu.memory_space<vmem>> -> memref<1x128xf32, #tpu.memory_space<vmem>>
    %dma_start3A_1091 = tpu.memref_squeeze %dma_start3A_1090 : memref<1x128xf32, #tpu.memory_space<vmem>> -> memref<128xf32, #tpu.memory_space<vmem>>
    %dma_start3A_1092 = arith.constant 0 : i32
    %dma_start3A_1093 = tpu.memref_slice %arg7[%dma_start3A_1086, %dma_start3A_1087, %dma_start3A_1092] : memref<64x4x128xi32, #tpu.memory_space<vmem>> -> memref<1x1x128xi32, #tpu.memory_space<vmem>>
    %dma_start3A_1094 = tpu.memref_squeeze %dma_start3A_1093 : memref<1x1x128xi32, #tpu.memory_space<vmem>> -> memref<128xi32, #tpu.memory_space<vmem>>
    %dma_start3A_1095 = arith.constant 0 : i32
    %dma_start3A_1096 = tpu.memref_slice %arg2[%dma_start3A_1095] : memref<209715200xf32, #tpu.memory_space<hbm>> -> memref<209715200xf32, #tpu.memory_space<hbm>>
    tpu.enqueue_indirect_dma source(%dma_start3A_1096 : memref<209715200xf32, #tpu.memory_space<hbm>>) target(%dma_start3A_1091 : memref<128xf32, #tpu.memory_space<vmem>>) offsets(%dma_start3A_1094 : memref<128xi32, #tpu.memory_space<vmem>>) semaphore(%arg9 : memref<!tpu.dma_semaphore, #tpu.memory_space<semaphore_mem>>)
    %dma_start3A_1097 = arith.constant 10 : i32
    %dma_start3A_1098 = arith.constant 1 : i32
    %dma_start3A_1099 = arith.constant 10 : i32
    %dma_start3A_1100 = arith.constant 128 : i32
    %dma_start3A_1101 = tpu.memref_slice %arg8[%dma_start3A_1099, %dma_start3A_1100] : memref<64x512xf32, #tpu.memory_space<vmem>> -> memref<1x128xf32, #tpu.memory_space<vmem>>
    %dma_start3A_1102 = tpu.memref_squeeze %dma_start3A_1101 : memref<1x128xf32, #tpu.memory_space<vmem>> -> memref<128xf32, #tpu.memory_space<vmem>>
    %dma_start3A_1103 = arith.constant 0 : i32
    %dma_start3A_1104 = tpu.memref_slice %arg7[%dma_start3A_1097, %dma_start3A_1098, %dma_start3A_1103] : memref<64x4x128xi32, #tpu.memory_space<vmem>> -> memref<1x1x128xi32, #tpu.memory_space<vmem>>
    %dma_start3A_1105 = tpu.memref_squeeze %dma_start3A_1104 : memref<1x1x128xi32, #tpu.memory_space<vmem>> -> memref<128xi32, #tpu.memory_space<vmem>>
    %dma_start3A_1106 = arith.constant 0 : i32
    %dma_start3A_1107 = tpu.memref_slice %arg2[%dma_start3A_1106] : memref<209715200xf32, #tpu.memory_space<hbm>> -> memref<209715200xf32, #tpu.memory_space<hbm>>
    tpu.enqueue_indirect_dma source(%dma_start3A_1107 : memref<209715200xf32, #tpu.memory_space<hbm>>) target(%dma_start3A_1102 : memref<128xf32, #tpu.memory_space<vmem>>) offsets(%dma_start3A_1105 : memref<128xi32, #tpu.memory_space<vmem>>) semaphore(%arg9 : memref<!tpu.dma_semaphore, #tpu.memory_space<semaphore_mem>>)
    %dma_start3A_1108 = arith.constant 10 : i32
    %dma_start3A_1109 = arith.constant 2 : i32
    %dma_start3A_1110 = arith.constant 10 : i32
    %dma_start3A_1111 = arith.constant 256 : i32
    %dma_start3A_1112 = tpu.memref_slice %arg8[%dma_start3A_1110, %dma_start3A_1111] : memref<64x512xf32, #tpu.memory_space<vmem>> -> memref<1x128xf32, #tpu.memory_space<vmem>>
    %dma_start3A_1113 = tpu.memref_squeeze %dma_start3A_1112 : memref<1x128xf32, #tpu.memory_space<vmem>> -> memref<128xf32, #tpu.memory_space<vmem>>
    %dma_start3A_1114 = arith.constant 0 : i32
    %dma_start3A_1115 = tpu.memref_slice %arg7[%dma_start3A_1108, %dma_start3A_1109, %dma_start3A_1114] : memref<64x4x128xi32, #tpu.memory_space<vmem>> -> memref<1x1x128xi32, #tpu.memory_space<vmem>>
    %dma_start3A_1116 = tpu.memref_squeeze %dma_start3A_1115 : memref<1x1x128xi32, #tpu.memory_space<vmem>> -> memref<128xi32, #tpu.memory_space<vmem>>
    %dma_start3A_1117 = arith.constant 0 : i32
    %dma_start3A_1118 = tpu.memref_slice %arg2[%dma_start3A_1117] : memref<209715200xf32, #tpu.memory_space<hbm>> -> memref<209715200xf32, #tpu.memory_space<hbm>>
    tpu.enqueue_indirect_dma source(%dma_start3A_1118 : memref<209715200xf32, #tpu.memory_space<hbm>>) target(%dma_start3A_1113 : memref<128xf32, #tpu.memory_space<vmem>>) offsets(%dma_start3A_1116 : memref<128xi32, #tpu.memory_space<vmem>>) semaphore(%arg9 : memref<!tpu.dma_semaphore, #tpu.memory_space<semaphore_mem>>)
    %dma_start3A_1119 = arith.constant 10 : i32
    %dma_start3A_1120 = arith.constant 3 : i32
    %dma_start3A_1121 = arith.constant 10 : i32
    %dma_start3A_1122 = arith.constant 384 : i32
    %dma_start3A_1123 = tpu.memref_slice %arg8[%dma_start3A_1121, %dma_start3A_1122] : memref<64x512xf32, #tpu.memory_space<vmem>> -> memref<1x128xf32, #tpu.memory_space<vmem>>
    %dma_start3A_1124 = tpu.memref_squeeze %dma_start3A_1123 : memref<1x128xf32, #tpu.memory_space<vmem>> -> memref<128xf32, #tpu.memory_space<vmem>>
    %dma_start3A_1125 = arith.constant 0 : i32
    %dma_start3A_1126 = tpu.memref_slice %arg7[%dma_start3A_1119, %dma_start3A_1120, %dma_start3A_1125] : memref<64x4x128xi32, #tpu.memory_space<vmem>> -> memref<1x1x128xi32, #tpu.memory_space<vmem>>
    %dma_start3A_1127 = tpu.memref_squeeze %dma_start3A_1126 : memref<1x1x128xi32, #tpu.memory_space<vmem>> -> memref<128xi32, #tpu.memory_space<vmem>>
    %dma_start3A_1128 = arith.constant 0 : i32
    %dma_start3A_1129 = tpu.memref_slice %arg2[%dma_start3A_1128] : memref<209715200xf32, #tpu.memory_space<hbm>> -> memref<209715200xf32, #tpu.memory_space<hbm>>
    tpu.enqueue_indirect_dma source(%dma_start3A_1129 : memref<209715200xf32, #tpu.memory_space<hbm>>) target(%dma_start3A_1124 : memref<128xf32, #tpu.memory_space<vmem>>) offsets(%dma_start3A_1127 : memref<128xi32, #tpu.memory_space<vmem>>) semaphore(%arg9 : memref<!tpu.dma_semaphore, #tpu.memory_space<semaphore_mem>>)
    %dma_start3A_1130 = arith.constant 11 : i32
    %dma_start3A_1131 = arith.constant 0 : i32
    %dma_start3A_1132 = arith.constant 11 : i32
    %dma_start3A_1133 = arith.constant 0 : i32
    %dma_start3A_1134 = tpu.memref_slice %arg8[%dma_start3A_1132, %dma_start3A_1133] : memref<64x512xf32, #tpu.memory_space<vmem>> -> memref<1x128xf32, #tpu.memory_space<vmem>>
    %dma_start3A_1135 = tpu.memref_squeeze %dma_start3A_1134 : memref<1x128xf32, #tpu.memory_space<vmem>> -> memref<128xf32, #tpu.memory_space<vmem>>
    %dma_start3A_1136 = arith.constant 0 : i32
    %dma_start3A_1137 = tpu.memref_slice %arg7[%dma_start3A_1130, %dma_start3A_1131, %dma_start3A_1136] : memref<64x4x128xi32, #tpu.memory_space<vmem>> -> memref<1x1x128xi32, #tpu.memory_space<vmem>>
    %dma_start3A_1138 = tpu.memref_squeeze %dma_start3A_1137 : memref<1x1x128xi32, #tpu.memory_space<vmem>> -> memref<128xi32, #tpu.memory_space<vmem>>
    %dma_start3A_1139 = arith.constant 0 : i32
    %dma_start3A_1140 = tpu.memref_slice %arg2[%dma_start3A_1139] : memref<209715200xf32, #tpu.memory_space<hbm>> -> memref<209715200xf32, #tpu.memory_space<hbm>>
    tpu.enqueue_indirect_dma source(%dma_start3A_1140 : memref<209715200xf32, #tpu.memory_space<hbm>>) target(%dma_start3A_1135 : memref<128xf32, #tpu.memory_space<vmem>>) offsets(%dma_start3A_1138 : memref<128xi32, #tpu.memory_space<vmem>>) semaphore(%arg9 : memref<!tpu.dma_semaphore, #tpu.memory_space<semaphore_mem>>)
    %dma_start3A_1141 = arith.constant 11 : i32
    %dma_start3A_1142 = arith.constant 1 : i32
    %dma_start3A_1143 = arith.constant 11 : i32
    %dma_start3A_1144 = arith.constant 128 : i32
    %dma_start3A_1145 = tpu.memref_slice %arg8[%dma_start3A_1143, %dma_start3A_1144] : memref<64x512xf32, #tpu.memory_space<vmem>> -> memref<1x128xf32, #tpu.memory_space<vmem>>
    %dma_start3A_1146 = tpu.memref_squeeze %dma_start3A_1145 : memref<1x128xf32, #tpu.memory_space<vmem>> -> memref<128xf32, #tpu.memory_space<vmem>>
    %dma_start3A_1147 = arith.constant 0 : i32
    %dma_start3A_1148 = tpu.memref_slice %arg7[%dma_start3A_1141, %dma_start3A_1142, %dma_start3A_1147] : memref<64x4x128xi32, #tpu.memory_space<vmem>> -> memref<1x1x128xi32, #tpu.memory_space<vmem>>
    %dma_start3A_1149 = tpu.memref_squeeze %dma_start3A_1148 : memref<1x1x128xi32, #tpu.memory_space<vmem>> -> memref<128xi32, #tpu.memory_space<vmem>>
    %dma_start3A_1150 = arith.constant 0 : i32
    %dma_start3A_1151 = tpu.memref_slice %arg2[%dma_start3A_1150] : memref<209715200xf32, #tpu.memory_space<hbm>> -> memref<209715200xf32, #tpu.memory_space<hbm>>
    tpu.enqueue_indirect_dma source(%dma_start3A_1151 : memref<209715200xf32, #tpu.memory_space<hbm>>) target(%dma_start3A_1146 : memref<128xf32, #tpu.memory_space<vmem>>) offsets(%dma_start3A_1149 : memref<128xi32, #tpu.memory_space<vmem>>) semaphore(%arg9 : memref<!tpu.dma_semaphore, #tpu.memory_space<semaphore_mem>>)
    %dma_start3A_1152 = arith.constant 11 : i32
    %dma_start3A_1153 = arith.constant 2 : i32
    %dma_start3A_1154 = arith.constant 11 : i32
    %dma_start3A_1155 = arith.constant 256 : i32
    %dma_start3A_1156 = tpu.memref_slice %arg8[%dma_start3A_1154, %dma_start3A_1155] : memref<64x512xf32, #tpu.memory_space<vmem>> -> memref<1x128xf32, #tpu.memory_space<vmem>>
    %dma_start3A_1157 = tpu.memref_squeeze %dma_start3A_1156 : memref<1x128xf32, #tpu.memory_space<vmem>> -> memref<128xf32, #tpu.memory_space<vmem>>
    %dma_start3A_1158 = arith.constant 0 : i32
    %dma_start3A_1159 = tpu.memref_slice %arg7[%dma_start3A_1152, %dma_start3A_1153, %dma_start3A_1158] : memref<64x4x128xi32, #tpu.memory_space<vmem>> -> memref<1x1x128xi32, #tpu.memory_space<vmem>>
    %dma_start3A_1160 = tpu.memref_squeeze %dma_start3A_1159 : memref<1x1x128xi32, #tpu.memory_space<vmem>> -> memref<128xi32, #tpu.memory_space<vmem>>
    %dma_start3A_1161 = arith.constant 0 : i32
    %dma_start3A_1162 = tpu.memref_slice %arg2[%dma_start3A_1161] : memref<209715200xf32, #tpu.memory_space<hbm>> -> memref<209715200xf32, #tpu.memory_space<hbm>>
    tpu.enqueue_indirect_dma source(%dma_start3A_1162 : memref<209715200xf32, #tpu.memory_space<hbm>>) target(%dma_start3A_1157 : memref<128xf32, #tpu.memory_space<vmem>>) offsets(%dma_start3A_1160 : memref<128xi32, #tpu.memory_space<vmem>>) semaphore(%arg9 : memref<!tpu.dma_semaphore, #tpu.memory_space<semaphore_mem>>)
    %dma_start3A_1163 = arith.constant 11 : i32
    %dma_start3A_1164 = arith.constant 3 : i32
    %dma_start3A_1165 = arith.constant 11 : i32
    %dma_start3A_1166 = arith.constant 384 : i32
    %dma_start3A_1167 = tpu.memref_slice %arg8[%dma_start3A_1165, %dma_start3A_1166] : memref<64x512xf32, #tpu.memory_space<vmem>> -> memref<1x128xf32, #tpu.memory_space<vmem>>
    %dma_start3A_1168 = tpu.memref_squeeze %dma_start3A_1167 : memref<1x128xf32, #tpu.memory_space<vmem>> -> memref<128xf32, #tpu.memory_space<vmem>>
    %dma_start3A_1169 = arith.constant 0 : i32
    %dma_start3A_1170 = tpu.memref_slice %arg7[%dma_start3A_1163, %dma_start3A_1164, %dma_start3A_1169] : memref<64x4x128xi32, #tpu.memory_space<vmem>> -> memref<1x1x128xi32, #tpu.memory_space<vmem>>
    %dma_start3A_1171 = tpu.memref_squeeze %dma_start3A_1170 : memref<1x1x128xi32, #tpu.memory_space<vmem>> -> memref<128xi32, #tpu.memory_space<vmem>>
    %dma_start3A_1172 = arith.constant 0 : i32
    %dma_start3A_1173 = tpu.memref_slice %arg2[%dma_start3A_1172] : memref<209715200xf32, #tpu.memory_space<hbm>> -> memref<209715200xf32, #tpu.memory_space<hbm>>
    tpu.enqueue_indirect_dma source(%dma_start3A_1173 : memref<209715200xf32, #tpu.memory_space<hbm>>) target(%dma_start3A_1168 : memref<128xf32, #tpu.memory_space<vmem>>) offsets(%dma_start3A_1171 : memref<128xi32, #tpu.memory_space<vmem>>) semaphore(%arg9 : memref<!tpu.dma_semaphore, #tpu.memory_space<semaphore_mem>>)
    %dma_start3A_1174 = arith.constant 12 : i32
    %dma_start3A_1175 = arith.constant 0 : i32
    %dma_start3A_1176 = arith.constant 12 : i32
    %dma_start3A_1177 = arith.constant 0 : i32
    %dma_start3A_1178 = tpu.memref_slice %arg8[%dma_start3A_1176, %dma_start3A_1177] : memref<64x512xf32, #tpu.memory_space<vmem>> -> memref<1x128xf32, #tpu.memory_space<vmem>>
    %dma_start3A_1179 = tpu.memref_squeeze %dma_start3A_1178 : memref<1x128xf32, #tpu.memory_space<vmem>> -> memref<128xf32, #tpu.memory_space<vmem>>
    %dma_start3A_1180 = arith.constant 0 : i32
    %dma_start3A_1181 = tpu.memref_slice %arg7[%dma_start3A_1174, %dma_start3A_1175, %dma_start3A_1180] : memref<64x4x128xi32, #tpu.memory_space<vmem>> -> memref<1x1x128xi32, #tpu.memory_space<vmem>>
    %dma_start3A_1182 = tpu.memref_squeeze %dma_start3A_1181 : memref<1x1x128xi32, #tpu.memory_space<vmem>> -> memref<128xi32, #tpu.memory_space<vmem>>
    %dma_start3A_1183 = arith.constant 0 : i32
    %dma_start3A_1184 = tpu.memref_slice %arg2[%dma_start3A_1183] : memref<209715200xf32, #tpu.memory_space<hbm>> -> memref<209715200xf32, #tpu.memory_space<hbm>>
    tpu.enqueue_indirect_dma source(%dma_start3A_1184 : memref<209715200xf32, #tpu.memory_space<hbm>>) target(%dma_start3A_1179 : memref<128xf32, #tpu.memory_space<vmem>>) offsets(%dma_start3A_1182 : memref<128xi32, #tpu.memory_space<vmem>>) semaphore(%arg9 : memref<!tpu.dma_semaphore, #tpu.memory_space<semaphore_mem>>)
    %dma_start3A_1185 = arith.constant 12 : i32
    %dma_start3A_1186 = arith.constant 1 : i32
    %dma_start3A_1187 = arith.constant 12 : i32
    %dma_start3A_1188 = arith.constant 128 : i32
    %dma_start3A_1189 = tpu.memref_slice %arg8[%dma_start3A_1187, %dma_start3A_1188] : memref<64x512xf32, #tpu.memory_space<vmem>> -> memref<1x128xf32, #tpu.memory_space<vmem>>
    %dma_start3A_1190 = tpu.memref_squeeze %dma_start3A_1189 : memref<1x128xf32, #tpu.memory_space<vmem>> -> memref<128xf32, #tpu.memory_space<vmem>>
    %dma_start3A_1191 = arith.constant 0 : i32
    %dma_start3A_1192 = tpu.memref_slice %arg7[%dma_start3A_1185, %dma_start3A_1186, %dma_start3A_1191] : memref<64x4x128xi32, #tpu.memory_space<vmem>> -> memref<1x1x128xi32, #tpu.memory_space<vmem>>
    %dma_start3A_1193 = tpu.memref_squeeze %dma_start3A_1192 : memref<1x1x128xi32, #tpu.memory_space<vmem>> -> memref<128xi32, #tpu.memory_space<vmem>>
    %dma_start3A_1194 = arith.constant 0 : i32
    %dma_start3A_1195 = tpu.memref_slice %arg2[%dma_start3A_1194] : memref<209715200xf32, #tpu.memory_space<hbm>> -> memref<209715200xf32, #tpu.memory_space<hbm>>
    tpu.enqueue_indirect_dma source(%dma_start3A_1195 : memref<209715200xf32, #tpu.memory_space<hbm>>) target(%dma_start3A_1190 : memref<128xf32, #tpu.memory_space<vmem>>) offsets(%dma_start3A_1193 : memref<128xi32, #tpu.memory_space<vmem>>) semaphore(%arg9 : memref<!tpu.dma_semaphore, #tpu.memory_space<semaphore_mem>>)
    %dma_start3A_1196 = arith.constant 12 : i32
    %dma_start3A_1197 = arith.constant 2 : i32
    %dma_start3A_1198 = arith.constant 12 : i32
    %dma_start3A_1199 = arith.constant 256 : i32
    %dma_start3A_1200 = tpu.memref_slice %arg8[%dma_start3A_1198, %dma_start3A_1199] : memref<64x512xf32, #tpu.memory_space<vmem>> -> memref<1x128xf32, #tpu.memory_space<vmem>>
    %dma_start3A_1201 = tpu.memref_squeeze %dma_start3A_1200 : memref<1x128xf32, #tpu.memory_space<vmem>> -> memref<128xf32, #tpu.memory_space<vmem>>
    %dma_start3A_1202 = arith.constant 0 : i32
    %dma_start3A_1203 = tpu.memref_slice %arg7[%dma_start3A_1196, %dma_start3A_1197, %dma_start3A_1202] : memref<64x4x128xi32, #tpu.memory_space<vmem>> -> memref<1x1x128xi32, #tpu.memory_space<vmem>>
    %dma_start3A_1204 = tpu.memref_squeeze %dma_start3A_1203 : memref<1x1x128xi32, #tpu.memory_space<vmem>> -> memref<128xi32, #tpu.memory_space<vmem>>
    %dma_start3A_1205 = arith.constant 0 : i32
    %dma_start3A_1206 = tpu.memref_slice %arg2[%dma_start3A_1205] : memref<209715200xf32, #tpu.memory_space<hbm>> -> memref<209715200xf32, #tpu.memory_space<hbm>>
    tpu.enqueue_indirect_dma source(%dma_start3A_1206 : memref<209715200xf32, #tpu.memory_space<hbm>>) target(%dma_start3A_1201 : memref<128xf32, #tpu.memory_space<vmem>>) offsets(%dma_start3A_1204 : memref<128xi32, #tpu.memory_space<vmem>>) semaphore(%arg9 : memref<!tpu.dma_semaphore, #tpu.memory_space<semaphore_mem>>)
    %dma_start3A_1207 = arith.constant 12 : i32
    %dma_start3A_1208 = arith.constant 3 : i32
    %dma_start3A_1209 = arith.constant 12 : i32
    %dma_start3A_1210 = arith.constant 384 : i32
    %dma_start3A_1211 = tpu.memref_slice %arg8[%dma_start3A_1209, %dma_start3A_1210] : memref<64x512xf32, #tpu.memory_space<vmem>> -> memref<1x128xf32, #tpu.memory_space<vmem>>
    %dma_start3A_1212 = tpu.memref_squeeze %dma_start3A_1211 : memref<1x128xf32, #tpu.memory_space<vmem>> -> memref<128xf32, #tpu.memory_space<vmem>>
    %dma_start3A_1213 = arith.constant 0 : i32
    %dma_start3A_1214 = tpu.memref_slice %arg7[%dma_start3A_1207, %dma_start3A_1208, %dma_start3A_1213] : memref<64x4x128xi32, #tpu.memory_space<vmem>> -> memref<1x1x128xi32, #tpu.memory_space<vmem>>
    %dma_start3A_1215 = tpu.memref_squeeze %dma_start3A_1214 : memref<1x1x128xi32, #tpu.memory_space<vmem>> -> memref<128xi32, #tpu.memory_space<vmem>>
    %dma_start3A_1216 = arith.constant 0 : i32
    %dma_start3A_1217 = tpu.memref_slice %arg2[%dma_start3A_1216] : memref<209715200xf32, #tpu.memory_space<hbm>> -> memref<209715200xf32, #tpu.memory_space<hbm>>
    tpu.enqueue_indirect_dma source(%dma_start3A_1217 : memref<209715200xf32, #tpu.memory_space<hbm>>) target(%dma_start3A_1212 : memref<128xf32, #tpu.memory_space<vmem>>) offsets(%dma_start3A_1215 : memref<128xi32, #tpu.memory_space<vmem>>) semaphore(%arg9 : memref<!tpu.dma_semaphore, #tpu.memory_space<semaphore_mem>>)
    %dma_start3A_1218 = arith.constant 13 : i32
    %dma_start3A_1219 = arith.constant 0 : i32
    %dma_start3A_1220 = arith.constant 13 : i32
    %dma_start3A_1221 = arith.constant 0 : i32
    %dma_start3A_1222 = tpu.memref_slice %arg8[%dma_start3A_1220, %dma_start3A_1221] : memref<64x512xf32, #tpu.memory_space<vmem>> -> memref<1x128xf32, #tpu.memory_space<vmem>>
    %dma_start3A_1223 = tpu.memref_squeeze %dma_start3A_1222 : memref<1x128xf32, #tpu.memory_space<vmem>> -> memref<128xf32, #tpu.memory_space<vmem>>
    %dma_start3A_1224 = arith.constant 0 : i32
    %dma_start3A_1225 = tpu.memref_slice %arg7[%dma_start3A_1218, %dma_start3A_1219, %dma_start3A_1224] : memref<64x4x128xi32, #tpu.memory_space<vmem>> -> memref<1x1x128xi32, #tpu.memory_space<vmem>>
    %dma_start3A_1226 = tpu.memref_squeeze %dma_start3A_1225 : memref<1x1x128xi32, #tpu.memory_space<vmem>> -> memref<128xi32, #tpu.memory_space<vmem>>
    %dma_start3A_1227 = arith.constant 0 : i32
    %dma_start3A_1228 = tpu.memref_slice %arg2[%dma_start3A_1227] : memref<209715200xf32, #tpu.memory_space<hbm>> -> memref<209715200xf32, #tpu.memory_space<hbm>>
    tpu.enqueue_indirect_dma source(%dma_start3A_1228 : memref<209715200xf32, #tpu.memory_space<hbm>>) target(%dma_start3A_1223 : memref<128xf32, #tpu.memory_space<vmem>>) offsets(%dma_start3A_1226 : memref<128xi32, #tpu.memory_space<vmem>>) semaphore(%arg9 : memref<!tpu.dma_semaphore, #tpu.memory_space<semaphore_mem>>)
    %dma_start3A_1229 = arith.constant 13 : i32
    %dma_start3A_1230 = arith.constant 1 : i32
    %dma_start3A_1231 = arith.constant 13 : i32
    %dma_start3A_1232 = arith.constant 128 : i32
    %dma_start3A_1233 = tpu.memref_slice %arg8[%dma_start3A_1231, %dma_start3A_1232] : memref<64x512xf32, #tpu.memory_space<vmem>> -> memref<1x128xf32, #tpu.memory_space<vmem>>
    %dma_start3A_1234 = tpu.memref_squeeze %dma_start3A_1233 : memref<1x128xf32, #tpu.memory_space<vmem>> -> memref<128xf32, #tpu.memory_space<vmem>>
    %dma_start3A_1235 = arith.constant 0 : i32
    %dma_start3A_1236 = tpu.memref_slice %arg7[%dma_start3A_1229, %dma_start3A_1230, %dma_start3A_1235] : memref<64x4x128xi32, #tpu.memory_space<vmem>> -> memref<1x1x128xi32, #tpu.memory_space<vmem>>
    %dma_start3A_1237 = tpu.memref_squeeze %dma_start3A_1236 : memref<1x1x128xi32, #tpu.memory_space<vmem>> -> memref<128xi32, #tpu.memory_space<vmem>>
    %dma_start3A_1238 = arith.constant 0 : i32
    %dma_start3A_1239 = tpu.memref_slice %arg2[%dma_start3A_1238] : memref<209715200xf32, #tpu.memory_space<hbm>> -> memref<209715200xf32, #tpu.memory_space<hbm>>
    tpu.enqueue_indirect_dma source(%dma_start3A_1239 : memref<209715200xf32, #tpu.memory_space<hbm>>) target(%dma_start3A_1234 : memref<128xf32, #tpu.memory_space<vmem>>) offsets(%dma_start3A_1237 : memref<128xi32, #tpu.memory_space<vmem>>) semaphore(%arg9 : memref<!tpu.dma_semaphore, #tpu.memory_space<semaphore_mem>>)
    %dma_start3A_1240 = arith.constant 13 : i32
    %dma_start3A_1241 = arith.constant 2 : i32
    %dma_start3A_1242 = arith.constant 13 : i32
    %dma_start3A_1243 = arith.constant 256 : i32
    %dma_start3A_1244 = tpu.memref_slice %arg8[%dma_start3A_1242, %dma_start3A_1243] : memref<64x512xf32, #tpu.memory_space<vmem>> -> memref<1x128xf32, #tpu.memory_space<vmem>>
    %dma_start3A_1245 = tpu.memref_squeeze %dma_start3A_1244 : memref<1x128xf32, #tpu.memory_space<vmem>> -> memref<128xf32, #tpu.memory_space<vmem>>
    %dma_start3A_1246 = arith.constant 0 : i32
    %dma_start3A_1247 = tpu.memref_slice %arg7[%dma_start3A_1240, %dma_start3A_1241, %dma_start3A_1246] : memref<64x4x128xi32, #tpu.memory_space<vmem>> -> memref<1x1x128xi32, #tpu.memory_space<vmem>>
    %dma_start3A_1248 = tpu.memref_squeeze %dma_start3A_1247 : memref<1x1x128xi32, #tpu.memory_space<vmem>> -> memref<128xi32, #tpu.memory_space<vmem>>
    %dma_start3A_1249 = arith.constant 0 : i32
    %dma_start3A_1250 = tpu.memref_slice %arg2[%dma_start3A_1249] : memref<209715200xf32, #tpu.memory_space<hbm>> -> memref<209715200xf32, #tpu.memory_space<hbm>>
    tpu.enqueue_indirect_dma source(%dma_start3A_1250 : memref<209715200xf32, #tpu.memory_space<hbm>>) target(%dma_start3A_1245 : memref<128xf32, #tpu.memory_space<vmem>>) offsets(%dma_start3A_1248 : memref<128xi32, #tpu.memory_space<vmem>>) semaphore(%arg9 : memref<!tpu.dma_semaphore, #tpu.memory_space<semaphore_mem>>)
    %dma_start3A_1251 = arith.constant 13 : i32
    %dma_start3A_1252 = arith.constant 3 : i32
    %dma_start3A_1253 = arith.constant 13 : i32
    %dma_start3A_1254 = arith.constant 384 : i32
    %dma_start3A_1255 = tpu.memref_slice %arg8[%dma_start3A_1253, %dma_start3A_1254] : memref<64x512xf32, #tpu.memory_space<vmem>> -> memref<1x128xf32, #tpu.memory_space<vmem>>
    %dma_start3A_1256 = tpu.memref_squeeze %dma_start3A_1255 : memref<1x128xf32, #tpu.memory_space<vmem>> -> memref<128xf32, #tpu.memory_space<vmem>>
    %dma_start3A_1257 = arith.constant 0 : i32
    %dma_start3A_1258 = tpu.memref_slice %arg7[%dma_start3A_1251, %dma_start3A_1252, %dma_start3A_1257] : memref<64x4x128xi32, #tpu.memory_space<vmem>> -> memref<1x1x128xi32, #tpu.memory_space<vmem>>
    %dma_start3A_1259 = tpu.memref_squeeze %dma_start3A_1258 : memref<1x1x128xi32, #tpu.memory_space<vmem>> -> memref<128xi32, #tpu.memory_space<vmem>>
    %dma_start3A_1260 = arith.constant 0 : i32
    %dma_start3A_1261 = tpu.memref_slice %arg2[%dma_start3A_1260] : memref<209715200xf32, #tpu.memory_space<hbm>> -> memref<209715200xf32, #tpu.memory_space<hbm>>
    tpu.enqueue_indirect_dma source(%dma_start3A_1261 : memref<209715200xf32, #tpu.memory_space<hbm>>) target(%dma_start3A_1256 : memref<128xf32, #tpu.memory_space<vmem>>) offsets(%dma_start3A_1259 : memref<128xi32, #tpu.memory_space<vmem>>) semaphore(%arg9 : memref<!tpu.dma_semaphore, #tpu.memory_space<semaphore_mem>>)
    %dma_start3A_1262 = arith.constant 14 : i32
    %dma_start3A_1263 = arith.constant 0 : i32
    %dma_start3A_1264 = arith.constant 14 : i32
    %dma_start3A_1265 = arith.constant 0 : i32
    %dma_start3A_1266 = tpu.memref_slice %arg8[%dma_start3A_1264, %dma_start3A_1265] : memref<64x512xf32, #tpu.memory_space<vmem>> -> memref<1x128xf32, #tpu.memory_space<vmem>>
    %dma_start3A_1267 = tpu.memref_squeeze %dma_start3A_1266 : memref<1x128xf32, #tpu.memory_space<vmem>> -> memref<128xf32, #tpu.memory_space<vmem>>
    %dma_start3A_1268 = arith.constant 0 : i32
    %dma_start3A_1269 = tpu.memref_slice %arg7[%dma_start3A_1262, %dma_start3A_1263, %dma_start3A_1268] : memref<64x4x128xi32, #tpu.memory_space<vmem>> -> memref<1x1x128xi32, #tpu.memory_space<vmem>>
    %dma_start3A_1270 = tpu.memref_squeeze %dma_start3A_1269 : memref<1x1x128xi32, #tpu.memory_space<vmem>> -> memref<128xi32, #tpu.memory_space<vmem>>
    %dma_start3A_1271 = arith.constant 0 : i32
    %dma_start3A_1272 = tpu.memref_slice %arg2[%dma_start3A_1271] : memref<209715200xf32, #tpu.memory_space<hbm>> -> memref<209715200xf32, #tpu.memory_space<hbm>>
    tpu.enqueue_indirect_dma source(%dma_start3A_1272 : memref<209715200xf32, #tpu.memory_space<hbm>>) target(%dma_start3A_1267 : memref<128xf32, #tpu.memory_space<vmem>>) offsets(%dma_start3A_1270 : memref<128xi32, #tpu.memory_space<vmem>>) semaphore(%arg9 : memref<!tpu.dma_semaphore, #tpu.memory_space<semaphore_mem>>)
    %dma_start3A_1273 = arith.constant 14 : i32
    %dma_start3A_1274 = arith.constant 1 : i32
    %dma_start3A_1275 = arith.constant 14 : i32
    %dma_start3A_1276 = arith.constant 128 : i32
    %dma_start3A_1277 = tpu.memref_slice %arg8[%dma_start3A_1275, %dma_start3A_1276] : memref<64x512xf32, #tpu.memory_space<vmem>> -> memref<1x128xf32, #tpu.memory_space<vmem>>
    %dma_start3A_1278 = tpu.memref_squeeze %dma_start3A_1277 : memref<1x128xf32, #tpu.memory_space<vmem>> -> memref<128xf32, #tpu.memory_space<vmem>>
    %dma_start3A_1279 = arith.constant 0 : i32
    %dma_start3A_1280 = tpu.memref_slice %arg7[%dma_start3A_1273, %dma_start3A_1274, %dma_start3A_1279] : memref<64x4x128xi32, #tpu.memory_space<vmem>> -> memref<1x1x128xi32, #tpu.memory_space<vmem>>
    %dma_start3A_1281 = tpu.memref_squeeze %dma_start3A_1280 : memref<1x1x128xi32, #tpu.memory_space<vmem>> -> memref<128xi32, #tpu.memory_space<vmem>>
    %dma_start3A_1282 = arith.constant 0 : i32
    %dma_start3A_1283 = tpu.memref_slice %arg2[%dma_start3A_1282] : memref<209715200xf32, #tpu.memory_space<hbm>> -> memref<209715200xf32, #tpu.memory_space<hbm>>
    tpu.enqueue_indirect_dma source(%dma_start3A_1283 : memref<209715200xf32, #tpu.memory_space<hbm>>) target(%dma_start3A_1278 : memref<128xf32, #tpu.memory_space<vmem>>) offsets(%dma_start3A_1281 : memref<128xi32, #tpu.memory_space<vmem>>) semaphore(%arg9 : memref<!tpu.dma_semaphore, #tpu.memory_space<semaphore_mem>>)
    %dma_start3A_1284 = arith.constant 14 : i32
    %dma_start3A_1285 = arith.constant 2 : i32
    %dma_start3A_1286 = arith.constant 14 : i32
    %dma_start3A_1287 = arith.constant 256 : i32
    %dma_start3A_1288 = tpu.memref_slice %arg8[%dma_start3A_1286, %dma_start3A_1287] : memref<64x512xf32, #tpu.memory_space<vmem>> -> memref<1x128xf32, #tpu.memory_space<vmem>>
    %dma_start3A_1289 = tpu.memref_squeeze %dma_start3A_1288 : memref<1x128xf32, #tpu.memory_space<vmem>> -> memref<128xf32, #tpu.memory_space<vmem>>
    %dma_start3A_1290 = arith.constant 0 : i32
    %dma_start3A_1291 = tpu.memref_slice %arg7[%dma_start3A_1284, %dma_start3A_1285, %dma_start3A_1290] : memref<64x4x128xi32, #tpu.memory_space<vmem>> -> memref<1x1x128xi32, #tpu.memory_space<vmem>>
    %dma_start3A_1292 = tpu.memref_squeeze %dma_start3A_1291 : memref<1x1x128xi32, #tpu.memory_space<vmem>> -> memref<128xi32, #tpu.memory_space<vmem>>
    %dma_start3A_1293 = arith.constant 0 : i32
    %dma_start3A_1294 = tpu.memref_slice %arg2[%dma_start3A_1293] : memref<209715200xf32, #tpu.memory_space<hbm>> -> memref<209715200xf32, #tpu.memory_space<hbm>>
    tpu.enqueue_indirect_dma source(%dma_start3A_1294 : memref<209715200xf32, #tpu.memory_space<hbm>>) target(%dma_start3A_1289 : memref<128xf32, #tpu.memory_space<vmem>>) offsets(%dma_start3A_1292 : memref<128xi32, #tpu.memory_space<vmem>>) semaphore(%arg9 : memref<!tpu.dma_semaphore, #tpu.memory_space<semaphore_mem>>)
    %dma_start3A_1295 = arith.constant 14 : i32
    %dma_start3A_1296 = arith.constant 3 : i32
    %dma_start3A_1297 = arith.constant 14 : i32
    %dma_start3A_1298 = arith.constant 384 : i32
    %dma_start3A_1299 = tpu.memref_slice %arg8[%dma_start3A_1297, %dma_start3A_1298] : memref<64x512xf32, #tpu.memory_space<vmem>> -> memref<1x128xf32, #tpu.memory_space<vmem>>
    %dma_start3A_1300 = tpu.memref_squeeze %dma_start3A_1299 : memref<1x128xf32, #tpu.memory_space<vmem>> -> memref<128xf32, #tpu.memory_space<vmem>>
    %dma_start3A_1301 = arith.constant 0 : i32
    %dma_start3A_1302 = tpu.memref_slice %arg7[%dma_start3A_1295, %dma_start3A_1296, %dma_start3A_1301] : memref<64x4x128xi32, #tpu.memory_space<vmem>> -> memref<1x1x128xi32, #tpu.memory_space<vmem>>
    %dma_start3A_1303 = tpu.memref_squeeze %dma_start3A_1302 : memref<1x1x128xi32, #tpu.memory_space<vmem>> -> memref<128xi32, #tpu.memory_space<vmem>>
    %dma_start3A_1304 = arith.constant 0 : i32
    %dma_start3A_1305 = tpu.memref_slice %arg2[%dma_start3A_1304] : memref<209715200xf32, #tpu.memory_space<hbm>> -> memref<209715200xf32, #tpu.memory_space<hbm>>
    tpu.enqueue_indirect_dma source(%dma_start3A_1305 : memref<209715200xf32, #tpu.memory_space<hbm>>) target(%dma_start3A_1300 : memref<128xf32, #tpu.memory_space<vmem>>) offsets(%dma_start3A_1303 : memref<128xi32, #tpu.memory_space<vmem>>) semaphore(%arg9 : memref<!tpu.dma_semaphore, #tpu.memory_space<semaphore_mem>>)
    %dma_start3A_1306 = arith.constant 15 : i32
    %dma_start3A_1307 = arith.constant 0 : i32
    %dma_start3A_1308 = arith.constant 15 : i32
    %dma_start3A_1309 = arith.constant 0 : i32
    %dma_start3A_1310 = tpu.memref_slice %arg8[%dma_start3A_1308, %dma_start3A_1309] : memref<64x512xf32, #tpu.memory_space<vmem>> -> memref<1x128xf32, #tpu.memory_space<vmem>>
    %dma_start3A_1311 = tpu.memref_squeeze %dma_start3A_1310 : memref<1x128xf32, #tpu.memory_space<vmem>> -> memref<128xf32, #tpu.memory_space<vmem>>
    %dma_start3A_1312 = arith.constant 0 : i32
    %dma_start3A_1313 = tpu.memref_slice %arg7[%dma_start3A_1306, %dma_start3A_1307, %dma_start3A_1312] : memref<64x4x128xi32, #tpu.memory_space<vmem>> -> memref<1x1x128xi32, #tpu.memory_space<vmem>>
    %dma_start3A_1314 = tpu.memref_squeeze %dma_start3A_1313 : memref<1x1x128xi32, #tpu.memory_space<vmem>> -> memref<128xi32, #tpu.memory_space<vmem>>
    %dma_start3A_1315 = arith.constant 0 : i32
    %dma_start3A_1316 = tpu.memref_slice %arg2[%dma_start3A_1315] : memref<209715200xf32, #tpu.memory_space<hbm>> -> memref<209715200xf32, #tpu.memory_space<hbm>>
    tpu.enqueue_indirect_dma source(%dma_start3A_1316 : memref<209715200xf32, #tpu.memory_space<hbm>>) target(%dma_start3A_1311 : memref<128xf32, #tpu.memory_space<vmem>>) offsets(%dma_start3A_1314 : memref<128xi32, #tpu.memory_space<vmem>>) semaphore(%arg9 : memref<!tpu.dma_semaphore, #tpu.memory_space<semaphore_mem>>)
    %dma_start3A_1317 = arith.constant 15 : i32
    %dma_start3A_1318 = arith.constant 1 : i32
    %dma_start3A_1319 = arith.constant 15 : i32
    %dma_start3A_1320 = arith.constant 128 : i32
    %dma_start3A_1321 = tpu.memref_slice %arg8[%dma_start3A_1319, %dma_start3A_1320] : memref<64x512xf32, #tpu.memory_space<vmem>> -> memref<1x128xf32, #tpu.memory_space<vmem>>
    %dma_start3A_1322 = tpu.memref_squeeze %dma_start3A_1321 : memref<1x128xf32, #tpu.memory_space<vmem>> -> memref<128xf32, #tpu.memory_space<vmem>>
    %dma_start3A_1323 = arith.constant 0 : i32
    %dma_start3A_1324 = tpu.memref_slice %arg7[%dma_start3A_1317, %dma_start3A_1318, %dma_start3A_1323] : memref<64x4x128xi32, #tpu.memory_space<vmem>> -> memref<1x1x128xi32, #tpu.memory_space<vmem>>
    %dma_start3A_1325 = tpu.memref_squeeze %dma_start3A_1324 : memref<1x1x128xi32, #tpu.memory_space<vmem>> -> memref<128xi32, #tpu.memory_space<vmem>>
    %dma_start3A_1326 = arith.constant 0 : i32
    %dma_start3A_1327 = tpu.memref_slice %arg2[%dma_start3A_1326] : memref<209715200xf32, #tpu.memory_space<hbm>> -> memref<209715200xf32, #tpu.memory_space<hbm>>
    tpu.enqueue_indirect_dma source(%dma_start3A_1327 : memref<209715200xf32, #tpu.memory_space<hbm>>) target(%dma_start3A_1322 : memref<128xf32, #tpu.memory_space<vmem>>) offsets(%dma_start3A_1325 : memref<128xi32, #tpu.memory_space<vmem>>) semaphore(%arg9 : memref<!tpu.dma_semaphore, #tpu.memory_space<semaphore_mem>>)
    %dma_start3A_1328 = arith.constant 15 : i32
    %dma_start3A_1329 = arith.constant 2 : i32
    %dma_start3A_1330 = arith.constant 15 : i32
    %dma_start3A_1331 = arith.constant 256 : i32
    %dma_start3A_1332 = tpu.memref_slice %arg8[%dma_start3A_1330, %dma_start3A_1331] : memref<64x512xf32, #tpu.memory_space<vmem>> -> memref<1x128xf32, #tpu.memory_space<vmem>>
    %dma_start3A_1333 = tpu.memref_squeeze %dma_start3A_1332 : memref<1x128xf32, #tpu.memory_space<vmem>> -> memref<128xf32, #tpu.memory_space<vmem>>
    %dma_start3A_1334 = arith.constant 0 : i32
    %dma_start3A_1335 = tpu.memref_slice %arg7[%dma_start3A_1328, %dma_start3A_1329, %dma_start3A_1334] : memref<64x4x128xi32, #tpu.memory_space<vmem>> -> memref<1x1x128xi32, #tpu.memory_space<vmem>>
    %dma_start3A_1336 = tpu.memref_squeeze %dma_start3A_1335 : memref<1x1x128xi32, #tpu.memory_space<vmem>> -> memref<128xi32, #tpu.memory_space<vmem>>
    %dma_start3A_1337 = arith.constant 0 : i32
    %dma_start3A_1338 = tpu.memref_slice %arg2[%dma_start3A_1337] : memref<209715200xf32, #tpu.memory_space<hbm>> -> memref<209715200xf32, #tpu.memory_space<hbm>>
    tpu.enqueue_indirect_dma source(%dma_start3A_1338 : memref<209715200xf32, #tpu.memory_space<hbm>>) target(%dma_start3A_1333 : memref<128xf32, #tpu.memory_space<vmem>>) offsets(%dma_start3A_1336 : memref<128xi32, #tpu.memory_space<vmem>>) semaphore(%arg9 : memref<!tpu.dma_semaphore, #tpu.memory_space<semaphore_mem>>)
    %dma_start3A_1339 = arith.constant 15 : i32
    %dma_start3A_1340 = arith.constant 3 : i32
    %dma_start3A_1341 = arith.constant 15 : i32
    %dma_start3A_1342 = arith.constant 384 : i32
    %dma_start3A_1343 = tpu.memref_slice %arg8[%dma_start3A_1341, %dma_start3A_1342] : memref<64x512xf32, #tpu.memory_space<vmem>> -> memref<1x128xf32, #tpu.memory_space<vmem>>
    %dma_start3A_1344 = tpu.memref_squeeze %dma_start3A_1343 : memref<1x128xf32, #tpu.memory_space<vmem>> -> memref<128xf32, #tpu.memory_space<vmem>>
    %dma_start3A_1345 = arith.constant 0 : i32
    %dma_start3A_1346 = tpu.memref_slice %arg7[%dma_start3A_1339, %dma_start3A_1340, %dma_start3A_1345] : memref<64x4x128xi32, #tpu.memory_space<vmem>> -> memref<1x1x128xi32, #tpu.memory_space<vmem>>
    %dma_start3A_1347 = tpu.memref_squeeze %dma_start3A_1346 : memref<1x1x128xi32, #tpu.memory_space<vmem>> -> memref<128xi32, #tpu.memory_space<vmem>>
    %dma_start3A_1348 = arith.constant 0 : i32
    %dma_start3A_1349 = tpu.memref_slice %arg2[%dma_start3A_1348] : memref<209715200xf32, #tpu.memory_space<hbm>> -> memref<209715200xf32, #tpu.memory_space<hbm>>
    tpu.enqueue_indirect_dma source(%dma_start3A_1349 : memref<209715200xf32, #tpu.memory_space<hbm>>) target(%dma_start3A_1344 : memref<128xf32, #tpu.memory_space<vmem>>) offsets(%dma_start3A_1347 : memref<128xi32, #tpu.memory_space<vmem>>) semaphore(%arg9 : memref<!tpu.dma_semaphore, #tpu.memory_space<semaphore_mem>>)
    %dma_start3A_1350 = arith.constant 16 : i32
    %dma_start3A_1351 = arith.constant 0 : i32
    %dma_start3A_1352 = arith.constant 16 : i32
    %dma_start3A_1353 = arith.constant 0 : i32
    %dma_start3A_1354 = tpu.memref_slice %arg8[%dma_start3A_1352, %dma_start3A_1353] : memref<64x512xf32, #tpu.memory_space<vmem>> -> memref<1x128xf32, #tpu.memory_space<vmem>>
    %dma_start3A_1355 = tpu.memref_squeeze %dma_start3A_1354 : memref<1x128xf32, #tpu.memory_space<vmem>> -> memref<128xf32, #tpu.memory_space<vmem>>
    %dma_start3A_1356 = arith.constant 0 : i32
    %dma_start3A_1357 = tpu.memref_slice %arg7[%dma_start3A_1350, %dma_start3A_1351, %dma_start3A_1356] : memref<64x4x128xi32, #tpu.memory_space<vmem>> -> memref<1x1x128xi32, #tpu.memory_space<vmem>>
    %dma_start3A_1358 = tpu.memref_squeeze %dma_start3A_1357 : memref<1x1x128xi32, #tpu.memory_space<vmem>> -> memref<128xi32, #tpu.memory_space<vmem>>
    %dma_start3A_1359 = arith.constant 0 : i32
    %dma_start3A_1360 = tpu.memref_slice %arg2[%dma_start3A_1359] : memref<209715200xf32, #tpu.memory_space<hbm>> -> memref<209715200xf32, #tpu.memory_space<hbm>>
    tpu.enqueue_indirect_dma source(%dma_start3A_1360 : memref<209715200xf32, #tpu.memory_space<hbm>>) target(%dma_start3A_1355 : memref<128xf32, #tpu.memory_space<vmem>>) offsets(%dma_start3A_1358 : memref<128xi32, #tpu.memory_space<vmem>>) semaphore(%arg9 : memref<!tpu.dma_semaphore, #tpu.memory_space<semaphore_mem>>)
    %dma_start3A_1361 = arith.constant 16 : i32
    %dma_start3A_1362 = arith.constant 1 : i32
    %dma_start3A_1363 = arith.constant 16 : i32
    %dma_start3A_1364 = arith.constant 128 : i32
    %dma_start3A_1365 = tpu.memref_slice %arg8[%dma_start3A_1363, %dma_start3A_1364] : memref<64x512xf32, #tpu.memory_space<vmem>> -> memref<1x128xf32, #tpu.memory_space<vmem>>
    %dma_start3A_1366 = tpu.memref_squeeze %dma_start3A_1365 : memref<1x128xf32, #tpu.memory_space<vmem>> -> memref<128xf32, #tpu.memory_space<vmem>>
    %dma_start3A_1367 = arith.constant 0 : i32
    %dma_start3A_1368 = tpu.memref_slice %arg7[%dma_start3A_1361, %dma_start3A_1362, %dma_start3A_1367] : memref<64x4x128xi32, #tpu.memory_space<vmem>> -> memref<1x1x128xi32, #tpu.memory_space<vmem>>
    %dma_start3A_1369 = tpu.memref_squeeze %dma_start3A_1368 : memref<1x1x128xi32, #tpu.memory_space<vmem>> -> memref<128xi32, #tpu.memory_space<vmem>>
    %dma_start3A_1370 = arith.constant 0 : i32
    %dma_start3A_1371 = tpu.memref_slice %arg2[%dma_start3A_1370] : memref<209715200xf32, #tpu.memory_space<hbm>> -> memref<209715200xf32, #tpu.memory_space<hbm>>
    tpu.enqueue_indirect_dma source(%dma_start3A_1371 : memref<209715200xf32, #tpu.memory_space<hbm>>) target(%dma_start3A_1366 : memref<128xf32, #tpu.memory_space<vmem>>) offsets(%dma_start3A_1369 : memref<128xi32, #tpu.memory_space<vmem>>) semaphore(%arg9 : memref<!tpu.dma_semaphore, #tpu.memory_space<semaphore_mem>>)
    %dma_start3A_1372 = arith.constant 16 : i32
    %dma_start3A_1373 = arith.constant 2 : i32
    %dma_start3A_1374 = arith.constant 16 : i32
    %dma_start3A_1375 = arith.constant 256 : i32
    %dma_start3A_1376 = tpu.memref_slice %arg8[%dma_start3A_1374, %dma_start3A_1375] : memref<64x512xf32, #tpu.memory_space<vmem>> -> memref<1x128xf32, #tpu.memory_space<vmem>>
    %dma_start3A_1377 = tpu.memref_squeeze %dma_start3A_1376 : memref<1x128xf32, #tpu.memory_space<vmem>> -> memref<128xf32, #tpu.memory_space<vmem>>
    %dma_start3A_1378 = arith.constant 0 : i32
    %dma_start3A_1379 = tpu.memref_slice %arg7[%dma_start3A_1372, %dma_start3A_1373, %dma_start3A_1378] : memref<64x4x128xi32, #tpu.memory_space<vmem>> -> memref<1x1x128xi32, #tpu.memory_space<vmem>>
    %dma_start3A_1380 = tpu.memref_squeeze %dma_start3A_1379 : memref<1x1x128xi32, #tpu.memory_space<vmem>> -> memref<128xi32, #tpu.memory_space<vmem>>
    %dma_start3A_1381 = arith.constant 0 : i32
    %dma_start3A_1382 = tpu.memref_slice %arg2[%dma_start3A_1381] : memref<209715200xf32, #tpu.memory_space<hbm>> -> memref<209715200xf32, #tpu.memory_space<hbm>>
    tpu.enqueue_indirect_dma source(%dma_start3A_1382 : memref<209715200xf32, #tpu.memory_space<hbm>>) target(%dma_start3A_1377 : memref<128xf32, #tpu.memory_space<vmem>>) offsets(%dma_start3A_1380 : memref<128xi32, #tpu.memory_space<vmem>>) semaphore(%arg9 : memref<!tpu.dma_semaphore, #tpu.memory_space<semaphore_mem>>)
    %dma_start3A_1383 = arith.constant 16 : i32
    %dma_start3A_1384 = arith.constant 3 : i32
    %dma_start3A_1385 = arith.constant 16 : i32
    %dma_start3A_1386 = arith.constant 384 : i32
    %dma_start3A_1387 = tpu.memref_slice %arg8[%dma_start3A_1385, %dma_start3A_1386] : memref<64x512xf32, #tpu.memory_space<vmem>> -> memref<1x128xf32, #tpu.memory_space<vmem>>
    %dma_start3A_1388 = tpu.memref_squeeze %dma_start3A_1387 : memref<1x128xf32, #tpu.memory_space<vmem>> -> memref<128xf32, #tpu.memory_space<vmem>>
    %dma_start3A_1389 = arith.constant 0 : i32
    %dma_start3A_1390 = tpu.memref_slice %arg7[%dma_start3A_1383, %dma_start3A_1384, %dma_start3A_1389] : memref<64x4x128xi32, #tpu.memory_space<vmem>> -> memref<1x1x128xi32, #tpu.memory_space<vmem>>
    %dma_start3A_1391 = tpu.memref_squeeze %dma_start3A_1390 : memref<1x1x128xi32, #tpu.memory_space<vmem>> -> memref<128xi32, #tpu.memory_space<vmem>>
    %dma_start3A_1392 = arith.constant 0 : i32
    %dma_start3A_1393 = tpu.memref_slice %arg2[%dma_start3A_1392] : memref<209715200xf32, #tpu.memory_space<hbm>> -> memref<209715200xf32, #tpu.memory_space<hbm>>
    tpu.enqueue_indirect_dma source(%dma_start3A_1393 : memref<209715200xf32, #tpu.memory_space<hbm>>) target(%dma_start3A_1388 : memref<128xf32, #tpu.memory_space<vmem>>) offsets(%dma_start3A_1391 : memref<128xi32, #tpu.memory_space<vmem>>) semaphore(%arg9 : memref<!tpu.dma_semaphore, #tpu.memory_space<semaphore_mem>>)
    %dma_start3A_1394 = arith.constant 17 : i32
    %dma_start3A_1395 = arith.constant 0 : i32
    %dma_start3A_1396 = arith.constant 17 : i32
    %dma_start3A_1397 = arith.constant 0 : i32
    %dma_start3A_1398 = tpu.memref_slice %arg8[%dma_start3A_1396, %dma_start3A_1397] : memref<64x512xf32, #tpu.memory_space<vmem>> -> memref<1x128xf32, #tpu.memory_space<vmem>>
    %dma_start3A_1399 = tpu.memref_squeeze %dma_start3A_1398 : memref<1x128xf32, #tpu.memory_space<vmem>> -> memref<128xf32, #tpu.memory_space<vmem>>
    %dma_start3A_1400 = arith.constant 0 : i32
    %dma_start3A_1401 = tpu.memref_slice %arg7[%dma_start3A_1394, %dma_start3A_1395, %dma_start3A_1400] : memref<64x4x128xi32, #tpu.memory_space<vmem>> -> memref<1x1x128xi32, #tpu.memory_space<vmem>>
    %dma_start3A_1402 = tpu.memref_squeeze %dma_start3A_1401 : memref<1x1x128xi32, #tpu.memory_space<vmem>> -> memref<128xi32, #tpu.memory_space<vmem>>
    %dma_start3A_1403 = arith.constant 0 : i32
    %dma_start3A_1404 = tpu.memref_slice %arg2[%dma_start3A_1403] : memref<209715200xf32, #tpu.memory_space<hbm>> -> memref<209715200xf32, #tpu.memory_space<hbm>>
    tpu.enqueue_indirect_dma source(%dma_start3A_1404 : memref<209715200xf32, #tpu.memory_space<hbm>>) target(%dma_start3A_1399 : memref<128xf32, #tpu.memory_space<vmem>>) offsets(%dma_start3A_1402 : memref<128xi32, #tpu.memory_space<vmem>>) semaphore(%arg9 : memref<!tpu.dma_semaphore, #tpu.memory_space<semaphore_mem>>)
    %dma_start3A_1405 = arith.constant 17 : i32
    %dma_start3A_1406 = arith.constant 1 : i32
    %dma_start3A_1407 = arith.constant 17 : i32
    %dma_start3A_1408 = arith.constant 128 : i32
    %dma_start3A_1409 = tpu.memref_slice %arg8[%dma_start3A_1407, %dma_start3A_1408] : memref<64x512xf32, #tpu.memory_space<vmem>> -> memref<1x128xf32, #tpu.memory_space<vmem>>
    %dma_start3A_1410 = tpu.memref_squeeze %dma_start3A_1409 : memref<1x128xf32, #tpu.memory_space<vmem>> -> memref<128xf32, #tpu.memory_space<vmem>>
    %dma_start3A_1411 = arith.constant 0 : i32
    %dma_start3A_1412 = tpu.memref_slice %arg7[%dma_start3A_1405, %dma_start3A_1406, %dma_start3A_1411] : memref<64x4x128xi32, #tpu.memory_space<vmem>> -> memref<1x1x128xi32, #tpu.memory_space<vmem>>
    %dma_start3A_1413 = tpu.memref_squeeze %dma_start3A_1412 : memref<1x1x128xi32, #tpu.memory_space<vmem>> -> memref<128xi32, #tpu.memory_space<vmem>>
    %dma_start3A_1414 = arith.constant 0 : i32
    %dma_start3A_1415 = tpu.memref_slice %arg2[%dma_start3A_1414] : memref<209715200xf32, #tpu.memory_space<hbm>> -> memref<209715200xf32, #tpu.memory_space<hbm>>
    tpu.enqueue_indirect_dma source(%dma_start3A_1415 : memref<209715200xf32, #tpu.memory_space<hbm>>) target(%dma_start3A_1410 : memref<128xf32, #tpu.memory_space<vmem>>) offsets(%dma_start3A_1413 : memref<128xi32, #tpu.memory_space<vmem>>) semaphore(%arg9 : memref<!tpu.dma_semaphore, #tpu.memory_space<semaphore_mem>>)
    %dma_start3A_1416 = arith.constant 17 : i32
    %dma_start3A_1417 = arith.constant 2 : i32
    %dma_start3A_1418 = arith.constant 17 : i32
    %dma_start3A_1419 = arith.constant 256 : i32
    %dma_start3A_1420 = tpu.memref_slice %arg8[%dma_start3A_1418, %dma_start3A_1419] : memref<64x512xf32, #tpu.memory_space<vmem>> -> memref<1x128xf32, #tpu.memory_space<vmem>>
    %dma_start3A_1421 = tpu.memref_squeeze %dma_start3A_1420 : memref<1x128xf32, #tpu.memory_space<vmem>> -> memref<128xf32, #tpu.memory_space<vmem>>
    %dma_start3A_1422 = arith.constant 0 : i32
    %dma_start3A_1423 = tpu.memref_slice %arg7[%dma_start3A_1416, %dma_start3A_1417, %dma_start3A_1422] : memref<64x4x128xi32, #tpu.memory_space<vmem>> -> memref<1x1x128xi32, #tpu.memory_space<vmem>>
    %dma_start3A_1424 = tpu.memref_squeeze %dma_start3A_1423 : memref<1x1x128xi32, #tpu.memory_space<vmem>> -> memref<128xi32, #tpu.memory_space<vmem>>
    %dma_start3A_1425 = arith.constant 0 : i32
    %dma_start3A_1426 = tpu.memref_slice %arg2[%dma_start3A_1425] : memref<209715200xf32, #tpu.memory_space<hbm>> -> memref<209715200xf32, #tpu.memory_space<hbm>>
    tpu.enqueue_indirect_dma source(%dma_start3A_1426 : memref<209715200xf32, #tpu.memory_space<hbm>>) target(%dma_start3A_1421 : memref<128xf32, #tpu.memory_space<vmem>>) offsets(%dma_start3A_1424 : memref<128xi32, #tpu.memory_space<vmem>>) semaphore(%arg9 : memref<!tpu.dma_semaphore, #tpu.memory_space<semaphore_mem>>)
    %dma_start3A_1427 = arith.constant 17 : i32
    %dma_start3A_1428 = arith.constant 3 : i32
    %dma_start3A_1429 = arith.constant 17 : i32
    %dma_start3A_1430 = arith.constant 384 : i32
    %dma_start3A_1431 = tpu.memref_slice %arg8[%dma_start3A_1429, %dma_start3A_1430] : memref<64x512xf32, #tpu.memory_space<vmem>> -> memref<1x128xf32, #tpu.memory_space<vmem>>
    %dma_start3A_1432 = tpu.memref_squeeze %dma_start3A_1431 : memref<1x128xf32, #tpu.memory_space<vmem>> -> memref<128xf32, #tpu.memory_space<vmem>>
    %dma_start3A_1433 = arith.constant 0 : i32
    %dma_start3A_1434 = tpu.memref_slice %arg7[%dma_start3A_1427, %dma_start3A_1428, %dma_start3A_1433] : memref<64x4x128xi32, #tpu.memory_space<vmem>> -> memref<1x1x128xi32, #tpu.memory_space<vmem>>
    %dma_start3A_1435 = tpu.memref_squeeze %dma_start3A_1434 : memref<1x1x128xi32, #tpu.memory_space<vmem>> -> memref<128xi32, #tpu.memory_space<vmem>>
    %dma_start3A_1436 = arith.constant 0 : i32
    %dma_start3A_1437 = tpu.memref_slice %arg2[%dma_start3A_1436] : memref<209715200xf32, #tpu.memory_space<hbm>> -> memref<209715200xf32, #tpu.memory_space<hbm>>
    tpu.enqueue_indirect_dma source(%dma_start3A_1437 : memref<209715200xf32, #tpu.memory_space<hbm>>) target(%dma_start3A_1432 : memref<128xf32, #tpu.memory_space<vmem>>) offsets(%dma_start3A_1435 : memref<128xi32, #tpu.memory_space<vmem>>) semaphore(%arg9 : memref<!tpu.dma_semaphore, #tpu.memory_space<semaphore_mem>>)
    %dma_start3A_1438 = arith.constant 18 : i32
    %dma_start3A_1439 = arith.constant 0 : i32
    %dma_start3A_1440 = arith.constant 18 : i32
    %dma_start3A_1441 = arith.constant 0 : i32
    %dma_start3A_1442 = tpu.memref_slice %arg8[%dma_start3A_1440, %dma_start3A_1441] : memref<64x512xf32, #tpu.memory_space<vmem>> -> memref<1x128xf32, #tpu.memory_space<vmem>>
    %dma_start3A_1443 = tpu.memref_squeeze %dma_start3A_1442 : memref<1x128xf32, #tpu.memory_space<vmem>> -> memref<128xf32, #tpu.memory_space<vmem>>
    %dma_start3A_1444 = arith.constant 0 : i32
    %dma_start3A_1445 = tpu.memref_slice %arg7[%dma_start3A_1438, %dma_start3A_1439, %dma_start3A_1444] : memref<64x4x128xi32, #tpu.memory_space<vmem>> -> memref<1x1x128xi32, #tpu.memory_space<vmem>>
    %dma_start3A_1446 = tpu.memref_squeeze %dma_start3A_1445 : memref<1x1x128xi32, #tpu.memory_space<vmem>> -> memref<128xi32, #tpu.memory_space<vmem>>
    %dma_start3A_1447 = arith.constant 0 : i32
    %dma_start3A_1448 = tpu.memref_slice %arg2[%dma_start3A_1447] : memref<209715200xf32, #tpu.memory_space<hbm>> -> memref<209715200xf32, #tpu.memory_space<hbm>>
    tpu.enqueue_indirect_dma source(%dma_start3A_1448 : memref<209715200xf32, #tpu.memory_space<hbm>>) target(%dma_start3A_1443 : memref<128xf32, #tpu.memory_space<vmem>>) offsets(%dma_start3A_1446 : memref<128xi32, #tpu.memory_space<vmem>>) semaphore(%arg9 : memref<!tpu.dma_semaphore, #tpu.memory_space<semaphore_mem>>)
    %dma_start3A_1449 = arith.constant 18 : i32
    %dma_start3A_1450 = arith.constant 1 : i32
    %dma_start3A_1451 = arith.constant 18 : i32
    %dma_start3A_1452 = arith.constant 128 : i32
    %dma_start3A_1453 = tpu.memref_slice %arg8[%dma_start3A_1451, %dma_start3A_1452] : memref<64x512xf32, #tpu.memory_space<vmem>> -> memref<1x128xf32, #tpu.memory_space<vmem>>
    %dma_start3A_1454 = tpu.memref_squeeze %dma_start3A_1453 : memref<1x128xf32, #tpu.memory_space<vmem>> -> memref<128xf32, #tpu.memory_space<vmem>>
    %dma_start3A_1455 = arith.constant 0 : i32
    %dma_start3A_1456 = tpu.memref_slice %arg7[%dma_start3A_1449, %dma_start3A_1450, %dma_start3A_1455] : memref<64x4x128xi32, #tpu.memory_space<vmem>> -> memref<1x1x128xi32, #tpu.memory_space<vmem>>
    %dma_start3A_1457 = tpu.memref_squeeze %dma_start3A_1456 : memref<1x1x128xi32, #tpu.memory_space<vmem>> -> memref<128xi32, #tpu.memory_space<vmem>>
    %dma_start3A_1458 = arith.constant 0 : i32
    %dma_start3A_1459 = tpu.memref_slice %arg2[%dma_start3A_1458] : memref<209715200xf32, #tpu.memory_space<hbm>> -> memref<209715200xf32, #tpu.memory_space<hbm>>
    tpu.enqueue_indirect_dma source(%dma_start3A_1459 : memref<209715200xf32, #tpu.memory_space<hbm>>) target(%dma_start3A_1454 : memref<128xf32, #tpu.memory_space<vmem>>) offsets(%dma_start3A_1457 : memref<128xi32, #tpu.memory_space<vmem>>) semaphore(%arg9 : memref<!tpu.dma_semaphore, #tpu.memory_space<semaphore_mem>>)
    %dma_start3A_1460 = arith.constant 18 : i32
    %dma_start3A_1461 = arith.constant 2 : i32
    %dma_start3A_1462 = arith.constant 18 : i32
    %dma_start3A_1463 = arith.constant 256 : i32
    %dma_start3A_1464 = tpu.memref_slice %arg8[%dma_start3A_1462, %dma_start3A_1463] : memref<64x512xf32, #tpu.memory_space<vmem>> -> memref<1x128xf32, #tpu.memory_space<vmem>>
    %dma_start3A_1465 = tpu.memref_squeeze %dma_start3A_1464 : memref<1x128xf32, #tpu.memory_space<vmem>> -> memref<128xf32, #tpu.memory_space<vmem>>
    %dma_start3A_1466 = arith.constant 0 : i32
    %dma_start3A_1467 = tpu.memref_slice %arg7[%dma_start3A_1460, %dma_start3A_1461, %dma_start3A_1466] : memref<64x4x128xi32, #tpu.memory_space<vmem>> -> memref<1x1x128xi32, #tpu.memory_space<vmem>>
    %dma_start3A_1468 = tpu.memref_squeeze %dma_start3A_1467 : memref<1x1x128xi32, #tpu.memory_space<vmem>> -> memref<128xi32, #tpu.memory_space<vmem>>
    %dma_start3A_1469 = arith.constant 0 : i32
    %dma_start3A_1470 = tpu.memref_slice %arg2[%dma_start3A_1469] : memref<209715200xf32, #tpu.memory_space<hbm>> -> memref<209715200xf32, #tpu.memory_space<hbm>>
    tpu.enqueue_indirect_dma source(%dma_start3A_1470 : memref<209715200xf32, #tpu.memory_space<hbm>>) target(%dma_start3A_1465 : memref<128xf32, #tpu.memory_space<vmem>>) offsets(%dma_start3A_1468 : memref<128xi32, #tpu.memory_space<vmem>>) semaphore(%arg9 : memref<!tpu.dma_semaphore, #tpu.memory_space<semaphore_mem>>)
    %dma_start3A_1471 = arith.constant 18 : i32
    %dma_start3A_1472 = arith.constant 3 : i32
    %dma_start3A_1473 = arith.constant 18 : i32
    %dma_start3A_1474 = arith.constant 384 : i32
    %dma_start3A_1475 = tpu.memref_slice %arg8[%dma_start3A_1473, %dma_start3A_1474] : memref<64x512xf32, #tpu.memory_space<vmem>> -> memref<1x128xf32, #tpu.memory_space<vmem>>
    %dma_start3A_1476 = tpu.memref_squeeze %dma_start3A_1475 : memref<1x128xf32, #tpu.memory_space<vmem>> -> memref<128xf32, #tpu.memory_space<vmem>>
    %dma_start3A_1477 = arith.constant 0 : i32
    %dma_start3A_1478 = tpu.memref_slice %arg7[%dma_start3A_1471, %dma_start3A_1472, %dma_start3A_1477] : memref<64x4x128xi32, #tpu.memory_space<vmem>> -> memref<1x1x128xi32, #tpu.memory_space<vmem>>
    %dma_start3A_1479 = tpu.memref_squeeze %dma_start3A_1478 : memref<1x1x128xi32, #tpu.memory_space<vmem>> -> memref<128xi32, #tpu.memory_space<vmem>>
    %dma_start3A_1480 = arith.constant 0 : i32
    %dma_start3A_1481 = tpu.memref_slice %arg2[%dma_start3A_1480] : memref<209715200xf32, #tpu.memory_space<hbm>> -> memref<209715200xf32, #tpu.memory_space<hbm>>
    tpu.enqueue_indirect_dma source(%dma_start3A_1481 : memref<209715200xf32, #tpu.memory_space<hbm>>) target(%dma_start3A_1476 : memref<128xf32, #tpu.memory_space<vmem>>) offsets(%dma_start3A_1479 : memref<128xi32, #tpu.memory_space<vmem>>) semaphore(%arg9 : memref<!tpu.dma_semaphore, #tpu.memory_space<semaphore_mem>>)
    %dma_start3A_1482 = arith.constant 19 : i32
    %dma_start3A_1483 = arith.constant 0 : i32
    %dma_start3A_1484 = arith.constant 19 : i32
    %dma_start3A_1485 = arith.constant 0 : i32
    %dma_start3A_1486 = tpu.memref_slice %arg8[%dma_start3A_1484, %dma_start3A_1485] : memref<64x512xf32, #tpu.memory_space<vmem>> -> memref<1x128xf32, #tpu.memory_space<vmem>>
    %dma_start3A_1487 = tpu.memref_squeeze %dma_start3A_1486 : memref<1x128xf32, #tpu.memory_space<vmem>> -> memref<128xf32, #tpu.memory_space<vmem>>
    %dma_start3A_1488 = arith.constant 0 : i32
    %dma_start3A_1489 = tpu.memref_slice %arg7[%dma_start3A_1482, %dma_start3A_1483, %dma_start3A_1488] : memref<64x4x128xi32, #tpu.memory_space<vmem>> -> memref<1x1x128xi32, #tpu.memory_space<vmem>>
    %dma_start3A_1490 = tpu.memref_squeeze %dma_start3A_1489 : memref<1x1x128xi32, #tpu.memory_space<vmem>> -> memref<128xi32, #tpu.memory_space<vmem>>
    %dma_start3A_1491 = arith.constant 0 : i32
    %dma_start3A_1492 = tpu.memref_slice %arg2[%dma_start3A_1491] : memref<209715200xf32, #tpu.memory_space<hbm>> -> memref<209715200xf32, #tpu.memory_space<hbm>>
    tpu.enqueue_indirect_dma source(%dma_start3A_1492 : memref<209715200xf32, #tpu.memory_space<hbm>>) target(%dma_start3A_1487 : memref<128xf32, #tpu.memory_space<vmem>>) offsets(%dma_start3A_1490 : memref<128xi32, #tpu.memory_space<vmem>>) semaphore(%arg9 : memref<!tpu.dma_semaphore, #tpu.memory_space<semaphore_mem>>)
    %dma_start3A_1493 = arith.constant 19 : i32
    %dma_start3A_1494 = arith.constant 1 : i32
    %dma_start3A_1495 = arith.constant 19 : i32
    %dma_start3A_1496 = arith.constant 128 : i32
    %dma_start3A_1497 = tpu.memref_slice %arg8[%dma_start3A_1495, %dma_start3A_1496] : memref<64x512xf32, #tpu.memory_space<vmem>> -> memref<1x128xf32, #tpu.memory_space<vmem>>
    %dma_start3A_1498 = tpu.memref_squeeze %dma_start3A_1497 : memref<1x128xf32, #tpu.memory_space<vmem>> -> memref<128xf32, #tpu.memory_space<vmem>>
    %dma_start3A_1499 = arith.constant 0 : i32
    %dma_start3A_1500 = tpu.memref_slice %arg7[%dma_start3A_1493, %dma_start3A_1494, %dma_start3A_1499] : memref<64x4x128xi32, #tpu.memory_space<vmem>> -> memref<1x1x128xi32, #tpu.memory_space<vmem>>
    %dma_start3A_1501 = tpu.memref_squeeze %dma_start3A_1500 : memref<1x1x128xi32, #tpu.memory_space<vmem>> -> memref<128xi32, #tpu.memory_space<vmem>>
    %dma_start3A_1502 = arith.constant 0 : i32
    %dma_start3A_1503 = tpu.memref_slice %arg2[%dma_start3A_1502] : memref<209715200xf32, #tpu.memory_space<hbm>> -> memref<209715200xf32, #tpu.memory_space<hbm>>
    tpu.enqueue_indirect_dma source(%dma_start3A_1503 : memref<209715200xf32, #tpu.memory_space<hbm>>) target(%dma_start3A_1498 : memref<128xf32, #tpu.memory_space<vmem>>) offsets(%dma_start3A_1501 : memref<128xi32, #tpu.memory_space<vmem>>) semaphore(%arg9 : memref<!tpu.dma_semaphore, #tpu.memory_space<semaphore_mem>>)
    %dma_start3A_1504 = arith.constant 19 : i32
    %dma_start3A_1505 = arith.constant 2 : i32
    %dma_start3A_1506 = arith.constant 19 : i32
    %dma_start3A_1507 = arith.constant 256 : i32
    %dma_start3A_1508 = tpu.memref_slice %arg8[%dma_start3A_1506, %dma_start3A_1507] : memref<64x512xf32, #tpu.memory_space<vmem>> -> memref<1x128xf32, #tpu.memory_space<vmem>>
    %dma_start3A_1509 = tpu.memref_squeeze %dma_start3A_1508 : memref<1x128xf32, #tpu.memory_space<vmem>> -> memref<128xf32, #tpu.memory_space<vmem>>
    %dma_start3A_1510 = arith.constant 0 : i32
    %dma_start3A_1511 = tpu.memref_slice %arg7[%dma_start3A_1504, %dma_start3A_1505, %dma_start3A_1510] : memref<64x4x128xi32, #tpu.memory_space<vmem>> -> memref<1x1x128xi32, #tpu.memory_space<vmem>>
    %dma_start3A_1512 = tpu.memref_squeeze %dma_start3A_1511 : memref<1x1x128xi32, #tpu.memory_space<vmem>> -> memref<128xi32, #tpu.memory_space<vmem>>
    %dma_start3A_1513 = arith.constant 0 : i32
    %dma_start3A_1514 = tpu.memref_slice %arg2[%dma_start3A_1513] : memref<209715200xf32, #tpu.memory_space<hbm>> -> memref<209715200xf32, #tpu.memory_space<hbm>>
    tpu.enqueue_indirect_dma source(%dma_start3A_1514 : memref<209715200xf32, #tpu.memory_space<hbm>>) target(%dma_start3A_1509 : memref<128xf32, #tpu.memory_space<vmem>>) offsets(%dma_start3A_1512 : memref<128xi32, #tpu.memory_space<vmem>>) semaphore(%arg9 : memref<!tpu.dma_semaphore, #tpu.memory_space<semaphore_mem>>)
    %dma_start3A_1515 = arith.constant 19 : i32
    %dma_start3A_1516 = arith.constant 3 : i32
    %dma_start3A_1517 = arith.constant 19 : i32
    %dma_start3A_1518 = arith.constant 384 : i32
    %dma_start3A_1519 = tpu.memref_slice %arg8[%dma_start3A_1517, %dma_start3A_1518] : memref<64x512xf32, #tpu.memory_space<vmem>> -> memref<1x128xf32, #tpu.memory_space<vmem>>
    %dma_start3A_1520 = tpu.memref_squeeze %dma_start3A_1519 : memref<1x128xf32, #tpu.memory_space<vmem>> -> memref<128xf32, #tpu.memory_space<vmem>>
    %dma_start3A_1521 = arith.constant 0 : i32
    %dma_start3A_1522 = tpu.memref_slice %arg7[%dma_start3A_1515, %dma_start3A_1516, %dma_start3A_1521] : memref<64x4x128xi32, #tpu.memory_space<vmem>> -> memref<1x1x128xi32, #tpu.memory_space<vmem>>
    %dma_start3A_1523 = tpu.memref_squeeze %dma_start3A_1522 : memref<1x1x128xi32, #tpu.memory_space<vmem>> -> memref<128xi32, #tpu.memory_space<vmem>>
    %dma_start3A_1524 = arith.constant 0 : i32
    %dma_start3A_1525 = tpu.memref_slice %arg2[%dma_start3A_1524] : memref<209715200xf32, #tpu.memory_space<hbm>> -> memref<209715200xf32, #tpu.memory_space<hbm>>
    tpu.enqueue_indirect_dma source(%dma_start3A_1525 : memref<209715200xf32, #tpu.memory_space<hbm>>) target(%dma_start3A_1520 : memref<128xf32, #tpu.memory_space<vmem>>) offsets(%dma_start3A_1523 : memref<128xi32, #tpu.memory_space<vmem>>) semaphore(%arg9 : memref<!tpu.dma_semaphore, #tpu.memory_space<semaphore_mem>>)
    %dma_start3A_1526 = arith.constant 20 : i32
    %dma_start3A_1527 = arith.constant 0 : i32
    %dma_start3A_1528 = arith.constant 20 : i32
    %dma_start3A_1529 = arith.constant 0 : i32
    %dma_start3A_1530 = tpu.memref_slice %arg8[%dma_start3A_1528, %dma_start3A_1529] : memref<64x512xf32, #tpu.memory_space<vmem>> -> memref<1x128xf32, #tpu.memory_space<vmem>>
    %dma_start3A_1531 = tpu.memref_squeeze %dma_start3A_1530 : memref<1x128xf32, #tpu.memory_space<vmem>> -> memref<128xf32, #tpu.memory_space<vmem>>
    %dma_start3A_1532 = arith.constant 0 : i32
    %dma_start3A_1533 = tpu.memref_slice %arg7[%dma_start3A_1526, %dma_start3A_1527, %dma_start3A_1532] : memref<64x4x128xi32, #tpu.memory_space<vmem>> -> memref<1x1x128xi32, #tpu.memory_space<vmem>>
    %dma_start3A_1534 = tpu.memref_squeeze %dma_start3A_1533 : memref<1x1x128xi32, #tpu.memory_space<vmem>> -> memref<128xi32, #tpu.memory_space<vmem>>
    %dma_start3A_1535 = arith.constant 0 : i32
    %dma_start3A_1536 = tpu.memref_slice %arg2[%dma_start3A_1535] : memref<209715200xf32, #tpu.memory_space<hbm>> -> memref<209715200xf32, #tpu.memory_space<hbm>>
    tpu.enqueue_indirect_dma source(%dma_start3A_1536 : memref<209715200xf32, #tpu.memory_space<hbm>>) target(%dma_start3A_1531 : memref<128xf32, #tpu.memory_space<vmem>>) offsets(%dma_start3A_1534 : memref<128xi32, #tpu.memory_space<vmem>>) semaphore(%arg9 : memref<!tpu.dma_semaphore, #tpu.memory_space<semaphore_mem>>)
    %dma_start3A_1537 = arith.constant 20 : i32
    %dma_start3A_1538 = arith.constant 1 : i32
    %dma_start3A_1539 = arith.constant 20 : i32
    %dma_start3A_1540 = arith.constant 128 : i32
    %dma_start3A_1541 = tpu.memref_slice %arg8[%dma_start3A_1539, %dma_start3A_1540] : memref<64x512xf32, #tpu.memory_space<vmem>> -> memref<1x128xf32, #tpu.memory_space<vmem>>
    %dma_start3A_1542 = tpu.memref_squeeze %dma_start3A_1541 : memref<1x128xf32, #tpu.memory_space<vmem>> -> memref<128xf32, #tpu.memory_space<vmem>>
    %dma_start3A_1543 = arith.constant 0 : i32
    %dma_start3A_1544 = tpu.memref_slice %arg7[%dma_start3A_1537, %dma_start3A_1538, %dma_start3A_1543] : memref<64x4x128xi32, #tpu.memory_space<vmem>> -> memref<1x1x128xi32, #tpu.memory_space<vmem>>
    %dma_start3A_1545 = tpu.memref_squeeze %dma_start3A_1544 : memref<1x1x128xi32, #tpu.memory_space<vmem>> -> memref<128xi32, #tpu.memory_space<vmem>>
    %dma_start3A_1546 = arith.constant 0 : i32
    %dma_start3A_1547 = tpu.memref_slice %arg2[%dma_start3A_1546] : memref<209715200xf32, #tpu.memory_space<hbm>> -> memref<209715200xf32, #tpu.memory_space<hbm>>
    tpu.enqueue_indirect_dma source(%dma_start3A_1547 : memref<209715200xf32, #tpu.memory_space<hbm>>) target(%dma_start3A_1542 : memref<128xf32, #tpu.memory_space<vmem>>) offsets(%dma_start3A_1545 : memref<128xi32, #tpu.memory_space<vmem>>) semaphore(%arg9 : memref<!tpu.dma_semaphore, #tpu.memory_space<semaphore_mem>>)
    %dma_start3A_1548 = arith.constant 20 : i32
    %dma_start3A_1549 = arith.constant 2 : i32
    %dma_start3A_1550 = arith.constant 20 : i32
    %dma_start3A_1551 = arith.constant 256 : i32
    %dma_start3A_1552 = tpu.memref_slice %arg8[%dma_start3A_1550, %dma_start3A_1551] : memref<64x512xf32, #tpu.memory_space<vmem>> -> memref<1x128xf32, #tpu.memory_space<vmem>>
    %dma_start3A_1553 = tpu.memref_squeeze %dma_start3A_1552 : memref<1x128xf32, #tpu.memory_space<vmem>> -> memref<128xf32, #tpu.memory_space<vmem>>
    %dma_start3A_1554 = arith.constant 0 : i32
    %dma_start3A_1555 = tpu.memref_slice %arg7[%dma_start3A_1548, %dma_start3A_1549, %dma_start3A_1554] : memref<64x4x128xi32, #tpu.memory_space<vmem>> -> memref<1x1x128xi32, #tpu.memory_space<vmem>>
    %dma_start3A_1556 = tpu.memref_squeeze %dma_start3A_1555 : memref<1x1x128xi32, #tpu.memory_space<vmem>> -> memref<128xi32, #tpu.memory_space<vmem>>
    %dma_start3A_1557 = arith.constant 0 : i32
    %dma_start3A_1558 = tpu.memref_slice %arg2[%dma_start3A_1557] : memref<209715200xf32, #tpu.memory_space<hbm>> -> memref<209715200xf32, #tpu.memory_space<hbm>>
    tpu.enqueue_indirect_dma source(%dma_start3A_1558 : memref<209715200xf32, #tpu.memory_space<hbm>>) target(%dma_start3A_1553 : memref<128xf32, #tpu.memory_space<vmem>>) offsets(%dma_start3A_1556 : memref<128xi32, #tpu.memory_space<vmem>>) semaphore(%arg9 : memref<!tpu.dma_semaphore, #tpu.memory_space<semaphore_mem>>)
    %dma_start3A_1559 = arith.constant 20 : i32
    %dma_start3A_1560 = arith.constant 3 : i32
    %dma_start3A_1561 = arith.constant 20 : i32
    %dma_start3A_1562 = arith.constant 384 : i32
    %dma_start3A_1563 = tpu.memref_slice %arg8[%dma_start3A_1561, %dma_start3A_1562] : memref<64x512xf32, #tpu.memory_space<vmem>> -> memref<1x128xf32, #tpu.memory_space<vmem>>
    %dma_start3A_1564 = tpu.memref_squeeze %dma_start3A_1563 : memref<1x128xf32, #tpu.memory_space<vmem>> -> memref<128xf32, #tpu.memory_space<vmem>>
    %dma_start3A_1565 = arith.constant 0 : i32
    %dma_start3A_1566 = tpu.memref_slice %arg7[%dma_start3A_1559, %dma_start3A_1560, %dma_start3A_1565] : memref<64x4x128xi32, #tpu.memory_space<vmem>> -> memref<1x1x128xi32, #tpu.memory_space<vmem>>
    %dma_start3A_1567 = tpu.memref_squeeze %dma_start3A_1566 : memref<1x1x128xi32, #tpu.memory_space<vmem>> -> memref<128xi32, #tpu.memory_space<vmem>>
    %dma_start3A_1568 = arith.constant 0 : i32
    %dma_start3A_1569 = tpu.memref_slice %arg2[%dma_start3A_1568] : memref<209715200xf32, #tpu.memory_space<hbm>> -> memref<209715200xf32, #tpu.memory_space<hbm>>
    tpu.enqueue_indirect_dma source(%dma_start3A_1569 : memref<209715200xf32, #tpu.memory_space<hbm>>) target(%dma_start3A_1564 : memref<128xf32, #tpu.memory_space<vmem>>) offsets(%dma_start3A_1567 : memref<128xi32, #tpu.memory_space<vmem>>) semaphore(%arg9 : memref<!tpu.dma_semaphore, #tpu.memory_space<semaphore_mem>>)
    %dma_start3A_1570 = arith.constant 21 : i32
    %dma_start3A_1571 = arith.constant 0 : i32
    %dma_start3A_1572 = arith.constant 21 : i32
    %dma_start3A_1573 = arith.constant 0 : i32
    %dma_start3A_1574 = tpu.memref_slice %arg8[%dma_start3A_1572, %dma_start3A_1573] : memref<64x512xf32, #tpu.memory_space<vmem>> -> memref<1x128xf32, #tpu.memory_space<vmem>>
    %dma_start3A_1575 = tpu.memref_squeeze %dma_start3A_1574 : memref<1x128xf32, #tpu.memory_space<vmem>> -> memref<128xf32, #tpu.memory_space<vmem>>
    %dma_start3A_1576 = arith.constant 0 : i32
    %dma_start3A_1577 = tpu.memref_slice %arg7[%dma_start3A_1570, %dma_start3A_1571, %dma_start3A_1576] : memref<64x4x128xi32, #tpu.memory_space<vmem>> -> memref<1x1x128xi32, #tpu.memory_space<vmem>>
    %dma_start3A_1578 = tpu.memref_squeeze %dma_start3A_1577 : memref<1x1x128xi32, #tpu.memory_space<vmem>> -> memref<128xi32, #tpu.memory_space<vmem>>
    %dma_start3A_1579 = arith.constant 0 : i32
    %dma_start3A_1580 = tpu.memref_slice %arg2[%dma_start3A_1579] : memref<209715200xf32, #tpu.memory_space<hbm>> -> memref<209715200xf32, #tpu.memory_space<hbm>>
    tpu.enqueue_indirect_dma source(%dma_start3A_1580 : memref<209715200xf32, #tpu.memory_space<hbm>>) target(%dma_start3A_1575 : memref<128xf32, #tpu.memory_space<vmem>>) offsets(%dma_start3A_1578 : memref<128xi32, #tpu.memory_space<vmem>>) semaphore(%arg9 : memref<!tpu.dma_semaphore, #tpu.memory_space<semaphore_mem>>)
    %dma_start3A_1581 = arith.constant 21 : i32
    %dma_start3A_1582 = arith.constant 1 : i32
    %dma_start3A_1583 = arith.constant 21 : i32
    %dma_start3A_1584 = arith.constant 128 : i32
    %dma_start3A_1585 = tpu.memref_slice %arg8[%dma_start3A_1583, %dma_start3A_1584] : memref<64x512xf32, #tpu.memory_space<vmem>> -> memref<1x128xf32, #tpu.memory_space<vmem>>
    %dma_start3A_1586 = tpu.memref_squeeze %dma_start3A_1585 : memref<1x128xf32, #tpu.memory_space<vmem>> -> memref<128xf32, #tpu.memory_space<vmem>>
    %dma_start3A_1587 = arith.constant 0 : i32
    %dma_start3A_1588 = tpu.memref_slice %arg7[%dma_start3A_1581, %dma_start3A_1582, %dma_start3A_1587] : memref<64x4x128xi32, #tpu.memory_space<vmem>> -> memref<1x1x128xi32, #tpu.memory_space<vmem>>
    %dma_start3A_1589 = tpu.memref_squeeze %dma_start3A_1588 : memref<1x1x128xi32, #tpu.memory_space<vmem>> -> memref<128xi32, #tpu.memory_space<vmem>>
    %dma_start3A_1590 = arith.constant 0 : i32
    %dma_start3A_1591 = tpu.memref_slice %arg2[%dma_start3A_1590] : memref<209715200xf32, #tpu.memory_space<hbm>> -> memref<209715200xf32, #tpu.memory_space<hbm>>
    tpu.enqueue_indirect_dma source(%dma_start3A_1591 : memref<209715200xf32, #tpu.memory_space<hbm>>) target(%dma_start3A_1586 : memref<128xf32, #tpu.memory_space<vmem>>) offsets(%dma_start3A_1589 : memref<128xi32, #tpu.memory_space<vmem>>) semaphore(%arg9 : memref<!tpu.dma_semaphore, #tpu.memory_space<semaphore_mem>>)
    %dma_start3A_1592 = arith.constant 21 : i32
    %dma_start3A_1593 = arith.constant 2 : i32
    %dma_start3A_1594 = arith.constant 21 : i32
    %dma_start3A_1595 = arith.constant 256 : i32
    %dma_start3A_1596 = tpu.memref_slice %arg8[%dma_start3A_1594, %dma_start3A_1595] : memref<64x512xf32, #tpu.memory_space<vmem>> -> memref<1x128xf32, #tpu.memory_space<vmem>>
    %dma_start3A_1597 = tpu.memref_squeeze %dma_start3A_1596 : memref<1x128xf32, #tpu.memory_space<vmem>> -> memref<128xf32, #tpu.memory_space<vmem>>
    %dma_start3A_1598 = arith.constant 0 : i32
    %dma_start3A_1599 = tpu.memref_slice %arg7[%dma_start3A_1592, %dma_start3A_1593, %dma_start3A_1598] : memref<64x4x128xi32, #tpu.memory_space<vmem>> -> memref<1x1x128xi32, #tpu.memory_space<vmem>>
    %dma_start3A_1600 = tpu.memref_squeeze %dma_start3A_1599 : memref<1x1x128xi32, #tpu.memory_space<vmem>> -> memref<128xi32, #tpu.memory_space<vmem>>
    %dma_start3A_1601 = arith.constant 0 : i32
    %dma_start3A_1602 = tpu.memref_slice %arg2[%dma_start3A_1601] : memref<209715200xf32, #tpu.memory_space<hbm>> -> memref<209715200xf32, #tpu.memory_space<hbm>>
    tpu.enqueue_indirect_dma source(%dma_start3A_1602 : memref<209715200xf32, #tpu.memory_space<hbm>>) target(%dma_start3A_1597 : memref<128xf32, #tpu.memory_space<vmem>>) offsets(%dma_start3A_1600 : memref<128xi32, #tpu.memory_space<vmem>>) semaphore(%arg9 : memref<!tpu.dma_semaphore, #tpu.memory_space<semaphore_mem>>)
    %dma_start3A_1603 = arith.constant 21 : i32
    %dma_start3A_1604 = arith.constant 3 : i32
    %dma_start3A_1605 = arith.constant 21 : i32
    %dma_start3A_1606 = arith.constant 384 : i32
    %dma_start3A_1607 = tpu.memref_slice %arg8[%dma_start3A_1605, %dma_start3A_1606] : memref<64x512xf32, #tpu.memory_space<vmem>> -> memref<1x128xf32, #tpu.memory_space<vmem>>
    %dma_start3A_1608 = tpu.memref_squeeze %dma_start3A_1607 : memref<1x128xf32, #tpu.memory_space<vmem>> -> memref<128xf32, #tpu.memory_space<vmem>>
    %dma_start3A_1609 = arith.constant 0 : i32
    %dma_start3A_1610 = tpu.memref_slice %arg7[%dma_start3A_1603, %dma_start3A_1604, %dma_start3A_1609] : memref<64x4x128xi32, #tpu.memory_space<vmem>> -> memref<1x1x128xi32, #tpu.memory_space<vmem>>
    %dma_start3A_1611 = tpu.memref_squeeze %dma_start3A_1610 : memref<1x1x128xi32, #tpu.memory_space<vmem>> -> memref<128xi32, #tpu.memory_space<vmem>>
    %dma_start3A_1612 = arith.constant 0 : i32
    %dma_start3A_1613 = tpu.memref_slice %arg2[%dma_start3A_1612] : memref<209715200xf32, #tpu.memory_space<hbm>> -> memref<209715200xf32, #tpu.memory_space<hbm>>
    tpu.enqueue_indirect_dma source(%dma_start3A_1613 : memref<209715200xf32, #tpu.memory_space<hbm>>) target(%dma_start3A_1608 : memref<128xf32, #tpu.memory_space<vmem>>) offsets(%dma_start3A_1611 : memref<128xi32, #tpu.memory_space<vmem>>) semaphore(%arg9 : memref<!tpu.dma_semaphore, #tpu.memory_space<semaphore_mem>>)
    %dma_start3A_1614 = arith.constant 22 : i32
    %dma_start3A_1615 = arith.constant 0 : i32
    %dma_start3A_1616 = arith.constant 22 : i32
    %dma_start3A_1617 = arith.constant 0 : i32
    %dma_start3A_1618 = tpu.memref_slice %arg8[%dma_start3A_1616, %dma_start3A_1617] : memref<64x512xf32, #tpu.memory_space<vmem>> -> memref<1x128xf32, #tpu.memory_space<vmem>>
    %dma_start3A_1619 = tpu.memref_squeeze %dma_start3A_1618 : memref<1x128xf32, #tpu.memory_space<vmem>> -> memref<128xf32, #tpu.memory_space<vmem>>
    %dma_start3A_1620 = arith.constant 0 : i32
    %dma_start3A_1621 = tpu.memref_slice %arg7[%dma_start3A_1614, %dma_start3A_1615, %dma_start3A_1620] : memref<64x4x128xi32, #tpu.memory_space<vmem>> -> memref<1x1x128xi32, #tpu.memory_space<vmem>>
    %dma_start3A_1622 = tpu.memref_squeeze %dma_start3A_1621 : memref<1x1x128xi32, #tpu.memory_space<vmem>> -> memref<128xi32, #tpu.memory_space<vmem>>
    %dma_start3A_1623 = arith.constant 0 : i32
    %dma_start3A_1624 = tpu.memref_slice %arg2[%dma_start3A_1623] : memref<209715200xf32, #tpu.memory_space<hbm>> -> memref<209715200xf32, #tpu.memory_space<hbm>>
    tpu.enqueue_indirect_dma source(%dma_start3A_1624 : memref<209715200xf32, #tpu.memory_space<hbm>>) target(%dma_start3A_1619 : memref<128xf32, #tpu.memory_space<vmem>>) offsets(%dma_start3A_1622 : memref<128xi32, #tpu.memory_space<vmem>>) semaphore(%arg9 : memref<!tpu.dma_semaphore, #tpu.memory_space<semaphore_mem>>)
    %dma_start3A_1625 = arith.constant 22 : i32
    %dma_start3A_1626 = arith.constant 1 : i32
    %dma_start3A_1627 = arith.constant 22 : i32
    %dma_start3A_1628 = arith.constant 128 : i32
    %dma_start3A_1629 = tpu.memref_slice %arg8[%dma_start3A_1627, %dma_start3A_1628] : memref<64x512xf32, #tpu.memory_space<vmem>> -> memref<1x128xf32, #tpu.memory_space<vmem>>
    %dma_start3A_1630 = tpu.memref_squeeze %dma_start3A_1629 : memref<1x128xf32, #tpu.memory_space<vmem>> -> memref<128xf32, #tpu.memory_space<vmem>>
    %dma_start3A_1631 = arith.constant 0 : i32
    %dma_start3A_1632 = tpu.memref_slice %arg7[%dma_start3A_1625, %dma_start3A_1626, %dma_start3A_1631] : memref<64x4x128xi32, #tpu.memory_space<vmem>> -> memref<1x1x128xi32, #tpu.memory_space<vmem>>
    %dma_start3A_1633 = tpu.memref_squeeze %dma_start3A_1632 : memref<1x1x128xi32, #tpu.memory_space<vmem>> -> memref<128xi32, #tpu.memory_space<vmem>>
    %dma_start3A_1634 = arith.constant 0 : i32
    %dma_start3A_1635 = tpu.memref_slice %arg2[%dma_start3A_1634] : memref<209715200xf32, #tpu.memory_space<hbm>> -> memref<209715200xf32, #tpu.memory_space<hbm>>
    tpu.enqueue_indirect_dma source(%dma_start3A_1635 : memref<209715200xf32, #tpu.memory_space<hbm>>) target(%dma_start3A_1630 : memref<128xf32, #tpu.memory_space<vmem>>) offsets(%dma_start3A_1633 : memref<128xi32, #tpu.memory_space<vmem>>) semaphore(%arg9 : memref<!tpu.dma_semaphore, #tpu.memory_space<semaphore_mem>>)
    %dma_start3A_1636 = arith.constant 22 : i32
    %dma_start3A_1637 = arith.constant 2 : i32
    %dma_start3A_1638 = arith.constant 22 : i32
    %dma_start3A_1639 = arith.constant 256 : i32
    %dma_start3A_1640 = tpu.memref_slice %arg8[%dma_start3A_1638, %dma_start3A_1639] : memref<64x512xf32, #tpu.memory_space<vmem>> -> memref<1x128xf32, #tpu.memory_space<vmem>>
    %dma_start3A_1641 = tpu.memref_squeeze %dma_start3A_1640 : memref<1x128xf32, #tpu.memory_space<vmem>> -> memref<128xf32, #tpu.memory_space<vmem>>
    %dma_start3A_1642 = arith.constant 0 : i32
    %dma_start3A_1643 = tpu.memref_slice %arg7[%dma_start3A_1636, %dma_start3A_1637, %dma_start3A_1642] : memref<64x4x128xi32, #tpu.memory_space<vmem>> -> memref<1x1x128xi32, #tpu.memory_space<vmem>>
    %dma_start3A_1644 = tpu.memref_squeeze %dma_start3A_1643 : memref<1x1x128xi32, #tpu.memory_space<vmem>> -> memref<128xi32, #tpu.memory_space<vmem>>
    %dma_start3A_1645 = arith.constant 0 : i32
    %dma_start3A_1646 = tpu.memref_slice %arg2[%dma_start3A_1645] : memref<209715200xf32, #tpu.memory_space<hbm>> -> memref<209715200xf32, #tpu.memory_space<hbm>>
    tpu.enqueue_indirect_dma source(%dma_start3A_1646 : memref<209715200xf32, #tpu.memory_space<hbm>>) target(%dma_start3A_1641 : memref<128xf32, #tpu.memory_space<vmem>>) offsets(%dma_start3A_1644 : memref<128xi32, #tpu.memory_space<vmem>>) semaphore(%arg9 : memref<!tpu.dma_semaphore, #tpu.memory_space<semaphore_mem>>)
    %dma_start3A_1647 = arith.constant 22 : i32
    %dma_start3A_1648 = arith.constant 3 : i32
    %dma_start3A_1649 = arith.constant 22 : i32
    %dma_start3A_1650 = arith.constant 384 : i32
    %dma_start3A_1651 = tpu.memref_slice %arg8[%dma_start3A_1649, %dma_start3A_1650] : memref<64x512xf32, #tpu.memory_space<vmem>> -> memref<1x128xf32, #tpu.memory_space<vmem>>
    %dma_start3A_1652 = tpu.memref_squeeze %dma_start3A_1651 : memref<1x128xf32, #tpu.memory_space<vmem>> -> memref<128xf32, #tpu.memory_space<vmem>>
    %dma_start3A_1653 = arith.constant 0 : i32
    %dma_start3A_1654 = tpu.memref_slice %arg7[%dma_start3A_1647, %dma_start3A_1648, %dma_start3A_1653] : memref<64x4x128xi32, #tpu.memory_space<vmem>> -> memref<1x1x128xi32, #tpu.memory_space<vmem>>
    %dma_start3A_1655 = tpu.memref_squeeze %dma_start3A_1654 : memref<1x1x128xi32, #tpu.memory_space<vmem>> -> memref<128xi32, #tpu.memory_space<vmem>>
    %dma_start3A_1656 = arith.constant 0 : i32
    %dma_start3A_1657 = tpu.memref_slice %arg2[%dma_start3A_1656] : memref<209715200xf32, #tpu.memory_space<hbm>> -> memref<209715200xf32, #tpu.memory_space<hbm>>
    tpu.enqueue_indirect_dma source(%dma_start3A_1657 : memref<209715200xf32, #tpu.memory_space<hbm>>) target(%dma_start3A_1652 : memref<128xf32, #tpu.memory_space<vmem>>) offsets(%dma_start3A_1655 : memref<128xi32, #tpu.memory_space<vmem>>) semaphore(%arg9 : memref<!tpu.dma_semaphore, #tpu.memory_space<semaphore_mem>>)
    %dma_start3A_1658 = arith.constant 23 : i32
    %dma_start3A_1659 = arith.constant 0 : i32
    %dma_start3A_1660 = arith.constant 23 : i32
    %dma_start3A_1661 = arith.constant 0 : i32
    %dma_start3A_1662 = tpu.memref_slice %arg8[%dma_start3A_1660, %dma_start3A_1661] : memref<64x512xf32, #tpu.memory_space<vmem>> -> memref<1x128xf32, #tpu.memory_space<vmem>>
    %dma_start3A_1663 = tpu.memref_squeeze %dma_start3A_1662 : memref<1x128xf32, #tpu.memory_space<vmem>> -> memref<128xf32, #tpu.memory_space<vmem>>
    %dma_start3A_1664 = arith.constant 0 : i32
    %dma_start3A_1665 = tpu.memref_slice %arg7[%dma_start3A_1658, %dma_start3A_1659, %dma_start3A_1664] : memref<64x4x128xi32, #tpu.memory_space<vmem>> -> memref<1x1x128xi32, #tpu.memory_space<vmem>>
    %dma_start3A_1666 = tpu.memref_squeeze %dma_start3A_1665 : memref<1x1x128xi32, #tpu.memory_space<vmem>> -> memref<128xi32, #tpu.memory_space<vmem>>
    %dma_start3A_1667 = arith.constant 0 : i32
    %dma_start3A_1668 = tpu.memref_slice %arg2[%dma_start3A_1667] : memref<209715200xf32, #tpu.memory_space<hbm>> -> memref<209715200xf32, #tpu.memory_space<hbm>>
    tpu.enqueue_indirect_dma source(%dma_start3A_1668 : memref<209715200xf32, #tpu.memory_space<hbm>>) target(%dma_start3A_1663 : memref<128xf32, #tpu.memory_space<vmem>>) offsets(%dma_start3A_1666 : memref<128xi32, #tpu.memory_space<vmem>>) semaphore(%arg9 : memref<!tpu.dma_semaphore, #tpu.memory_space<semaphore_mem>>)
    %dma_start3A_1669 = arith.constant 23 : i32
    %dma_start3A_1670 = arith.constant 1 : i32
    %dma_start3A_1671 = arith.constant 23 : i32
    %dma_start3A_1672 = arith.constant 128 : i32
    %dma_start3A_1673 = tpu.memref_slice %arg8[%dma_start3A_1671, %dma_start3A_1672] : memref<64x512xf32, #tpu.memory_space<vmem>> -> memref<1x128xf32, #tpu.memory_space<vmem>>
    %dma_start3A_1674 = tpu.memref_squeeze %dma_start3A_1673 : memref<1x128xf32, #tpu.memory_space<vmem>> -> memref<128xf32, #tpu.memory_space<vmem>>
    %dma_start3A_1675 = arith.constant 0 : i32
    %dma_start3A_1676 = tpu.memref_slice %arg7[%dma_start3A_1669, %dma_start3A_1670, %dma_start3A_1675] : memref<64x4x128xi32, #tpu.memory_space<vmem>> -> memref<1x1x128xi32, #tpu.memory_space<vmem>>
    %dma_start3A_1677 = tpu.memref_squeeze %dma_start3A_1676 : memref<1x1x128xi32, #tpu.memory_space<vmem>> -> memref<128xi32, #tpu.memory_space<vmem>>
    %dma_start3A_1678 = arith.constant 0 : i32
    %dma_start3A_1679 = tpu.memref_slice %arg2[%dma_start3A_1678] : memref<209715200xf32, #tpu.memory_space<hbm>> -> memref<209715200xf32, #tpu.memory_space<hbm>>
    tpu.enqueue_indirect_dma source(%dma_start3A_1679 : memref<209715200xf32, #tpu.memory_space<hbm>>) target(%dma_start3A_1674 : memref<128xf32, #tpu.memory_space<vmem>>) offsets(%dma_start3A_1677 : memref<128xi32, #tpu.memory_space<vmem>>) semaphore(%arg9 : memref<!tpu.dma_semaphore, #tpu.memory_space<semaphore_mem>>)
    %dma_start3A_1680 = arith.constant 23 : i32
    %dma_start3A_1681 = arith.constant 2 : i32
    %dma_start3A_1682 = arith.constant 23 : i32
    %dma_start3A_1683 = arith.constant 256 : i32
    %dma_start3A_1684 = tpu.memref_slice %arg8[%dma_start3A_1682, %dma_start3A_1683] : memref<64x512xf32, #tpu.memory_space<vmem>> -> memref<1x128xf32, #tpu.memory_space<vmem>>
    %dma_start3A_1685 = tpu.memref_squeeze %dma_start3A_1684 : memref<1x128xf32, #tpu.memory_space<vmem>> -> memref<128xf32, #tpu.memory_space<vmem>>
    %dma_start3A_1686 = arith.constant 0 : i32
    %dma_start3A_1687 = tpu.memref_slice %arg7[%dma_start3A_1680, %dma_start3A_1681, %dma_start3A_1686] : memref<64x4x128xi32, #tpu.memory_space<vmem>> -> memref<1x1x128xi32, #tpu.memory_space<vmem>>
    %dma_start3A_1688 = tpu.memref_squeeze %dma_start3A_1687 : memref<1x1x128xi32, #tpu.memory_space<vmem>> -> memref<128xi32, #tpu.memory_space<vmem>>
    %dma_start3A_1689 = arith.constant 0 : i32
    %dma_start3A_1690 = tpu.memref_slice %arg2[%dma_start3A_1689] : memref<209715200xf32, #tpu.memory_space<hbm>> -> memref<209715200xf32, #tpu.memory_space<hbm>>
    tpu.enqueue_indirect_dma source(%dma_start3A_1690 : memref<209715200xf32, #tpu.memory_space<hbm>>) target(%dma_start3A_1685 : memref<128xf32, #tpu.memory_space<vmem>>) offsets(%dma_start3A_1688 : memref<128xi32, #tpu.memory_space<vmem>>) semaphore(%arg9 : memref<!tpu.dma_semaphore, #tpu.memory_space<semaphore_mem>>)
    %dma_start3A_1691 = arith.constant 23 : i32
    %dma_start3A_1692 = arith.constant 3 : i32
    %dma_start3A_1693 = arith.constant 23 : i32
    %dma_start3A_1694 = arith.constant 384 : i32
    %dma_start3A_1695 = tpu.memref_slice %arg8[%dma_start3A_1693, %dma_start3A_1694] : memref<64x512xf32, #tpu.memory_space<vmem>> -> memref<1x128xf32, #tpu.memory_space<vmem>>
    %dma_start3A_1696 = tpu.memref_squeeze %dma_start3A_1695 : memref<1x128xf32, #tpu.memory_space<vmem>> -> memref<128xf32, #tpu.memory_space<vmem>>
    %dma_start3A_1697 = arith.constant 0 : i32
    %dma_start3A_1698 = tpu.memref_slice %arg7[%dma_start3A_1691, %dma_start3A_1692, %dma_start3A_1697] : memref<64x4x128xi32, #tpu.memory_space<vmem>> -> memref<1x1x128xi32, #tpu.memory_space<vmem>>
    %dma_start3A_1699 = tpu.memref_squeeze %dma_start3A_1698 : memref<1x1x128xi32, #tpu.memory_space<vmem>> -> memref<128xi32, #tpu.memory_space<vmem>>
    %dma_start3A_1700 = arith.constant 0 : i32
    %dma_start3A_1701 = tpu.memref_slice %arg2[%dma_start3A_1700] : memref<209715200xf32, #tpu.memory_space<hbm>> -> memref<209715200xf32, #tpu.memory_space<hbm>>
    tpu.enqueue_indirect_dma source(%dma_start3A_1701 : memref<209715200xf32, #tpu.memory_space<hbm>>) target(%dma_start3A_1696 : memref<128xf32, #tpu.memory_space<vmem>>) offsets(%dma_start3A_1699 : memref<128xi32, #tpu.memory_space<vmem>>) semaphore(%arg9 : memref<!tpu.dma_semaphore, #tpu.memory_space<semaphore_mem>>)
    %scan3A_1702 = arith.constant 0 : i32
    %scan3A_1703 = arith.constant 38 : i32
    %scan3A_1704 = arith.addi %scan3A_1702, %scan3A_1703 : i32
    %scan3A_1705 = arith.constant 1 : i32
    scf.for %scan3A_1975 = %scan3A_1702 to %scan3A_1704 step %scan3A_1705  : i32 {
      %mul3A_1976 = arith.constant 1 : i32
      %mul3A_1977 = arith.muli %scan3A_1975, %mul3A_1976 : i32
      %add3A_1978 = arith.constant 24 : i32
      %add3A_1979 = arith.addi %add3A_1978, %mul3A_1977 : i32
      %add3A_1980 = arith.constant 2 : i32
      %add3A_1981 = arith.addi %add3A_1979, %add3A_1980 : i32
      %jit3A_1982 = arith.constant 8 : i32
      %div3A_1983 = arith.divsi %add3A_1981, %jit3A_1982 : i32
      %sign3A_1984 = arith.constant 0 : i32
      %sign3A_1985 = arith.cmpi sgt, %add3A_1981, %sign3A_1984 : i32
      %sign3A_1986 = arith.extui %sign3A_1985 : i1 to i32
      %sign3A_1987 = arith.constant 0 : i32
      %sign3A_1988 = arith.cmpi slt, %add3A_1981, %sign3A_1987 : i32
      %sign3A_1989 = arith.extui %sign3A_1988 : i1 to i32
      %sign3A_1990 = arith.subi %sign3A_1986, %sign3A_1989 : i32
      %sign3A_1991 = arith.constant 0 : i32
      %sign3A_1992 = arith.cmpi sgt, %jit3A_1982, %sign3A_1991 : i32
      %sign3A_1993 = arith.extui %sign3A_1992 : i1 to i32
      %sign3A_1994 = arith.constant 0 : i32
      %sign3A_1995 = arith.cmpi slt, %jit3A_1982, %sign3A_1994 : i32
      %sign3A_1996 = arith.extui %sign3A_1995 : i1 to i32
      %sign3A_1997 = arith.subi %sign3A_1993, %sign3A_1996 : i32
      %ne3A_1998 = arith.cmpi ne, %sign3A_1990, %sign3A_1997 : i32
      %rem3A_1999 = arith.remsi %add3A_1981, %jit3A_1982 : i32
      %ne3A_2000 = arith.constant 0 : i32
      %ne3A_2001 = arith.cmpi ne, %rem3A_1999, %ne3A_2000 : i32
      %and3A_2002 = arith.andi %ne3A_1998, %ne3A_2001 : i1
      %sub3A_2003 = arith.constant 1 : i32
      %sub3A_2004 = arith.subi %div3A_1983, %sub3A_2003 : i32
      %select_n3A_2005 = arith.select %and3A_2002, %sub3A_2004, %div3A_1983 : i32
      %mul3A_2006 = arith.constant 131072 : i32
      %mul3A_2007 = arith.muli %select_n3A_2005, %mul3A_2006 : i32
      %jit3A_2008 = arith.constant 8 : i32
      %eq3A = arith.constant 0 : i32
      %eq3A_2009 = arith.cmpi eq, %jit3A_2008, %eq3A : i32
      %jit3A_2010 = arith.constant 1 : i32
      %select_n3A_2011 = arith.select %eq3A_2009, %jit3A_2010, %jit3A_2008 : i32
      %rem3A_2012 = arith.remsi %add3A_1981, %select_n3A_2011 : i32
      %ne3A_2013 = arith.constant 0 : i32
      %ne3A_2014 = arith.cmpi ne, %rem3A_2012, %ne3A_2013 : i32
      %lt3A = arith.constant 0 : i32
      %lt3A_2015 = arith.cmpi slt, %rem3A_2012, %lt3A : i32
      %lt3A_2016 = arith.constant 0 : i32
      %lt3A_2017 = arith.cmpi slt, %select_n3A_2011, %lt3A_2016 : i32
      %ne3A_2018 = arith.xori %lt3A_2015, %lt3A_2017 : i1
      %and3A_2019 = arith.andi %ne3A_2018, %ne3A_2014 : i1
      %add3A_2020 = arith.addi %rem3A_2012, %select_n3A_2011 : i32
      %select_n3A_2021 = arith.select %and3A_2019, %add3A_2020, %rem3A_2012 : i32
      %mul3A_2022 = arith.constant 128 : i32
      %mul3A_2023 = arith.muli %select_n3A_2021, %mul3A_2022 : i32
      %add3A_2024 = arith.addi %mul3A_2007, %mul3A_2023 : i32
      %get3A_2025 = arith.constant 0 : i32
      %get3A_2026 = arith.index_cast %get3A_2025 : i32 to index
      %get3A_2027 = arith.constant 0 : index
      %get3A_2028 = tpu.vector_load %arg6[%get3A_2026, %get3A_2027] {strides = array<i32>} : memref<4x128xi32, #tpu.memory_space<vmem>>, vector<1x16xi32>,
      %get3A_2029 = vector.shape_cast %get3A_2028 : vector<1x16xi32> to vector<16xi32>
      %add3A_2030 = vector.broadcast %add3A_2024 : i32 to vector<16xi32>
      %add3A_2031 = arith.addi %get3A_2029, %add3A_2030 : vector<16xi32>
      %swap3A_2032 = arith.constant 0 : i32
      %swap3A_2033 = arith.index_cast %add3A_1981 : i32 to index
      %swap3A_2034 = arith.index_cast %swap3A_2032 : i32 to index
      %swap3A_2035 = arith.constant 0 : index
      %swap3A_2036 = tpu.vector_load %arg7[%swap3A_2033, %swap3A_2034, %swap3A_2035] {strides = array<i32>} : memref<64x4x128xi32, #tpu.memory_space<vmem>>, vector<1x1x16xi32>,
      %swap3A_2037 = vector.shape_cast %swap3A_2036 : vector<1x1x16xi32> to vector<16xi32>
      %swap3A_2038 = vector.shape_cast %add3A_2031 : vector<16xi32> to vector<1x1x16xi32>
      tpu.vector_store %arg7[%swap3A_2033, %swap3A_2034, %swap3A_2035], %swap3A_2038 {strides = array<i32>} : memref<64x4x128xi32, #tpu.memory_space<vmem>>, vector<1x1x16xi32>,
      %get3A_2039 = arith.constant 0 : i32
      %get3A_2040 = arith.index_cast %get3A_2039 : i32 to index
      %get3A_2041 = arith.constant 16 : index
      %get3A_2042 = tpu.vector_load %arg6[%get3A_2040, %get3A_2041] {strides = array<i32>} : memref<4x128xi32, #tpu.memory_space<vmem>>, vector<1x16xi32>,
      %get3A_2043 = vector.shape_cast %get3A_2042 : vector<1x16xi32> to vector<16xi32>
      %add3A_2044 = vector.broadcast %add3A_2024 : i32 to vector<16xi32>
      %add3A_2045 = arith.addi %get3A_2043, %add3A_2044 : vector<16xi32>
      %swap3A_2046 = arith.constant 0 : i32
      %swap3A_2047 = arith.index_cast %add3A_1981 : i32 to index
      %swap3A_2048 = arith.index_cast %swap3A_2046 : i32 to index
      %swap3A_2049 = arith.constant 16 : index
      %swap3A_2050 = tpu.vector_load %arg7[%swap3A_2047, %swap3A_2048, %swap3A_2049] {strides = array<i32>} : memref<64x4x128xi32, #tpu.memory_space<vmem>>, vector<1x1x16xi32>,
      %swap3A_2051 = vector.shape_cast %swap3A_2050 : vector<1x1x16xi32> to vector<16xi32>
      %swap3A_2052 = vector.shape_cast %add3A_2045 : vector<16xi32> to vector<1x1x16xi32>
      tpu.vector_store %arg7[%swap3A_2047, %swap3A_2048, %swap3A_2049], %swap3A_2052 {strides = array<i32>} : memref<64x4x128xi32, #tpu.memory_space<vmem>>, vector<1x1x16xi32>,
      %get3A_2053 = arith.constant 0 : i32
      %get3A_2054 = arith.index_cast %get3A_2053 : i32 to index
      %get3A_2055 = arith.constant 32 : index
      %get3A_2056 = tpu.vector_load %arg6[%get3A_2054, %get3A_2055] {strides = array<i32>} : memref<4x128xi32, #tpu.memory_space<vmem>>, vector<1x16xi32>,
      %get3A_2057 = vector.shape_cast %get3A_2056 : vector<1x16xi32> to vector<16xi32>
      %add3A_2058 = vector.broadcast %add3A_2024 : i32 to vector<16xi32>
      %add3A_2059 = arith.addi %get3A_2057, %add3A_2058 : vector<16xi32>
      %swap3A_2060 = arith.constant 0 : i32
      %swap3A_2061 = arith.index_cast %add3A_1981 : i32 to index
      %swap3A_2062 = arith.index_cast %swap3A_2060 : i32 to index
      %swap3A_2063 = arith.constant 32 : index
      %swap3A_2064 = tpu.vector_load %arg7[%swap3A_2061, %swap3A_2062, %swap3A_2063] {strides = array<i32>} : memref<64x4x128xi32, #tpu.memory_space<vmem>>, vector<1x1x16xi32>,
      %swap3A_2065 = vector.shape_cast %swap3A_2064 : vector<1x1x16xi32> to vector<16xi32>
      %swap3A_2066 = vector.shape_cast %add3A_2059 : vector<16xi32> to vector<1x1x16xi32>
      tpu.vector_store %arg7[%swap3A_2061, %swap3A_2062, %swap3A_2063], %swap3A_2066 {strides = array<i32>} : memref<64x4x128xi32, #tpu.memory_space<vmem>>, vector<1x1x16xi32>,
      %get3A_2067 = arith.constant 0 : i32
      %get3A_2068 = arith.index_cast %get3A_2067 : i32 to index
      %get3A_2069 = arith.constant 48 : index
      %get3A_2070 = tpu.vector_load %arg6[%get3A_2068, %get3A_2069] {strides = array<i32>} : memref<4x128xi32, #tpu.memory_space<vmem>>, vector<1x16xi32>,
      %get3A_2071 = vector.shape_cast %get3A_2070 : vector<1x16xi32> to vector<16xi32>
      %add3A_2072 = vector.broadcast %add3A_2024 : i32 to vector<16xi32>
      %add3A_2073 = arith.addi %get3A_2071, %add3A_2072 : vector<16xi32>
      %swap3A_2074 = arith.constant 0 : i32
      %swap3A_2075 = arith.index_cast %add3A_1981 : i32 to index
      %swap3A_2076 = arith.index_cast %swap3A_2074 : i32 to index
      %swap3A_2077 = arith.constant 48 : index
      %swap3A_2078 = tpu.vector_load %arg7[%swap3A_2075, %swap3A_2076, %swap3A_2077] {strides = array<i32>} : memref<64x4x128xi32, #tpu.memory_space<vmem>>, vector<1x1x16xi32>,
      %swap3A_2079 = vector.shape_cast %swap3A_2078 : vector<1x1x16xi32> to vector<16xi32>
      %swap3A_2080 = vector.shape_cast %add3A_2073 : vector<16xi32> to vector<1x1x16xi32>
      tpu.vector_store %arg7[%swap3A_2075, %swap3A_2076, %swap3A_2077], %swap3A_2080 {strides = array<i32>} : memref<64x4x128xi32, #tpu.memory_space<vmem>>, vector<1x1x16xi32>,
      %get3A_2081 = arith.constant 0 : i32
      %get3A_2082 = arith.index_cast %get3A_2081 : i32 to index
      %get3A_2083 = arith.constant 64 : index
      %get3A_2084 = tpu.vector_load %arg6[%get3A_2082, %get3A_2083] {strides = array<i32>} : memref<4x128xi32, #tpu.memory_space<vmem>>, vector<1x16xi32>,
      %get3A_2085 = vector.shape_cast %get3A_2084 : vector<1x16xi32> to vector<16xi32>
      %add3A_2086 = vector.broadcast %add3A_2024 : i32 to vector<16xi32>
      %add3A_2087 = arith.addi %get3A_2085, %add3A_2086 : vector<16xi32>
      %swap3A_2088 = arith.constant 0 : i32
      %swap3A_2089 = arith.index_cast %add3A_1981 : i32 to index
      %swap3A_2090 = arith.index_cast %swap3A_2088 : i32 to index
      %swap3A_2091 = arith.constant 64 : index
      %swap3A_2092 = tpu.vector_load %arg7[%swap3A_2089, %swap3A_2090, %swap3A_2091] {strides = array<i32>} : memref<64x4x128xi32, #tpu.memory_space<vmem>>, vector<1x1x16xi32>,
      %swap3A_2093 = vector.shape_cast %swap3A_2092 : vector<1x1x16xi32> to vector<16xi32>
      %swap3A_2094 = vector.shape_cast %add3A_2087 : vector<16xi32> to vector<1x1x16xi32>
      tpu.vector_store %arg7[%swap3A_2089, %swap3A_2090, %swap3A_2091], %swap3A_2094 {strides = array<i32>} : memref<64x4x128xi32, #tpu.memory_space<vmem>>, vector<1x1x16xi32>,
      %get3A_2095 = arith.constant 0 : i32
      %get3A_2096 = arith.index_cast %get3A_2095 : i32 to index
      %get3A_2097 = arith.constant 80 : index
      %get3A_2098 = tpu.vector_load %arg6[%get3A_2096, %get3A_2097] {strides = array<i32>} : memref<4x128xi32, #tpu.memory_space<vmem>>, vector<1x16xi32>,
      %get3A_2099 = vector.shape_cast %get3A_2098 : vector<1x16xi32> to vector<16xi32>
      %add3A_2100 = vector.broadcast %add3A_2024 : i32 to vector<16xi32>
      %add3A_2101 = arith.addi %get3A_2099, %add3A_2100 : vector<16xi32>
      %swap3A_2102 = arith.constant 0 : i32
      %swap3A_2103 = arith.index_cast %add3A_1981 : i32 to index
      %swap3A_2104 = arith.index_cast %swap3A_2102 : i32 to index
      %swap3A_2105 = arith.constant 80 : index
      %swap3A_2106 = tpu.vector_load %arg7[%swap3A_2103, %swap3A_2104, %swap3A_2105] {strides = array<i32>} : memref<64x4x128xi32, #tpu.memory_space<vmem>>, vector<1x1x16xi32>,
      %swap3A_2107 = vector.shape_cast %swap3A_2106 : vector<1x1x16xi32> to vector<16xi32>
      %swap3A_2108 = vector.shape_cast %add3A_2101 : vector<16xi32> to vector<1x1x16xi32>
      tpu.vector_store %arg7[%swap3A_2103, %swap3A_2104, %swap3A_2105], %swap3A_2108 {strides = array<i32>} : memref<64x4x128xi32, #tpu.memory_space<vmem>>, vector<1x1x16xi32>,
      %get3A_2109 = arith.constant 0 : i32
      %get3A_2110 = arith.index_cast %get3A_2109 : i32 to index
      %get3A_2111 = arith.constant 96 : index
      %get3A_2112 = tpu.vector_load %arg6[%get3A_2110, %get3A_2111] {strides = array<i32>} : memref<4x128xi32, #tpu.memory_space<vmem>>, vector<1x16xi32>,
      %get3A_2113 = vector.shape_cast %get3A_2112 : vector<1x16xi32> to vector<16xi32>
      %add3A_2114 = vector.broadcast %add3A_2024 : i32 to vector<16xi32>
      %add3A_2115 = arith.addi %get3A_2113, %add3A_2114 : vector<16xi32>
      %swap3A_2116 = arith.constant 0 : i32
      %swap3A_2117 = arith.index_cast %add3A_1981 : i32 to index
      %swap3A_2118 = arith.index_cast %swap3A_2116 : i32 to index
      %swap3A_2119 = arith.constant 96 : index
      %swap3A_2120 = tpu.vector_load %arg7[%swap3A_2117, %swap3A_2118, %swap3A_2119] {strides = array<i32>} : memref<64x4x128xi32, #tpu.memory_space<vmem>>, vector<1x1x16xi32>,
      %swap3A_2121 = vector.shape_cast %swap3A_2120 : vector<1x1x16xi32> to vector<16xi32>
      %swap3A_2122 = vector.shape_cast %add3A_2115 : vector<16xi32> to vector<1x1x16xi32>
      tpu.vector_store %arg7[%swap3A_2117, %swap3A_2118, %swap3A_2119], %swap3A_2122 {strides = array<i32>} : memref<64x4x128xi32, #tpu.memory_space<vmem>>, vector<1x1x16xi32>,
      %get3A_2123 = arith.constant 0 : i32
      %get3A_2124 = arith.index_cast %get3A_2123 : i32 to index
      %get3A_2125 = arith.constant 112 : index
      %get3A_2126 = tpu.vector_load %arg6[%get3A_2124, %get3A_2125] {strides = array<i32>} : memref<4x128xi32, #tpu.memory_space<vmem>>, vector<1x16xi32>,
      %get3A_2127 = vector.shape_cast %get3A_2126 : vector<1x16xi32> to vector<16xi32>
      %add3A_2128 = vector.broadcast %add3A_2024 : i32 to vector<16xi32>
      %add3A_2129 = arith.addi %get3A_2127, %add3A_2128 : vector<16xi32>
      %swap3A_2130 = arith.constant 0 : i32
      %swap3A_2131 = arith.index_cast %add3A_1981 : i32 to index
      %swap3A_2132 = arith.index_cast %swap3A_2130 : i32 to index
      %swap3A_2133 = arith.constant 112 : index
      %swap3A_2134 = tpu.vector_load %arg7[%swap3A_2131, %swap3A_2132, %swap3A_2133] {strides = array<i32>} : memref<64x4x128xi32, #tpu.memory_space<vmem>>, vector<1x1x16xi32>,
      %swap3A_2135 = vector.shape_cast %swap3A_2134 : vector<1x1x16xi32> to vector<16xi32>
      %swap3A_2136 = vector.shape_cast %add3A_2129 : vector<16xi32> to vector<1x1x16xi32>
      tpu.vector_store %arg7[%swap3A_2131, %swap3A_2132, %swap3A_2133], %swap3A_2136 {strides = array<i32>} : memref<64x4x128xi32, #tpu.memory_space<vmem>>, vector<1x1x16xi32>,
      %get3A_2137 = arith.constant 1 : i32
      %get3A_2138 = arith.index_cast %get3A_2137 : i32 to index
      %get3A_2139 = arith.constant 0 : index
      %get3A_2140 = tpu.vector_load %arg6[%get3A_2138, %get3A_2139] {strides = array<i32>} : memref<4x128xi32, #tpu.memory_space<vmem>>, vector<1x16xi32>,
      %get3A_2141 = vector.shape_cast %get3A_2140 : vector<1x16xi32> to vector<16xi32>
      %add3A_2142 = vector.broadcast %add3A_2024 : i32 to vector<16xi32>
      %add3A_2143 = arith.addi %get3A_2141, %add3A_2142 : vector<16xi32>
      %swap3A_2144 = arith.constant 1 : i32
      %swap3A_2145 = arith.index_cast %add3A_1981 : i32 to index
      %swap3A_2146 = arith.index_cast %swap3A_2144 : i32 to index
      %swap3A_2147 = arith.constant 0 : index
      %swap3A_2148 = tpu.vector_load %arg7[%swap3A_2145, %swap3A_2146, %swap3A_2147] {strides = array<i32>} : memref<64x4x128xi32, #tpu.memory_space<vmem>>, vector<1x1x16xi32>,
      %swap3A_2149 = vector.shape_cast %swap3A_2148 : vector<1x1x16xi32> to vector<16xi32>
      %swap3A_2150 = vector.shape_cast %add3A_2143 : vector<16xi32> to vector<1x1x16xi32>
      tpu.vector_store %arg7[%swap3A_2145, %swap3A_2146, %swap3A_2147], %swap3A_2150 {strides = array<i32>} : memref<64x4x128xi32, #tpu.memory_space<vmem>>, vector<1x1x16xi32>,
      %get3A_2151 = arith.constant 1 : i32
      %get3A_2152 = arith.index_cast %get3A_2151 : i32 to index
      %get3A_2153 = arith.constant 16 : index
      %get3A_2154 = tpu.vector_load %arg6[%get3A_2152, %get3A_2153] {strides = array<i32>} : memref<4x128xi32, #tpu.memory_space<vmem>>, vector<1x16xi32>,
      %get3A_2155 = vector.shape_cast %get3A_2154 : vector<1x16xi32> to vector<16xi32>
      %add3A_2156 = vector.broadcast %add3A_2024 : i32 to vector<16xi32>
      %add3A_2157 = arith.addi %get3A_2155, %add3A_2156 : vector<16xi32>
      %swap3A_2158 = arith.constant 1 : i32
      %swap3A_2159 = arith.index_cast %add3A_1981 : i32 to index
      %swap3A_2160 = arith.index_cast %swap3A_2158 : i32 to index
      %swap3A_2161 = arith.constant 16 : index
      %swap3A_2162 = tpu.vector_load %arg7[%swap3A_2159, %swap3A_2160, %swap3A_2161] {strides = array<i32>} : memref<64x4x128xi32, #tpu.memory_space<vmem>>, vector<1x1x16xi32>,
      %swap3A_2163 = vector.shape_cast %swap3A_2162 : vector<1x1x16xi32> to vector<16xi32>
      %swap3A_2164 = vector.shape_cast %add3A_2157 : vector<16xi32> to vector<1x1x16xi32>
      tpu.vector_store %arg7[%swap3A_2159, %swap3A_2160, %swap3A_2161], %swap3A_2164 {strides = array<i32>} : memref<64x4x128xi32, #tpu.memory_space<vmem>>, vector<1x1x16xi32>,
      %get3A_2165 = arith.constant 1 : i32
      %get3A_2166 = arith.index_cast %get3A_2165 : i32 to index
      %get3A_2167 = arith.constant 32 : index
      %get3A_2168 = tpu.vector_load %arg6[%get3A_2166, %get3A_2167] {strides = array<i32>} : memref<4x128xi32, #tpu.memory_space<vmem>>, vector<1x16xi32>,
      %get3A_2169 = vector.shape_cast %get3A_2168 : vector<1x16xi32> to vector<16xi32>
      %add3A_2170 = vector.broadcast %add3A_2024 : i32 to vector<16xi32>
      %add3A_2171 = arith.addi %get3A_2169, %add3A_2170 : vector<16xi32>
      %swap3A_2172 = arith.constant 1 : i32
      %swap3A_2173 = arith.index_cast %add3A_1981 : i32 to index
      %swap3A_2174 = arith.index_cast %swap3A_2172 : i32 to index
      %swap3A_2175 = arith.constant 32 : index
      %swap3A_2176 = tpu.vector_load %arg7[%swap3A_2173, %swap3A_2174, %swap3A_2175] {strides = array<i32>} : memref<64x4x128xi32, #tpu.memory_space<vmem>>, vector<1x1x16xi32>,
      %swap3A_2177 = vector.shape_cast %swap3A_2176 : vector<1x1x16xi32> to vector<16xi32>
      %swap3A_2178 = vector.shape_cast %add3A_2171 : vector<16xi32> to vector<1x1x16xi32>
      tpu.vector_store %arg7[%swap3A_2173, %swap3A_2174, %swap3A_2175], %swap3A_2178 {strides = array<i32>} : memref<64x4x128xi32, #tpu.memory_space<vmem>>, vector<1x1x16xi32>,
      %get3A_2179 = arith.constant 1 : i32
      %get3A_2180 = arith.index_cast %get3A_2179 : i32 to index
      %get3A_2181 = arith.constant 48 : index
      %get3A_2182 = tpu.vector_load %arg6[%get3A_2180, %get3A_2181] {strides = array<i32>} : memref<4x128xi32, #tpu.memory_space<vmem>>, vector<1x16xi32>,
      %get3A_2183 = vector.shape_cast %get3A_2182 : vector<1x16xi32> to vector<16xi32>
      %add3A_2184 = vector.broadcast %add3A_2024 : i32 to vector<16xi32>
      %add3A_2185 = arith.addi %get3A_2183, %add3A_2184 : vector<16xi32>
      %swap3A_2186 = arith.constant 1 : i32
      %swap3A_2187 = arith.index_cast %add3A_1981 : i32 to index
      %swap3A_2188 = arith.index_cast %swap3A_2186 : i32 to index
      %swap3A_2189 = arith.constant 48 : index
      %swap3A_2190 = tpu.vector_load %arg7[%swap3A_2187, %swap3A_2188, %swap3A_2189] {strides = array<i32>} : memref<64x4x128xi32, #tpu.memory_space<vmem>>, vector<1x1x16xi32>,
      %swap3A_2191 = vector.shape_cast %swap3A_2190 : vector<1x1x16xi32> to vector<16xi32>
      %swap3A_2192 = vector.shape_cast %add3A_2185 : vector<16xi32> to vector<1x1x16xi32>
      tpu.vector_store %arg7[%swap3A_2187, %swap3A_2188, %swap3A_2189], %swap3A_2192 {strides = array<i32>} : memref<64x4x128xi32, #tpu.memory_space<vmem>>, vector<1x1x16xi32>,
      %get3A_2193 = arith.constant 1 : i32
      %get3A_2194 = arith.index_cast %get3A_2193 : i32 to index
      %get3A_2195 = arith.constant 64 : index
      %get3A_2196 = tpu.vector_load %arg6[%get3A_2194, %get3A_2195] {strides = array<i32>} : memref<4x128xi32, #tpu.memory_space<vmem>>, vector<1x16xi32>,
      %get3A_2197 = vector.shape_cast %get3A_2196 : vector<1x16xi32> to vector<16xi32>
      %add3A_2198 = vector.broadcast %add3A_2024 : i32 to vector<16xi32>
      %add3A_2199 = arith.addi %get3A_2197, %add3A_2198 : vector<16xi32>
      %swap3A_2200 = arith.constant 1 : i32
      %swap3A_2201 = arith.index_cast %add3A_1981 : i32 to index
      %swap3A_2202 = arith.index_cast %swap3A_2200 : i32 to index
      %swap3A_2203 = arith.constant 64 : index
      %swap3A_2204 = tpu.vector_load %arg7[%swap3A_2201, %swap3A_2202, %swap3A_2203] {strides = array<i32>} : memref<64x4x128xi32, #tpu.memory_space<vmem>>, vector<1x1x16xi32>,
      %swap3A_2205 = vector.shape_cast %swap3A_2204 : vector<1x1x16xi32> to vector<16xi32>
      %swap3A_2206 = vector.shape_cast %add3A_2199 : vector<16xi32> to vector<1x1x16xi32>
      tpu.vector_store %arg7[%swap3A_2201, %swap3A_2202, %swap3A_2203], %swap3A_2206 {strides = array<i32>} : memref<64x4x128xi32, #tpu.memory_space<vmem>>, vector<1x1x16xi32>,
      %get3A_2207 = arith.constant 1 : i32
      %get3A_2208 = arith.index_cast %get3A_2207 : i32 to index
      %get3A_2209 = arith.constant 80 : index
      %get3A_2210 = tpu.vector_load %arg6[%get3A_2208, %get3A_2209] {strides = array<i32>} : memref<4x128xi32, #tpu.memory_space<vmem>>, vector<1x16xi32>,
      %get3A_2211 = vector.shape_cast %get3A_2210 : vector<1x16xi32> to vector<16xi32>
      %add3A_2212 = vector.broadcast %add3A_2024 : i32 to vector<16xi32>
      %add3A_2213 = arith.addi %get3A_2211, %add3A_2212 : vector<16xi32>
      %swap3A_2214 = arith.constant 1 : i32
      %swap3A_2215 = arith.index_cast %add3A_1981 : i32 to index
      %swap3A_2216 = arith.index_cast %swap3A_2214 : i32 to index
      %swap3A_2217 = arith.constant 80 : index
      %swap3A_2218 = tpu.vector_load %arg7[%swap3A_2215, %swap3A_2216, %swap3A_2217] {strides = array<i32>} : memref<64x4x128xi32, #tpu.memory_space<vmem>>, vector<1x1x16xi32>,
      %swap3A_2219 = vector.shape_cast %swap3A_2218 : vector<1x1x16xi32> to vector<16xi32>
      %swap3A_2220 = vector.shape_cast %add3A_2213 : vector<16xi32> to vector<1x1x16xi32>
      tpu.vector_store %arg7[%swap3A_2215, %swap3A_2216, %swap3A_2217], %swap3A_2220 {strides = array<i32>} : memref<64x4x128xi32, #tpu.memory_space<vmem>>, vector<1x1x16xi32>,
      %get3A_2221 = arith.constant 1 : i32
      %get3A_2222 = arith.index_cast %get3A_2221 : i32 to index
      %get3A_2223 = arith.constant 96 : index
      %get3A_2224 = tpu.vector_load %arg6[%get3A_2222, %get3A_2223] {strides = array<i32>} : memref<4x128xi32, #tpu.memory_space<vmem>>, vector<1x16xi32>,
      %get3A_2225 = vector.shape_cast %get3A_2224 : vector<1x16xi32> to vector<16xi32>
      %add3A_2226 = vector.broadcast %add3A_2024 : i32 to vector<16xi32>
      %add3A_2227 = arith.addi %get3A_2225, %add3A_2226 : vector<16xi32>
      %swap3A_2228 = arith.constant 1 : i32
      %swap3A_2229 = arith.index_cast %add3A_1981 : i32 to index
      %swap3A_2230 = arith.index_cast %swap3A_2228 : i32 to index
      %swap3A_2231 = arith.constant 96 : index
      %swap3A_2232 = tpu.vector_load %arg7[%swap3A_2229, %swap3A_2230, %swap3A_2231] {strides = array<i32>} : memref<64x4x128xi32, #tpu.memory_space<vmem>>, vector<1x1x16xi32>,
      %swap3A_2233 = vector.shape_cast %swap3A_2232 : vector<1x1x16xi32> to vector<16xi32>
      %swap3A_2234 = vector.shape_cast %add3A_2227 : vector<16xi32> to vector<1x1x16xi32>
      tpu.vector_store %arg7[%swap3A_2229, %swap3A_2230, %swap3A_2231], %swap3A_2234 {strides = array<i32>} : memref<64x4x128xi32, #tpu.memory_space<vmem>>, vector<1x1x16xi32>,
      %get3A_2235 = arith.constant 1 : i32
      %get3A_2236 = arith.index_cast %get3A_2235 : i32 to index
      %get3A_2237 = arith.constant 112 : index
      %get3A_2238 = tpu.vector_load %arg6[%get3A_2236, %get3A_2237] {strides = array<i32>} : memref<4x128xi32, #tpu.memory_space<vmem>>, vector<1x16xi32>,
      %get3A_2239 = vector.shape_cast %get3A_2238 : vector<1x16xi32> to vector<16xi32>
      %add3A_2240 = vector.broadcast %add3A_2024 : i32 to vector<16xi32>
      %add3A_2241 = arith.addi %get3A_2239, %add3A_2240 : vector<16xi32>
      %swap3A_2242 = arith.constant 1 : i32
      %swap3A_2243 = arith.index_cast %add3A_1981 : i32 to index
      %swap3A_2244 = arith.index_cast %swap3A_2242 : i32 to index
      %swap3A_2245 = arith.constant 112 : index
      %swap3A_2246 = tpu.vector_load %arg7[%swap3A_2243, %swap3A_2244, %swap3A_2245] {strides = array<i32>} : memref<64x4x128xi32, #tpu.memory_space<vmem>>, vector<1x1x16xi32>,
      %swap3A_2247 = vector.shape_cast %swap3A_2246 : vector<1x1x16xi32> to vector<16xi32>
      %swap3A_2248 = vector.shape_cast %add3A_2241 : vector<16xi32> to vector<1x1x16xi32>
      tpu.vector_store %arg7[%swap3A_2243, %swap3A_2244, %swap3A_2245], %swap3A_2248 {strides = array<i32>} : memref<64x4x128xi32, #tpu.memory_space<vmem>>, vector<1x1x16xi32>,
      %get3A_2249 = arith.constant 2 : i32
      %get3A_2250 = arith.index_cast %get3A_2249 : i32 to index
      %get3A_2251 = arith.constant 0 : index
      %get3A_2252 = tpu.vector_load %arg6[%get3A_2250, %get3A_2251] {strides = array<i32>} : memref<4x128xi32, #tpu.memory_space<vmem>>, vector<1x16xi32>,
      %get3A_2253 = vector.shape_cast %get3A_2252 : vector<1x16xi32> to vector<16xi32>
      %add3A_2254 = vector.broadcast %add3A_2024 : i32 to vector<16xi32>
      %add3A_2255 = arith.addi %get3A_2253, %add3A_2254 : vector<16xi32>
      %swap3A_2256 = arith.constant 2 : i32
      %swap3A_2257 = arith.index_cast %add3A_1981 : i32 to index
      %swap3A_2258 = arith.index_cast %swap3A_2256 : i32 to index
      %swap3A_2259 = arith.constant 0 : index
      %swap3A_2260 = tpu.vector_load %arg7[%swap3A_2257, %swap3A_2258, %swap3A_2259] {strides = array<i32>} : memref<64x4x128xi32, #tpu.memory_space<vmem>>, vector<1x1x16xi32>,
      %swap3A_2261 = vector.shape_cast %swap3A_2260 : vector<1x1x16xi32> to vector<16xi32>
      %swap3A_2262 = vector.shape_cast %add3A_2255 : vector<16xi32> to vector<1x1x16xi32>
      tpu.vector_store %arg7[%swap3A_2257, %swap3A_2258, %swap3A_2259], %swap3A_2262 {strides = array<i32>} : memref<64x4x128xi32, #tpu.memory_space<vmem>>, vector<1x1x16xi32>,
      %get3A_2263 = arith.constant 2 : i32
      %get3A_2264 = arith.index_cast %get3A_2263 : i32 to index
      %get3A_2265 = arith.constant 16 : index
      %get3A_2266 = tpu.vector_load %arg6[%get3A_2264, %get3A_2265] {strides = array<i32>} : memref<4x128xi32, #tpu.memory_space<vmem>>, vector<1x16xi32>,
      %get3A_2267 = vector.shape_cast %get3A_2266 : vector<1x16xi32> to vector<16xi32>
      %add3A_2268 = vector.broadcast %add3A_2024 : i32 to vector<16xi32>
      %add3A_2269 = arith.addi %get3A_2267, %add3A_2268 : vector<16xi32>
      %swap3A_2270 = arith.constant 2 : i32
      %swap3A_2271 = arith.index_cast %add3A_1981 : i32 to index
      %swap3A_2272 = arith.index_cast %swap3A_2270 : i32 to index
      %swap3A_2273 = arith.constant 16 : index
      %swap3A_2274 = tpu.vector_load %arg7[%swap3A_2271, %swap3A_2272, %swap3A_2273] {strides = array<i32>} : memref<64x4x128xi32, #tpu.memory_space<vmem>>, vector<1x1x16xi32>,
      %swap3A_2275 = vector.shape_cast %swap3A_2274 : vector<1x1x16xi32> to vector<16xi32>
      %swap3A_2276 = vector.shape_cast %add3A_2269 : vector<16xi32> to vector<1x1x16xi32>
      tpu.vector_store %arg7[%swap3A_2271, %swap3A_2272, %swap3A_2273], %swap3A_2276 {strides = array<i32>} : memref<64x4x128xi32, #tpu.memory_space<vmem>>, vector<1x1x16xi32>,
      %get3A_2277 = arith.constant 2 : i32
      %get3A_2278 = arith.index_cast %get3A_2277 : i32 to index
      %get3A_2279 = arith.constant 32 : index
      %get3A_2280 = tpu.vector_load %arg6[%get3A_2278, %get3A_2279] {strides = array<i32>} : memref<4x128xi32, #tpu.memory_space<vmem>>, vector<1x16xi32>,
      %get3A_2281 = vector.shape_cast %get3A_2280 : vector<1x16xi32> to vector<16xi32>
      %add3A_2282 = vector.broadcast %add3A_2024 : i32 to vector<16xi32>
      %add3A_2283 = arith.addi %get3A_2281, %add3A_2282 : vector<16xi32>
      %swap3A_2284 = arith.constant 2 : i32
      %swap3A_2285 = arith.index_cast %add3A_1981 : i32 to index
      %swap3A_2286 = arith.index_cast %swap3A_2284 : i32 to index
      %swap3A_2287 = arith.constant 32 : index
      %swap3A_2288 = tpu.vector_load %arg7[%swap3A_2285, %swap3A_2286, %swap3A_2287] {strides = array<i32>} : memref<64x4x128xi32, #tpu.memory_space<vmem>>, vector<1x1x16xi32>,
      %swap3A_2289 = vector.shape_cast %swap3A_2288 : vector<1x1x16xi32> to vector<16xi32>
      %swap3A_2290 = vector.shape_cast %add3A_2283 : vector<16xi32> to vector<1x1x16xi32>
      tpu.vector_store %arg7[%swap3A_2285, %swap3A_2286, %swap3A_2287], %swap3A_2290 {strides = array<i32>} : memref<64x4x128xi32, #tpu.memory_space<vmem>>, vector<1x1x16xi32>,
      %get3A_2291 = arith.constant 2 : i32
      %get3A_2292 = arith.index_cast %get3A_2291 : i32 to index
      %get3A_2293 = arith.constant 48 : index
      %get3A_2294 = tpu.vector_load %arg6[%get3A_2292, %get3A_2293] {strides = array<i32>} : memref<4x128xi32, #tpu.memory_space<vmem>>, vector<1x16xi32>,
      %get3A_2295 = vector.shape_cast %get3A_2294 : vector<1x16xi32> to vector<16xi32>
      %add3A_2296 = vector.broadcast %add3A_2024 : i32 to vector<16xi32>
      %add3A_2297 = arith.addi %get3A_2295, %add3A_2296 : vector<16xi32>
      %swap3A_2298 = arith.constant 2 : i32
      %swap3A_2299 = arith.index_cast %add3A_1981 : i32 to index
      %swap3A_2300 = arith.index_cast %swap3A_2298 : i32 to index
      %swap3A_2301 = arith.constant 48 : index
      %swap3A_2302 = tpu.vector_load %arg7[%swap3A_2299, %swap3A_2300, %swap3A_2301] {strides = array<i32>} : memref<64x4x128xi32, #tpu.memory_space<vmem>>, vector<1x1x16xi32>,
      %swap3A_2303 = vector.shape_cast %swap3A_2302 : vector<1x1x16xi32> to vector<16xi32>
      %swap3A_2304 = vector.shape_cast %add3A_2297 : vector<16xi32> to vector<1x1x16xi32>
      tpu.vector_store %arg7[%swap3A_2299, %swap3A_2300, %swap3A_2301], %swap3A_2304 {strides = array<i32>} : memref<64x4x128xi32, #tpu.memory_space<vmem>>, vector<1x1x16xi32>,
      %get3A_2305 = arith.constant 2 : i32
      %get3A_2306 = arith.index_cast %get3A_2305 : i32 to index
      %get3A_2307 = arith.constant 64 : index
      %get3A_2308 = tpu.vector_load %arg6[%get3A_2306, %get3A_2307] {strides = array<i32>} : memref<4x128xi32, #tpu.memory_space<vmem>>, vector<1x16xi32>,
      %get3A_2309 = vector.shape_cast %get3A_2308 : vector<1x16xi32> to vector<16xi32>
      %add3A_2310 = vector.broadcast %add3A_2024 : i32 to vector<16xi32>
      %add3A_2311 = arith.addi %get3A_2309, %add3A_2310 : vector<16xi32>
      %swap3A_2312 = arith.constant 2 : i32
      %swap3A_2313 = arith.index_cast %add3A_1981 : i32 to index
      %swap3A_2314 = arith.index_cast %swap3A_2312 : i32 to index
      %swap3A_2315 = arith.constant 64 : index
      %swap3A_2316 = tpu.vector_load %arg7[%swap3A_2313, %swap3A_2314, %swap3A_2315] {strides = array<i32>} : memref<64x4x128xi32, #tpu.memory_space<vmem>>, vector<1x1x16xi32>,
      %swap3A_2317 = vector.shape_cast %swap3A_2316 : vector<1x1x16xi32> to vector<16xi32>
      %swap3A_2318 = vector.shape_cast %add3A_2311 : vector<16xi32> to vector<1x1x16xi32>
      tpu.vector_store %arg7[%swap3A_2313, %swap3A_2314, %swap3A_2315], %swap3A_2318 {strides = array<i32>} : memref<64x4x128xi32, #tpu.memory_space<vmem>>, vector<1x1x16xi32>,
      %get3A_2319 = arith.constant 2 : i32
      %get3A_2320 = arith.index_cast %get3A_2319 : i32 to index
      %get3A_2321 = arith.constant 80 : index
      %get3A_2322 = tpu.vector_load %arg6[%get3A_2320, %get3A_2321] {strides = array<i32>} : memref<4x128xi32, #tpu.memory_space<vmem>>, vector<1x16xi32>,
      %get3A_2323 = vector.shape_cast %get3A_2322 : vector<1x16xi32> to vector<16xi32>
      %add3A_2324 = vector.broadcast %add3A_2024 : i32 to vector<16xi32>
      %add3A_2325 = arith.addi %get3A_2323, %add3A_2324 : vector<16xi32>
      %swap3A_2326 = arith.constant 2 : i32
      %swap3A_2327 = arith.index_cast %add3A_1981 : i32 to index
      %swap3A_2328 = arith.index_cast %swap3A_2326 : i32 to index
      %swap3A_2329 = arith.constant 80 : index
      %swap3A_2330 = tpu.vector_load %arg7[%swap3A_2327, %swap3A_2328, %swap3A_2329] {strides = array<i32>} : memref<64x4x128xi32, #tpu.memory_space<vmem>>, vector<1x1x16xi32>,
      %swap3A_2331 = vector.shape_cast %swap3A_2330 : vector<1x1x16xi32> to vector<16xi32>
      %swap3A_2332 = vector.shape_cast %add3A_2325 : vector<16xi32> to vector<1x1x16xi32>
      tpu.vector_store %arg7[%swap3A_2327, %swap3A_2328, %swap3A_2329], %swap3A_2332 {strides = array<i32>} : memref<64x4x128xi32, #tpu.memory_space<vmem>>, vector<1x1x16xi32>,
      %get3A_2333 = arith.constant 2 : i32
      %get3A_2334 = arith.index_cast %get3A_2333 : i32 to index
      %get3A_2335 = arith.constant 96 : index
      %get3A_2336 = tpu.vector_load %arg6[%get3A_2334, %get3A_2335] {strides = array<i32>} : memref<4x128xi32, #tpu.memory_space<vmem>>, vector<1x16xi32>,
      %get3A_2337 = vector.shape_cast %get3A_2336 : vector<1x16xi32> to vector<16xi32>
      %add3A_2338 = vector.broadcast %add3A_2024 : i32 to vector<16xi32>
      %add3A_2339 = arith.addi %get3A_2337, %add3A_2338 : vector<16xi32>
      %swap3A_2340 = arith.constant 2 : i32
      %swap3A_2341 = arith.index_cast %add3A_1981 : i32 to index
      %swap3A_2342 = arith.index_cast %swap3A_2340 : i32 to index
      %swap3A_2343 = arith.constant 96 : index
      %swap3A_2344 = tpu.vector_load %arg7[%swap3A_2341, %swap3A_2342, %swap3A_2343] {strides = array<i32>} : memref<64x4x128xi32, #tpu.memory_space<vmem>>, vector<1x1x16xi32>,
      %swap3A_2345 = vector.shape_cast %swap3A_2344 : vector<1x1x16xi32> to vector<16xi32>
      %swap3A_2346 = vector.shape_cast %add3A_2339 : vector<16xi32> to vector<1x1x16xi32>
      tpu.vector_store %arg7[%swap3A_2341, %swap3A_2342, %swap3A_2343], %swap3A_2346 {strides = array<i32>} : memref<64x4x128xi32, #tpu.memory_space<vmem>>, vector<1x1x16xi32>,
      %get3A_2347 = arith.constant 2 : i32
      %get3A_2348 = arith.index_cast %get3A_2347 : i32 to index
      %get3A_2349 = arith.constant 112 : index
      %get3A_2350 = tpu.vector_load %arg6[%get3A_2348, %get3A_2349] {strides = array<i32>} : memref<4x128xi32, #tpu.memory_space<vmem>>, vector<1x16xi32>,
      %get3A_2351 = vector.shape_cast %get3A_2350 : vector<1x16xi32> to vector<16xi32>
      %add3A_2352 = vector.broadcast %add3A_2024 : i32 to vector<16xi32>
      %add3A_2353 = arith.addi %get3A_2351, %add3A_2352 : vector<16xi32>
      %swap3A_2354 = arith.constant 2 : i32
      %swap3A_2355 = arith.index_cast %add3A_1981 : i32 to index
      %swap3A_2356 = arith.index_cast %swap3A_2354 : i32 to index
      %swap3A_2357 = arith.constant 112 : index
      %swap3A_2358 = tpu.vector_load %arg7[%swap3A_2355, %swap3A_2356, %swap3A_2357] {strides = array<i32>} : memref<64x4x128xi32, #tpu.memory_space<vmem>>, vector<1x1x16xi32>,
      %swap3A_2359 = vector.shape_cast %swap3A_2358 : vector<1x1x16xi32> to vector<16xi32>
      %swap3A_2360 = vector.shape_cast %add3A_2353 : vector<16xi32> to vector<1x1x16xi32>
      tpu.vector_store %arg7[%swap3A_2355, %swap3A_2356, %swap3A_2357], %swap3A_2360 {strides = array<i32>} : memref<64x4x128xi32, #tpu.memory_space<vmem>>, vector<1x1x16xi32>,
      %get3A_2361 = arith.constant 3 : i32
      %get3A_2362 = arith.index_cast %get3A_2361 : i32 to index
      %get3A_2363 = arith.constant 0 : index
      %get3A_2364 = tpu.vector_load %arg6[%get3A_2362, %get3A_2363] {strides = array<i32>} : memref<4x128xi32, #tpu.memory_space<vmem>>, vector<1x16xi32>,
      %get3A_2365 = vector.shape_cast %get3A_2364 : vector<1x16xi32> to vector<16xi32>
      %add3A_2366 = vector.broadcast %add3A_2024 : i32 to vector<16xi32>
      %add3A_2367 = arith.addi %get3A_2365, %add3A_2366 : vector<16xi32>
      %swap3A_2368 = arith.constant 3 : i32
      %swap3A_2369 = arith.index_cast %add3A_1981 : i32 to index
      %swap3A_2370 = arith.index_cast %swap3A_2368 : i32 to index
      %swap3A_2371 = arith.constant 0 : index
      %swap3A_2372 = tpu.vector_load %arg7[%swap3A_2369, %swap3A_2370, %swap3A_2371] {strides = array<i32>} : memref<64x4x128xi32, #tpu.memory_space<vmem>>, vector<1x1x16xi32>,
      %swap3A_2373 = vector.shape_cast %swap3A_2372 : vector<1x1x16xi32> to vector<16xi32>
      %swap3A_2374 = vector.shape_cast %add3A_2367 : vector<16xi32> to vector<1x1x16xi32>
      tpu.vector_store %arg7[%swap3A_2369, %swap3A_2370, %swap3A_2371], %swap3A_2374 {strides = array<i32>} : memref<64x4x128xi32, #tpu.memory_space<vmem>>, vector<1x1x16xi32>,
      %get3A_2375 = arith.constant 3 : i32
      %get3A_2376 = arith.index_cast %get3A_2375 : i32 to index
      %get3A_2377 = arith.constant 16 : index
      %get3A_2378 = tpu.vector_load %arg6[%get3A_2376, %get3A_2377] {strides = array<i32>} : memref<4x128xi32, #tpu.memory_space<vmem>>, vector<1x16xi32>,
      %get3A_2379 = vector.shape_cast %get3A_2378 : vector<1x16xi32> to vector<16xi32>
      %add3A_2380 = vector.broadcast %add3A_2024 : i32 to vector<16xi32>
      %add3A_2381 = arith.addi %get3A_2379, %add3A_2380 : vector<16xi32>
      %swap3A_2382 = arith.constant 3 : i32
      %swap3A_2383 = arith.index_cast %add3A_1981 : i32 to index
      %swap3A_2384 = arith.index_cast %swap3A_2382 : i32 to index
      %swap3A_2385 = arith.constant 16 : index
      %swap3A_2386 = tpu.vector_load %arg7[%swap3A_2383, %swap3A_2384, %swap3A_2385] {strides = array<i32>} : memref<64x4x128xi32, #tpu.memory_space<vmem>>, vector<1x1x16xi32>,
      %swap3A_2387 = vector.shape_cast %swap3A_2386 : vector<1x1x16xi32> to vector<16xi32>
      %swap3A_2388 = vector.shape_cast %add3A_2381 : vector<16xi32> to vector<1x1x16xi32>
      tpu.vector_store %arg7[%swap3A_2383, %swap3A_2384, %swap3A_2385], %swap3A_2388 {strides = array<i32>} : memref<64x4x128xi32, #tpu.memory_space<vmem>>, vector<1x1x16xi32>,
      %get3A_2389 = arith.constant 3 : i32
      %get3A_2390 = arith.index_cast %get3A_2389 : i32 to index
      %get3A_2391 = arith.constant 32 : index
      %get3A_2392 = tpu.vector_load %arg6[%get3A_2390, %get3A_2391] {strides = array<i32>} : memref<4x128xi32, #tpu.memory_space<vmem>>, vector<1x16xi32>,
      %get3A_2393 = vector.shape_cast %get3A_2392 : vector<1x16xi32> to vector<16xi32>
      %add3A_2394 = vector.broadcast %add3A_2024 : i32 to vector<16xi32>
      %add3A_2395 = arith.addi %get3A_2393, %add3A_2394 : vector<16xi32>
      %swap3A_2396 = arith.constant 3 : i32
      %swap3A_2397 = arith.index_cast %add3A_1981 : i32 to index
      %swap3A_2398 = arith.index_cast %swap3A_2396 : i32 to index
      %swap3A_2399 = arith.constant 32 : index
      %swap3A_2400 = tpu.vector_load %arg7[%swap3A_2397, %swap3A_2398, %swap3A_2399] {strides = array<i32>} : memref<64x4x128xi32, #tpu.memory_space<vmem>>, vector<1x1x16xi32>,
      %swap3A_2401 = vector.shape_cast %swap3A_2400 : vector<1x1x16xi32> to vector<16xi32>
      %swap3A_2402 = vector.shape_cast %add3A_2395 : vector<16xi32> to vector<1x1x16xi32>
      tpu.vector_store %arg7[%swap3A_2397, %swap3A_2398, %swap3A_2399], %swap3A_2402 {strides = array<i32>} : memref<64x4x128xi32, #tpu.memory_space<vmem>>, vector<1x1x16xi32>,
      %get3A_2403 = arith.constant 3 : i32
      %get3A_2404 = arith.index_cast %get3A_2403 : i32 to index
      %get3A_2405 = arith.constant 48 : index
      %get3A_2406 = tpu.vector_load %arg6[%get3A_2404, %get3A_2405] {strides = array<i32>} : memref<4x128xi32, #tpu.memory_space<vmem>>, vector<1x16xi32>,
      %get3A_2407 = vector.shape_cast %get3A_2406 : vector<1x16xi32> to vector<16xi32>
      %add3A_2408 = vector.broadcast %add3A_2024 : i32 to vector<16xi32>
      %add3A_2409 = arith.addi %get3A_2407, %add3A_2408 : vector<16xi32>
      %swap3A_2410 = arith.constant 3 : i32
      %swap3A_2411 = arith.index_cast %add3A_1981 : i32 to index
      %swap3A_2412 = arith.index_cast %swap3A_2410 : i32 to index
      %swap3A_2413 = arith.constant 48 : index
      %swap3A_2414 = tpu.vector_load %arg7[%swap3A_2411, %swap3A_2412, %swap3A_2413] {strides = array<i32>} : memref<64x4x128xi32, #tpu.memory_space<vmem>>, vector<1x1x16xi32>,
      %swap3A_2415 = vector.shape_cast %swap3A_2414 : vector<1x1x16xi32> to vector<16xi32>
      %swap3A_2416 = vector.shape_cast %add3A_2409 : vector<16xi32> to vector<1x1x16xi32>
      tpu.vector_store %arg7[%swap3A_2411, %swap3A_2412, %swap3A_2413], %swap3A_2416 {strides = array<i32>} : memref<64x4x128xi32, #tpu.memory_space<vmem>>, vector<1x1x16xi32>,
      %get3A_2417 = arith.constant 3 : i32
      %get3A_2418 = arith.index_cast %get3A_2417 : i32 to index
      %get3A_2419 = arith.constant 64 : index
      %get3A_2420 = tpu.vector_load %arg6[%get3A_2418, %get3A_2419] {strides = array<i32>} : memref<4x128xi32, #tpu.memory_space<vmem>>, vector<1x16xi32>,
      %get3A_2421 = vector.shape_cast %get3A_2420 : vector<1x16xi32> to vector<16xi32>
      %add3A_2422 = vector.broadcast %add3A_2024 : i32 to vector<16xi32>
      %add3A_2423 = arith.addi %get3A_2421, %add3A_2422 : vector<16xi32>
      %swap3A_2424 = arith.constant 3 : i32
      %swap3A_2425 = arith.index_cast %add3A_1981 : i32 to index
      %swap3A_2426 = arith.index_cast %swap3A_2424 : i32 to index
      %swap3A_2427 = arith.constant 64 : index
      %swap3A_2428 = tpu.vector_load %arg7[%swap3A_2425, %swap3A_2426, %swap3A_2427] {strides = array<i32>} : memref<64x4x128xi32, #tpu.memory_space<vmem>>, vector<1x1x16xi32>,
      %swap3A_2429 = vector.shape_cast %swap3A_2428 : vector<1x1x16xi32> to vector<16xi32>
      %swap3A_2430 = vector.shape_cast %add3A_2423 : vector<16xi32> to vector<1x1x16xi32>
      tpu.vector_store %arg7[%swap3A_2425, %swap3A_2426, %swap3A_2427], %swap3A_2430 {strides = array<i32>} : memref<64x4x128xi32, #tpu.memory_space<vmem>>, vector<1x1x16xi32>,
      %get3A_2431 = arith.constant 3 : i32
      %get3A_2432 = arith.index_cast %get3A_2431 : i32 to index
      %get3A_2433 = arith.constant 80 : index
      %get3A_2434 = tpu.vector_load %arg6[%get3A_2432, %get3A_2433] {strides = array<i32>} : memref<4x128xi32, #tpu.memory_space<vmem>>, vector<1x16xi32>,
      %get3A_2435 = vector.shape_cast %get3A_2434 : vector<1x16xi32> to vector<16xi32>
      %add3A_2436 = vector.broadcast %add3A_2024 : i32 to vector<16xi32>
      %add3A_2437 = arith.addi %get3A_2435, %add3A_2436 : vector<16xi32>
      %swap3A_2438 = arith.constant 3 : i32
      %swap3A_2439 = arith.index_cast %add3A_1981 : i32 to index
      %swap3A_2440 = arith.index_cast %swap3A_2438 : i32 to index
      %swap3A_2441 = arith.constant 80 : index
      %swap3A_2442 = tpu.vector_load %arg7[%swap3A_2439, %swap3A_2440, %swap3A_2441] {strides = array<i32>} : memref<64x4x128xi32, #tpu.memory_space<vmem>>, vector<1x1x16xi32>,
      %swap3A_2443 = vector.shape_cast %swap3A_2442 : vector<1x1x16xi32> to vector<16xi32>
      %swap3A_2444 = vector.shape_cast %add3A_2437 : vector<16xi32> to vector<1x1x16xi32>
      tpu.vector_store %arg7[%swap3A_2439, %swap3A_2440, %swap3A_2441], %swap3A_2444 {strides = array<i32>} : memref<64x4x128xi32, #tpu.memory_space<vmem>>, vector<1x1x16xi32>,
      %get3A_2445 = arith.constant 3 : i32
      %get3A_2446 = arith.index_cast %get3A_2445 : i32 to index
      %get3A_2447 = arith.constant 96 : index
      %get3A_2448 = tpu.vector_load %arg6[%get3A_2446, %get3A_2447] {strides = array<i32>} : memref<4x128xi32, #tpu.memory_space<vmem>>, vector<1x16xi32>,
      %get3A_2449 = vector.shape_cast %get3A_2448 : vector<1x16xi32> to vector<16xi32>
      %add3A_2450 = vector.broadcast %add3A_2024 : i32 to vector<16xi32>
      %add3A_2451 = arith.addi %get3A_2449, %add3A_2450 : vector<16xi32>
      %swap3A_2452 = arith.constant 3 : i32
      %swap3A_2453 = arith.index_cast %add3A_1981 : i32 to index
      %swap3A_2454 = arith.index_cast %swap3A_2452 : i32 to index
      %swap3A_2455 = arith.constant 96 : index
      %swap3A_2456 = tpu.vector_load %arg7[%swap3A_2453, %swap3A_2454, %swap3A_2455] {strides = array<i32>} : memref<64x4x128xi32, #tpu.memory_space<vmem>>, vector<1x1x16xi32>,
      %swap3A_2457 = vector.shape_cast %swap3A_2456 : vector<1x1x16xi32> to vector<16xi32>
      %swap3A_2458 = vector.shape_cast %add3A_2451 : vector<16xi32> to vector<1x1x16xi32>
      tpu.vector_store %arg7[%swap3A_2453, %swap3A_2454, %swap3A_2455], %swap3A_2458 {strides = array<i32>} : memref<64x4x128xi32, #tpu.memory_space<vmem>>, vector<1x1x16xi32>,
      %get3A_2459 = arith.constant 3 : i32
      %get3A_2460 = arith.index_cast %get3A_2459 : i32 to index
      %get3A_2461 = arith.constant 112 : index
      %get3A_2462 = tpu.vector_load %arg6[%get3A_2460, %get3A_2461] {strides = array<i32>} : memref<4x128xi32, #tpu.memory_space<vmem>>, vector<1x16xi32>,
      %get3A_2463 = vector.shape_cast %get3A_2462 : vector<1x16xi32> to vector<16xi32>
      %add3A_2464 = vector.broadcast %add3A_2024 : i32 to vector<16xi32>
      %add3A_2465 = arith.addi %get3A_2463, %add3A_2464 : vector<16xi32>
      %swap3A_2466 = arith.constant 3 : i32
      %swap3A_2467 = arith.index_cast %add3A_1981 : i32 to index
      %swap3A_2468 = arith.index_cast %swap3A_2466 : i32 to index
      %swap3A_2469 = arith.constant 112 : index
      %swap3A_2470 = tpu.vector_load %arg7[%swap3A_2467, %swap3A_2468, %swap3A_2469] {strides = array<i32>} : memref<64x4x128xi32, #tpu.memory_space<vmem>>, vector<1x1x16xi32>,
      %swap3A_2471 = vector.shape_cast %swap3A_2470 : vector<1x1x16xi32> to vector<16xi32>
      %swap3A_2472 = vector.shape_cast %add3A_2465 : vector<16xi32> to vector<1x1x16xi32>
      tpu.vector_store %arg7[%swap3A_2467, %swap3A_2468, %swap3A_2469], %swap3A_2472 {strides = array<i32>} : memref<64x4x128xi32, #tpu.memory_space<vmem>>, vector<1x1x16xi32>,
      %dma_start3A_2473 = arith.constant 0 : i32
      %dma_start3A_2474 = arith.constant 0 : i32
      %dma_start3A_2475 = tpu.memref_slice %arg8[%add3A_1979, %dma_start3A_2474] : memref<64x512xf32, #tpu.memory_space<vmem>> -> memref<1x128xf32, #tpu.memory_space<vmem>>
      %dma_start3A_2476 = tpu.memref_squeeze %dma_start3A_2475 : memref<1x128xf32, #tpu.memory_space<vmem>> -> memref<128xf32, #tpu.memory_space<vmem>>
      %dma_start3A_2477 = arith.constant 0 : i32
      %dma_start3A_2478 = tpu.memref_slice %arg7[%add3A_1979, %dma_start3A_2473, %dma_start3A_2477] : memref<64x4x128xi32, #tpu.memory_space<vmem>> -> memref<1x1x128xi32, #tpu.memory_space<vmem>>
      %dma_start3A_2479 = tpu.memref_squeeze %dma_start3A_2478 : memref<1x1x128xi32, #tpu.memory_space<vmem>> -> memref<128xi32, #tpu.memory_space<vmem>>
      %dma_start3A_2480 = arith.constant 0 : i32
      %dma_start3A_2481 = tpu.memref_slice %arg2[%dma_start3A_2480] : memref<209715200xf32, #tpu.memory_space<hbm>> -> memref<209715200xf32, #tpu.memory_space<hbm>>
      tpu.enqueue_indirect_dma source(%dma_start3A_2481 : memref<209715200xf32, #tpu.memory_space<hbm>>) target(%dma_start3A_2476 : memref<128xf32, #tpu.memory_space<vmem>>) offsets(%dma_start3A_2479 : memref<128xi32, #tpu.memory_space<vmem>>) semaphore(%arg9 : memref<!tpu.dma_semaphore, #tpu.memory_space<semaphore_mem>>)
      %dma_start3A_2482 = arith.constant 1 : i32
      %dma_start3A_2483 = arith.constant 128 : i32
      %dma_start3A_2484 = tpu.memref_slice %arg8[%add3A_1979, %dma_start3A_2483] : memref<64x512xf32, #tpu.memory_space<vmem>> -> memref<1x128xf32, #tpu.memory_space<vmem>>
      %dma_start3A_2485 = tpu.memref_squeeze %dma_start3A_2484 : memref<1x128xf32, #tpu.memory_space<vmem>> -> memref<128xf32, #tpu.memory_space<vmem>>
      %dma_start3A_2486 = arith.constant 0 : i32
      %dma_start3A_2487 = tpu.memref_slice %arg7[%add3A_1979, %dma_start3A_2482, %dma_start3A_2486] : memref<64x4x128xi32, #tpu.memory_space<vmem>> -> memref<1x1x128xi32, #tpu.memory_space<vmem>>
      %dma_start3A_2488 = tpu.memref_squeeze %dma_start3A_2487 : memref<1x1x128xi32, #tpu.memory_space<vmem>> -> memref<128xi32, #tpu.memory_space<vmem>>
      %dma_start3A_2489 = arith.constant 0 : i32
      %dma_start3A_2490 = tpu.memref_slice %arg2[%dma_start3A_2489] : memref<209715200xf32, #tpu.memory_space<hbm>> -> memref<209715200xf32, #tpu.memory_space<hbm>>
      tpu.enqueue_indirect_dma source(%dma_start3A_2490 : memref<209715200xf32, #tpu.memory_space<hbm>>) target(%dma_start3A_2485 : memref<128xf32, #tpu.memory_space<vmem>>) offsets(%dma_start3A_2488 : memref<128xi32, #tpu.memory_space<vmem>>) semaphore(%arg9 : memref<!tpu.dma_semaphore, #tpu.memory_space<semaphore_mem>>)
      %dma_start3A_2491 = arith.constant 2 : i32
      %dma_start3A_2492 = arith.constant 256 : i32
      %dma_start3A_2493 = tpu.memref_slice %arg8[%add3A_1979, %dma_start3A_2492] : memref<64x512xf32, #tpu.memory_space<vmem>> -> memref<1x128xf32, #tpu.memory_space<vmem>>
      %dma_start3A_2494 = tpu.memref_squeeze %dma_start3A_2493 : memref<1x128xf32, #tpu.memory_space<vmem>> -> memref<128xf32, #tpu.memory_space<vmem>>
      %dma_start3A_2495 = arith.constant 0 : i32
      %dma_start3A_2496 = tpu.memref_slice %arg7[%add3A_1979, %dma_start3A_2491, %dma_start3A_2495] : memref<64x4x128xi32, #tpu.memory_space<vmem>> -> memref<1x1x128xi32, #tpu.memory_space<vmem>>
      %dma_start3A_2497 = tpu.memref_squeeze %dma_start3A_2496 : memref<1x1x128xi32, #tpu.memory_space<vmem>> -> memref<128xi32, #tpu.memory_space<vmem>>
      %dma_start3A_2498 = arith.constant 0 : i32
      %dma_start3A_2499 = tpu.memref_slice %arg2[%dma_start3A_2498] : memref<209715200xf32, #tpu.memory_space<hbm>> -> memref<209715200xf32, #tpu.memory_space<hbm>>
      tpu.enqueue_indirect_dma source(%dma_start3A_2499 : memref<209715200xf32, #tpu.memory_space<hbm>>) target(%dma_start3A_2494 : memref<128xf32, #tpu.memory_space<vmem>>) offsets(%dma_start3A_2497 : memref<128xi32, #tpu.memory_space<vmem>>) semaphore(%arg9 : memref<!tpu.dma_semaphore, #tpu.memory_space<semaphore_mem>>)
      %dma_start3A_2500 = arith.constant 3 : i32
      %dma_start3A_2501 = arith.constant 384 : i32
      %dma_start3A_2502 = tpu.memref_slice %arg8[%add3A_1979, %dma_start3A_2501] : memref<64x512xf32, #tpu.memory_space<vmem>> -> memref<1x128xf32, #tpu.memory_space<vmem>>
      %dma_start3A_2503 = tpu.memref_squeeze %dma_start3A_2502 : memref<1x128xf32, #tpu.memory_space<vmem>> -> memref<128xf32, #tpu.memory_space<vmem>>
      %dma_start3A_2504 = arith.constant 0 : i32
      %dma_start3A_2505 = tpu.memref_slice %arg7[%add3A_1979, %dma_start3A_2500, %dma_start3A_2504] : memref<64x4x128xi32, #tpu.memory_space<vmem>> -> memref<1x1x128xi32, #tpu.memory_space<vmem>>
      %dma_start3A_2506 = tpu.memref_squeeze %dma_start3A_2505 : memref<1x1x128xi32, #tpu.memory_space<vmem>> -> memref<128xi32, #tpu.memory_space<vmem>>
      %dma_start3A_2507 = arith.constant 0 : i32
      %dma_start3A_2508 = tpu.memref_slice %arg2[%dma_start3A_2507] : memref<209715200xf32, #tpu.memory_space<hbm>> -> memref<209715200xf32, #tpu.memory_space<hbm>>
      tpu.enqueue_indirect_dma source(%dma_start3A_2508 : memref<209715200xf32, #tpu.memory_space<hbm>>) target(%dma_start3A_2503 : memref<128xf32, #tpu.memory_space<vmem>>) offsets(%dma_start3A_2506 : memref<128xi32, #tpu.memory_space<vmem>>) semaphore(%arg9 : memref<!tpu.dma_semaphore, #tpu.memory_space<semaphore_mem>>)
      %dma_wait3A_2509 = arith.constant 0 : i32
      %dma_wait3A_2510 = arith.constant 0 : i32
      %dma_wait3A_2511 = tpu.memref_slice %arg8[%dma_wait3A_2509, %dma_wait3A_2510] : memref<64x512xf32, #tpu.memory_space<vmem>> -> memref<1x512xf32, #tpu.memory_space<vmem>>
      %dma_wait3A_2512 = tpu.memref_squeeze %dma_wait3A_2511 : memref<1x512xf32, #tpu.memory_space<vmem>> -> memref<512xf32, #tpu.memory_space<vmem>>
      %dma_wait3A_2513 = arith.constant 0 : i32
      %dma_wait3A_2514 = tpu.memref_slice %arg2[%dma_wait3A_2513] : memref<209715200xf32, #tpu.memory_space<hbm>> -> memref<512xf32, #tpu.memory_space<hbm>>
      %dma_wait3A_2515 = arith.constant 0 : i32
      %dma_wait3A_2516 = tpu.memref_slice %arg8[%dma_wait3A_2509, %dma_wait3A_2515] : memref<64x512xf32, #tpu.memory_space<vmem>> -> memref<1x512xf32, #tpu.memory_space<vmem>>
      %dma_wait3A_2517 = tpu.memref_squeeze %dma_wait3A_2516 : memref<1x512xf32, #tpu.memory_space<vmem>> -> memref<512xf32, #tpu.memory_space<vmem>>
      %dma_wait3A_2518 = arith.constant 0 : i32
      %dma_wait3A_2519 = tpu.memref_slice %arg2[%dma_wait3A_2518] : memref<209715200xf32, #tpu.memory_space<hbm>> -> memref<512xf32, #tpu.memory_space<hbm>>
      tpu.wait_dma2 semaphore(%arg9 : memref<!tpu.dma_semaphore, #tpu.memory_space<semaphore_mem>>) src(%dma_wait3A_2519 : memref<512xf32, #tpu.memory_space<hbm>>) dst(%dma_wait3A_2517 : memref<512xf32, #tpu.memory_space<vmem>>)
    }
    %scan3A_1706 = arith.constant 38 : i32
    %scan3A_1707 = arith.constant 0 : i32
    %scan3A_1708 = arith.constant 2 : i32
    %scan3A_1709 = arith.addi %scan3A_1707, %scan3A_1708 : i32
    %scan3A_1710 = arith.constant 1 : i32
    scf.for %scan3A_1975 = %scan3A_1707 to %scan3A_1709 step %scan3A_1710  : i32 {
      %mul3A_1976 = arith.constant 1 : i32
      %mul3A_1977 = arith.muli %scan3A_1975, %mul3A_1976 : i32
      %add3A_1978 = arith.constant 62 : i32
      %add3A_1979 = arith.addi %add3A_1978, %mul3A_1977 : i32
      %dma_start3A_1980 = arith.constant 0 : i32
      %dma_start3A_1981 = arith.constant 0 : i32
      %dma_start3A_1982 = tpu.memref_slice %arg8[%add3A_1979, %dma_start3A_1981] : memref<64x512xf32, #tpu.memory_space<vmem>> -> memref<1x128xf32, #tpu.memory_space<vmem>>
      %dma_start3A_1983 = tpu.memref_squeeze %dma_start3A_1982 : memref<1x128xf32, #tpu.memory_space<vmem>> -> memref<128xf32, #tpu.memory_space<vmem>>
      %dma_start3A_1984 = arith.constant 0 : i32
      %dma_start3A_1985 = tpu.memref_slice %arg7[%add3A_1979, %dma_start3A_1980, %dma_start3A_1984] : memref<64x4x128xi32, #tpu.memory_space<vmem>> -> memref<1x1x128xi32, #tpu.memory_space<vmem>>
      %dma_start3A_1986 = tpu.memref_squeeze %dma_start3A_1985 : memref<1x1x128xi32, #tpu.memory_space<vmem>> -> memref<128xi32, #tpu.memory_space<vmem>>
      %dma_start3A_1987 = arith.constant 0 : i32
      %dma_start3A_1988 = tpu.memref_slice %arg2[%dma_start3A_1987] : memref<209715200xf32, #tpu.memory_space<hbm>> -> memref<209715200xf32, #tpu.memory_space<hbm>>
      tpu.enqueue_indirect_dma source(%dma_start3A_1988 : memref<209715200xf32, #tpu.memory_space<hbm>>) target(%dma_start3A_1983 : memref<128xf32, #tpu.memory_space<vmem>>) offsets(%dma_start3A_1986 : memref<128xi32, #tpu.memory_space<vmem>>) semaphore(%arg9 : memref<!tpu.dma_semaphore, #tpu.memory_space<semaphore_mem>>)
      %dma_start3A_1989 = arith.constant 1 : i32
      %dma_start3A_1990 = arith.constant 128 : i32
      %dma_start3A_1991 = tpu.memref_slice %arg8[%add3A_1979, %dma_start3A_1990] : memref<64x512xf32, #tpu.memory_space<vmem>> -> memref<1x128xf32, #tpu.memory_space<vmem>>
      %dma_start3A_1992 = tpu.memref_squeeze %dma_start3A_1991 : memref<1x128xf32, #tpu.memory_space<vmem>> -> memref<128xf32, #tpu.memory_space<vmem>>
      %dma_start3A_1993 = arith.constant 0 : i32
      %dma_start3A_1994 = tpu.memref_slice %arg7[%add3A_1979, %dma_start3A_1989, %dma_start3A_1993] : memref<64x4x128xi32, #tpu.memory_space<vmem>> -> memref<1x1x128xi32, #tpu.memory_space<vmem>>
      %dma_start3A_1995 = tpu.memref_squeeze %dma_start3A_1994 : memref<1x1x128xi32, #tpu.memory_space<vmem>> -> memref<128xi32, #tpu.memory_space<vmem>>
      %dma_start3A_1996 = arith.constant 0 : i32
      %dma_start3A_1997 = tpu.memref_slice %arg2[%dma_start3A_1996] : memref<209715200xf32, #tpu.memory_space<hbm>> -> memref<209715200xf32, #tpu.memory_space<hbm>>
      tpu.enqueue_indirect_dma source(%dma_start3A_1997 : memref<209715200xf32, #tpu.memory_space<hbm>>) target(%dma_start3A_1992 : memref<128xf32, #tpu.memory_space<vmem>>) offsets(%dma_start3A_1995 : memref<128xi32, #tpu.memory_space<vmem>>) semaphore(%arg9 : memref<!tpu.dma_semaphore, #tpu.memory_space<semaphore_mem>>)
      %dma_start3A_1998 = arith.constant 2 : i32
      %dma_start3A_1999 = arith.constant 256 : i32
      %dma_start3A_2000 = tpu.memref_slice %arg8[%add3A_1979, %dma_start3A_1999] : memref<64x512xf32, #tpu.memory_space<vmem>> -> memref<1x128xf32, #tpu.memory_space<vmem>>
      %dma_start3A_2001 = tpu.memref_squeeze %dma_start3A_2000 : memref<1x128xf32, #tpu.memory_space<vmem>> -> memref<128xf32, #tpu.memory_space<vmem>>
      %dma_start3A_2002 = arith.constant 0 : i32
      %dma_start3A_2003 = tpu.memref_slice %arg7[%add3A_1979, %dma_start3A_1998, %dma_start3A_2002] : memref<64x4x128xi32, #tpu.memory_space<vmem>> -> memref<1x1x128xi32, #tpu.memory_space<vmem>>
      %dma_start3A_2004 = tpu.memref_squeeze %dma_start3A_2003 : memref<1x1x128xi32, #tpu.memory_space<vmem>> -> memref<128xi32, #tpu.memory_space<vmem>>
      %dma_start3A_2005 = arith.constant 0 : i32
      %dma_start3A_2006 = tpu.memref_slice %arg2[%dma_start3A_2005] : memref<209715200xf32, #tpu.memory_space<hbm>> -> memref<209715200xf32, #tpu.memory_space<hbm>>
      tpu.enqueue_indirect_dma source(%dma_start3A_2006 : memref<209715200xf32, #tpu.memory_space<hbm>>) target(%dma_start3A_2001 : memref<128xf32, #tpu.memory_space<vmem>>) offsets(%dma_start3A_2004 : memref<128xi32, #tpu.memory_space<vmem>>) semaphore(%arg9 : memref<!tpu.dma_semaphore, #tpu.memory_space<semaphore_mem>>)
      %dma_start3A_2007 = arith.constant 3 : i32
      %dma_start3A_2008 = arith.constant 384 : i32
      %dma_start3A_2009 = tpu.memref_slice %arg8[%add3A_1979, %dma_start3A_2008] : memref<64x512xf32, #tpu.memory_space<vmem>> -> memref<1x128xf32, #tpu.memory_space<vmem>>
      %dma_start3A_2010 = tpu.memref_squeeze %dma_start3A_2009 : memref<1x128xf32, #tpu.memory_space<vmem>> -> memref<128xf32, #tpu.memory_space<vmem>>
      %dma_start3A_2011 = arith.constant 0 : i32
      %dma_start3A_2012 = tpu.memref_slice %arg7[%add3A_1979, %dma_start3A_2007, %dma_start3A_2011] : memref<64x4x128xi32, #tpu.memory_space<vmem>> -> memref<1x1x128xi32, #tpu.memory_space<vmem>>
      %dma_start3A_2013 = tpu.memref_squeeze %dma_start3A_2012 : memref<1x1x128xi32, #tpu.memory_space<vmem>> -> memref<128xi32, #tpu.memory_space<vmem>>
      %dma_start3A_2014 = arith.constant 0 : i32
      %dma_start3A_2015 = tpu.memref_slice %arg2[%dma_start3A_2014] : memref<209715200xf32, #tpu.memory_space<hbm>> -> memref<209715200xf32, #tpu.memory_space<hbm>>
      tpu.enqueue_indirect_dma source(%dma_start3A_2015 : memref<209715200xf32, #tpu.memory_space<hbm>>) target(%dma_start3A_2010 : memref<128xf32, #tpu.memory_space<vmem>>) offsets(%dma_start3A_2013 : memref<128xi32, #tpu.memory_space<vmem>>) semaphore(%arg9 : memref<!tpu.dma_semaphore, #tpu.memory_space<semaphore_mem>>)
      %dma_wait3A_2016 = arith.constant 0 : i32
      %dma_wait3A_2017 = arith.constant 0 : i32
      %dma_wait3A_2018 = tpu.memref_slice %arg8[%dma_wait3A_2016, %dma_wait3A_2017] : memref<64x512xf32, #tpu.memory_space<vmem>> -> memref<1x512xf32, #tpu.memory_space<vmem>>
      %dma_wait3A_2019 = tpu.memref_squeeze %dma_wait3A_2018 : memref<1x512xf32, #tpu.memory_space<vmem>> -> memref<512xf32, #tpu.memory_space<vmem>>
      %dma_wait3A_2020 = arith.constant 0 : i32
      %dma_wait3A_2021 = tpu.memref_slice %arg2[%dma_wait3A_2020] : memref<209715200xf32, #tpu.memory_space<hbm>> -> memref<512xf32, #tpu.memory_space<hbm>>
      %dma_wait3A_2022 = arith.constant 0 : i32
      %dma_wait3A_2023 = tpu.memref_slice %arg8[%dma_wait3A_2016, %dma_wait3A_2022] : memref<64x512xf32, #tpu.memory_space<vmem>> -> memref<1x512xf32, #tpu.memory_space<vmem>>
      %dma_wait3A_2024 = tpu.memref_squeeze %dma_wait3A_2023 : memref<1x512xf32, #tpu.memory_space<vmem>> -> memref<512xf32, #tpu.memory_space<vmem>>
      %dma_wait3A_2025 = arith.constant 0 : i32
      %dma_wait3A_2026 = tpu.memref_slice %arg2[%dma_wait3A_2025] : memref<209715200xf32, #tpu.memory_space<hbm>> -> memref<512xf32, #tpu.memory_space<hbm>>
      tpu.wait_dma2 semaphore(%arg9 : memref<!tpu.dma_semaphore, #tpu.memory_space<semaphore_mem>>) src(%dma_wait3A_2026 : memref<512xf32, #tpu.memory_space<hbm>>) dst(%dma_wait3A_2024 : memref<512xf32, #tpu.memory_space<vmem>>)
    }
    %scan3A_1711 = arith.constant 2 : i32
    %dma_wait3A = arith.constant 0 : i32
    %dma_wait3A_1712 = arith.constant 0 : i32
    %dma_wait3A_1713 = tpu.memref_slice %arg8[%dma_wait3A, %dma_wait3A_1712] : memref<64x512xf32, #tpu.memory_space<vmem>> -> memref<1x512xf32, #tpu.memory_space<vmem>>
    %dma_wait3A_1714 = tpu.memref_squeeze %dma_wait3A_1713 : memref<1x512xf32, #tpu.memory_space<vmem>> -> memref<512xf32, #tpu.memory_space<vmem>>
    %dma_wait3A_1715 = arith.constant 0 : i32
    %dma_wait3A_1716 = tpu.memref_slice %arg2[%dma_wait3A_1715] : memref<209715200xf32, #tpu.memory_space<hbm>> -> memref<512xf32, #tpu.memory_space<hbm>>
    %dma_wait3A_1717 = arith.constant 0 : i32
    %dma_wait3A_1718 = tpu.memref_slice %arg8[%dma_wait3A, %dma_wait3A_1717] : memref<64x512xf32, #tpu.memory_space<vmem>> -> memref<1x512xf32, #tpu.memory_space<vmem>>
    %dma_wait3A_1719 = tpu.memref_squeeze %dma_wait3A_1718 : memref<1x512xf32, #tpu.memory_space<vmem>> -> memref<512xf32, #tpu.memory_space<vmem>>
    %dma_wait3A_1720 = arith.constant 0 : i32
    %dma_wait3A_1721 = tpu.memref_slice %arg2[%dma_wait3A_1720] : memref<209715200xf32, #tpu.memory_space<hbm>> -> memref<512xf32, #tpu.memory_space<hbm>>
    tpu.wait_dma2 semaphore(%arg9 : memref<!tpu.dma_semaphore, #tpu.memory_space<semaphore_mem>>) src(%dma_wait3A_1721 : memref<512xf32, #tpu.memory_space<hbm>>) dst(%dma_wait3A_1719 : memref<512xf32, #tpu.memory_space<vmem>>)
    %dma_wait3A_1722 = arith.constant 0 : i32
    %dma_wait3A_1723 = arith.constant 0 : i32
    %dma_wait3A_1724 = tpu.memref_slice %arg8[%dma_wait3A_1722, %dma_wait3A_1723] : memref<64x512xf32, #tpu.memory_space<vmem>> -> memref<1x512xf32, #tpu.memory_space<vmem>>
    %dma_wait3A_1725 = tpu.memref_squeeze %dma_wait3A_1724 : memref<1x512xf32, #tpu.memory_space<vmem>> -> memref<512xf32, #tpu.memory_space<vmem>>
    %dma_wait3A_1726 = arith.constant 0 : i32
    %dma_wait3A_1727 = tpu.memref_slice %arg2[%dma_wait3A_1726] : memref<209715200xf32, #tpu.memory_space<hbm>> -> memref<512xf32, #tpu.memory_space<hbm>>
    %dma_wait3A_1728 = arith.constant 0 : i32
    %dma_wait3A_1729 = tpu.memref_slice %arg8[%dma_wait3A_1722, %dma_wait3A_1728] : memref<64x512xf32, #tpu.memory_space<vmem>> -> memref<1x512xf32, #tpu.memory_space<vmem>>
    %dma_wait3A_1730 = tpu.memref_squeeze %dma_wait3A_1729 : memref<1x512xf32, #tpu.memory_space<vmem>> -> memref<512xf32, #tpu.memory_space<vmem>>
    %dma_wait3A_1731 = arith.constant 0 : i32
    %dma_wait3A_1732 = tpu.memref_slice %arg2[%dma_wait3A_1731] : memref<209715200xf32, #tpu.memory_space<hbm>> -> memref<512xf32, #tpu.memory_space<hbm>>
    tpu.wait_dma2 semaphore(%arg9 : memref<!tpu.dma_semaphore, #tpu.memory_space<semaphore_mem>>) src(%dma_wait3A_1732 : memref<512xf32, #tpu.memory_space<hbm>>) dst(%dma_wait3A_1730 : memref<512xf32, #tpu.memory_space<vmem>>)
    %dma_wait3A_1733 = arith.constant 0 : i32
    %dma_wait3A_1734 = arith.constant 0 : i32
    %dma_wait3A_1735 = tpu.memref_slice %arg8[%dma_wait3A_1733, %dma_wait3A_1734] : memref<64x512xf32, #tpu.memory_space<vmem>> -> memref<1x512xf32, #tpu.memory_space<vmem>>
    %dma_wait3A_1736 = tpu.memref_squeeze %dma_wait3A_1735 : memref<1x512xf32, #tpu.memory_space<vmem>> -> memref<512xf32, #tpu.memory_space<vmem>>
    %dma_wait3A_1737 = arith.constant 0 : i32
    %dma_wait3A_1738 = tpu.memref_slice %arg2[%dma_wait3A_1737] : memref<209715200xf32, #tpu.memory_space<hbm>> -> memref<512xf32, #tpu.memory_space<hbm>>
    %dma_wait3A_1739 = arith.constant 0 : i32
    %dma_wait3A_1740 = tpu.memref_slice %arg8[%dma_wait3A_1733, %dma_wait3A_1739] : memref<64x512xf32, #tpu.memory_space<vmem>> -> memref<1x512xf32, #tpu.memory_space<vmem>>
    %dma_wait3A_1741 = tpu.memref_squeeze %dma_wait3A_1740 : memref<1x512xf32, #tpu.memory_space<vmem>> -> memref<512xf32, #tpu.memory_space<vmem>>
    %dma_wait3A_1742 = arith.constant 0 : i32
    %dma_wait3A_1743 = tpu.memref_slice %arg2[%dma_wait3A_1742] : memref<209715200xf32, #tpu.memory_space<hbm>> -> memref<512xf32, #tpu.memory_space<hbm>>
    tpu.wait_dma2 semaphore(%arg9 : memref<!tpu.dma_semaphore, #tpu.memory_space<semaphore_mem>>) src(%dma_wait3A_1743 : memref<512xf32, #tpu.memory_space<hbm>>) dst(%dma_wait3A_1741 : memref<512xf32, #tpu.memory_space<vmem>>)
    %dma_wait3A_1744 = arith.constant 0 : i32
    %dma_wait3A_1745 = arith.constant 0 : i32
    %dma_wait3A_1746 = tpu.memref_slice %arg8[%dma_wait3A_1744, %dma_wait3A_1745] : memref<64x512xf32, #tpu.memory_space<vmem>> -> memref<1x512xf32, #tpu.memory_space<vmem>>
    %dma_wait3A_1747 = tpu.memref_squeeze %dma_wait3A_1746 : memref<1x512xf32, #tpu.memory_space<vmem>> -> memref<512xf32, #tpu.memory_space<vmem>>
    %dma_wait3A_1748 = arith.constant 0 : i32
    %dma_wait3A_1749 = tpu.memref_slice %arg2[%dma_wait3A_1748] : memref<209715200xf32, #tpu.memory_space<hbm>> -> memref<512xf32, #tpu.memory_space<hbm>>
    %dma_wait3A_1750 = arith.constant 0 : i32
    %dma_wait3A_1751 = tpu.memref_slice %arg8[%dma_wait3A_1744, %dma_wait3A_1750] : memref<64x512xf32, #tpu.memory_space<vmem>> -> memref<1x512xf32, #tpu.memory_space<vmem>>
    %dma_wait3A_1752 = tpu.memref_squeeze %dma_wait3A_1751 : memref<1x512xf32, #tpu.memory_space<vmem>> -> memref<512xf32, #tpu.memory_space<vmem>>
    %dma_wait3A_1753 = arith.constant 0 : i32
    %dma_wait3A_1754 = tpu.memref_slice %arg2[%dma_wait3A_1753] : memref<209715200xf32, #tpu.memory_space<hbm>> -> memref<512xf32, #tpu.memory_space<hbm>>
    tpu.wait_dma2 semaphore(%arg9 : memref<!tpu.dma_semaphore, #tpu.memory_space<semaphore_mem>>) src(%dma_wait3A_1754 : memref<512xf32, #tpu.memory_space<hbm>>) dst(%dma_wait3A_1752 : memref<512xf32, #tpu.memory_space<vmem>>)
    %dma_wait3A_1755 = arith.constant 0 : i32
    %dma_wait3A_1756 = arith.constant 0 : i32
    %dma_wait3A_1757 = tpu.memref_slice %arg8[%dma_wait3A_1755, %dma_wait3A_1756] : memref<64x512xf32, #tpu.memory_space<vmem>> -> memref<1x512xf32, #tpu.memory_space<vmem>>
    %dma_wait3A_1758 = tpu.memref_squeeze %dma_wait3A_1757 : memref<1x512xf32, #tpu.memory_space<vmem>> -> memref<512xf32, #tpu.memory_space<vmem>>
    %dma_wait3A_1759 = arith.constant 0 : i32
    %dma_wait3A_1760 = tpu.memref_slice %arg2[%dma_wait3A_1759] : memref<209715200xf32, #tpu.memory_space<hbm>> -> memref<512xf32, #tpu.memory_space<hbm>>
    %dma_wait3A_1761 = arith.constant 0 : i32
    %dma_wait3A_1762 = tpu.memref_slice %arg8[%dma_wait3A_1755, %dma_wait3A_1761] : memref<64x512xf32, #tpu.memory_space<vmem>> -> memref<1x512xf32, #tpu.memory_space<vmem>>
    %dma_wait3A_1763 = tpu.memref_squeeze %dma_wait3A_1762 : memref<1x512xf32, #tpu.memory_space<vmem>> -> memref<512xf32, #tpu.memory_space<vmem>>
    %dma_wait3A_1764 = arith.constant 0 : i32
    %dma_wait3A_1765 = tpu.memref_slice %arg2[%dma_wait3A_1764] : memref<209715200xf32, #tpu.memory_space<hbm>> -> memref<512xf32, #tpu.memory_space<hbm>>
    tpu.wait_dma2 semaphore(%arg9 : memref<!tpu.dma_semaphore, #tpu.memory_space<semaphore_mem>>) src(%dma_wait3A_1765 : memref<512xf32, #tpu.memory_space<hbm>>) dst(%dma_wait3A_1763 : memref<512xf32, #tpu.memory_space<vmem>>)
    %dma_wait3A_1766 = arith.constant 0 : i32
    %dma_wait3A_1767 = arith.constant 0 : i32
    %dma_wait3A_1768 = tpu.memref_slice %arg8[%dma_wait3A_1766, %dma_wait3A_1767] : memref<64x512xf32, #tpu.memory_space<vmem>> -> memref<1x512xf32, #tpu.memory_space<vmem>>
    %dma_wait3A_1769 = tpu.memref_squeeze %dma_wait3A_1768 : memref<1x512xf32, #tpu.memory_space<vmem>> -> memref<512xf32, #tpu.memory_space<vmem>>
    %dma_wait3A_1770 = arith.constant 0 : i32
    %dma_wait3A_1771 = tpu.memref_slice %arg2[%dma_wait3A_1770] : memref<209715200xf32, #tpu.memory_space<hbm>> -> memref<512xf32, #tpu.memory_space<hbm>>
    %dma_wait3A_1772 = arith.constant 0 : i32
    %dma_wait3A_1773 = tpu.memref_slice %arg8[%dma_wait3A_1766, %dma_wait3A_1772] : memref<64x512xf32, #tpu.memory_space<vmem>> -> memref<1x512xf32, #tpu.memory_space<vmem>>
    %dma_wait3A_1774 = tpu.memref_squeeze %dma_wait3A_1773 : memref<1x512xf32, #tpu.memory_space<vmem>> -> memref<512xf32, #tpu.memory_space<vmem>>
    %dma_wait3A_1775 = arith.constant 0 : i32
    %dma_wait3A_1776 = tpu.memref_slice %arg2[%dma_wait3A_1775] : memref<209715200xf32, #tpu.memory_space<hbm>> -> memref<512xf32, #tpu.memory_space<hbm>>
    tpu.wait_dma2 semaphore(%arg9 : memref<!tpu.dma_semaphore, #tpu.memory_space<semaphore_mem>>) src(%dma_wait3A_1776 : memref<512xf32, #tpu.memory_space<hbm>>) dst(%dma_wait3A_1774 : memref<512xf32, #tpu.memory_space<vmem>>)
    %dma_wait3A_1777 = arith.constant 0 : i32
    %dma_wait3A_1778 = arith.constant 0 : i32
    %dma_wait3A_1779 = tpu.memref_slice %arg8[%dma_wait3A_1777, %dma_wait3A_1778] : memref<64x512xf32, #tpu.memory_space<vmem>> -> memref<1x512xf32, #tpu.memory_space<vmem>>
    %dma_wait3A_1780 = tpu.memref_squeeze %dma_wait3A_1779 : memref<1x512xf32, #tpu.memory_space<vmem>> -> memref<512xf32, #tpu.memory_space<vmem>>
    %dma_wait3A_1781 = arith.constant 0 : i32
    %dma_wait3A_1782 = tpu.memref_slice %arg2[%dma_wait3A_1781] : memref<209715200xf32, #tpu.memory_space<hbm>> -> memref<512xf32, #tpu.memory_space<hbm>>
    %dma_wait3A_1783 = arith.constant 0 : i32
    %dma_wait3A_1784 = tpu.memref_slice %arg8[%dma_wait3A_1777, %dma_wait3A_1783] : memref<64x512xf32, #tpu.memory_space<vmem>> -> memref<1x512xf32, #tpu.memory_space<vmem>>
    %dma_wait3A_1785 = tpu.memref_squeeze %dma_wait3A_1784 : memref<1x512xf32, #tpu.memory_space<vmem>> -> memref<512xf32, #tpu.memory_space<vmem>>
    %dma_wait3A_1786 = arith.constant 0 : i32
    %dma_wait3A_1787 = tpu.memref_slice %arg2[%dma_wait3A_1786] : memref<209715200xf32, #tpu.memory_space<hbm>> -> memref<512xf32, #tpu.memory_space<hbm>>
    tpu.wait_dma2 semaphore(%arg9 : memref<!tpu.dma_semaphore, #tpu.memory_space<semaphore_mem>>) src(%dma_wait3A_1787 : memref<512xf32, #tpu.memory_space<hbm>>) dst(%dma_wait3A_1785 : memref<512xf32, #tpu.memory_space<vmem>>)
    %dma_wait3A_1788 = arith.constant 0 : i32
    %dma_wait3A_1789 = arith.constant 0 : i32
    %dma_wait3A_1790 = tpu.memref_slice %arg8[%dma_wait3A_1788, %dma_wait3A_1789] : memref<64x512xf32, #tpu.memory_space<vmem>> -> memref<1x512xf32, #tpu.memory_space<vmem>>
    %dma_wait3A_1791 = tpu.memref_squeeze %dma_wait3A_1790 : memref<1x512xf32, #tpu.memory_space<vmem>> -> memref<512xf32, #tpu.memory_space<vmem>>
    %dma_wait3A_1792 = arith.constant 0 : i32
    %dma_wait3A_1793 = tpu.memref_slice %arg2[%dma_wait3A_1792] : memref<209715200xf32, #tpu.memory_space<hbm>> -> memref<512xf32, #tpu.memory_space<hbm>>
    %dma_wait3A_1794 = arith.constant 0 : i32
    %dma_wait3A_1795 = tpu.memref_slice %arg8[%dma_wait3A_1788, %dma_wait3A_1794] : memref<64x512xf32, #tpu.memory_space<vmem>> -> memref<1x512xf32, #tpu.memory_space<vmem>>
    %dma_wait3A_1796 = tpu.memref_squeeze %dma_wait3A_1795 : memref<1x512xf32, #tpu.memory_space<vmem>> -> memref<512xf32, #tpu.memory_space<vmem>>
    %dma_wait3A_1797 = arith.constant 0 : i32
    %dma_wait3A_1798 = tpu.memref_slice %arg2[%dma_wait3A_1797] : memref<209715200xf32, #tpu.memory_space<hbm>> -> memref<512xf32, #tpu.memory_space<hbm>>
    tpu.wait_dma2 semaphore(%arg9 : memref<!tpu.dma_semaphore, #tpu.memory_space<semaphore_mem>>) src(%dma_wait3A_1798 : memref<512xf32, #tpu.memory_space<hbm>>) dst(%dma_wait3A_1796 : memref<512xf32, #tpu.memory_space<vmem>>)
    %dma_wait3A_1799 = arith.constant 0 : i32
    %dma_wait3A_1800 = arith.constant 0 : i32
    %dma_wait3A_1801 = tpu.memref_slice %arg8[%dma_wait3A_1799, %dma_wait3A_1800] : memref<64x512xf32, #tpu.memory_space<vmem>> -> memref<1x512xf32, #tpu.memory_space<vmem>>
    %dma_wait3A_1802 = tpu.memref_squeeze %dma_wait3A_1801 : memref<1x512xf32, #tpu.memory_space<vmem>> -> memref<512xf32, #tpu.memory_space<vmem>>
    %dma_wait3A_1803 = arith.constant 0 : i32
    %dma_wait3A_1804 = tpu.memref_slice %arg2[%dma_wait3A_1803] : memref<209715200xf32, #tpu.memory_space<hbm>> -> memref<512xf32, #tpu.memory_space<hbm>>
    %dma_wait3A_1805 = arith.constant 0 : i32
    %dma_wait3A_1806 = tpu.memref_slice %arg8[%dma_wait3A_1799, %dma_wait3A_1805] : memref<64x512xf32, #tpu.memory_space<vmem>> -> memref<1x512xf32, #tpu.memory_space<vmem>>
    %dma_wait3A_1807 = tpu.memref_squeeze %dma_wait3A_1806 : memref<1x512xf32, #tpu.memory_space<vmem>> -> memref<512xf32, #tpu.memory_space<vmem>>
    %dma_wait3A_1808 = arith.constant 0 : i32
    %dma_wait3A_1809 = tpu.memref_slice %arg2[%dma_wait3A_1808] : memref<209715200xf32, #tpu.memory_space<hbm>> -> memref<512xf32, #tpu.memory_space<hbm>>
    tpu.wait_dma2 semaphore(%arg9 : memref<!tpu.dma_semaphore, #tpu.memory_space<semaphore_mem>>) src(%dma_wait3A_1809 : memref<512xf32, #tpu.memory_space<hbm>>) dst(%dma_wait3A_1807 : memref<512xf32, #tpu.memory_space<vmem>>)
    %dma_wait3A_1810 = arith.constant 0 : i32
    %dma_wait3A_1811 = arith.constant 0 : i32
    %dma_wait3A_1812 = tpu.memref_slice %arg8[%dma_wait3A_1810, %dma_wait3A_1811] : memref<64x512xf32, #tpu.memory_space<vmem>> -> memref<1x512xf32, #tpu.memory_space<vmem>>
    %dma_wait3A_1813 = tpu.memref_squeeze %dma_wait3A_1812 : memref<1x512xf32, #tpu.memory_space<vmem>> -> memref<512xf32, #tpu.memory_space<vmem>>
    %dma_wait3A_1814 = arith.constant 0 : i32
    %dma_wait3A_1815 = tpu.memref_slice %arg2[%dma_wait3A_1814] : memref<209715200xf32, #tpu.memory_space<hbm>> -> memref<512xf32, #tpu.memory_space<hbm>>
    %dma_wait3A_1816 = arith.constant 0 : i32
    %dma_wait3A_1817 = tpu.memref_slice %arg8[%dma_wait3A_1810, %dma_wait3A_1816] : memref<64x512xf32, #tpu.memory_space<vmem>> -> memref<1x512xf32, #tpu.memory_space<vmem>>
    %dma_wait3A_1818 = tpu.memref_squeeze %dma_wait3A_1817 : memref<1x512xf32, #tpu.memory_space<vmem>> -> memref<512xf32, #tpu.memory_space<vmem>>
    %dma_wait3A_1819 = arith.constant 0 : i32
    %dma_wait3A_1820 = tpu.memref_slice %arg2[%dma_wait3A_1819] : memref<209715200xf32, #tpu.memory_space<hbm>> -> memref<512xf32, #tpu.memory_space<hbm>>
    tpu.wait_dma2 semaphore(%arg9 : memref<!tpu.dma_semaphore, #tpu.memory_space<semaphore_mem>>) src(%dma_wait3A_1820 : memref<512xf32, #tpu.memory_space<hbm>>) dst(%dma_wait3A_1818 : memref<512xf32, #tpu.memory_space<vmem>>)
    %dma_wait3A_1821 = arith.constant 0 : i32
    %dma_wait3A_1822 = arith.constant 0 : i32
    %dma_wait3A_1823 = tpu.memref_slice %arg8[%dma_wait3A_1821, %dma_wait3A_1822] : memref<64x512xf32, #tpu.memory_space<vmem>> -> memref<1x512xf32, #tpu.memory_space<vmem>>
    %dma_wait3A_1824 = tpu.memref_squeeze %dma_wait3A_1823 : memref<1x512xf32, #tpu.memory_space<vmem>> -> memref<512xf32, #tpu.memory_space<vmem>>
    %dma_wait3A_1825 = arith.constant 0 : i32
    %dma_wait3A_1826 = tpu.memref_slice %arg2[%dma_wait3A_1825] : memref<209715200xf32, #tpu.memory_space<hbm>> -> memref<512xf32, #tpu.memory_space<hbm>>
    %dma_wait3A_1827 = arith.constant 0 : i32
    %dma_wait3A_1828 = tpu.memref_slice %arg8[%dma_wait3A_1821, %dma_wait3A_1827] : memref<64x512xf32, #tpu.memory_space<vmem>> -> memref<1x512xf32, #tpu.memory_space<vmem>>
    %dma_wait3A_1829 = tpu.memref_squeeze %dma_wait3A_1828 : memref<1x512xf32, #tpu.memory_space<vmem>> -> memref<512xf32, #tpu.memory_space<vmem>>
    %dma_wait3A_1830 = arith.constant 0 : i32
    %dma_wait3A_1831 = tpu.memref_slice %arg2[%dma_wait3A_1830] : memref<209715200xf32, #tpu.memory_space<hbm>> -> memref<512xf32, #tpu.memory_space<hbm>>
    tpu.wait_dma2 semaphore(%arg9 : memref<!tpu.dma_semaphore, #tpu.memory_space<semaphore_mem>>) src(%dma_wait3A_1831 : memref<512xf32, #tpu.memory_space<hbm>>) dst(%dma_wait3A_1829 : memref<512xf32, #tpu.memory_space<vmem>>)
    %dma_wait3A_1832 = arith.constant 0 : i32
    %dma_wait3A_1833 = arith.constant 0 : i32
    %dma_wait3A_1834 = tpu.memref_slice %arg8[%dma_wait3A_1832, %dma_wait3A_1833] : memref<64x512xf32, #tpu.memory_space<vmem>> -> memref<1x512xf32, #tpu.memory_space<vmem>>
    %dma_wait3A_1835 = tpu.memref_squeeze %dma_wait3A_1834 : memref<1x512xf32, #tpu.memory_space<vmem>> -> memref<512xf32, #tpu.memory_space<vmem>>
    %dma_wait3A_1836 = arith.constant 0 : i32
    %dma_wait3A_1837 = tpu.memref_slice %arg2[%dma_wait3A_1836] : memref<209715200xf32, #tpu.memory_space<hbm>> -> memref<512xf32, #tpu.memory_space<hbm>>
    %dma_wait3A_1838 = arith.constant 0 : i32
    %dma_wait3A_1839 = tpu.memref_slice %arg8[%dma_wait3A_1832, %dma_wait3A_1838] : memref<64x512xf32, #tpu.memory_space<vmem>> -> memref<1x512xf32, #tpu.memory_space<vmem>>
    %dma_wait3A_1840 = tpu.memref_squeeze %dma_wait3A_1839 : memref<1x512xf32, #tpu.memory_space<vmem>> -> memref<512xf32, #tpu.memory_space<vmem>>
    %dma_wait3A_1841 = arith.constant 0 : i32
    %dma_wait3A_1842 = tpu.memref_slice %arg2[%dma_wait3A_1841] : memref<209715200xf32, #tpu.memory_space<hbm>> -> memref<512xf32, #tpu.memory_space<hbm>>
    tpu.wait_dma2 semaphore(%arg9 : memref<!tpu.dma_semaphore, #tpu.memory_space<semaphore_mem>>) src(%dma_wait3A_1842 : memref<512xf32, #tpu.memory_space<hbm>>) dst(%dma_wait3A_1840 : memref<512xf32, #tpu.memory_space<vmem>>)
    %dma_wait3A_1843 = arith.constant 0 : i32
    %dma_wait3A_1844 = arith.constant 0 : i32
    %dma_wait3A_1845 = tpu.memref_slice %arg8[%dma_wait3A_1843, %dma_wait3A_1844] : memref<64x512xf32, #tpu.memory_space<vmem>> -> memref<1x512xf32, #tpu.memory_space<vmem>>
    %dma_wait3A_1846 = tpu.memref_squeeze %dma_wait3A_1845 : memref<1x512xf32, #tpu.memory_space<vmem>> -> memref<512xf32, #tpu.memory_space<vmem>>
    %dma_wait3A_1847 = arith.constant 0 : i32
    %dma_wait3A_1848 = tpu.memref_slice %arg2[%dma_wait3A_1847] : memref<209715200xf32, #tpu.memory_space<hbm>> -> memref<512xf32, #tpu.memory_space<hbm>>
    %dma_wait3A_1849 = arith.constant 0 : i32
    %dma_wait3A_1850 = tpu.memref_slice %arg8[%dma_wait3A_1843, %dma_wait3A_1849] : memref<64x512xf32, #tpu.memory_space<vmem>> -> memref<1x512xf32, #tpu.memory_space<vmem>>
    %dma_wait3A_1851 = tpu.memref_squeeze %dma_wait3A_1850 : memref<1x512xf32, #tpu.memory_space<vmem>> -> memref<512xf32, #tpu.memory_space<vmem>>
    %dma_wait3A_1852 = arith.constant 0 : i32
    %dma_wait3A_1853 = tpu.memref_slice %arg2[%dma_wait3A_1852] : memref<209715200xf32, #tpu.memory_space<hbm>> -> memref<512xf32, #tpu.memory_space<hbm>>
    tpu.wait_dma2 semaphore(%arg9 : memref<!tpu.dma_semaphore, #tpu.memory_space<semaphore_mem>>) src(%dma_wait3A_1853 : memref<512xf32, #tpu.memory_space<hbm>>) dst(%dma_wait3A_1851 : memref<512xf32, #tpu.memory_space<vmem>>)
    %dma_wait3A_1854 = arith.constant 0 : i32
    %dma_wait3A_1855 = arith.constant 0 : i32
    %dma_wait3A_1856 = tpu.memref_slice %arg8[%dma_wait3A_1854, %dma_wait3A_1855] : memref<64x512xf32, #tpu.memory_space<vmem>> -> memref<1x512xf32, #tpu.memory_space<vmem>>
    %dma_wait3A_1857 = tpu.memref_squeeze %dma_wait3A_1856 : memref<1x512xf32, #tpu.memory_space<vmem>> -> memref<512xf32, #tpu.memory_space<vmem>>
    %dma_wait3A_1858 = arith.constant 0 : i32
    %dma_wait3A_1859 = tpu.memref_slice %arg2[%dma_wait3A_1858] : memref<209715200xf32, #tpu.memory_space<hbm>> -> memref<512xf32, #tpu.memory_space<hbm>>
    %dma_wait3A_1860 = arith.constant 0 : i32
    %dma_wait3A_1861 = tpu.memref_slice %arg8[%dma_wait3A_1854, %dma_wait3A_1860] : memref<64x512xf32, #tpu.memory_space<vmem>> -> memref<1x512xf32, #tpu.memory_space<vmem>>
    %dma_wait3A_1862 = tpu.memref_squeeze %dma_wait3A_1861 : memref<1x512xf32, #tpu.memory_space<vmem>> -> memref<512xf32, #tpu.memory_space<vmem>>
    %dma_wait3A_1863 = arith.constant 0 : i32
    %dma_wait3A_1864 = tpu.memref_slice %arg2[%dma_wait3A_1863] : memref<209715200xf32, #tpu.memory_space<hbm>> -> memref<512xf32, #tpu.memory_space<hbm>>
    tpu.wait_dma2 semaphore(%arg9 : memref<!tpu.dma_semaphore, #tpu.memory_space<semaphore_mem>>) src(%dma_wait3A_1864 : memref<512xf32, #tpu.memory_space<hbm>>) dst(%dma_wait3A_1862 : memref<512xf32, #tpu.memory_space<vmem>>)
    %dma_wait3A_1865 = arith.constant 0 : i32
    %dma_wait3A_1866 = arith.constant 0 : i32
    %dma_wait3A_1867 = tpu.memref_slice %arg8[%dma_wait3A_1865, %dma_wait3A_1866] : memref<64x512xf32, #tpu.memory_space<vmem>> -> memref<1x512xf32, #tpu.memory_space<vmem>>
    %dma_wait3A_1868 = tpu.memref_squeeze %dma_wait3A_1867 : memref<1x512xf32, #tpu.memory_space<vmem>> -> memref<512xf32, #tpu.memory_space<vmem>>
    %dma_wait3A_1869 = arith.constant 0 : i32
    %dma_wait3A_1870 = tpu.memref_slice %arg2[%dma_wait3A_1869] : memref<209715200xf32, #tpu.memory_space<hbm>> -> memref<512xf32, #tpu.memory_space<hbm>>
    %dma_wait3A_1871 = arith.constant 0 : i32
    %dma_wait3A_1872 = tpu.memref_slice %arg8[%dma_wait3A_1865, %dma_wait3A_1871] : memref<64x512xf32, #tpu.memory_space<vmem>> -> memref<1x512xf32, #tpu.memory_space<vmem>>
    %dma_wait3A_1873 = tpu.memref_squeeze %dma_wait3A_1872 : memref<1x512xf32, #tpu.memory_space<vmem>> -> memref<512xf32, #tpu.memory_space<vmem>>
    %dma_wait3A_1874 = arith.constant 0 : i32
    %dma_wait3A_1875 = tpu.memref_slice %arg2[%dma_wait3A_1874] : memref<209715200xf32, #tpu.memory_space<hbm>> -> memref<512xf32, #tpu.memory_space<hbm>>
    tpu.wait_dma2 semaphore(%arg9 : memref<!tpu.dma_semaphore, #tpu.memory_space<semaphore_mem>>) src(%dma_wait3A_1875 : memref<512xf32, #tpu.memory_space<hbm>>) dst(%dma_wait3A_1873 : memref<512xf32, #tpu.memory_space<vmem>>)
    %dma_wait3A_1876 = arith.constant 0 : i32
    %dma_wait3A_1877 = arith.constant 0 : i32
    %dma_wait3A_1878 = tpu.memref_slice %arg8[%dma_wait3A_1876, %dma_wait3A_1877] : memref<64x512xf32, #tpu.memory_space<vmem>> -> memref<1x512xf32, #tpu.memory_space<vmem>>
    %dma_wait3A_1879 = tpu.memref_squeeze %dma_wait3A_1878 : memref<1x512xf32, #tpu.memory_space<vmem>> -> memref<512xf32, #tpu.memory_space<vmem>>
    %dma_wait3A_1880 = arith.constant 0 : i32
    %dma_wait3A_1881 = tpu.memref_slice %arg2[%dma_wait3A_1880] : memref<209715200xf32, #tpu.memory_space<hbm>> -> memref<512xf32, #tpu.memory_space<hbm>>
    %dma_wait3A_1882 = arith.constant 0 : i32
    %dma_wait3A_1883 = tpu.memref_slice %arg8[%dma_wait3A_1876, %dma_wait3A_1882] : memref<64x512xf32, #tpu.memory_space<vmem>> -> memref<1x512xf32, #tpu.memory_space<vmem>>
    %dma_wait3A_1884 = tpu.memref_squeeze %dma_wait3A_1883 : memref<1x512xf32, #tpu.memory_space<vmem>> -> memref<512xf32, #tpu.memory_space<vmem>>
    %dma_wait3A_1885 = arith.constant 0 : i32
    %dma_wait3A_1886 = tpu.memref_slice %arg2[%dma_wait3A_1885] : memref<209715200xf32, #tpu.memory_space<hbm>> -> memref<512xf32, #tpu.memory_space<hbm>>
    tpu.wait_dma2 semaphore(%arg9 : memref<!tpu.dma_semaphore, #tpu.memory_space<semaphore_mem>>) src(%dma_wait3A_1886 : memref<512xf32, #tpu.memory_space<hbm>>) dst(%dma_wait3A_1884 : memref<512xf32, #tpu.memory_space<vmem>>)
    %dma_wait3A_1887 = arith.constant 0 : i32
    %dma_wait3A_1888 = arith.constant 0 : i32
    %dma_wait3A_1889 = tpu.memref_slice %arg8[%dma_wait3A_1887, %dma_wait3A_1888] : memref<64x512xf32, #tpu.memory_space<vmem>> -> memref<1x512xf32, #tpu.memory_space<vmem>>
    %dma_wait3A_1890 = tpu.memref_squeeze %dma_wait3A_1889 : memref<1x512xf32, #tpu.memory_space<vmem>> -> memref<512xf32, #tpu.memory_space<vmem>>
    %dma_wait3A_1891 = arith.constant 0 : i32
    %dma_wait3A_1892 = tpu.memref_slice %arg2[%dma_wait3A_1891] : memref<209715200xf32, #tpu.memory_space<hbm>> -> memref<512xf32, #tpu.memory_space<hbm>>
    %dma_wait3A_1893 = arith.constant 0 : i32
    %dma_wait3A_1894 = tpu.memref_slice %arg8[%dma_wait3A_1887, %dma_wait3A_1893] : memref<64x512xf32, #tpu.memory_space<vmem>> -> memref<1x512xf32, #tpu.memory_space<vmem>>
    %dma_wait3A_1895 = tpu.memref_squeeze %dma_wait3A_1894 : memref<1x512xf32, #tpu.memory_space<vmem>> -> memref<512xf32, #tpu.memory_space<vmem>>
    %dma_wait3A_1896 = arith.constant 0 : i32
    %dma_wait3A_1897 = tpu.memref_slice %arg2[%dma_wait3A_1896] : memref<209715200xf32, #tpu.memory_space<hbm>> -> memref<512xf32, #tpu.memory_space<hbm>>
    tpu.wait_dma2 semaphore(%arg9 : memref<!tpu.dma_semaphore, #tpu.memory_space<semaphore_mem>>) src(%dma_wait3A_1897 : memref<512xf32, #tpu.memory_space<hbm>>) dst(%dma_wait3A_1895 : memref<512xf32, #tpu.memory_space<vmem>>)
    %dma_wait3A_1898 = arith.constant 0 : i32
    %dma_wait3A_1899 = arith.constant 0 : i32
    %dma_wait3A_1900 = tpu.memref_slice %arg8[%dma_wait3A_1898, %dma_wait3A_1899] : memref<64x512xf32, #tpu.memory_space<vmem>> -> memref<1x512xf32, #tpu.memory_space<vmem>>
    %dma_wait3A_1901 = tpu.memref_squeeze %dma_wait3A_1900 : memref<1x512xf32, #tpu.memory_space<vmem>> -> memref<512xf32, #tpu.memory_space<vmem>>
    %dma_wait3A_1902 = arith.constant 0 : i32
    %dma_wait3A_1903 = tpu.memref_slice %arg2[%dma_wait3A_1902] : memref<209715200xf32, #tpu.memory_space<hbm>> -> memref<512xf32, #tpu.memory_space<hbm>>
    %dma_wait3A_1904 = arith.constant 0 : i32
    %dma_wait3A_1905 = tpu.memref_slice %arg8[%dma_wait3A_1898, %dma_wait3A_1904] : memref<64x512xf32, #tpu.memory_space<vmem>> -> memref<1x512xf32, #tpu.memory_space<vmem>>
    %dma_wait3A_1906 = tpu.memref_squeeze %dma_wait3A_1905 : memref<1x512xf32, #tpu.memory_space<vmem>> -> memref<512xf32, #tpu.memory_space<vmem>>
    %dma_wait3A_1907 = arith.constant 0 : i32
    %dma_wait3A_1908 = tpu.memref_slice %arg2[%dma_wait3A_1907] : memref<209715200xf32, #tpu.memory_space<hbm>> -> memref<512xf32, #tpu.memory_space<hbm>>
    tpu.wait_dma2 semaphore(%arg9 : memref<!tpu.dma_semaphore, #tpu.memory_space<semaphore_mem>>) src(%dma_wait3A_1908 : memref<512xf32, #tpu.memory_space<hbm>>) dst(%dma_wait3A_1906 : memref<512xf32, #tpu.memory_space<vmem>>)
    %dma_wait3A_1909 = arith.constant 0 : i32
    %dma_wait3A_1910 = arith.constant 0 : i32
    %dma_wait3A_1911 = tpu.memref_slice %arg8[%dma_wait3A_1909, %dma_wait3A_1910] : memref<64x512xf32, #tpu.memory_space<vmem>> -> memref<1x512xf32, #tpu.memory_space<vmem>>
    %dma_wait3A_1912 = tpu.memref_squeeze %dma_wait3A_1911 : memref<1x512xf32, #tpu.memory_space<vmem>> -> memref<512xf32, #tpu.memory_space<vmem>>
    %dma_wait3A_1913 = arith.constant 0 : i32
    %dma_wait3A_1914 = tpu.memref_slice %arg2[%dma_wait3A_1913] : memref<209715200xf32, #tpu.memory_space<hbm>> -> memref<512xf32, #tpu.memory_space<hbm>>
    %dma_wait3A_1915 = arith.constant 0 : i32
    %dma_wait3A_1916 = tpu.memref_slice %arg8[%dma_wait3A_1909, %dma_wait3A_1915] : memref<64x512xf32, #tpu.memory_space<vmem>> -> memref<1x512xf32, #tpu.memory_space<vmem>>
    %dma_wait3A_1917 = tpu.memref_squeeze %dma_wait3A_1916 : memref<1x512xf32, #tpu.memory_space<vmem>> -> memref<512xf32, #tpu.memory_space<vmem>>
    %dma_wait3A_1918 = arith.constant 0 : i32
    %dma_wait3A_1919 = tpu.memref_slice %arg2[%dma_wait3A_1918] : memref<209715200xf32, #tpu.memory_space<hbm>> -> memref<512xf32, #tpu.memory_space<hbm>>
    tpu.wait_dma2 semaphore(%arg9 : memref<!tpu.dma_semaphore, #tpu.memory_space<semaphore_mem>>) src(%dma_wait3A_1919 : memref<512xf32, #tpu.memory_space<hbm>>) dst(%dma_wait3A_1917 : memref<512xf32, #tpu.memory_space<vmem>>)
    %dma_wait3A_1920 = arith.constant 0 : i32
    %dma_wait3A_1921 = arith.constant 0 : i32
    %dma_wait3A_1922 = tpu.memref_slice %arg8[%dma_wait3A_1920, %dma_wait3A_1921] : memref<64x512xf32, #tpu.memory_space<vmem>> -> memref<1x512xf32, #tpu.memory_space<vmem>>
    %dma_wait3A_1923 = tpu.memref_squeeze %dma_wait3A_1922 : memref<1x512xf32, #tpu.memory_space<vmem>> -> memref<512xf32, #tpu.memory_space<vmem>>
    %dma_wait3A_1924 = arith.constant 0 : i32
    %dma_wait3A_1925 = tpu.memref_slice %arg2[%dma_wait3A_1924] : memref<209715200xf32, #tpu.memory_space<hbm>> -> memref<512xf32, #tpu.memory_space<hbm>>
    %dma_wait3A_1926 = arith.constant 0 : i32
    %dma_wait3A_1927 = tpu.memref_slice %arg8[%dma_wait3A_1920, %dma_wait3A_1926] : memref<64x512xf32, #tpu.memory_space<vmem>> -> memref<1x512xf32, #tpu.memory_space<vmem>>
    %dma_wait3A_1928 = tpu.memref_squeeze %dma_wait3A_1927 : memref<1x512xf32, #tpu.memory_space<vmem>> -> memref<512xf32, #tpu.memory_space<vmem>>
    %dma_wait3A_1929 = arith.constant 0 : i32
    %dma_wait3A_1930 = tpu.memref_slice %arg2[%dma_wait3A_1929] : memref<209715200xf32, #tpu.memory_space<hbm>> -> memref<512xf32, #tpu.memory_space<hbm>>
    tpu.wait_dma2 semaphore(%arg9 : memref<!tpu.dma_semaphore, #tpu.memory_space<semaphore_mem>>) src(%dma_wait3A_1930 : memref<512xf32, #tpu.memory_space<hbm>>) dst(%dma_wait3A_1928 : memref<512xf32, #tpu.memory_space<vmem>>)
    %dma_wait3A_1931 = arith.constant 0 : i32
    %dma_wait3A_1932 = arith.constant 0 : i32
    %dma_wait3A_1933 = tpu.memref_slice %arg8[%dma_wait3A_1931, %dma_wait3A_1932] : memref<64x512xf32, #tpu.memory_space<vmem>> -> memref<1x512xf32, #tpu.memory_space<vmem>>
    %dma_wait3A_1934 = tpu.memref_squeeze %dma_wait3A_1933 : memref<1x512xf32, #tpu.memory_space<vmem>> -> memref<512xf32, #tpu.memory_space<vmem>>
    %dma_wait3A_1935 = arith.constant 0 : i32
    %dma_wait3A_1936 = tpu.memref_slice %arg2[%dma_wait3A_1935] : memref<209715200xf32, #tpu.memory_space<hbm>> -> memref<512xf32, #tpu.memory_space<hbm>>
    %dma_wait3A_1937 = arith.constant 0 : i32
    %dma_wait3A_1938 = tpu.memref_slice %arg8[%dma_wait3A_1931, %dma_wait3A_1937] : memref<64x512xf32, #tpu.memory_space<vmem>> -> memref<1x512xf32, #tpu.memory_space<vmem>>
    %dma_wait3A_1939 = tpu.memref_squeeze %dma_wait3A_1938 : memref<1x512xf32, #tpu.memory_space<vmem>> -> memref<512xf32, #tpu.memory_space<vmem>>
    %dma_wait3A_1940 = arith.constant 0 : i32
    %dma_wait3A_1941 = tpu.memref_slice %arg2[%dma_wait3A_1940] : memref<209715200xf32, #tpu.memory_space<hbm>> -> memref<512xf32, #tpu.memory_space<hbm>>
    tpu.wait_dma2 semaphore(%arg9 : memref<!tpu.dma_semaphore, #tpu.memory_space<semaphore_mem>>) src(%dma_wait3A_1941 : memref<512xf32, #tpu.memory_space<hbm>>) dst(%dma_wait3A_1939 : memref<512xf32, #tpu.memory_space<vmem>>)
    %dma_wait3A_1942 = arith.constant 0 : i32
    %dma_wait3A_1943 = arith.constant 0 : i32
    %dma_wait3A_1944 = tpu.memref_slice %arg8[%dma_wait3A_1942, %dma_wait3A_1943] : memref<64x512xf32, #tpu.memory_space<vmem>> -> memref<1x512xf32, #tpu.memory_space<vmem>>
    %dma_wait3A_1945 = tpu.memref_squeeze %dma_wait3A_1944 : memref<1x512xf32, #tpu.memory_space<vmem>> -> memref<512xf32, #tpu.memory_space<vmem>>
    %dma_wait3A_1946 = arith.constant 0 : i32
    %dma_wait3A_1947 = tpu.memref_slice %arg2[%dma_wait3A_1946] : memref<209715200xf32, #tpu.memory_space<hbm>> -> memref<512xf32, #tpu.memory_space<hbm>>
    %dma_wait3A_1948 = arith.constant 0 : i32
    %dma_wait3A_1949 = tpu.memref_slice %arg8[%dma_wait3A_1942, %dma_wait3A_1948] : memref<64x512xf32, #tpu.memory_space<vmem>> -> memref<1x512xf32, #tpu.memory_space<vmem>>
    %dma_wait3A_1950 = tpu.memref_squeeze %dma_wait3A_1949 : memref<1x512xf32, #tpu.memory_space<vmem>> -> memref<512xf32, #tpu.memory_space<vmem>>
    %dma_wait3A_1951 = arith.constant 0 : i32
    %dma_wait3A_1952 = tpu.memref_slice %arg2[%dma_wait3A_1951] : memref<209715200xf32, #tpu.memory_space<hbm>> -> memref<512xf32, #tpu.memory_space<hbm>>
    tpu.wait_dma2 semaphore(%arg9 : memref<!tpu.dma_semaphore, #tpu.memory_space<semaphore_mem>>) src(%dma_wait3A_1952 : memref<512xf32, #tpu.memory_space<hbm>>) dst(%dma_wait3A_1950 : memref<512xf32, #tpu.memory_space<vmem>>)
    %dma_wait3A_1953 = arith.constant 0 : i32
    %dma_wait3A_1954 = arith.constant 0 : i32
    %dma_wait3A_1955 = tpu.memref_slice %arg8[%dma_wait3A_1953, %dma_wait3A_1954] : memref<64x512xf32, #tpu.memory_space<vmem>> -> memref<1x512xf32, #tpu.memory_space<vmem>>
    %dma_wait3A_1956 = tpu.memref_squeeze %dma_wait3A_1955 : memref<1x512xf32, #tpu.memory_space<vmem>> -> memref<512xf32, #tpu.memory_space<vmem>>
    %dma_wait3A_1957 = arith.constant 0 : i32
    %dma_wait3A_1958 = tpu.memref_slice %arg2[%dma_wait3A_1957] : memref<209715200xf32, #tpu.memory_space<hbm>> -> memref<512xf32, #tpu.memory_space<hbm>>
    %dma_wait3A_1959 = arith.constant 0 : i32
    %dma_wait3A_1960 = tpu.memref_slice %arg8[%dma_wait3A_1953, %dma_wait3A_1959] : memref<64x512xf32, #tpu.memory_space<vmem>> -> memref<1x512xf32, #tpu.memory_space<vmem>>
    %dma_wait3A_1961 = tpu.memref_squeeze %dma_wait3A_1960 : memref<1x512xf32, #tpu.memory_space<vmem>> -> memref<512xf32, #tpu.memory_space<vmem>>
    %dma_wait3A_1962 = arith.constant 0 : i32
    %dma_wait3A_1963 = tpu.memref_slice %arg2[%dma_wait3A_1962] : memref<209715200xf32, #tpu.memory_space<hbm>> -> memref<512xf32, #tpu.memory_space<hbm>>
    tpu.wait_dma2 semaphore(%arg9 : memref<!tpu.dma_semaphore, #tpu.memory_space<semaphore_mem>>) src(%dma_wait3A_1963 : memref<512xf32, #tpu.memory_space<hbm>>) dst(%dma_wait3A_1961 : memref<512xf32, #tpu.memory_space<vmem>>)
    %dma_wait3A_1964 = arith.constant 0 : i32
    %dma_wait3A_1965 = arith.constant 0 : i32
    %dma_wait3A_1966 = tpu.memref_slice %arg8[%dma_wait3A_1964, %dma_wait3A_1965] : memref<64x512xf32, #tpu.memory_space<vmem>> -> memref<1x512xf32, #tpu.memory_space<vmem>>
    %dma_wait3A_1967 = tpu.memref_squeeze %dma_wait3A_1966 : memref<1x512xf32, #tpu.memory_space<vmem>> -> memref<512xf32, #tpu.memory_space<vmem>>
    %dma_wait3A_1968 = arith.constant 0 : i32
    %dma_wait3A_1969 = tpu.memref_slice %arg2[%dma_wait3A_1968] : memref<209715200xf32, #tpu.memory_space<hbm>> -> memref<512xf32, #tpu.memory_space<hbm>>
    %dma_wait3A_1970 = arith.constant 0 : i32
    %dma_wait3A_1971 = tpu.memref_slice %arg8[%dma_wait3A_1964, %dma_wait3A_1970] : memref<64x512xf32, #tpu.memory_space<vmem>> -> memref<1x512xf32, #tpu.memory_space<vmem>>
    %dma_wait3A_1972 = tpu.memref_squeeze %dma_wait3A_1971 : memref<1x512xf32, #tpu.memory_space<vmem>> -> memref<512xf32, #tpu.memory_space<vmem>>
    %dma_wait3A_1973 = arith.constant 0 : i32
    %dma_wait3A_1974 = tpu.memref_slice %arg2[%dma_wait3A_1973] : memref<209715200xf32, #tpu.memory_space<hbm>> -> memref<512xf32, #tpu.memory_space<hbm>>
    tpu.wait_dma2 semaphore(%arg9 : memref<!tpu.dma_semaphore, #tpu.memory_space<semaphore_mem>>) src(%dma_wait3A_1974 : memref<512xf32, #tpu.memory_space<hbm>>) dst(%dma_wait3A_1972 : memref<512xf32, #tpu.memory_space<vmem>>)
    "tpu.region"() ({
      %run_scoped3A = tpu.sem_alloc : memref<!tpu.dma_semaphore, #tpu.memory_space<semaphore_mem>>
      %dma_start3A_1975 = arith.constant 0 : i32
      %dma_start3A_1976 = tpu.memref_slice %arg4[%dma_start3A_1975, %mul3A_2] : memref<64x16384xf32, #tpu.memory_space<hbm>> -> memref<64x512xf32, #tpu.memory_space<hbm>>
      %dma_start3A_1977 = arith.constant 0 : i32
      %dma_start3A_1978 = tpu.memref_slice %arg4[%dma_start3A_1977, %mul3A_2] : memref<64x16384xf32, #tpu.memory_space<hbm>> -> memref<64x512xf32, #tpu.memory_space<hbm>>
      tpu.enqueue_dma source(%arg8 : memref<64x512xf32, #tpu.memory_space<vmem>>) target(%dma_start3A_1978 : memref<64x512xf32, #tpu.memory_space<hbm>>) target_semaphore(%run_scoped3A : memref<!tpu.dma_semaphore, #tpu.memory_space<semaphore_mem>>)
      %dma_wait3A_1979 = arith.constant 0 : i32
      %dma_wait3A_1980 = tpu.memref_slice %arg4[%dma_wait3A_1979, %mul3A_2] : memref<64x16384xf32, #tpu.memory_space<hbm>> -> memref<64x512xf32, #tpu.memory_space<hbm>>
      %dma_wait3A_1981 = arith.constant 0 : i32
      %dma_wait3A_1982 = tpu.memref_slice %arg4[%dma_wait3A_1981, %mul3A_2] : memref<64x16384xf32, #tpu.memory_space<hbm>> -> memref<64x512xf32, #tpu.memory_space<hbm>>
      tpu.wait_dma2 semaphore(%run_scoped3A : memref<!tpu.dma_semaphore, #tpu.memory_space<semaphore_mem>>) src(%arg8 : memref<64x512xf32, #tpu.memory_space<vmem>>) dst(%dma_wait3A_1982 : memref<64x512xf32, #tpu.memory_space<hbm>>)
      tpu.yield
    }) : () -> ()
    return
  }
}

</mosaic_0001>

<sc_bundles>
// kernel: kernel.3.cloned.1.call-start
scs
__scs_entry_jumppad:
0x0: {  	(pc) =	sbr.rel $0x88, $3  }
0x1: {  	(tag) =	ssettag $0x0;
	lr =	simm.s32 $0x1  }
0x2: {  	[smem:$0x3F9F] =	sst lr;
	_ =	strace $0xD0000000  }
0x3: {  	_ = 	snop  }
0x4: {  	_ = 	snop  }
0x5: {  	_ = 	snop  }
0x6: {  	_ = 	snop  }
0x7: {  	_ = 	snop  }
__scs_overlays_trampoline_lowered:
0x8: {  	[smem:$0x3FAE] =	sst s0  }
0x9: {  	[smem:$0x3FAF] =	sst s1  }
0xa: {  	[smem:$0x3FB0] =	sst s2  }
0xb: {  	[smem:$0x3FB1] =	sst s3  }
0xc: {  	[smem:$0x3FB2] =	sst s4  }
0xd: {  	[smem:$0x3FB3] =	sst s5  }
0xe: {  	[smem:$0x3FB4] =	sst s6  }
0xf: {  	[smem:$0x3FB5] =	sst s7  }
0x10: {  	[smem:$0x3FB6] =	sst s8  }
0x11: {  	[smem:$0x3FB7] =	sst s9;
	s0 =	simm.s32 @!p0 $0x0  }
0x12: {  	s1 =	sld [smem:$0x3F9D];
	s0 =	simm.s32 @p0 $0x1  }
0x13: {  	[smem:$0x3FB8] =	sst s0;
	s0 =	simm.s32 @!p1 $0x0  }
0x14: {  	s2 =	sld [smem:$0x3F9C];
	s0 =	simm.s32 @p1 $0x1  }
0x15: {  	[smem:$0x3FB9] =	sst s0;
	s0 =	simm.s32 @!p2 $0x0  }
0x16: {  	s3 =	sld [smem:$0x3FDB];
	s0 =	simm.s32 @p2 $0x1  }
0x17: {  	s4 =	simm.s32 $0x1BF5;
	[smem:$0x3FBB] =	sst s0  }
0x18: {  	s0 =	sld [smem:$0x3F9E];
	_ =	swait.ge [sflag:s4], $0x0  }
0x19: {  	s7 =	sld [smem:$0x3F9F]  }
0x1a: {  	s8 =	sadd.s32 $0xFFFFE003, lr  }
0x1b: {  	s9 =	sadd.s32 $0xFFFFFEF7, lr;
	s5 =	simm.s32 $0xFFFFFFFF;
	p2 =	slt.u32 s8, $0xFFFFF086  }
0x1c: {  	p1 =	slt.u32 s9, $0xF7A;
	s5 =	simm.s32 @!p2 $0x0  }
0x1d: {  	s5 =	simm.s32 @p1 $0x1;
	p0 =	seq.s32 s7, s2  }
0x1e: {  	s7 =	smul.u32 @!p0 $0xF7A, s2;
	p2 =	seq.s32 @!p0 s5, $0x0  }
0x1f: {  	s9 =	smul.u32 $0xF7A, s1;
	s8 =	simm.s32 @!p0 $0x1BF5;
	p2 =	por !p2, p0  }
0x20: {  	[sflag:s8] =	ssyncset.s32 @!p0 $0xFFFFF086;
	s6 =	sadd.s32 @!p0 s3, s7;
	s7 =	simm.s32 @!p0 $0x108  }
0x21: {  	s3 =	sadd.s32 s3, s9;
	s6 =	sadd.s32 @!p0 $0x88, s6;
	s7 =	simm.s32 @p2 $0x1082  }
0x22: {  	[simem:s7], [sflag:s8] =	dma.local @!p0 [hbm:s6], $0xF7A  }
0x23: {  	s9 =	sor.u32 $0xD0000000, s2;
	s6 =	simm.s32 $0x108;
	_ =	swait.ge @!p0 [sflag:s8], $0x0  }
0x24: {  	s3 =	sadd.s32 $0x88, s3;
	s6 =	simm.s32 @!p1 $0x1082;
	[sflag:s4] =	ssyncset.s32 $0xFFFFF086  }
0x25: {  	[simem:s6], [sflag:s4] =	dma.local [hbm:s3], $0xF7A  }
0x26: {  	[smem:$0x3F9F] =	sst s1;
	(tag) =	ssettag s2;
	_ =	strace s9  }
0x27: {  	s1 =	sld [smem:$0x3FAF]  }
0x28: {  	s2 =	sld [smem:$0x3FB0]  }
0x29: {  	s4 =	sld [smem:$0x3FB2]  }
0x2a: {  	p0 =	seq.s32 s5, $0x0;
	s5 =	sld [smem:$0x3FB3]  }
0x2b: {  	s6 =	sld [smem:$0x3FB4]  }
0x2c: {  	s7 =	sld [smem:$0x3FB5]  }
0x2d: {  	s3 =	simm.s32 $0x108;
	s8 =	sld [smem:$0x3FB6]  }
0x2e: {  	s3 =	simm.s32 @!p0 $0x1082;
	s9 =	sld [smem:$0x3FB7]  }
0x2f: {  	lr =	sadd.s32 s0, s3;
	s0 =	sld [smem:$0x3FAE]  }
0x30: {  	s3 =	sld [smem:$0x3FB1]  }
0x31: {  	[smem:$0x3FBA] =	sst s10  }
0x32: {  	s10 =	sld [smem:$0x3FB8];
	_ =	sdelay $0x3  }
0x33: {  	p0 =	seq.s32 s10, $0x1;
	s10 =	sld [smem:$0x3FBA];
	_ =	sdelay $0x3  }
0x34: {  	[smem:$0x3FBA] =	sst s10  }
0x35: {  	s10 =	sld [smem:$0x3FB9];
	_ =	sdelay $0x3  }
0x36: {  	p1 =	seq.s32 s10, $0x1;
	s10 =	sld [smem:$0x3FBA];
	_ =	sdelay $0x3  }
0x37: {  	[smem:$0x3FBA] =	sst s10  }
0x38: {  	s10 =	sld [smem:$0x3FBB]  }
0x39: {  	_ = 	snop;
	(pc) =	sbr.ind lr, $3  }
0x3a: {  	_ = 	snop  }
0x3b: {  	_ = 	snop  }
0x3c: {  	p2 =	seq.s32 s10, $0x1;
	s10 =	sld [smem:$0x3FBA]  }
0x3d: {  	_ =	shalt  }
0x3e: {  	_ =	shalt  }
0x3f: {  	_ =	shalt  }
0x40: {  	_ =	shalt  }
0x41: {  	_ =	shalt  }
0x42: {  	_ =	shalt  }
0x43: {  	_ =	shalt  }
0x44: {  	_ =	shalt  }
0x45: {  	_ =	shalt  }
0x46: {  	_ =	shalt  }
0x47: {  	_ =	shalt  }
0x48: {  	_ =	shalt  }
0x49: {  	_ =	shalt  }
0x4a: {  	_ =	shalt  }
0x4b: {  	_ =	shalt  }
0x4c: {  	_ =	shalt  }
0x4d: {  	_ =	shalt  }
0x4e: {  	_ =	shalt  }
0x4f: {  	_ =	shalt  }
0x50: {  	_ =	shalt  }
0x51: {  	_ =	shalt  }
0x52: {  	_ =	shalt  }
0x53: {  	_ =	shalt  }
0x54: {  	_ =	shalt  }
0x55: {  	_ =	shalt  }
0x56: {  	_ =	shalt  }
0x57: {  	_ =	shalt  }
0x58: {  	_ =	shalt  }
0x59: {  	_ =	shalt  }
0x5a: {  	_ =	shalt  }
0x5b: {  	_ =	shalt  }
0x5c: {  	_ =	shalt  }
0x5d: {  	_ =	shalt  }
0x5e: {  	_ =	shalt  }
0x5f: {  	_ =	shalt  }
0x60: {  	_ =	shalt  }
0x61: {  	_ =	shalt  }
0x62: {  	_ =	shalt  }
0x63: {  	_ =	shalt  }
0x64: {  	_ =	shalt  }
0x65: {  	_ =	shalt  }
0x66: {  	_ =	shalt  }
0x67: {  	_ =	shalt  }
0x68: {  	_ =	shalt  }
0x69: {  	_ =	shalt  }
0x6a: {  	_ =	shalt  }
0x6b: {  	_ =	shalt  }
0x6c: {  	_ =	shalt  }
0x6d: {  	_ =	shalt  }
0x6e: {  	_ =	shalt  }
0x6f: {  	_ =	shalt  }
0x70: {  	_ =	shalt  }
0x71: {  	_ =	shalt  }
0x72: {  	_ =	shalt  }
0x73: {  	_ =	shalt  }
0x74: {  	_ =	shalt  }
0x75: {  	_ =	shalt  }
0x76: {  	_ =	shalt  }
0x77: {  	_ =	shalt  }
0x78: {  	_ =	shalt  }
0x79: {  	_ =	shalt  }
0x7a: {  	_ =	shalt  }
0x7b: {  	_ =	shalt  }
0x7c: {  	_ =	shalt  }
0x7d: {  	_ =	shalt  }
0x7e: {  	_ =	shalt  }
0x7f: {  	_ =	shalt  }
0x80: {  	_ =	shalt  }
0x81: {  	_ =	shalt  }
0x82: {  	_ =	shalt  }
0x83: {  	_ =	shalt  }
0x84: {  	_ =	shalt  }
0x85: {  	_ =	shalt  }
0x86: {  	_ =	shalt  }
0x87: {  	_ =	shalt  }
.Lfunc_end0:
.L_simem_size_0:
called_computation_lowered:
.L_overlay_start_0:
0x88: {  	s2 =	sld [smem:$0x3FD9]  }
0x89: {  	s3 =	sld [smem:$0x3FFE];
	_ =	sdelay $0x1  }
0x8a: {  	s1 =	srdreg.scid  }
0x8b: {  	s0 =	sand.u32 $0x1, s1  }
0x8c: {  	s18 =	sshll.u32 s0, $0xA;
	s2 =	sadd.s32 s3, s2  }
0x8d: {  	s2 =	sadd.s32 s2, s18  }
0x8e: {  	[smem:$0x3FC6] =	sst s2  }
0x8f: {  	_ = 	snop  }
0x90: {  	s2 =	sld [smem:$0x3FC9]  }
0x91: {  	s19 =	sld [smem:$0x3FC8]  }
0x92: {  	s4 =	sld [smem:$0x3FD0];
	(tm) =	ssettm $0x1  }
0x93: {  	s5 =	sld [smem:$0x3FFB];
	_ =	sdelay $0x3  }
0x94: {  	_ =	strace s5  }
0x95: {  	s5 =	sld [smem:$0x3FFC];
	_ =	sdelay $0x3  }
0x96: {  	_ =	strace s5  }
0x97: {  	s5 =	sld [smem:$0x3FFD];
	_ =	sdelay $0x3  }
0x98: {  	_ =	strace s5  }
0x99: {  	_ =	strace $0x8FFFFFFF  }
0x9a: {  	s20 =	sld [smem:$0x3FDB];
	_ =	sdelay $0x1  }
0x9b: {  	s6 =	simm.s32 $_scs_section_size  }
0x9c: {  	s7 =	simm.s32 $_size__tile_overlayer_lowered;
	s8 =	simm.s32 $_tile_overlayer_lowered  }
0x9d: {  	s23 =	simm.s32 $0x1BFF;
	s22 =	sshll.u32 s8, $0x1;
	s5 =	sadd.s32 s6, s20  }
0x9e: {  	s9 =	simm.s32 $0x0;
	s21 =	sshll.u32 s7, $0x1;
	s7 =	sadd.s32 s22, s5  }
0x9f: {  	[timem:s9], [sflag:s23] =	dma.local [hbm:s7], s21  }
0xa0: {  	_ =	swait.ge [sflag:s23], s21  }
0xa1: {  	s6 =	ssub.s32 $0x0, s21;
	[sflag:s23] =	ssyncset.done $0x0  }
0xa2: {  	[sflag:s23] =	ssyncadd.s32 s6;
	_ =	sdelay $0x1  }
0xa3: {  	s24 =	simm.s32 $0x1B8B  }
0xa4: {  	_ =	swait.ge [sflag:s24], $0x1  }
0xa5: {  	[sflag:s24] =	ssyncset.done $0x0  }
0xa6: {  	s25 =	simm.s32 $0x1B8E;
	[sflag:s24] =	ssyncadd.s32 $0xFFFFFFFF  }
0xa7: {  	s26 =	simm.s32 $execute0_lowered;
	[smem:$0x3FD2] =	sst s25  }
0xa8: {  	s6 =	sshll.u32 s26, $0x1;
	_ =	strace $0x80000046;
	[dreg:$0x1] =	wrdreg $0xFFFFFFFF  }
0xa9: {  	s28 =	simm.s32 $_size_execute0_lowered;
	s5 =	sadd.s32 s5, s6;
	[dreg:$0x0] =	wrdreg $0x0  }
0xaa: {  	s6 =	sshll.u32 s28, $0x1;
	[dreg:$0x2] =	wrdreg s5  }
0xab: {  	[dreg:$0x3] =	wrdreg s6  }
0xac: {  	[dreg:$0x4] =	wrdreg $0xC0  }
0xad: {  	_ =	task [dreg:s9], $0x5FFFF  }
0xae: {  	[dreg:$0x1] =	wrdreg $0xFFFFFFFF  }
0xaf: {  	[dreg:$0x0] =	wrdreg $0x60  }
0xb0: {  	[dreg:$0x2] =	wrdreg s2  }
0xb1: {  	[dreg:$0x3] =	wrdreg s19  }
0xb2: {  	[dreg:$0x4] =	wrdreg s4  }
0xb3: {  	[dreg:$0x5] =	wrdreg $0x9  }
0xb4: {  	_ =	task.clear_ibuf [dreg:s9], $0x6FFFF;
	_ =	strace $0x90000046  }
0xb5: {  	s29 =	simm.s32 $0x9;
	_ =	strace $0x80000048  }
0xb6: {  	_ =	swait.ge [sflag:s29], $0x1  }
0xb7: {  	[sflag:s29] =	ssyncadd.s32 $0xFFFFFFFF  }
0xb8: {  	_ =	strace $0x90000048  }
0xb9: {  	_ =	sfence  }
0xba: {  	s30 =	sld [smem:$0x0];
	_ =	sdelay $0x2  }
0xbb: {  	s31 =	sshll.u32 s1, $0xD;
	s1 =	sshrl.u32 s1, $0x2  }
0xbc: {  	s3 =	sand.u32 $0x4000, s31;
	s1 =	sadd.s32 s1, s30  }
0xbd: {  	s0 =	sor.u32 s3, s0;
	s1 =	sshll.u32 s1, $0x11  }
0xbe: {  	s0 =	sor.u32 s1, s0  }
0xbf: {  	s0 =	sadd.s32 $0x8F2B, s0  }
0xc0: {  	[sflag:s0] =	ssyncadd.remote.s32 $0x1  }
0xc1: {  	_ =	sfence.sel $0xFFFF  }
0xc2: {  	[dreg:$0x0] =	wrdreg $0xFFFFFFFF;
	(pc) =	sbr.abs _section_cstart, $3  }
0xc3: {  	[dreg:$0x1] =	wrdreg $0xFFFFFFFF  }
0xc4: {  	_ =	task.clear_ibuf [dreg:s9], $0x2FFFF;
	_ =	strace $0x9FFFFFFF  }
0xc5: {  	(tm) =	ssettm $0x7FFFFFFF  }
tec
execute0_lowered:
.L_overlay_start_1:
0x0: {  	(tag) =	ssettag $0x1  }
0x1: {  	s1 =	rddreg [dreg:$0x0]  }
0x2: {  	s2 =	rddreg [dreg:$0x1];
	s0 =	srdreg.scid  }
0x3: {  	s3 =	stileid.u32;
	s5 =	rddreg [dreg:$0x2]  }
0x4: {  	s0 =	sand.u32 $0x1, s0;
	s4 =	sshll.u32 s3, $0x1;
	s3 =	simm.s32 $0x0  }
0x5: {  	s4 =	sor.u32 s0, s4;
	[smem:$0x7FF] =	sst s3  }
0x6: {  	s7 =	ssub.s32 $0x2, s0;
	s0 =	sshll.u32 s0, $0x9;
	s6 =	sshll.u32 s4, $0x9  }
0x7: {  	_ =	strace $0x80000047;
	s9 =	sshrl.u32 s7, $0x1;
	s8 =	sand.u32 $0x3C00, s6  }
0x8: {  	s7 =	ssub.s32 s7, s9;
	s5 =	sadd.s32 s5, s6;
	s0 =	sor.u32 s0, s8  }
0x9: {  	s6 =	smax.u32 s7, $0x1;
	s8 =	sshrl.u32 s0, $0x3;
	s0 =	sshll.u32 s4, $0xC  }
0xa: {  	s7 =	simm.s32 $0x2;
	s4 =	sadd.s32 s2, s8;
	s10 =	sor.u32 $0x840, s0  }
0xb: {  	s2 =	sor.u32 $0x10, s0;
	s12 =	sor.u32 $0x860, s0;
	[dreg:$0xd] =	wrdreg s10  }
0xc: {  	s11 =	sor.u32 $0x20, s0;
	s13 =	sor.u32 $0x870, s0;
	[dreg:$0xe] =	wrdreg s12  }
0xd: {  	s14 =	sor.u32 $0x30, s0;
	s8 =	sor.u32 $0xC00, s0;
	[dreg:$0xa] =	wrdreg s13  }
0xe: {  	s9 =	sor.u32 $0x40, s0;
	[dreg:$0xb] =	wrdreg s8;
	s10 =	sor.u32 $0xC10, s0  }
0xf: {  	s16 =	sor.u32 $0x50, s0;
	s12 =	sor.u32 $0xC20, s0;
	[dreg:$0xc] =	wrdreg s10  }
0x10: {  	s17 =	sor.u32 $0x60, s0;
	s13 =	sor.u32 $0xC30, s0;
	[dreg:$0x7] =	wrdreg s12  }
0x11: {  	s15 =	sor.u32 $0x70, s0;
	s8 =	sor.u32 $0xC40, s0;
	[dreg:$0x8] =	wrdreg s13  }
0x12: {  	v31 =	vlaneseq.u32;
	s19 =	sor.u32 $0x400, s0;
	s18 =	sor.u32 $0x420, s0;
	[dreg:$0x9] =	wrdreg s8  }
0x13: {  	s20 =	sor.u32 $0x410, s0;
	s29 =	sor.u32 $0x430, s0;
	v10 =	vor.u32 s18, v31;
	s18 =	rddreg [dreg:$0xd]  }
0x14: {  	s30 =	sor.u32 $0x440, s0;
	s31 =	sor.u32 $0x450, s0;
	v8 =	vor.u32 s19, v31;
	s19 =	rddreg [dreg:$0xe]  }
0x15: {  	s25 =	sor.u32 $0x460, s0;
	s21 =	sor.u32 $0x820, s0;
	v9 =	vor.u32 s20, v31;
	s20 =	rddreg [dreg:$0xa]  }
0x16: {  	s26 =	sor.u32 $0x470, s0;
	v18 =	vor.u32 s21, v31;
	s10 =	sor.u32 $0xC50, s0;
	s21 =	rddreg [dreg:$0xb]  }
0x17: {  	s28 =	sor.u32 $0x800, s0;
	s12 =	sor.u32 $0xC60, s0;
	[dreg:$0x4] =	wrdreg s10  }
0x18: {  	s22 =	sor.u32 $0x810, s0;
	v0 =	vor.u32 s0, v31;
	s13 =	sor.u32 $0xC70, s0;
	[dreg:$0x5] =	wrdreg s12  }
0x19: {  	s24 =	sor.u32 $0x830, s0;
	s23 =	sor.u32 $0x850, s0;
	v1 =	vor.u32 s2, v31;
	v2 =	vor.u32 s11, v31;
	v3 =	vor.u32 s14, v31;
	[dreg:$0x6] =	wrdreg s13  }
0x1a: {  	v5 =	vor.u32 s16, v31;
	v13 =	vor.u32 s31, v31;
	s31 =	simm.s32 $0x1;
	v17 =	vor.u32 s22, v31;
	s16 =	simm.s32 $0x8180;
	s22 =	rddreg [dreg:$0xc]  }
0x1b: {  	v6 =	vor.u32 s17, v31;
	v16 =	vor.u32 s28, v31;
	v21 =	vor.u32 s23, v31;
	s17 =	simm.s32 $0x10300;
	s28 =	simm.s32 $0x0;
	s23 =	rddreg [dreg:$0x7]  }
0x1c: {  	v4 =	vor.u32 s9, v31;
	v7 =	vor.u32 s15, v31;
	v19 =	vor.u32 s24, v31;
	s8 =	simm.s32 $0x80;
	s10 =	simm.s32 $0x8400;
	s24 =	rddreg [dreg:$0x8]  }
0x1d: {  	v11 =	vor.u32 s29, v31;
	v12 =	vor.u32 s30, v31;
	v14 =	vor.u32 s25, v31;
	s13 =	simm.s32 $0x500;
	s12 =	simm.s32 $0x1000;
	s25 =	rddreg [dreg:$0x9]  }
0x1e: {  	v15 =	vor.u32 s26, v31;
	v20 =	vor.u32 s18, v31;
	v22 =	vor.u32 s19, v31;
	s18 =	simm.s32 $0x8200;
	s19 =	simm.s32 $0xF780;
	s26 =	rddreg [dreg:$0x4]  }
0x1f: {  	v23 =	vor.u32 s20, v31;
	v24 =	vor.u32 s21, v31;
	s20 =	simm.s32 $0x8280;
	s21 =	simm.s32 $0xFB80;
	v25 =	vor.u32 s22, v31;
	s29 =	rddreg [dreg:$0x5]  }
0x20: {  	v26 =	vor.u32 s23, v31;
	v27 =	vor.u32 s24, v31;
	v28 =	vor.u32 s25, v31;
	s22 =	simm.s32 $0x8300;
	s23 =	simm.s32 $0xFF80;
	s30 =	rddreg [dreg:$0x6]  }
0x21: {  	s24 =	simm.s32 $0x8380;
	s25 =	simm.s32 $0x10380;
	v29 =	vor.u32 s26, v31;
	v30 =	vor.u32 s29, v31;
	v31 =	vor.u32 s30, v31;
	s26 =	simm.s32 $0x20000  }
.LBB2_1:
0x22: {  	[tilespmem:s3], [sflag:$0x2] =	stream.linear.gather [hbm4b:s4+s3], $0x200, $0x38;
	[tilespmem:$0x10400] =	vst v63  }
0x23: {  	_ =	swait.ge [sflag:s7], $0x200  }
0x24: {  	[sflag:s7] =	ssyncset.done $0x0  }
0x25: {  	[sflag:s7] =	ssyncadd.s32 $0xFFFFFE00  }
0x26: {  	v32 =	vld [tilespmem:$0x0]  }
0x27: {  	v33 =	vld [tilespmem:$0x10]  }
0x28: {  	v34 =	vld [tilespmem:$0x20]  }
0x29: {  	v35 =	vld [tilespmem:$0x30]  }
0x2a: {  	v36 =	vld [tilespmem:$0x40]  }
0x2b: {  	v37 =	vld [tilespmem:$0x50];
	v32 =	vshll.u32 v32, $0x14  }
0x2c: {  	v38 =	vld [tilespmem:$0x60];
	v33 =	vshll.u32 v33, $0x14;
	v32 =	vor.u32 v0, v32  }
0x2d: {  	v51 =	vld [tilespmem:$0x70];
	v50 =	vshll.u32 v34, $0x14;
	v49 =	vadd.s32 v33, v1;
	[tilespmem:$0x200] =	vst v32  }
0x2e: {  	v54 =	vld [tilespmem:$0x80];
	v53 =	vshll.u32 v35, $0x14;
	v52 =	vadd.s32 v50, v2;
	[tilespmem:$0x210] =	vst v49  }
0x2f: {  	v57 =	vld [tilespmem:$0x90];
	v56 =	vshll.u32 v36, $0x14;
	v55 =	vadd.s32 v53, v3;
	[tilespmem:$0x220] =	vst v52  }
0x30: {  	v60 =	vld [tilespmem:$0xA0];
	v59 =	vshll.u32 v37, $0x14;
	v58 =	vadd.s32 v56, v4;
	[tilespmem:$0x230] =	vst v55  }
0x31: {  	v63 =	vld [tilespmem:$0xB0];
	v62 =	vshll.u32 v38, $0x14;
	v61 =	vadd.s32 v59, v5;
	[tilespmem:$0x240] =	vst v58  }
0x32: {  	v42 =	vld [tilespmem:$0xC0];
	v41 =	vshll.u32 v51, $0x14;
	v40 =	vadd.s32 v62, v6;
	[tilespmem:$0x250] =	vst v61  }
0x33: {  	v45 =	vld [tilespmem:$0xD0];
	v44 =	vshll.u32 v54, $0x14;
	v43 =	vadd.s32 v41, v7;
	[tilespmem:$0x260] =	vst v40  }
0x34: {  	v48 =	vld [tilespmem:$0xE0];
	v47 =	vshll.u32 v57, $0x14;
	v46 =	vadd.s32 v44, v8;
	[tilespmem:$0x270] =	vst v43  }
0x35: {  	v51 =	vld [tilespmem:$0xF0];
	v50 =	vshll.u32 v60, $0x14;
	[tilespmem:$0x280] =	vst v46;
	v49 =	vadd.s32 v47, v9  }
0x36: {  	v54 =	vld [tilespmem:$0x100];
	v53 =	vshll.u32 v63, $0x14;
	v52 =	vadd.s32 v50, v10;
	[tilespmem:$0x290] =	vst v49  }
0x37: {  	v57 =	vld [tilespmem:$0x110];
	v56 =	vshll.u32 v42, $0x14;
	v55 =	vadd.s32 v53, v11;
	[tilespmem:$0x2A0] =	vst v52  }
0x38: {  	v59 =	vshll.u32 v45, $0x14;
	v60 =	vld [tilespmem:$0x120];
	v58 =	vadd.s32 v56, v12;
	[tilespmem:$0x2B0] =	vst v55  }
0x39: {  	v62 =	vshll.u32 v48, $0x14;
	v63 =	vld [tilespmem:$0x130];
	v61 =	vadd.s32 v59, v13;
	[tilespmem:$0x2C0] =	vst v58  }
0x3a: {  	v42 =	vld [tilespmem:$0x140];
	v40 =	vadd.s32 v62, v14;
	[tilespmem:$0x2D0] =	vst v61;
	v41 =	vshll.u32 v51, $0x14  }
0x3b: {  	v45 =	vld [tilespmem:$0x150];
	[tilespmem:$0x2E0] =	vst v40;
	v44 =	vshll.u32 v54, $0x14;
	v43 =	vadd.s32 v41, v15  }
0x3c: {  	v48 =	vld [tilespmem:$0x160];
	v47 =	vshll.u32 v57, $0x14;
	v46 =	vadd.s32 v44, v16;
	[tilespmem:$0x2F0] =	vst v43  }
0x3d: {  	v51 =	vld [tilespmem:$0x170];
	v49 =	vadd.s32 v47, v17;
	v50 =	vshll.u32 v60, $0x14;
	[tilespmem:$0x300] =	vst v46  }
0x3e: {  	v54 =	vld [tilespmem:$0x180];
	v53 =	vshll.u32 v63, $0x14;
	[tilespmem:$0x310] =	vst v49;
	v52 =	vadd.s32 v50, v18  }
0x3f: {  	v57 =	vld [tilespmem:$0x190];
	v56 =	vshll.u32 v42, $0x14;
	v55 =	vadd.s32 v53, v19;
	[tilespmem:$0x320] =	vst v52  }
0x40: {  	v59 =	vshll.u32 v45, $0x14;
	v60 =	vld [tilespmem:$0x1A0];
	v58 =	vadd.s32 v56, v20;
	[tilespmem:$0x330] =	vst v55  }
0x41: {  	v62 =	vshll.u32 v48, $0x14;
	v63 =	vld [tilespmem:$0x1B0];
	v61 =	vadd.s32 v59, v21;
	[tilespmem:$0x340] =	vst v58  }
0x42: {  	v41 =	vld [tilespmem:$0x1C0];
	v39 =	vadd.s32 v62, v22;
	[tilespmem:$0x350] =	vst v61;
	v40 =	vshll.u32 v51, $0x14  }
0x43: {  	v44 =	vld [tilespmem:$0x1D0];
	[tilespmem:$0x360] =	vst v39;
	v43 =	vshll.u32 v54, $0x14;
	v42 =	vadd.s32 v40, v23  }
0x44: {  	v47 =	vld [tilespmem:$0x1E0];
	v46 =	vshll.u32 v57, $0x14;
	v45 =	vadd.s32 v43, v24;
	[tilespmem:$0x370] =	vst v42  }
0x45: {  	v50 =	vld [tilespmem:$0x1F0];
	v48 =	vadd.s32 v46, v25;
	v49 =	vshll.u32 v60, $0x14;
	[tilespmem:$0x380] =	vst v45  }
0x46: {  	v52 =	vshll.u32 v63, $0x14;
	[tilespmem:$0x390] =	vst v48;
	v51 =	vadd.s32 v49, v26  }
0x47: {  	v55 =	vld [tilespmem:$0x200];
	v54 =	vshll.u32 v41, $0x14;
	v53 =	vadd.s32 v52, v27;
	[tilespmem:$0x3A0] =	vst v51  }
0x48: {  	v57 =	vshll.u32 v44, $0x14;
	v56 =	vadd.s32 v54, v28;
	[tilespmem:$0x3B0] =	vst v53  }
0x49: {  	v59 =	vshll.u32 v47, $0x14;
	v58 =	vadd.s32 v57, v29;
	[tilespmem:$0x3C0] =	vst v56  }
0x4a: {  	s0 =	sand.u32 $0x60000, s3;
	s2 =	sand.u32 $0x380, s3;
	v60 =	vadd.s32 v59, v30;
	v61 =	vshll.u32 v50, $0x14;
	[tilespmem:$0x3D0] =	vst v58  }
0x4b: {  	s0 =	sor.u32 s2, s0;
	[tilespmem:$0x3E0] =	vst v60;
	v62 =	vadd.s32 v61, v31  }
0x4c: {  	v63 =	vadd.s32 s0, v55;
	[tilespmem:$0x3F0] =	vst v62  }
0x4d: {  	[tilespmem:s13+$0xFFFFFF00] =	vst v63  }
0x4e: {  	v32 =	vld [tilespmem:$0x210];
	_ =	sdelay $0x4  }
0x4f: {  	v32 =	vadd.s32 s0, v32  }
0x50: {  	[tilespmem:s13+$0xFFFFFF10] =	vst v32  }
0x51: {  	v32 =	vld [tilespmem:$0x220];
	_ =	sdelay $0x4  }
0x52: {  	v32 =	vadd.s32 s0, v32  }
0x53: {  	[tilespmem:s13+$0xFFFFFF20] =	vst v32  }
0x54: {  	v32 =	vld [tilespmem:$0x230];
	_ =	sdelay $0x4  }
0x55: {  	v32 =	vadd.s32 s0, v32  }
0x56: {  	[tilespmem:s13+$0xFFFFFF30] =	vst v32  }
0x57: {  	v32 =	vld [tilespmem:$0x240];
	_ =	sdelay $0x4  }
0x58: {  	v32 =	vadd.s32 s0, v32  }
0x59: {  	[tilespmem:s13+$0xFFFFFF40] =	vst v32  }
0x5a: {  	v32 =	vld [tilespmem:$0x250];
	_ =	sdelay $0x4  }
0x5b: {  	v32 =	vadd.s32 s0, v32  }
0x5c: {  	[tilespmem:s13+$0xFFFFFF50] =	vst v32  }
0x5d: {  	v32 =	vld [tilespmem:$0x260];
	_ =	sdelay $0x4  }
0x5e: {  	v32 =	vadd.s32 s0, v32  }
0x5f: {  	[tilespmem:s13+$0xFFFFFF60] =	vst v32  }
0x60: {  	v32 =	vld [tilespmem:$0x270];
	_ =	sdelay $0x4  }
0x61: {  	v32 =	vadd.s32 s0, v32  }
0x62: {  	[tilespmem:s13+$0xFFFFFF70] =	vst v32  }
0x63: {  	v32 =	vld [tilespmem:$0x280];
	_ =	sdelay $0x4  }
0x64: {  	v32 =	vadd.s32 s0, v32  }
0x65: {  	[tilespmem:s13+$0xFFFFFF80] =	vst v32  }
0x66: {  	v32 =	vld [tilespmem:$0x290];
	_ =	sdelay $0x4  }
0x67: {  	v32 =	vadd.s32 s0, v32  }
0x68: {  	[tilespmem:s13+$0xFFFFFF90] =	vst v32  }
0x69: {  	v32 =	vld [tilespmem:$0x2A0];
	_ =	sdelay $0x4  }
0x6a: {  	v32 =	vadd.s32 s0, v32  }
0x6b: {  	[tilespmem:s13+$0xFFFFFFA0] =	vst v32  }
0x6c: {  	v32 =	vld [tilespmem:$0x2B0];
	_ =	sdelay $0x4  }
0x6d: {  	v32 =	vadd.s32 s0, v32  }
0x6e: {  	[tilespmem:s13+$0xFFFFFFB0] =	vst v32  }
0x6f: {  	v32 =	vld [tilespmem:$0x2C0];
	_ =	sdelay $0x4  }
0x70: {  	v32 =	vadd.s32 s0, v32  }
0x71: {  	[tilespmem:s13+$0xFFFFFFC0] =	vst v32  }
0x72: {  	v32 =	vld [tilespmem:$0x2D0];
	_ =	sdelay $0x4  }
0x73: {  	v32 =	vadd.s32 s0, v32  }
0x74: {  	[tilespmem:s13+$0xFFFFFFD0] =	vst v32  }
0x75: {  	v32 =	vld [tilespmem:$0x2E0];
	_ =	sdelay $0x4  }
0x76: {  	v32 =	vadd.s32 s0, v32  }
0x77: {  	[tilespmem:s13+$0xFFFFFFE0] =	vst v32  }
0x78: {  	v32 =	vld [tilespmem:$0x2F0];
	_ =	sdelay $0x4  }
0x79: {  	v32 =	vadd.s32 s0, v32  }
0x7a: {  	[tilespmem:s13+$0xFFFFFFF0] =	vst v32  }
0x7b: {  	v32 =	vld [tilespmem:$0x300];
	_ =	sdelay $0x4  }
0x7c: {  	v32 =	vadd.s32 s0, v32  }
0x7d: {  	[tilespmem:s13+$0x0] =	vst v32  }
0x7e: {  	v32 =	vld [tilespmem:$0x310];
	_ =	sdelay $0x4  }
0x7f: {  	v32 =	vadd.s32 s0, v32  }
0x80: {  	[tilespmem:s13+$0x10] =	vst v32  }
0x81: {  	v32 =	vld [tilespmem:$0x320];
	_ =	sdelay $0x4  }
0x82: {  	v32 =	vadd.s32 s0, v32  }
0x83: {  	[tilespmem:s13+$0x20] =	vst v32  }
0x84: {  	v32 =	vld [tilespmem:$0x330];
	_ =	sdelay $0x4  }
0x85: {  	v32 =	vadd.s32 s0, v32  }
0x86: {  	[tilespmem:s13+$0x30] =	vst v32  }
0x87: {  	v32 =	vld [tilespmem:$0x340];
	_ =	sdelay $0x4  }
0x88: {  	v32 =	vadd.s32 s0, v32  }
0x89: {  	[tilespmem:s13+$0x40] =	vst v32  }
0x8a: {  	v32 =	vld [tilespmem:$0x350];
	_ =	sdelay $0x4  }
0x8b: {  	v32 =	vadd.s32 s0, v32  }
0x8c: {  	[tilespmem:s13+$0x50] =	vst v32  }
0x8d: {  	v32 =	vld [tilespmem:$0x360];
	_ =	sdelay $0x4  }
0x8e: {  	v32 =	vadd.s32 s0, v32  }
0x8f: {  	[tilespmem:s13+$0x60] =	vst v32  }
0x90: {  	v32 =	vld [tilespmem:$0x370];
	_ =	sdelay $0x4  }
0x91: {  	v32 =	vadd.s32 s0, v32  }
0x92: {  	[tilespmem:s13+$0x70] =	vst v32  }
0x93: {  	v32 =	vld [tilespmem:$0x380];
	_ =	sdelay $0x4  }
0x94: {  	v32 =	vadd.s32 s0, v32  }
0x95: {  	[tilespmem:s13+$0x80] =	vst v32  }
0x96: {  	v32 =	vld [tilespmem:$0x390];
	_ =	sdelay $0x4  }
0x97: {  	v32 =	vadd.s32 s0, v32  }
0x98: {  	[tilespmem:s13+$0x90] =	vst v32  }
0x99: {  	v32 =	vld [tilespmem:$0x3A0];
	_ =	sdelay $0x4  }
0x9a: {  	v32 =	vadd.s32 s0, v32  }
0x9b: {  	[tilespmem:s13+$0xA0] =	vst v32  }
0x9c: {  	v32 =	vld [tilespmem:$0x3B0];
	_ =	sdelay $0x4  }
0x9d: {  	v32 =	vadd.s32 s0, v32  }
0x9e: {  	[tilespmem:s13+$0xB0] =	vst v32  }
0x9f: {  	v32 =	vld [tilespmem:$0x3C0];
	_ =	sdelay $0x4  }
0xa0: {  	v32 =	vadd.s32 s0, v32  }
0xa1: {  	[tilespmem:s13+$0xC0] =	vst v32  }
0xa2: {  	v32 =	vld [tilespmem:$0x3D0];
	_ =	sdelay $0x4  }
0xa3: {  	v32 =	vadd.s32 s0, v32  }
0xa4: {  	[tilespmem:s13+$0xD0] =	vst v32  }
0xa5: {  	v32 =	vld [tilespmem:$0x3E0];
	_ =	sdelay $0x4  }
0xa6: {  	v32 =	vadd.s32 s0, v32  }
0xa7: {  	[tilespmem:s13+$0xE0] =	vst v32  }
0xa8: {  	v32 =	vld [tilespmem:$0x3F0];
	_ =	sdelay $0x4  }
0xa9: {  	v32 =	vadd.s32 s0, v32  }
0xaa: {  	s30 =	simm.s32 $0x100;
	[tilespmem:s13+$0xF0] =	vst v32  }
0xab: {  	s29 =	simm.s32 $0x0;
	s2 =	simm.s32 $0x500;
	s0 =	simm.s32 $0x80;
	v32 =	vld [tilespmem:$0x200]  }
.LBB2_2:
0xac: {  	p0 =	sne.s32 s30, $0xC80  }
0xad: {  	s29 =	sadd.s32 $0x4000, s29  }
0xae: {  	s11 =	sand.u32 $0x380, s0;
	s0 =	smov.u32 s30;
	s9 =	sand.u32 $0x60000, s29  }
0xaf: {  	s9 =	sor.u32 s11, s9  }
0xb0: {  	s2 =	sadd.s32 $0x200, s2;
	v32 =	vadd.s32 s9, v32  }
0xb1: {  	[tilespmem:s2+$0xFFFFFF00] =	vst v32  }
0xb2: {  	v32 =	vld [tilespmem:$0x210];
	_ =	sdelay $0x4  }
0xb3: {  	v32 =	vadd.s32 s9, v32  }
0xb4: {  	[tilespmem:s2+$0xFFFFFF10] =	vst v32  }
0xb5: {  	v32 =	vld [tilespmem:$0x220];
	_ =	sdelay $0x4  }
0xb6: {  	v32 =	vadd.s32 s9, v32  }
0xb7: {  	[tilespmem:s2+$0xFFFFFF20] =	vst v32  }
0xb8: {  	v32 =	vld [tilespmem:$0x230];
	_ =	sdelay $0x4  }
0xb9: {  	v32 =	vadd.s32 s9, v32  }
0xba: {  	[tilespmem:s2+$0xFFFFFF30] =	vst v32  }
0xbb: {  	v32 =	vld [tilespmem:$0x240];
	_ =	sdelay $0x4  }
0xbc: {  	v32 =	vadd.s32 s9, v32  }
0xbd: {  	[tilespmem:s2+$0xFFFFFF40] =	vst v32  }
0xbe: {  	v32 =	vld [tilespmem:$0x250];
	_ =	sdelay $0x4  }
0xbf: {  	v32 =	vadd.s32 s9, v32  }
0xc0: {  	[tilespmem:s2+$0xFFFFFF50] =	vst v32  }
0xc1: {  	v32 =	vld [tilespmem:$0x260];
	_ =	sdelay $0x4  }
0xc2: {  	v32 =	vadd.s32 s9, v32  }
0xc3: {  	[tilespmem:s2+$0xFFFFFF60] =	vst v32  }
0xc4: {  	v32 =	vld [tilespmem:$0x270];
	_ =	sdelay $0x4  }
0xc5: {  	v32 =	vadd.s32 s9, v32  }
0xc6: {  	[tilespmem:s2+$0xFFFFFF70] =	vst v32  }
0xc7: {  	v32 =	vld [tilespmem:$0x280];
	_ =	sdelay $0x4  }
0xc8: {  	v32 =	vadd.s32 s9, v32  }
0xc9: {  	[tilespmem:s2+$0xFFFFFF80] =	vst v32  }
0xca: {  	v32 =	vld [tilespmem:$0x290];
	_ =	sdelay $0x4  }
0xcb: {  	v32 =	vadd.s32 s9, v32  }
0xcc: {  	[tilespmem:s2+$0xFFFFFF90] =	vst v32  }
0xcd: {  	v32 =	vld [tilespmem:$0x2A0];
	_ =	sdelay $0x4  }
0xce: {  	v32 =	vadd.s32 s9, v32  }
0xcf: {  	[tilespmem:s2+$0xFFFFFFA0] =	vst v32  }
0xd0: {  	v32 =	vld [tilespmem:$0x2B0];
	_ =	sdelay $0x4  }
0xd1: {  	v32 =	vadd.s32 s9, v32  }
0xd2: {  	[tilespmem:s2+$0xFFFFFFB0] =	vst v32  }
0xd3: {  	v32 =	vld [tilespmem:$0x2C0];
	_ =	sdelay $0x4  }
0xd4: {  	v32 =	vadd.s32 s9, v32  }
0xd5: {  	[tilespmem:s2+$0xFFFFFFC0] =	vst v32  }
0xd6: {  	v32 =	vld [tilespmem:$0x2D0];
	_ =	sdelay $0x4  }
0xd7: {  	v32 =	vadd.s32 s9, v32  }
0xd8: {  	[tilespmem:s2+$0xFFFFFFD0] =	vst v32  }
0xd9: {  	v32 =	vld [tilespmem:$0x2E0];
	_ =	sdelay $0x4  }
0xda: {  	v32 =	vadd.s32 s9, v32  }
0xdb: {  	[tilespmem:s2+$0xFFFFFFE0] =	vst v32  }
0xdc: {  	v32 =	vld [tilespmem:$0x2F0];
	_ =	sdelay $0x4  }
0xdd: {  	v32 =	vadd.s32 s9, v32  }
0xde: {  	[tilespmem:s2+$0xFFFFFFF0] =	vst v32  }
0xdf: {  	v32 =	vld [tilespmem:$0x300];
	_ =	sdelay $0x4  }
0xe0: {  	v32 =	vadd.s32 s9, v32  }
0xe1: {  	[tilespmem:s2+$0x0] =	vst v32  }
0xe2: {  	v32 =	vld [tilespmem:$0x310];
	_ =	sdelay $0x4  }
0xe3: {  	v32 =	vadd.s32 s9, v32  }
0xe4: {  	[tilespmem:s2+$0x10] =	vst v32  }
0xe5: {  	v32 =	vld [tilespmem:$0x320];
	_ =	sdelay $0x4  }
0xe6: {  	v32 =	vadd.s32 s9, v32  }
0xe7: {  	[tilespmem:s2+$0x20] =	vst v32  }
0xe8: {  	v32 =	vld [tilespmem:$0x330];
	_ =	sdelay $0x4  }
0xe9: {  	v32 =	vadd.s32 s9, v32  }
0xea: {  	[tilespmem:s2+$0x30] =	vst v32  }
0xeb: {  	v32 =	vld [tilespmem:$0x340];
	_ =	sdelay $0x4  }
0xec: {  	v32 =	vadd.s32 s9, v32  }
0xed: {  	[tilespmem:s2+$0x40] =	vst v32  }
0xee: {  	v32 =	vld [tilespmem:$0x350];
	_ =	sdelay $0x4  }
0xef: {  	v32 =	vadd.s32 s9, v32  }
0xf0: {  	[tilespmem:s2+$0x50] =	vst v32  }
0xf1: {  	v32 =	vld [tilespmem:$0x360];
	_ =	sdelay $0x4  }
0xf2: {  	v32 =	vadd.s32 s9, v32  }
0xf3: {  	[tilespmem:s2+$0x60] =	vst v32  }
0xf4: {  	v32 =	vld [tilespmem:$0x370];
	_ =	sdelay $0x4  }
0xf5: {  	v32 =	vadd.s32 s9, v32  }
0xf6: {  	[tilespmem:s2+$0x70] =	vst v32  }
0xf7: {  	v32 =	vld [tilespmem:$0x380];
	_ =	sdelay $0x4  }
0xf8: {  	v32 =	vadd.s32 s9, v32  }
0xf9: {  	[tilespmem:s2+$0x80] =	vst v32  }
0xfa: {  	v32 =	vld [tilespmem:$0x390];
	_ =	sdelay $0x4  }
0xfb: {  	v32 =	vadd.s32 s9, v32  }
0xfc: {  	[tilespmem:s2+$0x90] =	vst v32  }
0xfd: {  	v32 =	vld [tilespmem:$0x3A0];
	_ =	sdelay $0x4  }
0xfe: {  	v32 =	vadd.s32 s9, v32  }
0xff: {  	[tilespmem:s2+$0xA0] =	vst v32  }
0x100: {  	v32 =	vld [tilespmem:$0x3B0];
	_ =	sdelay $0x4  }
0x101: {  	v32 =	vadd.s32 s9, v32  }
0x102: {  	[tilespmem:s2+$0xB0] =	vst v32  }
0x103: {  	v32 =	vld [tilespmem:$0x3C0];
	_ =	sdelay $0x4  }
0x104: {  	v32 =	vadd.s32 s9, v32  }
0x105: {  	[tilespmem:s2+$0xC0] =	vst v32  }
0x106: {  	v32 =	vld [tilespmem:$0x3D0];
	_ =	sdelay $0x4  }
0x107: {  	v32 =	vadd.s32 s9, v32  }
0x108: {  	[tilespmem:s2+$0xD0] =	vst v32  }
0x109: {  	v32 =	vld [tilespmem:$0x3E0];
	_ =	sdelay $0x4  }
0x10a: {  	v32 =	vadd.s32 s9, v32  }
0x10b: {  	[tilespmem:s2+$0xE0] =	vst v32  }
0x10c: {  	v32 =	vld [tilespmem:$0x3F0];
	_ =	sdelay $0x2  }
.Ltmp0:
0x10d: {  	(pc) =	sbr.rel @p0 .LBB2_2-.Ltmp0, $4  }
0x10e: {  	_ = 	snop  }
0x10f: {  	v32 =	vadd.s32 s9, v32  }
0x110: {  	[tilespmem:s2+$0xF0] =	vst v32  }
0x111: {  	s30 =	sadd.s32 $0x80, s30;
	v32 =	vld [tilespmem:$0x200]  }
0x112: {  	_ = 	snop  }
0x113: {  	s9 =	sadd.s32 $0x4000, s29  }
0x114: {  	s0 =	sand.u32 $0x380, s0;
	s9 =	sand.u32 $0x60000, s9  }
0x115: {  	s0 =	sor.u32 s0, s9  }
0x116: {  	s2 =	sadd.s32 $0x200, s2;
	v32 =	vadd.s32 s0, v32  }
0x117: {  	[tilespmem:s2+$0xFFFFFF00] =	vst v32  }
0x118: {  	v32 =	vld [tilespmem:$0x210];
	_ =	sdelay $0x4  }
0x119: {  	v32 =	vadd.s32 s0, v32  }
0x11a: {  	[tilespmem:s2+$0xFFFFFF10] =	vst v32  }
0x11b: {  	v32 =	vld [tilespmem:$0x220];
	_ =	sdelay $0x4  }
0x11c: {  	v32 =	vadd.s32 s0, v32  }
0x11d: {  	[tilespmem:s2+$0xFFFFFF20] =	vst v32  }
0x11e: {  	v32 =	vld [tilespmem:$0x230];
	_ =	sdelay $0x4  }
0x11f: {  	v32 =	vadd.s32 s0, v32  }
0x120: {  	[tilespmem:s2+$0xFFFFFF30] =	vst v32  }
0x121: {  	v32 =	vld [tilespmem:$0x240];
	_ =	sdelay $0x4  }
0x122: {  	v32 =	vadd.s32 s0, v32  }
0x123: {  	[tilespmem:s2+$0xFFFFFF40] =	vst v32  }
0x124: {  	v32 =	vld [tilespmem:$0x250];
	_ =	sdelay $0x4  }
0x125: {  	v32 =	vadd.s32 s0, v32  }
0x126: {  	[tilespmem:s2+$0xFFFFFF50] =	vst v32  }
0x127: {  	v32 =	vld [tilespmem:$0x260];
	_ =	sdelay $0x4  }
0x128: {  	v32 =	vadd.s32 s0, v32  }
0x129: {  	[tilespmem:s2+$0xFFFFFF60] =	vst v32  }
0x12a: {  	v32 =	vld [tilespmem:$0x270];
	_ =	sdelay $0x4  }
0x12b: {  	v32 =	vadd.s32 s0, v32  }
0x12c: {  	[tilespmem:s2+$0xFFFFFF70] =	vst v32  }
0x12d: {  	v32 =	vld [tilespmem:$0x280];
	_ =	sdelay $0x4  }
0x12e: {  	v32 =	vadd.s32 s0, v32  }
0x12f: {  	[tilespmem:s2+$0xFFFFFF80] =	vst v32  }
0x130: {  	v32 =	vld [tilespmem:$0x290];
	_ =	sdelay $0x4  }
0x131: {  	v32 =	vadd.s32 s0, v32  }
0x132: {  	[tilespmem:s2+$0xFFFFFF90] =	vst v32  }
0x133: {  	v32 =	vld [tilespmem:$0x2A0];
	_ =	sdelay $0x4  }
0x134: {  	v32 =	vadd.s32 s0, v32  }
0x135: {  	[tilespmem:s2+$0xFFFFFFA0] =	vst v32  }
0x136: {  	v32 =	vld [tilespmem:$0x2B0];
	_ =	sdelay $0x4  }
0x137: {  	v32 =	vadd.s32 s0, v32  }
0x138: {  	[tilespmem:s2+$0xFFFFFFB0] =	vst v32  }
0x139: {  	v32 =	vld [tilespmem:$0x2C0];
	_ =	sdelay $0x4  }
0x13a: {  	v32 =	vadd.s32 s0, v32  }
0x13b: {  	[tilespmem:s2+$0xFFFFFFC0] =	vst v32  }
0x13c: {  	v32 =	vld [tilespmem:$0x2D0];
	_ =	sdelay $0x4  }
0x13d: {  	v32 =	vadd.s32 s0, v32  }
0x13e: {  	[tilespmem:s2+$0xFFFFFFD0] =	vst v32  }
0x13f: {  	v32 =	vld [tilespmem:$0x2E0];
	_ =	sdelay $0x4  }
0x140: {  	v32 =	vadd.s32 s0, v32  }
0x141: {  	[tilespmem:s2+$0xFFFFFFE0] =	vst v32  }
0x142: {  	v32 =	vld [tilespmem:$0x2F0];
	_ =	sdelay $0x4  }
0x143: {  	v32 =	vadd.s32 s0, v32  }
0x144: {  	[tilespmem:s2+$0xFFFFFFF0] =	vst v32  }
0x145: {  	v32 =	vld [tilespmem:$0x300];
	_ =	sdelay $0x4  }
0x146: {  	v32 =	vadd.s32 s0, v32  }
0x147: {  	[tilespmem:s2+$0x0] =	vst v32  }
0x148: {  	v32 =	vld [tilespmem:$0x310];
	_ =	sdelay $0x4  }
0x149: {  	v32 =	vadd.s32 s0, v32  }
0x14a: {  	[tilespmem:s2+$0x10] =	vst v32  }
0x14b: {  	v32 =	vld [tilespmem:$0x320];
	_ =	sdelay $0x4  }
0x14c: {  	v32 =	vadd.s32 s0, v32  }
0x14d: {  	[tilespmem:s2+$0x20] =	vst v32  }
0x14e: {  	v32 =	vld [tilespmem:$0x330];
	_ =	sdelay $0x4  }
0x14f: {  	v32 =	vadd.s32 s0, v32  }
0x150: {  	[tilespmem:s2+$0x30] =	vst v32  }
0x151: {  	v32 =	vld [tilespmem:$0x340];
	_ =	sdelay $0x4  }
0x152: {  	v32 =	vadd.s32 s0, v32  }
0x153: {  	[tilespmem:s2+$0x40] =	vst v32  }
0x154: {  	v32 =	vld [tilespmem:$0x350];
	_ =	sdelay $0x4  }
0x155: {  	v32 =	vadd.s32 s0, v32  }
0x156: {  	[tilespmem:s2+$0x50] =	vst v32  }
0x157: {  	v32 =	vld [tilespmem:$0x360];
	_ =	sdelay $0x4  }
0x158: {  	v32 =	vadd.s32 s0, v32  }
0x159: {  	[tilespmem:s2+$0x60] =	vst v32  }
0x15a: {  	v32 =	vld [tilespmem:$0x370];
	_ =	sdelay $0x4  }
0x15b: {  	v32 =	vadd.s32 s0, v32  }
0x15c: {  	[tilespmem:s2+$0x70] =	vst v32  }
0x15d: {  	v32 =	vld [tilespmem:$0x380];
	_ =	sdelay $0x4  }
0x15e: {  	v32 =	vadd.s32 s0, v32  }
0x15f: {  	[tilespmem:s2+$0x80] =	vst v32  }
0x160: {  	v32 =	vld [tilespmem:$0x390];
	_ =	sdelay $0x4  }
0x161: {  	v32 =	vadd.s32 s0, v32  }
0x162: {  	[tilespmem:s2+$0x90] =	vst v32  }
0x163: {  	v32 =	vld [tilespmem:$0x3A0];
	_ =	sdelay $0x4  }
0x164: {  	v32 =	vadd.s32 s0, v32  }
0x165: {  	[tilespmem:s2+$0xA0] =	vst v32  }
0x166: {  	v32 =	vld [tilespmem:$0x3B0];
	_ =	sdelay $0x4  }
0x167: {  	v32 =	vadd.s32 s0, v32  }
0x168: {  	[tilespmem:s2+$0xB0] =	vst v32  }
0x169: {  	v32 =	vld [tilespmem:$0x3C0];
	_ =	sdelay $0x4  }
0x16a: {  	v32 =	vadd.s32 s0, v32  }
0x16b: {  	[tilespmem:s2+$0xC0] =	vst v32  }
0x16c: {  	v32 =	vld [tilespmem:$0x3D0];
	_ =	sdelay $0x4  }
0x16d: {  	v32 =	vadd.s32 s0, v32  }
0x16e: {  	[tilespmem:s2+$0xD0] =	vst v32  }
0x16f: {  	v32 =	vld [tilespmem:$0x3E0];
	_ =	sdelay $0x4  }
0x170: {  	v32 =	vadd.s32 s0, v32  }
0x171: {  	[tilespmem:s2+$0xE0] =	vst v32  }
0x172: {  	v32 =	vld [tilespmem:$0x3F0];
	_ =	sdelay $0x4  }
0x173: {  	v32 =	vadd.s32 s0, v32  }
0x174: {  	s15 =	simm.s32 $0x400;
	[tilespmem:s2+$0xF0] =	vst v32  }
0x175: {  	[tilespmem:s10], [sflag:$0x1] =	stream.indirect.gather [hbm4b:s1+s8], $0x1, s15, s8, $0xb8;
	[tilespmem:$0x10400] =	vst v63  }
0x176: {  	s9 =	simm.s32 $0x8800;
	s2 =	simm.s32 $0x480  }
0x177: {  	[tilespmem:s9], [sflag:$0x1] =	stream.indirect.gather [hbm4b:s1+s8], $0x1, s2, s8, $0xb8;
	[tilespmem:$0x10400] =	vst v63  }
0x178: {  	s11 =	simm.s32 $0x8C00  }
0x179: {  	[tilespmem:s11], [sflag:$0x1] =	stream.indirect.gather [hbm4b:s1+s8], $0x1, s13, s8, $0xb8;
	[tilespmem:$0x10400] =	vst v63  }
0x17a: {  	s14 =	simm.s32 $0x580;
	s15 =	simm.s32 $0x9000  }
0x17b: {  	[tilespmem:s15], [sflag:$0x1] =	stream.indirect.gather [hbm4b:s1+s8], $0x1, s14, s8, $0xb8;
	[tilespmem:$0x10400] =	vst v63  }
0x17c: {  	s9 =	simm.s32 $0x600;
	s11 =	simm.s32 $0x8480  }
0x17d: {  	[tilespmem:s11], [sflag:$0x1] =	stream.indirect.gather [hbm4b:s1+s8], $0x1, s9, s8, $0xb8;
	[tilespmem:$0x10400] =	vst v63  }
0x17e: {  	s14 =	simm.s32 $0x680;
	s15 =	simm.s32 $0x8880  }
0x17f: {  	[tilespmem:s15], [sflag:$0x1] =	stream.indirect.gather [hbm4b:s1+s8], $0x1, s14, s8, $0xb8;
	[tilespmem:$0x10400] =	vst v63  }
0x180: {  	s9 =	simm.s32 $0x700;
	s11 =	simm.s32 $0x8C80  }
0x181: {  	[tilespmem:s11], [sflag:$0x1] =	stream.indirect.gather [hbm4b:s1+s8], $0x1, s9, s8, $0xb8;
	[tilespmem:$0x10400] =	vst v63  }
0x182: {  	s14 =	simm.s32 $0x780;
	s15 =	simm.s32 $0x9080  }
0x183: {  	[tilespmem:s15], [sflag:$0x1] =	stream.indirect.gather [hbm4b:s1+s8], $0x1, s14, s8, $0xb8;
	[tilespmem:$0x10400] =	vst v63  }
0x184: {  	s9 =	simm.s32 $0x800;
	s11 =	simm.s32 $0x8500  }
0x185: {  	[tilespmem:s11], [sflag:$0x1] =	stream.indirect.gather [hbm4b:s1+s8], $0x1, s9, s8, $0xb8;
	[tilespmem:$0x10400] =	vst v63  }
0x186: {  	s14 =	simm.s32 $0x880;
	s15 =	simm.s32 $0x8900  }
0x187: {  	[tilespmem:s15], [sflag:$0x1] =	stream.indirect.gather [hbm4b:s1+s8], $0x1, s14, s8, $0xb8;
	[tilespmem:$0x10400] =	vst v63  }
0x188: {  	s9 =	simm.s32 $0x900;
	s11 =	simm.s32 $0x8D00  }
0x189: {  	[tilespmem:s11], [sflag:$0x1] =	stream.indirect.gather [hbm4b:s1+s8], $0x1, s9, s8, $0xb8;
	[tilespmem:$0x10400] =	vst v63  }
0x18a: {  	s14 =	simm.s32 $0x980;
	s15 =	simm.s32 $0x9100  }
0x18b: {  	[tilespmem:s15], [sflag:$0x1] =	stream.indirect.gather [hbm4b:s1+s8], $0x1, s14, s8, $0xb8;
	[tilespmem:$0x10400] =	vst v63  }
0x18c: {  	s9 =	simm.s32 $0xA00;
	s11 =	simm.s32 $0x8580  }
0x18d: {  	[tilespmem:s11], [sflag:$0x1] =	stream.indirect.gather [hbm4b:s1+s8], $0x1, s9, s8, $0xb8;
	[tilespmem:$0x10400] =	vst v63  }
0x18e: {  	s14 =	simm.s32 $0xA80;
	s15 =	simm.s32 $0x8980  }
0x18f: {  	[tilespmem:s15], [sflag:$0x1] =	stream.indirect.gather [hbm4b:s1+s8], $0x1, s14, s8, $0xb8;
	[tilespmem:$0x10400] =	vst v63  }
0x190: {  	s9 =	simm.s32 $0xB00;
	s11 =	simm.s32 $0x8D80  }
0x191: {  	[tilespmem:s11], [sflag:$0x1] =	stream.indirect.gather [hbm4b:s1+s8], $0x1, s9, s8, $0xb8;
	[tilespmem:$0x10400] =	vst v63  }
0x192: {  	s14 =	simm.s32 $0xB80;
	s15 =	simm.s32 $0x9180  }
0x193: {  	[tilespmem:s15], [sflag:$0x1] =	stream.indirect.gather [hbm4b:s1+s8], $0x1, s14, s8, $0xb8;
	[tilespmem:$0x10400] =	vst v63  }
0x194: {  	s9 =	simm.s32 $0xC00;
	s11 =	simm.s32 $0x8600  }
0x195: {  	[tilespmem:s11], [sflag:$0x1] =	stream.indirect.gather [hbm4b:s1+s8], $0x1, s9, s8, $0xb8;
	[tilespmem:$0x10400] =	vst v63  }
0x196: {  	s14 =	simm.s32 $0xC80;
	s15 =	simm.s32 $0x8A00  }
0x197: {  	[tilespmem:s15], [sflag:$0x1] =	stream.indirect.gather [hbm4b:s1+s8], $0x1, s14, s8, $0xb8;
	[tilespmem:$0x10400] =	vst v63  }
0x198: {  	s9 =	simm.s32 $0xD00;
	s11 =	simm.s32 $0x8E00  }
0x199: {  	[tilespmem:s11], [sflag:$0x1] =	stream.indirect.gather [hbm4b:s1+s8], $0x1, s9, s8, $0xb8;
	[tilespmem:$0x10400] =	vst v63  }
0x19a: {  	s14 =	simm.s32 $0xD80;
	s15 =	simm.s32 $0x9200  }
0x19b: {  	[tilespmem:s15], [sflag:$0x1] =	stream.indirect.gather [hbm4b:s1+s8], $0x1, s14, s8, $0xb8;
	[tilespmem:$0x10400] =	vst v63  }
0x19c: {  	s9 =	simm.s32 $0xE00;
	s11 =	simm.s32 $0x8680  }
0x19d: {  	[tilespmem:s11], [sflag:$0x1] =	stream.indirect.gather [hbm4b:s1+s8], $0x1, s9, s8, $0xb8;
	[tilespmem:$0x10400] =	vst v63  }
0x19e: {  	s14 =	simm.s32 $0xE80;
	s15 =	simm.s32 $0x8A80  }
0x19f: {  	[tilespmem:s15], [sflag:$0x1] =	stream.indirect.gather [hbm4b:s1+s8], $0x1, s14, s8, $0xb8;
	[tilespmem:$0x10400] =	vst v63  }
0x1a0: {  	s9 =	simm.s32 $0xF00;
	s11 =	simm.s32 $0x8E80  }
0x1a1: {  	[tilespmem:s11], [sflag:$0x1] =	stream.indirect.gather [hbm4b:s1+s8], $0x1, s9, s8, $0xb8;
	[tilespmem:$0x10400] =	vst v63  }
0x1a2: {  	s14 =	simm.s32 $0xF80;
	s15 =	simm.s32 $0x9280  }
0x1a3: {  	[tilespmem:s15], [sflag:$0x1] =	stream.indirect.gather [hbm4b:s1+s8], $0x1, s14, s8, $0xb8;
	[tilespmem:$0x10400] =	vst v63  }
0x1a4: {  	s2 =	simm.s32 $0x8700  }
0x1a5: {  	[tilespmem:s2], [sflag:$0x1] =	stream.indirect.gather [hbm4b:s1+s8], $0x1, s12, s8, $0xb8;
	[tilespmem:$0x10400] =	vst v63  }
0x1a6: {  	s9 =	simm.s32 $0x1080;
	s11 =	simm.s32 $0x8B00  }
0x1a7: {  	[tilespmem:s11], [sflag:$0x1] =	stream.indirect.gather [hbm4b:s1+s8], $0x1, s9, s8, $0xb8;
	[tilespmem:$0x10400] =	vst v63  }
0x1a8: {  	s14 =	simm.s32 $0x1100;
	s15 =	simm.s32 $0x8F00  }
0x1a9: {  	[tilespmem:s15], [sflag:$0x1] =	stream.indirect.gather [hbm4b:s1+s8], $0x1, s14, s8, $0xb8;
	[tilespmem:$0x10400] =	vst v63  }
0x1aa: {  	s9 =	simm.s32 $0x1180;
	s11 =	simm.s32 $0x9300  }
0x1ab: {  	[tilespmem:s11], [sflag:$0x1] =	stream.indirect.gather [hbm4b:s1+s8], $0x1, s9, s8, $0xb8;
	[tilespmem:$0x10400] =	vst v63  }
0x1ac: {  	s14 =	simm.s32 $0x1200;
	s15 =	simm.s32 $0x8780  }
0x1ad: {  	[tilespmem:s15], [sflag:$0x1] =	stream.indirect.gather [hbm4b:s1+s8], $0x1, s14, s8, $0xb8;
	[tilespmem:$0x10400] =	vst v63  }
0x1ae: {  	s9 =	simm.s32 $0x1280;
	s11 =	simm.s32 $0x8B80  }
0x1af: {  	[tilespmem:s11], [sflag:$0x1] =	stream.indirect.gather [hbm4b:s1+s8], $0x1, s9, s8, $0xb8;
	[tilespmem:$0x10400] =	vst v63  }
0x1b0: {  	s14 =	simm.s32 $0x1300;
	s15 =	simm.s32 $0x8F80  }
0x1b1: {  	[tilespmem:s15], [sflag:$0x1] =	stream.indirect.gather [hbm4b:s1+s8], $0x1, s14, s8, $0xb8;
	[tilespmem:$0x10400] =	vst v63  }
0x1b2: {  	s9 =	simm.s32 $0x1380;
	s11 =	simm.s32 $0x9380  }
0x1b3: {  	[tilespmem:s11], [sflag:$0x1] =	stream.indirect.gather [hbm4b:s1+s8], $0x1, s9, s8, $0xb8;
	[tilespmem:$0x10400] =	vst v63  }
0x1b4: {  	s14 =	simm.s32 $0x1400;
	s15 =	simm.s32 $0x9400  }
0x1b5: {  	[tilespmem:s15], [sflag:$0x1] =	stream.indirect.gather [hbm4b:s1+s8], $0x1, s14, s8, $0xb8;
	[tilespmem:$0x10400] =	vst v63  }
0x1b6: {  	s9 =	simm.s32 $0x1480;
	s11 =	simm.s32 $0x9800  }
0x1b7: {  	[tilespmem:s11], [sflag:$0x1] =	stream.indirect.gather [hbm4b:s1+s8], $0x1, s9, s8, $0xb8;
	[tilespmem:$0x10400] =	vst v63  }
0x1b8: {  	s14 =	simm.s32 $0x1500;
	s15 =	simm.s32 $0x9C00  }
0x1b9: {  	[tilespmem:s15], [sflag:$0x1] =	stream.indirect.gather [hbm4b:s1+s8], $0x1, s14, s8, $0xb8;
	[tilespmem:$0x10400] =	vst v63  }
0x1ba: {  	s9 =	simm.s32 $0x1580;
	s11 =	simm.s32 $0xA000  }
0x1bb: {  	[tilespmem:s11], [sflag:$0x1] =	stream.indirect.gather [hbm4b:s1+s8], $0x1, s9, s8, $0xb8;
	[tilespmem:$0x10400] =	vst v63  }
0x1bc: {  	s14 =	simm.s32 $0x1600;
	s15 =	simm.s32 $0x9480  }
0x1bd: {  	[tilespmem:s15], [sflag:$0x1] =	stream.indirect.gather [hbm4b:s1+s8], $0x1, s14, s8, $0xb8;
	[tilespmem:$0x10400] =	vst v63  }
0x1be: {  	s9 =	simm.s32 $0x1680;
	s11 =	simm.s32 $0x9880  }
0x1bf: {  	[tilespmem:s11], [sflag:$0x1] =	stream.indirect.gather [hbm4b:s1+s8], $0x1, s9, s8, $0xb8;
	[tilespmem:$0x10400] =	vst v63  }
0x1c0: {  	s14 =	simm.s32 $0x1700;
	s15 =	simm.s32 $0x9C80  }
0x1c1: {  	[tilespmem:s15], [sflag:$0x1] =	stream.indirect.gather [hbm4b:s1+s8], $0x1, s14, s8, $0xb8;
	[tilespmem:$0x10400] =	vst v63  }
0x1c2: {  	s9 =	simm.s32 $0x1780;
	s11 =	simm.s32 $0xA080  }
0x1c3: {  	[tilespmem:s11], [sflag:$0x1] =	stream.indirect.gather [hbm4b:s1+s8], $0x1, s9, s8, $0xb8;
	[tilespmem:$0x10400] =	vst v63  }
0x1c4: {  	s14 =	simm.s32 $0x1800;
	s15 =	simm.s32 $0x9500  }
0x1c5: {  	[tilespmem:s15], [sflag:$0x1] =	stream.indirect.gather [hbm4b:s1+s8], $0x1, s14, s8, $0xb8;
	[tilespmem:$0x10400] =	vst v63  }
0x1c6: {  	s9 =	simm.s32 $0x1880;
	s11 =	simm.s32 $0x9900  }
0x1c7: {  	[tilespmem:s11], [sflag:$0x1] =	stream.indirect.gather [hbm4b:s1+s8], $0x1, s9, s8, $0xb8;
	[tilespmem:$0x10400] =	vst v63  }
0x1c8: {  	s14 =	simm.s32 $0x1900;
	s15 =	simm.s32 $0x9D00  }
0x1c9: {  	[tilespmem:s15], [sflag:$0x1] =	stream.indirect.gather [hbm4b:s1+s8], $0x1, s14, s8, $0xb8;
	[tilespmem:$0x10400] =	vst v63  }
0x1ca: {  	s9 =	simm.s32 $0x1980;
	s11 =	simm.s32 $0xA100  }
0x1cb: {  	[tilespmem:s11], [sflag:$0x1] =	stream.indirect.gather [hbm4b:s1+s8], $0x1, s9, s8, $0xb8;
	[tilespmem:$0x10400] =	vst v63  }
0x1cc: {  	s14 =	simm.s32 $0x1A00;
	s15 =	simm.s32 $0x9580  }
0x1cd: {  	[tilespmem:s15], [sflag:$0x1] =	stream.indirect.gather [hbm4b:s1+s8], $0x1, s14, s8, $0xb8;
	[tilespmem:$0x10400] =	vst v63  }
0x1ce: {  	s9 =	simm.s32 $0x1A80;
	s11 =	simm.s32 $0x9980  }
0x1cf: {  	[tilespmem:s11], [sflag:$0x1] =	stream.indirect.gather [hbm4b:s1+s8], $0x1, s9, s8, $0xb8;
	[tilespmem:$0x10400] =	vst v63  }
0x1d0: {  	s14 =	simm.s32 $0x1B00;
	s15 =	simm.s32 $0x9D80  }
0x1d1: {  	[tilespmem:s15], [sflag:$0x1] =	stream.indirect.gather [hbm4b:s1+s8], $0x1, s14, s8, $0xb8;
	[tilespmem:$0x10400] =	vst v63  }
0x1d2: {  	s9 =	simm.s32 $0x1B80;
	s11 =	simm.s32 $0xA180  }
0x1d3: {  	[tilespmem:s11], [sflag:$0x1] =	stream.indirect.gather [hbm4b:s1+s8], $0x1, s9, s8, $0xb8;
	[tilespmem:$0x10400] =	vst v63  }
0x1d4: {  	s14 =	simm.s32 $0x1C00;
	s15 =	simm.s32 $0x9600  }
0x1d5: {  	[tilespmem:s15], [sflag:$0x1] =	stream.indirect.gather [hbm4b:s1+s8], $0x1, s14, s8, $0xb8;
	[tilespmem:$0x10400] =	vst v63  }
0x1d6: {  	s9 =	simm.s32 $0x1C80;
	s11 =	simm.s32 $0x9A00  }
0x1d7: {  	[tilespmem:s11], [sflag:$0x1] =	stream.indirect.gather [hbm4b:s1+s8], $0x1, s9, s8, $0xb8;
	[tilespmem:$0x10400] =	vst v63  }
0x1d8: {  	s14 =	simm.s32 $0x1D00;
	s15 =	simm.s32 $0x9E00  }
0x1d9: {  	[tilespmem:s15], [sflag:$0x1] =	stream.indirect.gather [hbm4b:s1+s8], $0x1, s14, s8, $0xb8;
	[tilespmem:$0x10400] =	vst v63  }
0x1da: {  	s9 =	simm.s32 $0x1D80;
	s11 =	simm.s32 $0xA200  }
0x1db: {  	[tilespmem:s11], [sflag:$0x1] =	stream.indirect.gather [hbm4b:s1+s8], $0x1, s9, s8, $0xb8;
	[tilespmem:$0x10400] =	vst v63  }
0x1dc: {  	s14 =	simm.s32 $0x1E00;
	s15 =	simm.s32 $0x9680  }
0x1dd: {  	[tilespmem:s15], [sflag:$0x1] =	stream.indirect.gather [hbm4b:s1+s8], $0x1, s14, s8, $0xb8;
	[tilespmem:$0x10400] =	vst v63  }
0x1de: {  	s9 =	simm.s32 $0x1E80;
	s11 =	simm.s32 $0x9A80  }
0x1df: {  	[tilespmem:s11], [sflag:$0x1] =	stream.indirect.gather [hbm4b:s1+s8], $0x1, s9, s8, $0xb8;
	[tilespmem:$0x10400] =	vst v63  }
0x1e0: {  	s14 =	simm.s32 $0x1F00;
	s15 =	simm.s32 $0x9E80  }
0x1e1: {  	[tilespmem:s15], [sflag:$0x1] =	stream.indirect.gather [hbm4b:s1+s8], $0x1, s14, s8, $0xb8;
	[tilespmem:$0x10400] =	vst v63  }
0x1e2: {  	s9 =	simm.s32 $0x1F80;
	s11 =	simm.s32 $0xA280  }
0x1e3: {  	[tilespmem:s11], [sflag:$0x1] =	stream.indirect.gather [hbm4b:s1+s8], $0x1, s9, s8, $0xb8;
	[tilespmem:$0x10400] =	vst v63  }
0x1e4: {  	s14 =	simm.s32 $0x2000;
	s15 =	simm.s32 $0x9700  }
0x1e5: {  	[tilespmem:s15], [sflag:$0x1] =	stream.indirect.gather [hbm4b:s1+s8], $0x1, s14, s8, $0xb8;
	[tilespmem:$0x10400] =	vst v63  }
0x1e6: {  	s9 =	simm.s32 $0x2080;
	s11 =	simm.s32 $0x9B00  }
0x1e7: {  	[tilespmem:s11], [sflag:$0x1] =	stream.indirect.gather [hbm4b:s1+s8], $0x1, s9, s8, $0xb8;
	[tilespmem:$0x10400] =	vst v63  }
0x1e8: {  	s14 =	simm.s32 $0x2100;
	s15 =	simm.s32 $0x9F00  }
0x1e9: {  	[tilespmem:s15], [sflag:$0x1] =	stream.indirect.gather [hbm4b:s1+s8], $0x1, s14, s8, $0xb8;
	[tilespmem:$0x10400] =	vst v63  }
0x1ea: {  	s9 =	simm.s32 $0x2180;
	s11 =	simm.s32 $0xA300  }
0x1eb: {  	[tilespmem:s11], [sflag:$0x1] =	stream.indirect.gather [hbm4b:s1+s8], $0x1, s9, s8, $0xb8;
	[tilespmem:$0x10400] =	vst v63  }
0x1ec: {  	s14 =	simm.s32 $0x2200;
	s15 =	simm.s32 $0x9780  }
0x1ed: {  	[tilespmem:s15], [sflag:$0x1] =	stream.indirect.gather [hbm4b:s1+s8], $0x1, s14, s8, $0xb8;
	[tilespmem:$0x10400] =	vst v63  }
0x1ee: {  	s9 =	simm.s32 $0x2280;
	s11 =	simm.s32 $0x9B80  }
0x1ef: {  	[tilespmem:s11], [sflag:$0x1] =	stream.indirect.gather [hbm4b:s1+s8], $0x1, s9, s8, $0xb8;
	[tilespmem:$0x10400] =	vst v63  }
0x1f0: {  	s14 =	simm.s32 $0x2300;
	s15 =	simm.s32 $0x9F80  }
0x1f1: {  	[tilespmem:s15], [sflag:$0x1] =	stream.indirect.gather [hbm4b:s1+s8], $0x1, s14, s8, $0xb8;
	[tilespmem:$0x10400] =	vst v63  }
0x1f2: {  	s9 =	simm.s32 $0x2380;
	s11 =	simm.s32 $0xA380  }
0x1f3: {  	[tilespmem:s11], [sflag:$0x1] =	stream.indirect.gather [hbm4b:s1+s8], $0x1, s9, s8, $0xb8;
	[tilespmem:$0x10400] =	vst v63  }
0x1f4: {  	s14 =	simm.s32 $0x2400;
	s15 =	simm.s32 $0xA400  }
0x1f5: {  	[tilespmem:s15], [sflag:$0x1] =	stream.indirect.gather [hbm4b:s1+s8], $0x1, s14, s8, $0xb8;
	[tilespmem:$0x10400] =	vst v63  }
0x1f6: {  	s9 =	simm.s32 $0x2480;
	s11 =	simm.s32 $0xA800  }
0x1f7: {  	[tilespmem:s11], [sflag:$0x1] =	stream.indirect.gather [hbm4b:s1+s8], $0x1, s9, s8, $0xb8;
	[tilespmem:$0x10400] =	vst v63  }
0x1f8: {  	s14 =	simm.s32 $0x2500;
	s15 =	simm.s32 $0xAC00  }
0x1f9: {  	[tilespmem:s15], [sflag:$0x1] =	stream.indirect.gather [hbm4b:s1+s8], $0x1, s14, s8, $0xb8;
	[tilespmem:$0x10400] =	vst v63  }
0x1fa: {  	s9 =	simm.s32 $0x2580;
	s11 =	simm.s32 $0xB000  }
0x1fb: {  	[tilespmem:s11], [sflag:$0x1] =	stream.indirect.gather [hbm4b:s1+s8], $0x1, s9, s8, $0xb8;
	[tilespmem:$0x10400] =	vst v63  }
0x1fc: {  	s14 =	simm.s32 $0x2600;
	s15 =	simm.s32 $0xA480  }
0x1fd: {  	[tilespmem:s15], [sflag:$0x1] =	stream.indirect.gather [hbm4b:s1+s8], $0x1, s14, s8, $0xb8;
	[tilespmem:$0x10400] =	vst v63  }
0x1fe: {  	s9 =	simm.s32 $0x2680;
	s11 =	simm.s32 $0xA880  }
0x1ff: {  	[tilespmem:s11], [sflag:$0x1] =	stream.indirect.gather [hbm4b:s1+s8], $0x1, s9, s8, $0xb8;
	[tilespmem:$0x10400] =	vst v63  }
0x200: {  	s14 =	simm.s32 $0x2700;
	s15 =	simm.s32 $0xAC80  }
0x201: {  	[tilespmem:s15], [sflag:$0x1] =	stream.indirect.gather [hbm4b:s1+s8], $0x1, s14, s8, $0xb8;
	[tilespmem:$0x10400] =	vst v63  }
0x202: {  	s9 =	simm.s32 $0x2780;
	s11 =	simm.s32 $0xB080  }
0x203: {  	[tilespmem:s11], [sflag:$0x1] =	stream.indirect.gather [hbm4b:s1+s8], $0x1, s9, s8, $0xb8;
	[tilespmem:$0x10400] =	vst v63  }
0x204: {  	s14 =	simm.s32 $0x2800;
	s15 =	simm.s32 $0xA500  }
0x205: {  	[tilespmem:s15], [sflag:$0x1] =	stream.indirect.gather [hbm4b:s1+s8], $0x1, s14, s8, $0xb8;
	[tilespmem:$0x10400] =	vst v63  }
0x206: {  	s9 =	simm.s32 $0x2880;
	s11 =	simm.s32 $0xA900  }
0x207: {  	[tilespmem:s11], [sflag:$0x1] =	stream.indirect.gather [hbm4b:s1+s8], $0x1, s9, s8, $0xb8;
	[tilespmem:$0x10400] =	vst v63  }
0x208: {  	s14 =	simm.s32 $0x2900;
	s15 =	simm.s32 $0xAD00  }
0x209: {  	[tilespmem:s15], [sflag:$0x1] =	stream.indirect.gather [hbm4b:s1+s8], $0x1, s14, s8, $0xb8;
	[tilespmem:$0x10400] =	vst v63  }
0x20a: {  	s9 =	simm.s32 $0x2980;
	s11 =	simm.s32 $0xB100  }
0x20b: {  	[tilespmem:s11], [sflag:$0x1] =	stream.indirect.gather [hbm4b:s1+s8], $0x1, s9, s8, $0xb8;
	[tilespmem:$0x10400] =	vst v63  }
0x20c: {  	s14 =	simm.s32 $0x2A00;
	s15 =	simm.s32 $0xA580  }
0x20d: {  	[tilespmem:s15], [sflag:$0x1] =	stream.indirect.gather [hbm4b:s1+s8], $0x1, s14, s8, $0xb8;
	[tilespmem:$0x10400] =	vst v63  }
0x20e: {  	s9 =	simm.s32 $0x2A80;
	s11 =	simm.s32 $0xA980  }
0x20f: {  	[tilespmem:s11], [sflag:$0x1] =	stream.indirect.gather [hbm4b:s1+s8], $0x1, s9, s8, $0xb8;
	[tilespmem:$0x10400] =	vst v63  }
0x210: {  	s14 =	simm.s32 $0x2B00;
	s15 =	simm.s32 $0xAD80  }
0x211: {  	[tilespmem:s15], [sflag:$0x1] =	stream.indirect.gather [hbm4b:s1+s8], $0x1, s14, s8, $0xb8;
	[tilespmem:$0x10400] =	vst v63  }
0x212: {  	s9 =	simm.s32 $0x2B80;
	s11 =	simm.s32 $0xB180  }
0x213: {  	[tilespmem:s11], [sflag:$0x1] =	stream.indirect.gather [hbm4b:s1+s8], $0x1, s9, s8, $0xb8;
	[tilespmem:$0x10400] =	vst v63  }
0x214: {  	s14 =	simm.s32 $0x2C00;
	s15 =	simm.s32 $0xA600  }
0x215: {  	[tilespmem:s15], [sflag:$0x1] =	stream.indirect.gather [hbm4b:s1+s8], $0x1, s14, s8, $0xb8;
	[tilespmem:$0x10400] =	vst v63  }
0x216: {  	s9 =	simm.s32 $0x2C80;
	s11 =	simm.s32 $0xAA00  }
0x217: {  	[tilespmem:s11], [sflag:$0x1] =	stream.indirect.gather [hbm4b:s1+s8], $0x1, s9, s8, $0xb8;
	[tilespmem:$0x10400] =	vst v63  }
0x218: {  	s14 =	simm.s32 $0x2D00;
	s15 =	simm.s32 $0xAE00  }
0x219: {  	[tilespmem:s15], [sflag:$0x1] =	stream.indirect.gather [hbm4b:s1+s8], $0x1, s14, s8, $0xb8;
	[tilespmem:$0x10400] =	vst v63  }
0x21a: {  	s9 =	simm.s32 $0x2D80;
	s11 =	simm.s32 $0xB200  }
0x21b: {  	[tilespmem:s11], [sflag:$0x1] =	stream.indirect.gather [hbm4b:s1+s8], $0x1, s9, s8, $0xb8;
	[tilespmem:$0x10400] =	vst v63  }
0x21c: {  	s14 =	simm.s32 $0x2E00;
	s15 =	simm.s32 $0xA680  }
0x21d: {  	[tilespmem:s15], [sflag:$0x1] =	stream.indirect.gather [hbm4b:s1+s8], $0x1, s14, s8, $0xb8;
	[tilespmem:$0x10400] =	vst v63  }
0x21e: {  	s9 =	simm.s32 $0x2E80;
	s11 =	simm.s32 $0xAA80  }
0x21f: {  	[tilespmem:s11], [sflag:$0x1] =	stream.indirect.gather [hbm4b:s1+s8], $0x1, s9, s8, $0xb8;
	[tilespmem:$0x10400] =	vst v63  }
0x220: {  	s14 =	simm.s32 $0x2F00;
	s15 =	simm.s32 $0xAE80  }
0x221: {  	[tilespmem:s15], [sflag:$0x1] =	stream.indirect.gather [hbm4b:s1+s8], $0x1, s14, s8, $0xb8;
	[tilespmem:$0x10400] =	vst v63  }
0x222: {  	s2 =	simm.s32 $0x2F80;
	s9 =	simm.s32 $0xB280  }
0x223: {  	[tilespmem:s9], [sflag:$0x1] =	stream.indirect.gather [hbm4b:s1+s8], $0x1, s2, s8, $0xb8;
	[tilespmem:$0x10400] =	vst v63  }
0x224: {  	s29 =	simm.s32 $0x3000;
	s11 =	simm.s32 $0xA700  }
0x225: {  	[tilespmem:s11], [sflag:$0x1] =	stream.indirect.gather [hbm4b:s1+s8], $0x1, s29, s8, $0xb8;
	[tilespmem:$0x10400] =	vst v63  }
0x226: {  	s14 =	simm.s32 $0x3080;
	s15 =	simm.s32 $0xAB00  }
0x227: {  	[tilespmem:s15], [sflag:$0x1] =	stream.indirect.gather [hbm4b:s1+s8], $0x1, s14, s8, $0xb8;
	[tilespmem:$0x10400] =	vst v63  }
0x228: {  	s9 =	simm.s32 $0x3100;
	s11 =	simm.s32 $0xAF00  }
0x229: {  	[tilespmem:s11], [sflag:$0x1] =	stream.indirect.gather [hbm4b:s1+s8], $0x1, s9, s8, $0xb8;
	[tilespmem:$0x10400] =	vst v63  }
0x22a: {  	s14 =	simm.s32 $0x3180;
	s15 =	simm.s32 $0xB300  }
0x22b: {  	[tilespmem:s15], [sflag:$0x1] =	stream.indirect.gather [hbm4b:s1+s8], $0x1, s14, s8, $0xb8;
	[tilespmem:$0x10400] =	vst v63  }
0x22c: {  	s9 =	simm.s32 $0x3200;
	s11 =	simm.s32 $0xA780  }
0x22d: {  	[tilespmem:s11], [sflag:$0x1] =	stream.indirect.gather [hbm4b:s1+s8], $0x1, s9, s8, $0xb8;
	[tilespmem:$0x10400] =	vst v63  }
0x22e: {  	s14 =	simm.s32 $0x3280;
	s15 =	simm.s32 $0xAB80  }
0x22f: {  	[tilespmem:s15], [sflag:$0x1] =	stream.indirect.gather [hbm4b:s1+s8], $0x1, s14, s8, $0xb8;
	[tilespmem:$0x10400] =	vst v63  }
0x230: {  	s9 =	simm.s32 $0x3300;
	s11 =	simm.s32 $0xAF80  }
0x231: {  	[tilespmem:s11], [sflag:$0x1] =	stream.indirect.gather [hbm4b:s1+s8], $0x1, s9, s8, $0xb8;
	[tilespmem:$0x10400] =	vst v63  }
0x232: {  	s14 =	simm.s32 $0x3380;
	s15 =	simm.s32 $0xB380  }
0x233: {  	[tilespmem:s15], [sflag:$0x1] =	stream.indirect.gather [hbm4b:s1+s8], $0x1, s14, s8, $0xb8;
	[tilespmem:$0x10400] =	vst v63  }
0x234: {  	v32 =	vld [tilespmem:$0x200];
	_ =	sdelay $0x1  }
0x235: {  	s9 =	simm.s32 $0x68000;
	s11 =	simm.s32 $0xD00  }
0x236: {  	s0 =	sand.u32 $0x1E0000, s9;
	s2 =	sand.u32 $0x380, s11  }
0x237: {  	s0 =	sor.u32 s2, s0  }
0x238: {  	s14 =	simm.s32 $0x0;
	v32 =	vadd.s32 s0, v32  }
0x239: {  	[tilespmem:s14+$0x3800] =	vst v32  }
0x23a: {  	v32 =	vld [tilespmem:$0x210];
	_ =	sdelay $0x4  }
0x23b: {  	v32 =	vadd.s32 s0, v32  }
0x23c: {  	[tilespmem:s14+$0x3810] =	vst v32  }
0x23d: {  	v32 =	vld [tilespmem:$0x220];
	_ =	sdelay $0x4  }
0x23e: {  	v32 =	vadd.s32 s0, v32  }
0x23f: {  	[tilespmem:s14+$0x3820] =	vst v32  }
0x240: {  	v32 =	vld [tilespmem:$0x230];
	_ =	sdelay $0x4  }
0x241: {  	v32 =	vadd.s32 s0, v32  }
0x242: {  	[tilespmem:s14+$0x3830] =	vst v32  }
0x243: {  	v32 =	vld [tilespmem:$0x240];
	_ =	sdelay $0x4  }
0x244: {  	v32 =	vadd.s32 s0, v32  }
0x245: {  	[tilespmem:s14+$0x3840] =	vst v32  }
0x246: {  	v32 =	vld [tilespmem:$0x250];
	_ =	sdelay $0x4  }
0x247: {  	v32 =	vadd.s32 s0, v32  }
0x248: {  	[tilespmem:s14+$0x3850] =	vst v32  }
0x249: {  	v32 =	vld [tilespmem:$0x260];
	_ =	sdelay $0x4  }
0x24a: {  	v32 =	vadd.s32 s0, v32  }
0x24b: {  	[tilespmem:s14+$0x3860] =	vst v32  }
0x24c: {  	v32 =	vld [tilespmem:$0x270];
	_ =	sdelay $0x4  }
0x24d: {  	v32 =	vadd.s32 s0, v32  }
0x24e: {  	[tilespmem:s14+$0x3870] =	vst v32  }
0x24f: {  	v32 =	vld [tilespmem:$0x280];
	_ =	sdelay $0x4  }
0x250: {  	v32 =	vadd.s32 s0, v32  }
0x251: {  	[tilespmem:s14+$0x3880] =	vst v32  }
0x252: {  	v32 =	vld [tilespmem:$0x290];
	_ =	sdelay $0x4  }
0x253: {  	v32 =	vadd.s32 s0, v32  }
0x254: {  	[tilespmem:s14+$0x3890] =	vst v32  }
0x255: {  	v32 =	vld [tilespmem:$0x2A0];
	_ =	sdelay $0x4  }
0x256: {  	v32 =	vadd.s32 s0, v32  }
0x257: {  	[tilespmem:s14+$0x38A0] =	vst v32  }
0x258: {  	v32 =	vld [tilespmem:$0x2B0];
	_ =	sdelay $0x4  }
0x259: {  	v32 =	vadd.s32 s0, v32  }
0x25a: {  	[tilespmem:s14+$0x38B0] =	vst v32  }
0x25b: {  	v32 =	vld [tilespmem:$0x2C0];
	_ =	sdelay $0x4  }
0x25c: {  	v32 =	vadd.s32 s0, v32  }
0x25d: {  	[tilespmem:s14+$0x38C0] =	vst v32  }
0x25e: {  	v32 =	vld [tilespmem:$0x2D0];
	_ =	sdelay $0x4  }
0x25f: {  	v32 =	vadd.s32 s0, v32  }
0x260: {  	[tilespmem:s14+$0x38D0] =	vst v32  }
0x261: {  	v32 =	vld [tilespmem:$0x2E0];
	_ =	sdelay $0x4  }
0x262: {  	v32 =	vadd.s32 s0, v32  }
0x263: {  	[tilespmem:s14+$0x38E0] =	vst v32  }
0x264: {  	v32 =	vld [tilespmem:$0x2F0];
	_ =	sdelay $0x4  }
0x265: {  	v32 =	vadd.s32 s0, v32  }
0x266: {  	[tilespmem:s14+$0x38F0] =	vst v32  }
0x267: {  	v32 =	vld [tilespmem:$0x300];
	_ =	sdelay $0x4  }
0x268: {  	v32 =	vadd.s32 s0, v32  }
0x269: {  	[tilespmem:s14+$0x3900] =	vst v32  }
0x26a: {  	v32 =	vld [tilespmem:$0x310];
	_ =	sdelay $0x4  }
0x26b: {  	v32 =	vadd.s32 s0, v32  }
0x26c: {  	[tilespmem:s14+$0x3910] =	vst v32  }
0x26d: {  	v32 =	vld [tilespmem:$0x320];
	_ =	sdelay $0x4  }
0x26e: {  	v32 =	vadd.s32 s0, v32  }
0x26f: {  	[tilespmem:s14+$0x3920] =	vst v32  }
0x270: {  	v32 =	vld [tilespmem:$0x330];
	_ =	sdelay $0x4  }
0x271: {  	v32 =	vadd.s32 s0, v32  }
0x272: {  	[tilespmem:s14+$0x3930] =	vst v32  }
0x273: {  	v32 =	vld [tilespmem:$0x340];
	_ =	sdelay $0x4  }
0x274: {  	v32 =	vadd.s32 s0, v32  }
0x275: {  	[tilespmem:s14+$0x3940] =	vst v32  }
0x276: {  	v32 =	vld [tilespmem:$0x350];
	_ =	sdelay $0x4  }
0x277: {  	v32 =	vadd.s32 s0, v32  }
0x278: {  	[tilespmem:s14+$0x3950] =	vst v32  }
0x279: {  	v32 =	vld [tilespmem:$0x360];
	_ =	sdelay $0x4  }
0x27a: {  	v32 =	vadd.s32 s0, v32  }
0x27b: {  	[tilespmem:s14+$0x3960] =	vst v32  }
0x27c: {  	v32 =	vld [tilespmem:$0x370];
	_ =	sdelay $0x4  }
0x27d: {  	v32 =	vadd.s32 s0, v32  }
0x27e: {  	[tilespmem:s14+$0x3970] =	vst v32  }
0x27f: {  	v32 =	vld [tilespmem:$0x380];
	_ =	sdelay $0x4  }
0x280: {  	v32 =	vadd.s32 s0, v32  }
0x281: {  	[tilespmem:s14+$0x3980] =	vst v32  }
0x282: {  	v32 =	vld [tilespmem:$0x390];
	_ =	sdelay $0x4  }
0x283: {  	v32 =	vadd.s32 s0, v32  }
0x284: {  	[tilespmem:s14+$0x3990] =	vst v32  }
0x285: {  	v32 =	vld [tilespmem:$0x3A0];
	_ =	sdelay $0x4  }
0x286: {  	v32 =	vadd.s32 s0, v32  }
0x287: {  	[tilespmem:s14+$0x39A0] =	vst v32  }
0x288: {  	v32 =	vld [tilespmem:$0x3B0];
	_ =	sdelay $0x4  }
0x289: {  	v32 =	vadd.s32 s0, v32  }
0x28a: {  	[tilespmem:s14+$0x39B0] =	vst v32  }
0x28b: {  	v32 =	vld [tilespmem:$0x3C0];
	_ =	sdelay $0x4  }
0x28c: {  	v32 =	vadd.s32 s0, v32  }
0x28d: {  	[tilespmem:s14+$0x39C0] =	vst v32  }
0x28e: {  	v32 =	vld [tilespmem:$0x3D0];
	_ =	sdelay $0x4  }
0x28f: {  	v32 =	vadd.s32 s0, v32  }
0x290: {  	[tilespmem:s14+$0x39D0] =	vst v32  }
0x291: {  	v32 =	vld [tilespmem:$0x3E0];
	_ =	sdelay $0x4  }
0x292: {  	v32 =	vadd.s32 s0, v32  }
0x293: {  	[tilespmem:s14+$0x39E0] =	vst v32  }
0x294: {  	v32 =	vld [tilespmem:$0x3F0];
	_ =	sdelay $0x2  }
0x295: {  	s30 =	simm.s32 $0x0  }
0x296: {  	s11 =	sand.u32 $0x380, s30;
	s15 =	sand.u32 $0xF000, s29  }
0x297: {  	v32 =	vadd.s32 s0, v32;
	s0 =	sor.u32 s11, s15  }
0x298: {  	s11 =	simm.s32 $0x3400;
	[tilespmem:s14+$0x39F0] =	vst v32;
	s9 =	sadd.s32 $0x8400, s0  }
0x299: {  	[tilespmem:s9], [sflag:$0x1] =	stream.indirect.gather [hbm4b:s1+s8], $0x1, s11, s8, $0xb8;
	[tilespmem:$0x10400] =	vst v63  }
0x29a: {  	s15 =	simm.s32 $0x3480;
	s14 =	sadd.s32 $0x8800, s0  }
0x29b: {  	[tilespmem:s14], [sflag:$0x1] =	stream.indirect.gather [hbm4b:s1+s8], $0x1, s15, s8, $0xb8;
	[tilespmem:$0x10400] =	vst v63  }
0x29c: {  	s11 =	sadd.s32 $0x8C00, s0;
	s14 =	simm.s32 $0x3500  }
0x29d: {  	[tilespmem:s11], [sflag:$0x1] =	stream.indirect.gather [hbm4b:s1+s8], $0x1, s14, s8, $0xb8;
	[tilespmem:$0x10400] =	vst v63  }
0x29e: {  	s0 =	sadd.s32 $0x9000, s0;
	s15 =	simm.s32 $0x3580  }
0x29f: {  	[tilespmem:s0], [sflag:$0x1] =	stream.indirect.gather [hbm4b:s1+s8], $0x1, s15, s8, $0xb8;
	[tilespmem:$0x10400] =	vst v63  }
0x2a0: {  	_ =	swait.ge [sflag:s31], $0x200  }
0x2a1: {  	s2 =	simm.s32 $0x800;
	s0 =	simm.s32 $0x6C000;
	[sflag:s31] =	ssyncset.done $0x0  }
.LBB2_4:
0x2a2: {  	[sflag:s31] =	ssyncadd.s32 $0xFFFFFE00;
	s30 =	sadd.s32 $0x80, s30;
	s29 =	sadd.s32 $0x200, s29  }
0x2a3: {  	p0 =	sne.s32 s2, $0x12800;
	s9 =	smov.u32 s2;
	s2 =	sadd.s32 $0x800, s2  }
0x2a4: {  	v32 =	vld [tilespmem:$0x200];
	_ =	sdelay $0x1  }
0x2a5: {  	s11 =	sadd.s32 $0xD00, s30  }
0x2a6: {  	s14 =	sand.u32 $0x1E0000, s0;
	s11 =	sand.u32 $0x380, s11  }
0x2a7: {  	s11 =	sor.u32 s11, s14  }
0x2a8: {  	s9 =	sshra.s32 s9, $0x2;
	v32 =	vadd.s32 s11, v32  }
0x2a9: {  	[tilespmem:s9+$0x3800] =	vst v32  }
0x2aa: {  	v32 =	vld [tilespmem:$0x210];
	_ =	sdelay $0x4  }
0x2ab: {  	v32 =	vadd.s32 s11, v32  }
0x2ac: {  	[tilespmem:s9+$0x3810] =	vst v32  }
0x2ad: {  	v32 =	vld [tilespmem:$0x220];
	_ =	sdelay $0x4  }
0x2ae: {  	v32 =	vadd.s32 s11, v32  }
0x2af: {  	[tilespmem:s9+$0x3820] =	vst v32  }
0x2b0: {  	v32 =	vld [tilespmem:$0x230];
	_ =	sdelay $0x4  }
0x2b1: {  	v32 =	vadd.s32 s11, v32  }
0x2b2: {  	[tilespmem:s9+$0x3830] =	vst v32  }
0x2b3: {  	v32 =	vld [tilespmem:$0x240];
	_ =	sdelay $0x4  }
0x2b4: {  	v32 =	vadd.s32 s11, v32  }
0x2b5: {  	[tilespmem:s9+$0x3840] =	vst v32  }
0x2b6: {  	v32 =	vld [tilespmem:$0x250];
	_ =	sdelay $0x4  }
0x2b7: {  	v32 =	vadd.s32 s11, v32  }
0x2b8: {  	[tilespmem:s9+$0x3850] =	vst v32  }
0x2b9: {  	v32 =	vld [tilespmem:$0x260];
	_ =	sdelay $0x4  }
0x2ba: {  	v32 =	vadd.s32 s11, v32  }
0x2bb: {  	[tilespmem:s9+$0x3860] =	vst v32  }
0x2bc: {  	v32 =	vld [tilespmem:$0x270];
	_ =	sdelay $0x4  }
0x2bd: {  	v32 =	vadd.s32 s11, v32  }
0x2be: {  	[tilespmem:s9+$0x3870] =	vst v32  }
0x2bf: {  	v32 =	vld [tilespmem:$0x280];
	_ =	sdelay $0x4  }
0x2c0: {  	v32 =	vadd.s32 s11, v32  }
0x2c1: {  	[tilespmem:s9+$0x3880] =	vst v32  }
0x2c2: {  	v32 =	vld [tilespmem:$0x290];
	_ =	sdelay $0x4  }
0x2c3: {  	v32 =	vadd.s32 s11, v32  }
0x2c4: {  	[tilespmem:s9+$0x3890] =	vst v32  }
0x2c5: {  	v32 =	vld [tilespmem:$0x2A0];
	_ =	sdelay $0x4  }
0x2c6: {  	v32 =	vadd.s32 s11, v32  }
0x2c7: {  	[tilespmem:s9+$0x38A0] =	vst v32  }
0x2c8: {  	v32 =	vld [tilespmem:$0x2B0];
	_ =	sdelay $0x4  }
0x2c9: {  	v32 =	vadd.s32 s11, v32  }
0x2ca: {  	[tilespmem:s9+$0x38B0] =	vst v32  }
0x2cb: {  	v32 =	vld [tilespmem:$0x2C0];
	_ =	sdelay $0x4  }
0x2cc: {  	v32 =	vadd.s32 s11, v32  }
0x2cd: {  	[tilespmem:s9+$0x38C0] =	vst v32  }
0x2ce: {  	v32 =	vld [tilespmem:$0x2D0];
	_ =	sdelay $0x4  }
0x2cf: {  	v32 =	vadd.s32 s11, v32  }
0x2d0: {  	[tilespmem:s9+$0x38D0] =	vst v32  }
0x2d1: {  	v32 =	vld [tilespmem:$0x2E0];
	_ =	sdelay $0x4  }
0x2d2: {  	v32 =	vadd.s32 s11, v32  }
0x2d3: {  	[tilespmem:s9+$0x38E0] =	vst v32  }
0x2d4: {  	v32 =	vld [tilespmem:$0x2F0];
	_ =	sdelay $0x4  }
0x2d5: {  	v32 =	vadd.s32 s11, v32  }
0x2d6: {  	[tilespmem:s9+$0x38F0] =	vst v32  }
0x2d7: {  	v32 =	vld [tilespmem:$0x300];
	_ =	sdelay $0x4  }
0x2d8: {  	v32 =	vadd.s32 s11, v32  }
0x2d9: {  	[tilespmem:s9+$0x3900] =	vst v32  }
0x2da: {  	v32 =	vld [tilespmem:$0x310];
	_ =	sdelay $0x4  }
0x2db: {  	v32 =	vadd.s32 s11, v32  }
0x2dc: {  	[tilespmem:s9+$0x3910] =	vst v32  }
0x2dd: {  	v32 =	vld [tilespmem:$0x320];
	_ =	sdelay $0x4  }
0x2de: {  	v32 =	vadd.s32 s11, v32  }
0x2df: {  	[tilespmem:s9+$0x3920] =	vst v32  }
0x2e0: {  	v32 =	vld [tilespmem:$0x330];
	_ =	sdelay $0x4  }
0x2e1: {  	v32 =	vadd.s32 s11, v32  }
0x2e2: {  	[tilespmem:s9+$0x3930] =	vst v32  }
0x2e3: {  	v32 =	vld [tilespmem:$0x340];
	_ =	sdelay $0x4  }
0x2e4: {  	v32 =	vadd.s32 s11, v32  }
0x2e5: {  	[tilespmem:s9+$0x3940] =	vst v32  }
0x2e6: {  	v32 =	vld [tilespmem:$0x350];
	_ =	sdelay $0x4  }
0x2e7: {  	v32 =	vadd.s32 s11, v32  }
0x2e8: {  	[tilespmem:s9+$0x3950] =	vst v32  }
0x2e9: {  	v32 =	vld [tilespmem:$0x360];
	_ =	sdelay $0x4  }
0x2ea: {  	v32 =	vadd.s32 s11, v32  }
0x2eb: {  	[tilespmem:s9+$0x3960] =	vst v32  }
0x2ec: {  	v32 =	vld [tilespmem:$0x370];
	_ =	sdelay $0x4  }
0x2ed: {  	v32 =	vadd.s32 s11, v32  }
0x2ee: {  	[tilespmem:s9+$0x3970] =	vst v32  }
0x2ef: {  	v32 =	vld [tilespmem:$0x380];
	_ =	sdelay $0x4  }
0x2f0: {  	v32 =	vadd.s32 s11, v32  }
0x2f1: {  	[tilespmem:s9+$0x3980] =	vst v32  }
0x2f2: {  	v32 =	vld [tilespmem:$0x390];
	_ =	sdelay $0x4  }
0x2f3: {  	v32 =	vadd.s32 s11, v32  }
0x2f4: {  	[tilespmem:s9+$0x3990] =	vst v32  }
0x2f5: {  	v32 =	vld [tilespmem:$0x3A0];
	_ =	sdelay $0x4  }
0x2f6: {  	v32 =	vadd.s32 s11, v32  }
0x2f7: {  	[tilespmem:s9+$0x39A0] =	vst v32  }
0x2f8: {  	v32 =	vld [tilespmem:$0x3B0];
	_ =	sdelay $0x4  }
0x2f9: {  	v32 =	vadd.s32 s11, v32  }
0x2fa: {  	[tilespmem:s9+$0x39B0] =	vst v32  }
0x2fb: {  	v32 =	vld [tilespmem:$0x3C0];
	_ =	sdelay $0x4  }
0x2fc: {  	v32 =	vadd.s32 s11, v32  }
0x2fd: {  	[tilespmem:s9+$0x39C0] =	vst v32  }
0x2fe: {  	v32 =	vld [tilespmem:$0x3D0];
	_ =	sdelay $0x4  }
0x2ff: {  	v32 =	vadd.s32 s11, v32  }
0x300: {  	[tilespmem:s9+$0x39D0] =	vst v32  }
0x301: {  	v32 =	vld [tilespmem:$0x3E0];
	_ =	sdelay $0x4  }
0x302: {  	v32 =	vadd.s32 s11, v32  }
0x303: {  	[tilespmem:s9+$0x39E0] =	vst v32  }
0x304: {  	v32 =	vld [tilespmem:$0x3F0];
	_ =	sdelay $0x3  }
0x305: {  	s15 =	sand.u32 $0x380, s30;
	s14 =	sand.u32 $0xF000, s29  }
0x306: {  	v32 =	vadd.s32 s11, v32;
	s11 =	sor.u32 s15, s14  }
0x307: {  	s15 =	sadd.s32 $0x3400, s9;
	[tilespmem:s9+$0x39F0] =	vst v32;
	s14 =	sadd.s32 $0x8400, s11  }
0x308: {  	[tilespmem:s14], [sflag:$0x1] =	stream.indirect.gather [hbm4b:s1+s8], $0x1, s15, s8, $0xb8;
	[tilespmem:$0x10400] =	vst v63  }
0x309: {  	s14 =	sadd.s32 $0x8800, s11;
	s15 =	sadd.s32 $0x3480, s9  }
0x30a: {  	[tilespmem:s14], [sflag:$0x1] =	stream.indirect.gather [hbm4b:s1+s8], $0x1, s15, s8, $0xb8;
	[tilespmem:$0x10400] =	vst v63  }
0x30b: {  	s14 =	sadd.s32 $0x8C00, s11;
	s15 =	sadd.s32 $0x3500, s9  }
0x30c: {  	[tilespmem:s14], [sflag:$0x1] =	stream.indirect.gather [hbm4b:s1+s8], $0x1, s15, s8, $0xb8;
	[tilespmem:$0x10400] =	vst v63  }
.Ltmp1:
0x30d: {  	_ = 	snop;
	(pc) =	sbr.rel @p0 .LBB2_4-.Ltmp1, $4  }
0x30e: {  	s11 =	sadd.s32 $0x9000, s11;
	s9 =	sadd.s32 $0x3580, s9  }
0x30f: {  	[tilespmem:s11], [sflag:$0x1] =	stream.indirect.gather [hbm4b:s1+s8], $0x1, s9, s8, $0xb8;
	[tilespmem:$0x10400] =	vst v63  }
0x310: {  	_ =	swait.ge [sflag:s31], $0x200  }
0x311: {  	s0 =	sadd.s32 $0x4000, s0;
	[sflag:s31] =	ssyncset.done $0x0  }
0x312: {  	[sflag:s31] =	ssyncadd.s32 $0xFFFFFE00;
	s0 =	simm.s32 $0x8000;
	s2 =	simm.s32 $0xF700  }
0x313: {  	[tilespmem:s2], [sflag:$0x1] =	stream.indirect.gather [hbm4b:s1+s8], $0x1, s0, s8, $0xb8;
	[tilespmem:$0x10400] =	vst v63  }
0x314: {  	s14 =	simm.s32 $0x8080;
	s15 =	simm.s32 $0xFB00  }
0x315: {  	[tilespmem:s15], [sflag:$0x1] =	stream.indirect.gather [hbm4b:s1+s8], $0x1, s14, s8, $0xb8;
	[tilespmem:$0x10400] =	vst v63  }
0x316: {  	s29 =	simm.s32 $0x8100;
	s30 =	simm.s32 $0xFF00  }
0x317: {  	[tilespmem:s30], [sflag:$0x1] =	stream.indirect.gather [hbm4b:s1+s8], $0x1, s29, s8, $0xb8;
	[tilespmem:$0x10400] =	vst v63  }
0x318: {  	_ = 	snop  }
0x319: {  	[tilespmem:s17], [sflag:$0x1] =	stream.indirect.gather [hbm4b:s1+s8], $0x1, s16, s8, $0xb8;
	[tilespmem:$0x10400] =	vst v63  }
0x31a: {  	_ =	swait.ge [sflag:s31], $0x200  }
0x31b: {  	[sflag:s31] =	ssyncset.done $0x0  }
0x31c: {  	[sflag:s31] =	ssyncadd.s32 $0xFFFFFE00  }
0x31d: {  	[tilespmem:s19], [sflag:$0x1] =	stream.indirect.gather [hbm4b:s1+s8], $0x1, s18, s8, $0xb8;
	[tilespmem:$0x10400] =	vst v63  }
0x31e: {  	_ = 	snop  }
0x31f: {  	[tilespmem:s21], [sflag:$0x1] =	stream.indirect.gather [hbm4b:s1+s8], $0x1, s20, s8, $0xb8;
	[tilespmem:$0x10400] =	vst v63  }
0x320: {  	_ = 	snop  }
0x321: {  	[tilespmem:s23], [sflag:$0x1] =	stream.indirect.gather [hbm4b:s1+s8], $0x1, s22, s8, $0xb8;
	[tilespmem:$0x10400] =	vst v63  }
0x322: {  	_ = 	snop  }
0x323: {  	[tilespmem:s25], [sflag:$0x1] =	stream.indirect.gather [hbm4b:s1+s8], $0x1, s24, s8, $0xb8;
	[tilespmem:$0x10400] =	vst v63  }
0x324: {  	_ =	swait.ge [sflag:s31], $0x200  }
0x325: {  	[sflag:s31] =	ssyncset.done $0x0  }
0x326: {  	[sflag:s31] =	ssyncadd.s32 $0xFFFFFE00  }
0x327: {  	_ =	swait.ge [sflag:s31], $0x200  }
0x328: {  	[sflag:s31] =	ssyncset.done $0x0  }
0x329: {  	[sflag:s31] =	ssyncadd.s32 $0xFFFFFE00  }
0x32a: {  	_ =	swait.ge [sflag:s31], $0x200  }
0x32b: {  	[sflag:s31] =	ssyncset.done $0x0  }
0x32c: {  	[sflag:s31] =	ssyncadd.s32 $0xFFFFFE00  }
0x32d: {  	_ =	swait.ge [sflag:s31], $0x200  }
0x32e: {  	[sflag:s31] =	ssyncset.done $0x0  }
0x32f: {  	[sflag:s31] =	ssyncadd.s32 $0xFFFFFE00  }
0x330: {  	_ =	swait.ge [sflag:s31], $0x200  }
0x331: {  	[sflag:s31] =	ssyncset.done $0x0  }
0x332: {  	[sflag:s31] =	ssyncadd.s32 $0xFFFFFE00  }
0x333: {  	_ =	swait.ge [sflag:s31], $0x200  }
0x334: {  	[sflag:s31] =	ssyncset.done $0x0  }
0x335: {  	[sflag:s31] =	ssyncadd.s32 $0xFFFFFE00  }
0x336: {  	_ =	swait.ge [sflag:s31], $0x200  }
0x337: {  	[sflag:s31] =	ssyncset.done $0x0  }
0x338: {  	[sflag:s31] =	ssyncadd.s32 $0xFFFFFE00  }
0x339: {  	_ =	swait.ge [sflag:s31], $0x200  }
0x33a: {  	[sflag:s31] =	ssyncset.done $0x0  }
0x33b: {  	[sflag:s31] =	ssyncadd.s32 $0xFFFFFE00  }
0x33c: {  	_ =	swait.ge [sflag:s31], $0x200  }
0x33d: {  	[sflag:s31] =	ssyncset.done $0x0  }
0x33e: {  	[sflag:s31] =	ssyncadd.s32 $0xFFFFFE00  }
0x33f: {  	_ =	swait.ge [sflag:s31], $0x200  }
0x340: {  	[sflag:s31] =	ssyncset.done $0x0  }
0x341: {  	[sflag:s31] =	ssyncadd.s32 $0xFFFFFE00  }
0x342: {  	_ =	swait.ge [sflag:s31], $0x200  }
0x343: {  	[sflag:s31] =	ssyncset.done $0x0  }
0x344: {  	[sflag:s31] =	ssyncadd.s32 $0xFFFFFE00  }
0x345: {  	_ =	swait.ge [sflag:s31], $0x200  }
0x346: {  	[sflag:s31] =	ssyncset.done $0x0  }
0x347: {  	[sflag:s31] =	ssyncadd.s32 $0xFFFFFE00  }
0x348: {  	_ =	swait.ge [sflag:s31], $0x200  }
0x349: {  	[sflag:s31] =	ssyncset.done $0x0  }
0x34a: {  	[sflag:s31] =	ssyncadd.s32 $0xFFFFFE00  }
0x34b: {  	_ =	swait.ge [sflag:s31], $0x200  }
0x34c: {  	[sflag:s31] =	ssyncset.done $0x0  }
0x34d: {  	[sflag:s31] =	ssyncadd.s32 $0xFFFFFE00  }
0x34e: {  	_ =	swait.ge [sflag:s31], $0x200  }
0x34f: {  	[sflag:s31] =	ssyncset.done $0x0  }
0x350: {  	[sflag:s31] =	ssyncadd.s32 $0xFFFFFE00  }
0x351: {  	_ =	swait.ge [sflag:s31], $0x200  }
0x352: {  	[sflag:s31] =	ssyncset.done $0x0  }
0x353: {  	[sflag:s31] =	ssyncadd.s32 $0xFFFFFE00  }
0x354: {  	_ =	swait.ge [sflag:s31], $0x200  }
0x355: {  	[sflag:s31] =	ssyncset.done $0x0  }
0x356: {  	[sflag:s31] =	ssyncadd.s32 $0xFFFFFE00  }
0x357: {  	_ =	swait.ge [sflag:s31], $0x200  }
0x358: {  	[sflag:s31] =	ssyncset.done $0x0  }
0x359: {  	[sflag:s31] =	ssyncadd.s32 $0xFFFFFE00  }
0x35a: {  	_ =	swait.ge [sflag:s31], $0x200  }
0x35b: {  	[sflag:s31] =	ssyncset.done $0x0  }
0x35c: {  	[sflag:s31] =	ssyncadd.s32 $0xFFFFFE00  }
0x35d: {  	_ =	swait.ge [sflag:s31], $0x200  }
0x35e: {  	[sflag:s31] =	ssyncset.done $0x0  }
0x35f: {  	[sflag:s31] =	ssyncadd.s32 $0xFFFFFE00  }
0x360: {  	_ =	swait.ge [sflag:s31], $0x200  }
0x361: {  	[sflag:s31] =	ssyncset.done $0x0  }
0x362: {  	[sflag:s31] =	ssyncadd.s32 $0xFFFFFE00  }
0x363: {  	_ =	swait.ge [sflag:s31], $0x200  }
0x364: {  	[sflag:s31] =	ssyncset.done $0x0  }
0x365: {  	[sflag:s31] =	ssyncadd.s32 $0xFFFFFE00  }
0x366: {  	_ =	swait.ge [sflag:s31], $0x200  }
0x367: {  	[sflag:s31] =	ssyncset.done $0x0  }
0x368: {  	[sflag:s31] =	ssyncadd.s32 $0xFFFFFE00  }
0x369: {  	_ =	swait.ge [sflag:s31], $0x200  }
0x36a: {  	[sflag:s31] =	ssyncset.done $0x0  }
0x36b: {  	[sflag:s31] =	ssyncadd.s32 $0xFFFFFE00  }
0x36c: {  	s28 =	sadd.s32 $0x1, s28;
	_ =	swait.ge [sflag:s31], $0x200  }
0x36d: {  	p0 =	sne.s32 s28, s6;
	[sflag:s31] =	ssyncset.done $0x0  }
.Ltmp2:
0x36e: {  	[sflag:s31] =	ssyncadd.s32 $0xFFFFFE00;
	(pc) =	sbr.rel @p0 .LBB2_1-.Ltmp2, $4  }
0x36f: {  	[hbm4b:s5+s12] =	stream.strided.scatter [tilespmem:s10], [sflag:$0x2], $0x8000, s26, s12, $0x38;
	[tilespmem:$0x10400] =	vst v63  }
0x370: {  	_ =	swait.ge [sflag:s7], $0x8000  }
0x371: {  	[sflag:s7] =	ssyncset.done $0x0  }
0x372: {  	[sflag:s7] =	ssyncadd.s32 $0xFFFF8000  }
0x373: {  	_ =	sfence.sel $0x180000  }
0x374: {  	[bflag:$0x0] =	sbarrier.arrive $0xFFFF  }
0x375: {  	_ =	strace $0x90000047  }
0x376: {  	s0 =	stileid.u32;
	[bflag:$0x2] =	sbarrier.arrive $0xFFFF  }
0x377: {  	p0 =	sne.s32 s0, $0x0;
	s0 =	rddreg [dreg:$0x3]  }
0x378: {  	s0 =	sadd.s32 @!p0 $0x100000, s0  }
0x379: {  	[sflag:s0] =	ssyncadd.tile.s32 @!p0 $0x1;
	_ =	shalt  }
.Lfunc_end2:
_tile_overlayer_lowered:
.L_overlay_start_2:
0x37a: {  	(tag) =	ssettag $0x2  }
0x37b: {  	s0 =	rddreg [dreg:$0x0];
	s2 =	stileid.u32  }
0x37c: {  	s1 =	rddreg [dreg:$0x1];
	p0 =	sne.s32 s2, $0x0  }
0x37d: {  	s3 =	rddreg [dreg:$0x2];
	[bflag:$0x3] =	sbarrier.arrive $0xFFFF;
	s2 =	simm.s32 @!p0 $0x1C02  }
0x37e: {  	[timem:s3], [sflag:s2] =	dma.local @!p0 [hbm:s0], s1  }
0x37f: {  	s0 =	simm.s32 @!p0 $0x2  }
0x380: {  	_ =	swait.ge @!p0 [sflag:s0], s1  }
0x381: {  	s1 =	ssub.s32 @!p0 $0x0, s1;
	[sflag:s0] =	ssyncset.done @!p0 $0x0  }
0x382: {  	[sflag:s0] =	ssyncadd.s32 @!p0 s1  }
0x383: {  	[bflag:$0x3] =	sbarrier.arrive $0xFFFF  }
0x384: {  	_ =	shalt  }

</sc_bundles>
